<compile_context>
chip_gen: v7x
topology: tpu7x:2x2x1
jax: 0.10.2.dev20260603
libtpu: 0.0.44.dev20260713+nightly
codegen_flags: <defaults>
</compile_context>

<pallas_src>
import functools

import jax
import jax.numpy as jnp
from jax import lax
from jax.experimental import pallas as pl
from jax.experimental.pallas import tpu as pltpu
from jax.experimental.pallas import tpu_sc as plsc

N = 10000
D = 128
E = 320000

NC = 2
NS = 16
CHUNK = 128
NPAD = 10112
RPT = NPAD // NS
DBLK = 8
EPT = 10240
NCHUNK = EPT // CHUNK
EP = NC * NS * EPT
DEGW = 16

@functools.lru_cache(maxsize=None)
def _sc_mesh():
    return plsc.VectorSubcoreMesh(core_axis_name="c", subcore_axis_name="s",
                                  num_cores=NC, num_subcores=NS)


def _fill_const(ref, nrows, ncols, val):
    v = jnp.full((16,), val, jnp.float32)

    def body(r, _):
        for j in range(ncols // 16):
            ref[r, pl.ds(j * 16, 16)] = v
        return 0

    lax.fori_loop(0, nrows, body, 0, unroll=False)


def _zero_shared_slice(buf, nrows, ncols, shared, base):
    _fill_const(buf, nrows, ncols, 0.0)
    full, rem = RPT // nrows, RPT % nrows
    for k in range(full):
        pltpu.sync_copy(buf, shared.at[pl.ds(base + k * nrows, nrows)])
    if rem:
        pltpu.sync_copy(buf.at[pl.ds(0, rem)],
                        shared.at[pl.ds(base + full * nrows, rem)])


def _deg_body(dst_hbm, deg_out, acc_sh, dst_v, ones_v):
    c = lax.axis_index("c")
    s = lax.axis_index("s")

    _zero_shared_slice(ones_v, CHUNK, D, acc_sh, s * RPT)
    _fill_const(ones_v, CHUNK, D, 1.0)
    plsc.subcore_barrier()

    def outer(g, _):
        pltpu.sync_copy(dst_hbm.at[c, s, pl.ds(g * DBLK, DBLK), :], dst_v)
        for jj in range(DBLK):
            pltpu.sync_copy(ones_v, acc_sh.at[dst_v.at[jj]], add=True)
        return 0

    lax.fori_loop(0, NCHUNK // DBLK, outer, 0, unroll=False)
    plsc.subcore_barrier()
    pltpu.sync_copy(acc_sh.at[pl.ds(s * RPT, RPT)],
                    deg_out.at[c, pl.ds(s * RPT, RPT)])


def _deg_call(dstr):
    return pl.kernel(
        _deg_body,
        out_type=jax.ShapeDtypeStruct((NC, NPAD, D), jnp.float32),
        mesh=_sc_mesh(),
        scratch_types=[
            pltpu.VMEM_SHARED((NPAD, D), jnp.float32),
            pltpu.VMEM((DBLK, CHUNK), jnp.int32),
            pltpu.VMEM((CHUNK, D), jnp.float32),
        ],
    )(dstr)


K0C = 152
K1C = NCHUNK * NC - K0C
CB1 = NS * K0C
TOTCH = EP // CHUNK


def _prop_body(s_hbm, src_hbm, dst_hbm, acc_out, acc_sh, src_v, dst_v, rows0,
               rows1, gsem, ssem):
    c = lax.axis_index("c")
    s = lax.axis_index("s")

    _zero_shared_slice(rows0, CHUNK, D, acc_sh, s * RPT)
    plsc.subcore_barrier()

    bufs = (rows0, rows1)
    nout = jnp.where(c == 0, K0C // DBLK, K1C // DBLK)
    cbase = jnp.where(c == 0, s * K0C, CB1 + s * K1C)

    def gather(jj, buf):
        return pltpu.async_copy(
            s_hbm.at[src_v.at[pl.ds(jj * CHUNK, CHUNK)]], buf, gsem)

    def outer(g, _):
        ch0 = cbase + g * DBLK
        pltpu.sync_copy(src_hbm.at[pl.ds(ch0 * CHUNK, DBLK * CHUNK)], src_v)
        pltpu.sync_copy(dst_hbm.at[pl.ds(ch0, DBLK), :], dst_v)
        gd = [gather(0, bufs[0]), gather(1, bufs[1])]
        sd = [None] * DBLK
        for jj in range(DBLK):
            if jj >= 1 and jj + 1 < DBLK:
                sd[jj - 1].wait()
                gd.append(gather(jj + 1, bufs[(jj + 1) % 2]))
            gd[jj].wait()
            sd[jj] = pltpu.async_copy(bufs[jj % 2], acc_sh.at[dst_v.at[jj]],
                                      ssem, add=True)
        sd[DBLK - 2].wait()
        sd[DBLK - 1].wait()
        return 0

    lax.fori_loop(0, nout, outer, 0, unroll=False)
    plsc.subcore_barrier()
    pltpu.sync_copy(acc_sh.at[pl.ds(s * RPT, RPT)],
                    acc_out.at[c, pl.ds(s * RPT, RPT)])


def _prop_call(s, srcf, dstc):
    return pl.kernel(
        _prop_body,
        out_type=jax.ShapeDtypeStruct((NC, NPAD, D), jnp.float32),
        mesh=_sc_mesh(),
        scratch_types=[
            pltpu.VMEM_SHARED((NPAD, D), jnp.float32),
            pltpu.VMEM((DBLK * CHUNK,), jnp.int32),
            pltpu.VMEM((DBLK, CHUNK), jnp.int32),
            pltpu.VMEM((CHUNK, D), jnp.float32),
            pltpu.VMEM((CHUNK, D), jnp.float32),
            pltpu.SemaphoreType.DMA,
            pltpu.SemaphoreType.DMA,
        ],
    )(s, srcf, dstc)


RB = 2000
GRID = N // RB


def _mm0_body(x_ref, w_ref, d0_ref, d1_ref, s_ref, dinv_ref):
    dinv = lax.rsqrt(d0_ref[...] + d1_ref[...] + 1.0)
    h = jnp.dot(x_ref[...], w_ref[...], preferred_element_type=jnp.float32)
    s_ref[...] = h * dinv
    dinv_ref[...] = dinv


def _mm0(x, w, d0, d1):
    return pl.pallas_call(
        _mm0_body,
        grid=(GRID,),
        in_specs=[
            pl.BlockSpec((RB, D), lambda i: (i, 0)),
            pl.BlockSpec((D, D), lambda i: (0, 0)),
            pl.BlockSpec((RB, 1), lambda i: (i, 0)),
            pl.BlockSpec((RB, 1), lambda i: (i, 0)),
        ],
        out_specs=[
            pl.BlockSpec((RB, D), lambda i: (i, 0)),
            pl.BlockSpec((RB, 1), lambda i: (i, 0)),
        ],
        out_shape=[
            jax.ShapeDtypeStruct((N, D), jnp.float32),
            jax.ShapeDtypeStruct((N, 1), jnp.float32),
        ],
    )(x, w, d0, d1)


def _post_body(a0_ref, a1_ref, s_ref, dinv_ref, b_ref, o_ref, st_ref, *, relu):
    h = (a0_ref[...] + a1_ref[...] + s_ref[...]) * dinv_ref[...] + b_ref[...]
    if relu:
        h = jnp.maximum(h, 0.0)
    o_ref[...] = h
    cs = jnp.sum(h, axis=0, keepdims=True)
    cq = jnp.sum(h * h, axis=0, keepdims=True)
    st = jnp.concatenate([cs, cq, jnp.zeros((6, D), jnp.float32)], axis=0)

    @pl.when(pl.program_id(0) == 0)
    def _():
        st_ref[...] = jnp.zeros_like(st_ref)

    st_ref[...] += st


def _post(a0, a1, s, dinv, b, relu):
    return pl.pallas_call(
        functools.partial(_post_body, relu=relu),
        grid=(GRID,),
        in_specs=[
            pl.BlockSpec((RB, D), lambda i: (i, 0)),
            pl.BlockSpec((RB, D), lambda i: (i, 0)),
            pl.BlockSpec((RB, D), lambda i: (i, 0)),
            pl.BlockSpec((RB, 1), lambda i: (i, 0)),
            pl.BlockSpec((1, D), lambda i: (0, 0)),
        ],
        out_specs=[
            pl.BlockSpec((RB, D), lambda i: (i, 0)),
            pl.BlockSpec((8, D), lambda i: (0, 0)),
        ],
        out_shape=[
            jax.ShapeDtypeStruct((N, D), jnp.float32),
            jax.ShapeDtypeStruct((8, D), jnp.float32),
        ],
    )(a0, a1, s, dinv, b)


def _mmbn_body(o_ref, st_ref, w_ref, dinv_ref, out_ref):
    mu = st_ref[0:1, :] * (1.0 / N)
    var = st_ref[1:2, :] * (1.0 / N) - mu * mu
    cbn = lax.rsqrt(var + 1e-5)
    xn = (o_ref[...] - mu) * cbn
    out_ref[...] = jnp.dot(xn, w_ref[...],
                           preferred_element_type=jnp.float32) * dinv_ref[...]


def _mmbn(o, st, w, dinv):
    return pl.pallas_call(
        _mmbn_body,
        grid=(GRID,),
        in_specs=[
            pl.BlockSpec((RB, D), lambda i: (i, 0)),
            pl.BlockSpec((8, D), lambda i: (0, 0)),
            pl.BlockSpec((D, D), lambda i: (0, 0)),
            pl.BlockSpec((RB, 1), lambda i: (i, 0)),
        ],
        out_specs=pl.BlockSpec((RB, D), lambda i: (i, 0)),
        out_shape=jax.ShapeDtypeStruct((N, D), jnp.float32),
    )(o, st, w, dinv)


def _final_body(h_ref, st_ref, wc_ref, bc_ref, out_ref, acc_ref):
    i = pl.program_id(0)

    @pl.when(i == 0)
    def _():
        acc_ref[...] = jnp.zeros_like(acc_ref)

    mu = st_ref[0:1, :] * (1.0 / N)
    var = st_ref[1:2, :] * (1.0 / N) - mu * mu
    cbn = lax.rsqrt(var + 1e-5)
    xn = (h_ref[...] - mu) * cbn
    acc_ref[...] += jnp.concatenate(
        [jnp.sum(xn, axis=0, keepdims=True), jnp.zeros((7, D), jnp.float32)],
        axis=0)

    @pl.when(i == pl.num_programs(0) - 1)
    def _():
        pooled = acc_ref[0:1, :] * (1.0 / N)
        logits = jnp.dot(pooled, wc_ref[...],
                         preferred_element_type=jnp.float32) + bc_ref[...]
        m = jnp.max(logits, axis=1, keepdims=True)
        e = jnp.exp(logits - m)
        out_ref[...] = e / jnp.sum(e, axis=1, keepdims=True)


def _final(h, st, wc, bc):
    c = wc.shape[1]
    return pl.pallas_call(
        _final_body,
        grid=(GRID,),
        in_specs=[
            pl.BlockSpec((RB, D), lambda i: (i, 0)),
            pl.BlockSpec((8, D), lambda i: (0, 0)),
            pl.BlockSpec((D, c), lambda i: (0, 0)),
            pl.BlockSpec((1, c), lambda i: (0, 0)),
        ],
        out_specs=pl.BlockSpec((1, c), lambda i: (0, 0)),
        out_shape=jax.ShapeDtypeStruct((1, c), jnp.float32),
        scratch_shapes=[pltpu.VMEM((8, D), jnp.float32)],
    )(h, st, wc, bc)


def kernel(x, edge_index, W0, b0, W1, b1, W2, b2, Wc, bc):
    src = edge_index[0]
    dst = edge_index[1]
    pad = EP - E
    src_p = jnp.concatenate([src, jnp.zeros((pad,), jnp.int32)])
    dst_p = jnp.concatenate([dst, jnp.full((pad,), N, jnp.int32)])
    srcf = src_p
    dstc = dst_p.reshape(TOTCH, CHUNK)
    dstr = dst_p.reshape(NC, NS, NCHUNK, CHUNK)
    deg = _deg_call(dstr)
    d0 = deg[0, :N, 0:1]
    d1 = deg[1, :N, 0:1]

    s0, dinv = _mm0(x, W0, d0, d1)
    acc = _prop_call(s0, srcf, dstc)
    o0, st0 = _post(acc[0, :N], acc[1, :N], s0, dinv, b0.reshape(1, -1), True)

    s1 = _mmbn(o0, st0, W1, dinv)
    acc = _prop_call(s1, srcf, dstc)
    o1, st1 = _post(acc[0, :N], acc[1, :N], s1, dinv, b1.reshape(1, -1), True)

    s2 = _mmbn(o1, st1, W2, dinv)
    acc = _prop_call(s2, srcf, dstc)
    h3, st2 = _post(acc[0, :N], acc[1, :N], s2, dinv, b2.reshape(1, -1), False)

    return _final(h3, st2, Wc, bc.reshape(1, -1))

# --- scband reference (transcript-rebuilt; emitter-appended) ---
"""Pipeline reference for scband-gcn-6605659702082 (READ-ONLY COPY).

The authoritative reference and input builder live on the scoring server;
editing this copy changes nothing except your own understanding.
"""

import jax, jax.numpy as jnp
import numpy as np

N = 10000
E = 320000
D = 128
H = 128
C = 16


def setup_inputs(seed: int = 0) -> dict:
    key = jax.random.key(seed)
    ks = jax.random.split(key, 12)
    inp = {}
    inp["x"] = jax.random.normal(ks[0], (N, D), dtype=jnp.float32)
    inp["edge_index"] = jax.random.randint(ks[1], (2, E), 0, N, dtype=jnp.int32)
    # GCNConv weights (glorot-ish) and biases
    inp["W0"] = jax.random.normal(ks[2], (D, H), dtype=jnp.float32) * (1.0 / np.sqrt(D))
    inp["b0"] = jnp.zeros((H,), dtype=jnp.float32)
    inp["W1"] = jax.random.normal(ks[3], (H, H), dtype=jnp.float32) * (1.0 / np.sqrt(H))
    inp["b1"] = jnp.zeros((H,), dtype=jnp.float32)
    inp["W2"] = jax.random.normal(ks[4], (H, H), dtype=jnp.float32) * (1.0 / np.sqrt(H))
    inp["b2"] = jnp.zeros((H,), dtype=jnp.float32)
    # Classifier: single Linear (n_hidden_layers_classifier=0)
    inp["Wc"] = jax.random.uniform(ks[5], (H, C), dtype=jnp.float32, minval=-1.0/np.sqrt(H), maxval=1.0/np.sqrt(H))
    inp["bc"] = jax.random.uniform(ks[6], (C,), dtype=jnp.float32, minval=-1.0/np.sqrt(H), maxval=1.0/np.sqrt(H))
    return inp


def gcn_conv(x, edge_index, W, b):
    # Faithful PyG GCNConv: x @ W, add self-loops, symmetric D^-1/2 (A+I) D^-1/2 norm, scatter-add, + bias
    n = x.shape[0]
    h = x @ W
    src = edge_index[0]
    dst = edge_index[1]
    loop = jnp.arange(n, dtype=src.dtype)
    src = jnp.concatenate([src, loop])
    dst = jnp.concatenate([dst, loop])
    deg = jnp.zeros((n,), dtype=h.dtype).at[dst].add(1.0)
    dinv = jnp.where(deg > 0, jax.lax.rsqrt(deg), 0.0)
    norm = dinv[src] * dinv[dst]
    msg = h[src] * norm[:, None]
    out = jnp.zeros_like(h).at[dst].add(msg)
    return out + b


def batchnorm(x):
    # Fresh BatchNorm1d created every forward in the torch code -> gamma=1, beta=0, training-mode batch stats
    mu = jnp.mean(x, axis=0)
    var = jnp.var(x, axis=0)
    return (x - mu) * jax.lax.rsqrt(var + 1e-5)


def reference(x, edge_index, W0, b0, W1, b1, W2, b2, Wc, bc):
    h = gcn_conv(x, edge_index, W0, b0)
    h = jax.nn.relu(h)
    h = batchnorm(h)
    h = gcn_conv(h, edge_index, W1, b1)
    h = jax.nn.relu(h)
    h = batchnorm(h)
    h = gcn_conv(h, edge_index, W2, b2)
    # no activation after last conv (i == n_conv - 1)
    h = batchnorm(h)
    # batch is all-zeros -> global mean pool over all nodes -> [1, H]
    pooled = jnp.mean(h, axis=0, keepdims=True)
    logits = pooled @ Wc + bc
    return jax.nn.softmax(logits, axis=1)

if __name__ == "__main__":
    import jax
    _d = setup_inputs()
    print(jax.jit(kernel)(*tuple(_d.values())))

</pallas_src>

<mosaic_0001>
#map = affine_map<(d0, d1) -> (0, 0, 0, 0)>
#map1 = affine_map<(d0, d1) -> (0, 0, 0)>
module attributes {stable_mosaic.version = 14 : i64} {
  func.func @_deg_body(%arg0: i32, %arg1: i32, %arg2: memref<2x16x80x128xi32, #tpu.memory_space<hbm>>, %arg3: memref<2x10112x128xf32, #tpu.memory_space<hbm>>, %arg4: memref<10112x128xf32, #tpu.memory_space<vmem_shared>>, %arg5: memref<8x128xi32, #tpu.memory_space<vmem>>, %arg6: memref<128x128xf32, #tpu.memory_space<vmem>>) attributes {dimension_semantics = [#tpu.dimension_semantics<core_parallel>, #tpu.dimension_semantics<subcore_parallel>], iteration_bounds = array<i64: 2, 16>, scalar_prefetch = 0 : i64, scratch_operands = 3 : i64, tpu.core_type = #tpu.core_type<sc_vector_subcore>, window_params = [{transform_indices = #map}, {transform_indices = #map1}]} {
    %mul3A = arith.constant 632 : i32
    %mul3A_0 = arith.muli %arg1, %mul3A : i32
    %broadcast_in_dim3A = arith.constant 0.000000e+00 : f32
    %broadcast_in_dim3A_1 = vector.broadcast %broadcast_in_dim3A : f32 to vector<16xf32>
    %scan3A = arith.constant 0 : i32
    %scan3A_2 = arith.constant 0 : i32
    %scan3A_3 = arith.constant 128 : i32
    %scan3A_4 = arith.addi %scan3A_2, %scan3A_3 : i32
    %scan3A_5 = arith.constant 1 : i32
    %scan3A_6 = scf.for %scan3A_38 = %scan3A_2 to %scan3A_4 step %scan3A_5 iter_args(%scan3A_39 = %scan3A) -> (i32)  : i32 {
      %swap3A = arith.index_cast %scan3A_38 : i32 to index
      %swap3A_40 = arith.constant 0 : index
      %swap3A_41 = tpu.vector_load %arg6[%swap3A, %swap3A_40] {strides = array<i32>} : memref<128x128xf32, #tpu.memory_space<vmem>>, vector<1x16xf32>,
      %swap3A_42 = vector.shape_cast %swap3A_41 : vector<1x16xf32> to vector<16xf32>
      %swap3A_43 = vector.shape_cast %broadcast_in_dim3A_1 : vector<16xf32> to vector<1x16xf32>
      tpu.vector_store %arg6[%swap3A, %swap3A_40], %swap3A_43 {strides = array<i32>} : memref<128x128xf32, #tpu.memory_space<vmem>>, vector<1x16xf32>,
      %swap3A_44 = arith.index_cast %scan3A_38 : i32 to index
      %swap3A_45 = arith.constant 16 : index
      %swap3A_46 = tpu.vector_load %arg6[%swap3A_44, %swap3A_45] {strides = array<i32>} : memref<128x128xf32, #tpu.memory_space<vmem>>, vector<1x16xf32>,
      %swap3A_47 = vector.shape_cast %swap3A_46 : vector<1x16xf32> to vector<16xf32>
      %swap3A_48 = vector.shape_cast %broadcast_in_dim3A_1 : vector<16xf32> to vector<1x16xf32>
      tpu.vector_store %arg6[%swap3A_44, %swap3A_45], %swap3A_48 {strides = array<i32>} : memref<128x128xf32, #tpu.memory_space<vmem>>, vector<1x16xf32>,
      %swap3A_49 = arith.index_cast %scan3A_38 : i32 to index
      %swap3A_50 = arith.constant 32 : index
      %swap3A_51 = tpu.vector_load %arg6[%swap3A_49, %swap3A_50] {strides = array<i32>} : memref<128x128xf32, #tpu.memory_space<vmem>>, vector<1x16xf32>,
      %swap3A_52 = vector.shape_cast %swap3A_51 : vector<1x16xf32> to vector<16xf32>
      %swap3A_53 = vector.shape_cast %broadcast_in_dim3A_1 : vector<16xf32> to vector<1x16xf32>
      tpu.vector_store %arg6[%swap3A_49, %swap3A_50], %swap3A_53 {strides = array<i32>} : memref<128x128xf32, #tpu.memory_space<vmem>>, vector<1x16xf32>,
      %swap3A_54 = arith.index_cast %scan3A_38 : i32 to index
      %swap3A_55 = arith.constant 48 : index
      %swap3A_56 = tpu.vector_load %arg6[%swap3A_54, %swap3A_55] {strides = array<i32>} : memref<128x128xf32, #tpu.memory_space<vmem>>, vector<1x16xf32>,
      %swap3A_57 = vector.shape_cast %swap3A_56 : vector<1x16xf32> to vector<16xf32>
      %swap3A_58 = vector.shape_cast %broadcast_in_dim3A_1 : vector<16xf32> to vector<1x16xf32>
      tpu.vector_store %arg6[%swap3A_54, %swap3A_55], %swap3A_58 {strides = array<i32>} : memref<128x128xf32, #tpu.memory_space<vmem>>, vector<1x16xf32>,
      %swap3A_59 = arith.index_cast %scan3A_38 : i32 to index
      %swap3A_60 = arith.constant 64 : index
      %swap3A_61 = tpu.vector_load %arg6[%swap3A_59, %swap3A_60] {strides = array<i32>} : memref<128x128xf32, #tpu.memory_space<vmem>>, vector<1x16xf32>,
      %swap3A_62 = vector.shape_cast %swap3A_61 : vector<1x16xf32> to vector<16xf32>
      %swap3A_63 = vector.shape_cast %broadcast_in_dim3A_1 : vector<16xf32> to vector<1x16xf32>
      tpu.vector_store %arg6[%swap3A_59, %swap3A_60], %swap3A_63 {strides = array<i32>} : memref<128x128xf32, #tpu.memory_space<vmem>>, vector<1x16xf32>,
      %swap3A_64 = arith.index_cast %scan3A_38 : i32 to index
      %swap3A_65 = arith.constant 80 : index
      %swap3A_66 = tpu.vector_load %arg6[%swap3A_64, %swap3A_65] {strides = array<i32>} : memref<128x128xf32, #tpu.memory_space<vmem>>, vector<1x16xf32>,
      %swap3A_67 = vector.shape_cast %swap3A_66 : vector<1x16xf32> to vector<16xf32>
      %swap3A_68 = vector.shape_cast %broadcast_in_dim3A_1 : vector<16xf32> to vector<1x16xf32>
      tpu.vector_store %arg6[%swap3A_64, %swap3A_65], %swap3A_68 {strides = array<i32>} : memref<128x128xf32, #tpu.memory_space<vmem>>, vector<1x16xf32>,
      %swap3A_69 = arith.index_cast %scan3A_38 : i32 to index
      %swap3A_70 = arith.constant 96 : index
      %swap3A_71 = tpu.vector_load %arg6[%swap3A_69, %swap3A_70] {strides = array<i32>} : memref<128x128xf32, #tpu.memory_space<vmem>>, vector<1x16xf32>,
      %swap3A_72 = vector.shape_cast %swap3A_71 : vector<1x16xf32> to vector<16xf32>
      %swap3A_73 = vector.shape_cast %broadcast_in_dim3A_1 : vector<16xf32> to vector<1x16xf32>
      tpu.vector_store %arg6[%swap3A_69, %swap3A_70], %swap3A_73 {strides = array<i32>} : memref<128x128xf32, #tpu.memory_space<vmem>>, vector<1x16xf32>,
      %swap3A_74 = arith.index_cast %scan3A_38 : i32 to index
      %swap3A_75 = arith.constant 112 : index
      %swap3A_76 = tpu.vector_load %arg6[%swap3A_74, %swap3A_75] {strides = array<i32>} : memref<128x128xf32, #tpu.memory_space<vmem>>, vector<1x16xf32>,
      %swap3A_77 = vector.shape_cast %swap3A_76 : vector<1x16xf32> to vector<16xf32>
      %swap3A_78 = vector.shape_cast %broadcast_in_dim3A_1 : vector<16xf32> to vector<1x16xf32>
      tpu.vector_store %arg6[%swap3A_74, %swap3A_75], %swap3A_78 {strides = array<i32>} : memref<128x128xf32, #tpu.memory_space<vmem>>, vector<1x16xf32>,
      %scan3A_79 = arith.constant 0 : i32
      scf.yield %scan3A_79 : i32
    }
    %scan3A_7 = arith.constant 128 : i32
    %add3A = arith.constant 0 : i32
    %add3A_8 = arith.addi %mul3A_0, %add3A : i32
    "tpu.region"() ({
      %run_scoped3A = tpu.sem_alloc : memref<!tpu.dma_semaphore, #tpu.memory_space<semaphore_mem>>
      %dma_start3A = arith.constant 0 : i32
      %dma_start3A_38 = tpu.memref_slice %arg4[%add3A_8, %dma_start3A] : memref<10112x128xf32, #tpu.memory_space<vmem_shared>> -> memref<128x128xf32, #tpu.memory_space<vmem_shared>>
      %dma_start3A_39 = arith.constant 0 : i32
      %dma_start3A_40 = tpu.memref_slice %arg4[%add3A_8, %dma_start3A_39] : memref<10112x128xf32, #tpu.memory_space<vmem_shared>> -> memref<128x128xf32, #tpu.memory_space<vmem_shared>>
      tpu.enqueue_dma source(%arg6 : memref<128x128xf32, #tpu.memory_space<vmem>>) target(%dma_start3A_40 : memref<128x128xf32, #tpu.memory_space<vmem_shared>>) target_semaphore(%run_scoped3A : memref<!tpu.dma_semaphore, #tpu.memory_space<semaphore_mem>>)
      %dma_wait3A = arith.constant 0 : i32
      %dma_wait3A_41 = tpu.memref_slice %arg4[%add3A_8, %dma_wait3A] : memref<10112x128xf32, #tpu.memory_space<vmem_shared>> -> memref<128x128xf32, #tpu.memory_space<vmem_shared>>
      %dma_wait3A_42 = arith.constant 0 : i32
      %dma_wait3A_43 = tpu.memref_slice %arg4[%add3A_8, %dma_wait3A_42] : memref<10112x128xf32, #tpu.memory_space<vmem_shared>> -> memref<128x128xf32, #tpu.memory_space<vmem_shared>>
      tpu.wait_dma2 semaphore(%run_scoped3A : memref<!tpu.dma_semaphore, #tpu.memory_space<semaphore_mem>>) src(%arg6 : memref<128x128xf32, #tpu.memory_space<vmem>>) dst(%dma_wait3A_43 : memref<128x128xf32, #tpu.memory_space<vmem_shared>>)
      tpu.yield
    }) : () -> ()
    %add3A_9 = arith.constant 128 : i32
    %add3A_10 = arith.addi %mul3A_0, %add3A_9 : i32
    "tpu.region"() ({
      %run_scoped3A = tpu.sem_alloc : memref<!tpu.dma_semaphore, #tpu.memory_space<semaphore_mem>>
      %dma_start3A = arith.constant 0 : i32
      %dma_start3A_38 = tpu.memref_slice %arg4[%add3A_10, %dma_start3A] : memref<10112x128xf32, #tpu.memory_space<vmem_shared>> -> memref<128x128xf32, #tpu.memory_space<vmem_shared>>
      %dma_start3A_39 = arith.constant 0 : i32
      %dma_start3A_40 = tpu.memref_slice %arg4[%add3A_10, %dma_start3A_39] : memref<10112x128xf32, #tpu.memory_space<vmem_shared>> -> memref<128x128xf32, #tpu.memory_space<vmem_shared>>
      tpu.enqueue_dma source(%arg6 : memref<128x128xf32, #tpu.memory_space<vmem>>) target(%dma_start3A_40 : memref<128x128xf32, #tpu.memory_space<vmem_shared>>) target_semaphore(%run_scoped3A : memref<!tpu.dma_semaphore, #tpu.memory_space<semaphore_mem>>)
      %dma_wait3A = arith.constant 0 : i32
      %dma_wait3A_41 = tpu.memref_slice %arg4[%add3A_10, %dma_wait3A] : memref<10112x128xf32, #tpu.memory_space<vmem_shared>> -> memref<128x128xf32, #tpu.memory_space<vmem_shared>>
      %dma_wait3A_42 = arith.constant 0 : i32
      %dma_wait3A_43 = tpu.memref_slice %arg4[%add3A_10, %dma_wait3A_42] : memref<10112x128xf32, #tpu.memory_space<vmem_shared>> -> memref<128x128xf32, #tpu.memory_space<vmem_shared>>
      tpu.wait_dma2 semaphore(%run_scoped3A : memref<!tpu.dma_semaphore, #tpu.memory_space<semaphore_mem>>) src(%arg6 : memref<128x128xf32, #tpu.memory_space<vmem>>) dst(%dma_wait3A_43 : memref<128x128xf32, #tpu.memory_space<vmem_shared>>)
      tpu.yield
    }) : () -> ()
    %add3A_11 = arith.constant 256 : i32
    %add3A_12 = arith.addi %mul3A_0, %add3A_11 : i32
    "tpu.region"() ({
      %run_scoped3A = tpu.sem_alloc : memref<!tpu.dma_semaphore, #tpu.memory_space<semaphore_mem>>
      %dma_start3A = arith.constant 0 : i32
      %dma_start3A_38 = tpu.memref_slice %arg4[%add3A_12, %dma_start3A] : memref<10112x128xf32, #tpu.memory_space<vmem_shared>> -> memref<128x128xf32, #tpu.memory_space<vmem_shared>>
      %dma_start3A_39 = arith.constant 0 : i32
      %dma_start3A_40 = tpu.memref_slice %arg4[%add3A_12, %dma_start3A_39] : memref<10112x128xf32, #tpu.memory_space<vmem_shared>> -> memref<128x128xf32, #tpu.memory_space<vmem_shared>>
      tpu.enqueue_dma source(%arg6 : memref<128x128xf32, #tpu.memory_space<vmem>>) target(%dma_start3A_40 : memref<128x128xf32, #tpu.memory_space<vmem_shared>>) target_semaphore(%run_scoped3A : memref<!tpu.dma_semaphore, #tpu.memory_space<semaphore_mem>>)
      %dma_wait3A = arith.constant 0 : i32
      %dma_wait3A_41 = tpu.memref_slice %arg4[%add3A_12, %dma_wait3A] : memref<10112x128xf32, #tpu.memory_space<vmem_shared>> -> memref<128x128xf32, #tpu.memory_space<vmem_shared>>
      %dma_wait3A_42 = arith.constant 0 : i32
      %dma_wait3A_43 = tpu.memref_slice %arg4[%add3A_12, %dma_wait3A_42] : memref<10112x128xf32, #tpu.memory_space<vmem_shared>> -> memref<128x128xf32, #tpu.memory_space<vmem_shared>>
      tpu.wait_dma2 semaphore(%run_scoped3A : memref<!tpu.dma_semaphore, #tpu.memory_space<semaphore_mem>>) src(%arg6 : memref<128x128xf32, #tpu.memory_space<vmem>>) dst(%dma_wait3A_43 : memref<128x128xf32, #tpu.memory_space<vmem_shared>>)
      tpu.yield
    }) : () -> ()
    %add3A_13 = arith.constant 384 : i32
    %add3A_14 = arith.addi %mul3A_0, %add3A_13 : i32
    "tpu.region"() ({
      %run_scoped3A = tpu.sem_alloc : memref<!tpu.dma_semaphore, #tpu.memory_space<semaphore_mem>>
      %dma_start3A = arith.constant 0 : i32
      %dma_start3A_38 = tpu.memref_slice %arg4[%add3A_14, %dma_start3A] : memref<10112x128xf32, #tpu.memory_space<vmem_shared>> -> memref<128x128xf32, #tpu.memory_space<vmem_shared>>
      %dma_start3A_39 = arith.constant 0 : i32
      %dma_start3A_40 = tpu.memref_slice %arg4[%add3A_14, %dma_start3A_39] : memref<10112x128xf32, #tpu.memory_space<vmem_shared>> -> memref<128x128xf32, #tpu.memory_space<vmem_shared>>
      tpu.enqueue_dma source(%arg6 : memref<128x128xf32, #tpu.memory_space<vmem>>) target(%dma_start3A_40 : memref<128x128xf32, #tpu.memory_space<vmem_shared>>) target_semaphore(%run_scoped3A : memref<!tpu.dma_semaphore, #tpu.memory_space<semaphore_mem>>)
      %dma_wait3A = arith.constant 0 : i32
      %dma_wait3A_41 = tpu.memref_slice %arg4[%add3A_14, %dma_wait3A] : memref<10112x128xf32, #tpu.memory_space<vmem_shared>> -> memref<128x128xf32, #tpu.memory_space<vmem_shared>>
      %dma_wait3A_42 = arith.constant 0 : i32
      %dma_wait3A_43 = tpu.memref_slice %arg4[%add3A_14, %dma_wait3A_42] : memref<10112x128xf32, #tpu.memory_space<vmem_shared>> -> memref<128x128xf32, #tpu.memory_space<vmem_shared>>
      tpu.wait_dma2 semaphore(%run_scoped3A : memref<!tpu.dma_semaphore, #tpu.memory_space<semaphore_mem>>) src(%arg6 : memref<128x128xf32, #tpu.memory_space<vmem>>) dst(%dma_wait3A_43 : memref<128x128xf32, #tpu.memory_space<vmem_shared>>)
      tpu.yield
    }) : () -> ()
    %add3A_15 = arith.constant 512 : i32
    %add3A_16 = arith.addi %mul3A_0, %add3A_15 : i32
    "tpu.region"() ({
      %run_scoped3A = tpu.sem_alloc : memref<!tpu.dma_semaphore, #tpu.memory_space<semaphore_mem>>
      %dma_start3A = arith.constant 0 : i32
      %dma_start3A_38 = arith.constant 0 : i32
      %dma_start3A_39 = tpu.memref_slice %arg6[%dma_start3A, %dma_start3A_38] : memref<128x128xf32, #tpu.memory_space<vmem>> -> memref<120x128xf32, #tpu.memory_space<vmem>>
      %dma_start3A_40 = arith.constant 0 : i32
      %dma_start3A_41 = tpu.memref_slice %arg4[%add3A_16, %dma_start3A_40] : memref<10112x128xf32, #tpu.memory_space<vmem_shared>> -> memref<120x128xf32, #tpu.memory_space<vmem_shared>>
      %dma_start3A_42 = arith.constant 0 : i32
      %dma_start3A_43 = tpu.memref_slice %arg4[%add3A_16, %dma_start3A_42] : memref<10112x128xf32, #tpu.memory_space<vmem_shared>> -> memref<120x128xf32, #tpu.memory_space<vmem_shared>>
      %dma_start3A_44 = arith.constant 0 : i32
      %dma_start3A_45 = arith.constant 0 : i32
      %dma_start3A_46 = tpu.memref_slice %arg6[%dma_start3A_44, %dma_start3A_45] : memref<128x128xf32, #tpu.memory_space<vmem>> -> memref<120x128xf32, #tpu.memory_space<vmem>>
      tpu.enqueue_dma source(%dma_start3A_46 : memref<120x128xf32, #tpu.memory_space<vmem>>) target(%dma_start3A_43 : memref<120x128xf32, #tpu.memory_space<vmem_shared>>) target_semaphore(%run_scoped3A : memref<!tpu.dma_semaphore, #tpu.memory_space<semaphore_mem>>)
      %dma_wait3A = arith.constant 0 : i32
      %dma_wait3A_47 = arith.constant 0 : i32
      %dma_wait3A_48 = tpu.memref_slice %arg6[%dma_wait3A, %dma_wait3A_47] : memref<128x128xf32, #tpu.memory_space<vmem>> -> memref<120x128xf32, #tpu.memory_space<vmem>>
      %dma_wait3A_49 = arith.constant 0 : i32
      %dma_wait3A_50 = tpu.memref_slice %arg4[%add3A_16, %dma_wait3A_49] : memref<10112x128xf32, #tpu.memory_space<vmem_shared>> -> memref<120x128xf32, #tpu.memory_space<vmem_shared>>
      %dma_wait3A_51 = arith.constant 0 : i32
      %dma_wait3A_52 = tpu.memref_slice %arg4[%add3A_16, %dma_wait3A_51] : memref<10112x128xf32, #tpu.memory_space<vmem_shared>> -> memref<120x128xf32, #tpu.memory_space<vmem_shared>>
      %dma_wait3A_53 = arith.constant 0 : i32
      %dma_wait3A_54 = arith.constant 0 : i32
      %dma_wait3A_55 = tpu.memref_slice %arg6[%dma_wait3A_53, %dma_wait3A_54] : memref<128x128xf32, #tpu.memory_space<vmem>> -> memref<120x128xf32, #tpu.memory_space<vmem>>
      tpu.wait_dma2 semaphore(%run_scoped3A : memref<!tpu.dma_semaphore, #tpu.memory_space<semaphore_mem>>) src(%dma_wait3A_55 : memref<120x128xf32, #tpu.memory_space<vmem>>) dst(%dma_wait3A_52 : memref<120x128xf32, #tpu.memory_space<vmem_shared>>)
      tpu.yield
    }) : () -> ()
    %broadcast_in_dim3A_17 = arith.constant 1.000000e+00 : f32
    %broadcast_in_dim3A_18 = vector.broadcast %broadcast_in_dim3A_17 : f32 to vector<16xf32>
    %scan3A_19 = arith.constant 0 : i32
    %scan3A_20 = arith.constant 0 : i32
    %scan3A_21 = arith.constant 128 : i32
    %scan3A_22 = arith.addi %scan3A_20, %scan3A_21 : i32
    %scan3A_23 = arith.constant 1 : i32
    %scan3A_24 = scf.for %scan3A_38 = %scan3A_20 to %scan3A_22 step %scan3A_23 iter_args(%scan3A_39 = %scan3A_19) -> (i32)  : i32 {
      %swap3A = arith.index_cast %scan3A_38 : i32 to index
      %swap3A_40 = arith.constant 0 : index
      %swap3A_41 = tpu.vector_load %arg6[%swap3A, %swap3A_40] {strides = array<i32>} : memref<128x128xf32, #tpu.memory_space<vmem>>, vector<1x16xf32>,
      %swap3A_42 = vector.shape_cast %swap3A_41 : vector<1x16xf32> to vector<16xf32>
      %swap3A_43 = vector.shape_cast %broadcast_in_dim3A_18 : vector<16xf32> to vector<1x16xf32>
      tpu.vector_store %arg6[%swap3A, %swap3A_40], %swap3A_43 {strides = array<i32>} : memref<128x128xf32, #tpu.memory_space<vmem>>, vector<1x16xf32>,
      %swap3A_44 = arith.index_cast %scan3A_38 : i32 to index
      %swap3A_45 = arith.constant 16 : index
      %swap3A_46 = tpu.vector_load %arg6[%swap3A_44, %swap3A_45] {strides = array<i32>} : memref<128x128xf32, #tpu.memory_space<vmem>>, vector<1x16xf32>,
      %swap3A_47 = vector.shape_cast %swap3A_46 : vector<1x16xf32> to vector<16xf32>
      %swap3A_48 = vector.shape_cast %broadcast_in_dim3A_18 : vector<16xf32> to vector<1x16xf32>
      tpu.vector_store %arg6[%swap3A_44, %swap3A_45], %swap3A_48 {strides = array<i32>} : memref<128x128xf32, #tpu.memory_space<vmem>>, vector<1x16xf32>,
      %swap3A_49 = arith.index_cast %scan3A_38 : i32 to index
      %swap3A_50 = arith.constant 32 : index
      %swap3A_51 = tpu.vector_load %arg6[%swap3A_49, %swap3A_50] {strides = array<i32>} : memref<128x128xf32, #tpu.memory_space<vmem>>, vector<1x16xf32>,
      %swap3A_52 = vector.shape_cast %swap3A_51 : vector<1x16xf32> to vector<16xf32>
      %swap3A_53 = vector.shape_cast %broadcast_in_dim3A_18 : vector<16xf32> to vector<1x16xf32>
      tpu.vector_store %arg6[%swap3A_49, %swap3A_50], %swap3A_53 {strides = array<i32>} : memref<128x128xf32, #tpu.memory_space<vmem>>, vector<1x16xf32>,
      %swap3A_54 = arith.index_cast %scan3A_38 : i32 to index
      %swap3A_55 = arith.constant 48 : index
      %swap3A_56 = tpu.vector_load %arg6[%swap3A_54, %swap3A_55] {strides = array<i32>} : memref<128x128xf32, #tpu.memory_space<vmem>>, vector<1x16xf32>,
      %swap3A_57 = vector.shape_cast %swap3A_56 : vector<1x16xf32> to vector<16xf32>
      %swap3A_58 = vector.shape_cast %broadcast_in_dim3A_18 : vector<16xf32> to vector<1x16xf32>
      tpu.vector_store %arg6[%swap3A_54, %swap3A_55], %swap3A_58 {strides = array<i32>} : memref<128x128xf32, #tpu.memory_space<vmem>>, vector<1x16xf32>,
      %swap3A_59 = arith.index_cast %scan3A_38 : i32 to index
      %swap3A_60 = arith.constant 64 : index
      %swap3A_61 = tpu.vector_load %arg6[%swap3A_59, %swap3A_60] {strides = array<i32>} : memref<128x128xf32, #tpu.memory_space<vmem>>, vector<1x16xf32>,
      %swap3A_62 = vector.shape_cast %swap3A_61 : vector<1x16xf32> to vector<16xf32>
      %swap3A_63 = vector.shape_cast %broadcast_in_dim3A_18 : vector<16xf32> to vector<1x16xf32>
      tpu.vector_store %arg6[%swap3A_59, %swap3A_60], %swap3A_63 {strides = array<i32>} : memref<128x128xf32, #tpu.memory_space<vmem>>, vector<1x16xf32>,
      %swap3A_64 = arith.index_cast %scan3A_38 : i32 to index
      %swap3A_65 = arith.constant 80 : index
      %swap3A_66 = tpu.vector_load %arg6[%swap3A_64, %swap3A_65] {strides = array<i32>} : memref<128x128xf32, #tpu.memory_space<vmem>>, vector<1x16xf32>,
      %swap3A_67 = vector.shape_cast %swap3A_66 : vector<1x16xf32> to vector<16xf32>
      %swap3A_68 = vector.shape_cast %broadcast_in_dim3A_18 : vector<16xf32> to vector<1x16xf32>
      tpu.vector_store %arg6[%swap3A_64, %swap3A_65], %swap3A_68 {strides = array<i32>} : memref<128x128xf32, #tpu.memory_space<vmem>>, vector<1x16xf32>,
      %swap3A_69 = arith.index_cast %scan3A_38 : i32 to index
      %swap3A_70 = arith.constant 96 : index
      %swap3A_71 = tpu.vector_load %arg6[%swap3A_69, %swap3A_70] {strides = array<i32>} : memref<128x128xf32, #tpu.memory_space<vmem>>, vector<1x16xf32>,
      %swap3A_72 = vector.shape_cast %swap3A_71 : vector<1x16xf32> to vector<16xf32>
      %swap3A_73 = vector.shape_cast %broadcast_in_dim3A_18 : vector<16xf32> to vector<1x16xf32>
      tpu.vector_store %arg6[%swap3A_69, %swap3A_70], %swap3A_73 {strides = array<i32>} : memref<128x128xf32, #tpu.memory_space<vmem>>, vector<1x16xf32>,
      %swap3A_74 = arith.index_cast %scan3A_38 : i32 to index
      %swap3A_75 = arith.constant 112 : index
      %swap3A_76 = tpu.vector_load %arg6[%swap3A_74, %swap3A_75] {strides = array<i32>} : memref<128x128xf32, #tpu.memory_space<vmem>>, vector<1x16xf32>,
      %swap3A_77 = vector.shape_cast %swap3A_76 : vector<1x16xf32> to vector<16xf32>
      %swap3A_78 = vector.shape_cast %broadcast_in_dim3A_18 : vector<16xf32> to vector<1x16xf32>
      tpu.vector_store %arg6[%swap3A_74, %swap3A_75], %swap3A_78 {strides = array<i32>} : memref<128x128xf32, #tpu.memory_space<vmem>>, vector<1x16xf32>,
      %scan3A_79 = arith.constant 0 : i32
      scf.yield %scan3A_79 : i32
    }
    %scan3A_25 = arith.constant 128 : i32
    %barrier3A = arith.constant 0 : index
    tpu.barrier barrier_id(%barrier3A)
    %scan3A_26 = arith.constant 0 : i32
    %scan3A_27 = arith.constant 0 : i32
    %scan3A_28 = arith.constant 10 : i32
    %scan3A_29 = arith.addi %scan3A_27, %scan3A_28 : i32
    %scan3A_30 = arith.constant 1 : i32
    %scan3A_31 = scf.for %scan3A_38 = %scan3A_27 to %scan3A_29 step %scan3A_30 iter_args(%scan3A_39 = %scan3A_26) -> (i32)  : i32 {
      %mul3A_40 = arith.constant 8 : i32
      %mul3A_41 = arith.muli %scan3A_38, %mul3A_40 : i32
      "tpu.region"() ({
        %run_scoped3A_50 = tpu.sem_alloc : memref<!tpu.dma_semaphore, #tpu.memory_space<semaphore_mem>>
        %dma_start3A = arith.constant 0 : i32
        %dma_start3A_51 = tpu.memref_slice %arg2[%arg0, %arg1, %mul3A_41, %dma_start3A] : memref<2x16x80x128xi32, #tpu.memory_space<hbm>> -> memref<1x1x8x128xi32, #tpu.memory_space<hbm>>
        %dma_start3A_52 = tpu.memref_squeeze %dma_start3A_51 : memref<1x1x8x128xi32, #tpu.memory_space<hbm>> -> memref<8x128xi32, #tpu.memory_space<hbm>>
        %dma_start3A_53 = arith.constant 0 : i32
        %dma_start3A_54 = tpu.memref_slice %arg2[%arg0, %arg1, %mul3A_41, %dma_start3A_53] : memref<2x16x80x128xi32, #tpu.memory_space<hbm>> -> memref<1x1x8x128xi32, #tpu.memory_space<hbm>>
        %dma_start3A_55 = tpu.memref_squeeze %dma_start3A_54 : memref<1x1x8x128xi32, #tpu.memory_space<hbm>> -> memref<8x128xi32, #tpu.memory_space<hbm>>
        tpu.enqueue_dma source(%dma_start3A_55 : memref<8x128xi32, #tpu.memory_space<hbm>>) target(%arg5 : memref<8x128xi32, #tpu.memory_space<vmem>>) target_semaphore(%run_scoped3A_50 : memref<!tpu.dma_semaphore, #tpu.memory_space<semaphore_mem>>)
        %dma_wait3A = arith.constant 0 : i32
        %dma_wait3A_56 = tpu.memref_slice %arg2[%arg0, %arg1, %mul3A_41, %dma_wait3A] : memref<2x16x80x128xi32, #tpu.memory_space<hbm>> -> memref<1x1x8x128xi32, #tpu.memory_space<hbm>>
        %dma_wait3A_57 = tpu.memref_squeeze %dma_wait3A_56 : memref<1x1x8x128xi32, #tpu.memory_space<hbm>> -> memref<8x128xi32, #tpu.memory_space<hbm>>
        %dma_wait3A_58 = arith.constant 0 : i32
        %dma_wait3A_59 = tpu.memref_slice %arg2[%arg0, %arg1, %mul3A_41, %dma_wait3A_58] : memref<2x16x80x128xi32, #tpu.memory_space<hbm>> -> memref<1x1x8x128xi32, #tpu.memory_space<hbm>>
        %dma_wait3A_60 = tpu.memref_squeeze %dma_wait3A_59 : memref<1x1x8x128xi32, #tpu.memory_space<hbm>> -> memref<8x128xi32, #tpu.memory_space<hbm>>
        tpu.wait_dma2 semaphore(%run_scoped3A_50 : memref<!tpu.dma_semaphore, #tpu.memory_space<semaphore_mem>>) src(%dma_wait3A_60 : memref<8x128xi32, #tpu.memory_space<hbm>>) dst(%arg5 : memref<8x128xi32, #tpu.memory_space<vmem>>)
        tpu.yield
      }) : () -> ()
      %run_scoped3A = arith.constant 0 : i32
      "tpu.region"() ({
        %run_scoped3A_50 = tpu.sem_alloc : memref<!tpu.dma_semaphore, #tpu.memory_space<semaphore_mem>>
        %dma_start3A = arith.constant 0 : i32
        %dma_start3A_51 = tpu.memref_slice %arg5[%run_scoped3A, %dma_start3A] : memref<8x128xi32, #tpu.memory_space<vmem>> -> memref<1x128xi32, #tpu.memory_space<vmem>>
        %dma_start3A_52 = tpu.memref_squeeze %dma_start3A_51 : memref<1x128xi32, #tpu.memory_space<vmem>> -> memref<128xi32, #tpu.memory_space<vmem>>
        %dma_start3A_53 = arith.constant 0 : i32
        %dma_start3A_54 = arith.constant 0 : i32
        %dma_start3A_55 = tpu.memref_slice %arg4[%dma_start3A_53, %dma_start3A_54] : memref<10112x128xf32, #tpu.memory_space<vmem_shared>> -> memref<10112x128xf32, #tpu.memory_space<vmem_shared>>
        tpu.enqueue_indirect_dma source(%arg6 : memref<128x128xf32, #tpu.memory_space<vmem>>) target(%dma_start3A_55 : memref<10112x128xf32, #tpu.memory_space<vmem_shared>>) offsets(%dma_start3A_52 : memref<128xi32, #tpu.memory_space<vmem>>) semaphore(%run_scoped3A_50 : memref<!tpu.dma_semaphore, #tpu.memory_space<semaphore_mem>>) {add = true}
        %dma_wait3A = arith.constant 0 : i32
        %dma_wait3A_56 = tpu.memref_slice %arg5[%run_scoped3A, %dma_wait3A] : memref<8x128xi32, #tpu.memory_space<vmem>> -> memref<1x128xi32, #tpu.memory_space<vmem>>
        %dma_wait3A_57 = tpu.memref_squeeze %dma_wait3A_56 : memref<1x128xi32, #tpu.memory_space<vmem>> -> memref<128xi32, #tpu.memory_space<vmem>>
        %dma_wait3A_58 = arith.constant 0 : i32
        %dma_wait3A_59 = arith.constant 0 : i32
        %dma_wait3A_60 = tpu.memref_slice %arg4[%dma_wait3A_58, %dma_wait3A_59] : memref<10112x128xf32, #tpu.memory_space<vmem_shared>> -> memref<10112x128xf32, #tpu.memory_space<vmem_shared>>
        tpu.wait_indirect_dma semaphore(%run_scoped3A_50 : memref<!tpu.dma_semaphore, #tpu.memory_space<semaphore_mem>>) src(%arg6 : memref<128x128xf32, #tpu.memory_space<vmem>>) dst(%dma_wait3A_60 : memref<10112x128xf32, #tpu.memory_space<vmem_shared>>)
        tpu.yield
      }) : () -> ()
      %run_scoped3A_42 = arith.constant 1 : i32
      "tpu.region"() ({
        %run_scoped3A_50 = tpu.sem_alloc : memref<!tpu.dma_semaphore, #tpu.memory_space<semaphore_mem>>
        %dma_start3A = arith.constant 0 : i32
        %dma_start3A_51 = tpu.memref_slice %arg5[%run_scoped3A_42, %dma_start3A] : memref<8x128xi32, #tpu.memory_space<vmem>> -> memref<1x128xi32, #tpu.memory_space<vmem>>
        %dma_start3A_52 = tpu.memref_squeeze %dma_start3A_51 : memref<1x128xi32, #tpu.memory_space<vmem>> -> memref<128xi32, #tpu.memory_space<vmem>>
        %dma_start3A_53 = arith.constant 0 : i32
        %dma_start3A_54 = arith.constant 0 : i32
        %dma_start3A_55 = tpu.memref_slice %arg4[%dma_start3A_53, %dma_start3A_54] : memref<10112x128xf32, #tpu.memory_space<vmem_shared>> -> memref<10112x128xf32, #tpu.memory_space<vmem_shared>>
        tpu.enqueue_indirect_dma source(%arg6 : memref<128x128xf32, #tpu.memory_space<vmem>>) target(%dma_start3A_55 : memref<10112x128xf32, #tpu.memory_space<vmem_shared>>) offsets(%dma_start3A_52 : memref<128xi32, #tpu.memory_space<vmem>>) semaphore(%run_scoped3A_50 : memref<!tpu.dma_semaphore, #tpu.memory_space<semaphore_mem>>) {add = true}
        %dma_wait3A = arith.constant 0 : i32
        %dma_wait3A_56 = tpu.memref_slice %arg5[%run_scoped3A_42, %dma_wait3A] : memref<8x128xi32, #tpu.memory_space<vmem>> -> memref<1x128xi32, #tpu.memory_space<vmem>>
        %dma_wait3A_57 = tpu.memref_squeeze %dma_wait3A_56 : memref<1x128xi32, #tpu.memory_space<vmem>> -> memref<128xi32, #tpu.memory_space<vmem>>
        %dma_wait3A_58 = arith.constant 0 : i32
        %dma_wait3A_59 = arith.constant 0 : i32
        %dma_wait3A_60 = tpu.memref_slice %arg4[%dma_wait3A_58, %dma_wait3A_59] : memref<10112x128xf32, #tpu.memory_space<vmem_shared>> -> memref<10112x128xf32, #tpu.memory_space<vmem_shared>>
        tpu.wait_indirect_dma semaphore(%run_scoped3A_50 : memref<!tpu.dma_semaphore, #tpu.memory_space<semaphore_mem>>) src(%arg6 : memref<128x128xf32, #tpu.memory_space<vmem>>) dst(%dma_wait3A_60 : memref<10112x128xf32, #tpu.memory_space<vmem_shared>>)
        tpu.yield
      }) : () -> ()
      %run_scoped3A_43 = arith.constant 2 : i32
      "tpu.region"() ({
        %run_scoped3A_50 = tpu.sem_alloc : memref<!tpu.dma_semaphore, #tpu.memory_space<semaphore_mem>>
        %dma_start3A = arith.constant 0 : i32
        %dma_start3A_51 = tpu.memref_slice %arg5[%run_scoped3A_43, %dma_start3A] : memref<8x128xi32, #tpu.memory_space<vmem>> -> memref<1x128xi32, #tpu.memory_space<vmem>>
        %dma_start3A_52 = tpu.memref_squeeze %dma_start3A_51 : memref<1x128xi32, #tpu.memory_space<vmem>> -> memref<128xi32, #tpu.memory_space<vmem>>
        %dma_start3A_53 = arith.constant 0 : i32
        %dma_start3A_54 = arith.constant 0 : i32
        %dma_start3A_55 = tpu.memref_slice %arg4[%dma_start3A_53, %dma_start3A_54] : memref<10112x128xf32, #tpu.memory_space<vmem_shared>> -> memref<10112x128xf32, #tpu.memory_space<vmem_shared>>
        tpu.enqueue_indirect_dma source(%arg6 : memref<128x128xf32, #tpu.memory_space<vmem>>) target(%dma_start3A_55 : memref<10112x128xf32, #tpu.memory_space<vmem_shared>>) offsets(%dma_start3A_52 : memref<128xi32, #tpu.memory_space<vmem>>) semaphore(%run_scoped3A_50 : memref<!tpu.dma_semaphore, #tpu.memory_space<semaphore_mem>>) {add = true}
        %dma_wait3A = arith.constant 0 : i32
        %dma_wait3A_56 = tpu.memref_slice %arg5[%run_scoped3A_43, %dma_wait3A] : memref<8x128xi32, #tpu.memory_space<vmem>> -> memref<1x128xi32, #tpu.memory_space<vmem>>
        %dma_wait3A_57 = tpu.memref_squeeze %dma_wait3A_56 : memref<1x128xi32, #tpu.memory_space<vmem>> -> memref<128xi32, #tpu.memory_space<vmem>>
        %dma_wait3A_58 = arith.constant 0 : i32
        %dma_wait3A_59 = arith.constant 0 : i32
        %dma_wait3A_60 = tpu.memref_slice %arg4[%dma_wait3A_58, %dma_wait3A_59] : memref<10112x128xf32, #tpu.memory_space<vmem_shared>> -> memref<10112x128xf32, #tpu.memory_space<vmem_shared>>
        tpu.wait_indirect_dma semaphore(%run_scoped3A_50 : memref<!tpu.dma_semaphore, #tpu.memory_space<semaphore_mem>>) src(%arg6 : memref<128x128xf32, #tpu.memory_space<vmem>>) dst(%dma_wait3A_60 : memref<10112x128xf32, #tpu.memory_space<vmem_shared>>)
        tpu.yield
      }) : () -> ()
      %run_scoped3A_44 = arith.constant 3 : i32
      "tpu.region"() ({
        %run_scoped3A_50 = tpu.sem_alloc : memref<!tpu.dma_semaphore, #tpu.memory_space<semaphore_mem>>
        %dma_start3A = arith.constant 0 : i32
        %dma_start3A_51 = tpu.memref_slice %arg5[%run_scoped3A_44, %dma_start3A] : memref<8x128xi32, #tpu.memory_space<vmem>> -> memref<1x128xi32, #tpu.memory_space<vmem>>
        %dma_start3A_52 = tpu.memref_squeeze %dma_start3A_51 : memref<1x128xi32, #tpu.memory_space<vmem>> -> memref<128xi32, #tpu.memory_space<vmem>>
        %dma_start3A_53 = arith.constant 0 : i32
        %dma_start3A_54 = arith.constant 0 : i32
        %dma_start3A_55 = tpu.memref_slice %arg4[%dma_start3A_53, %dma_start3A_54] : memref<10112x128xf32, #tpu.memory_space<vmem_shared>> -> memref<10112x128xf32, #tpu.memory_space<vmem_shared>>
        tpu.enqueue_indirect_dma source(%arg6 : memref<128x128xf32, #tpu.memory_space<vmem>>) target(%dma_start3A_55 : memref<10112x128xf32, #tpu.memory_space<vmem_shared>>) offsets(%dma_start3A_52 : memref<128xi32, #tpu.memory_space<vmem>>) semaphore(%run_scoped3A_50 : memref<!tpu.dma_semaphore, #tpu.memory_space<semaphore_mem>>) {add = true}
        %dma_wait3A = arith.constant 0 : i32
        %dma_wait3A_56 = tpu.memref_slice %arg5[%run_scoped3A_44, %dma_wait3A] : memref<8x128xi32, #tpu.memory_space<vmem>> -> memref<1x128xi32, #tpu.memory_space<vmem>>
        %dma_wait3A_57 = tpu.memref_squeeze %dma_wait3A_56 : memref<1x128xi32, #tpu.memory_space<vmem>> -> memref<128xi32, #tpu.memory_space<vmem>>
        %dma_wait3A_58 = arith.constant 0 : i32
        %dma_wait3A_59 = arith.constant 0 : i32
        %dma_wait3A_60 = tpu.memref_slice %arg4[%dma_wait3A_58, %dma_wait3A_59] : memref<10112x128xf32, #tpu.memory_space<vmem_shared>> -> memref<10112x128xf32, #tpu.memory_space<vmem_shared>>
        tpu.wait_indirect_dma semaphore(%run_scoped3A_50 : memref<!tpu.dma_semaphore, #tpu.memory_space<semaphore_mem>>) src(%arg6 : memref<128x128xf32, #tpu.memory_space<vmem>>) dst(%dma_wait3A_60 : memref<10112x128xf32, #tpu.memory_space<vmem_shared>>)
        tpu.yield
      }) : () -> ()
      %run_scoped3A_45 = arith.constant 4 : i32
      "tpu.region"() ({
        %run_scoped3A_50 = tpu.sem_alloc : memref<!tpu.dma_semaphore, #tpu.memory_space<semaphore_mem>>
        %dma_start3A = arith.constant 0 : i32
        %dma_start3A_51 = tpu.memref_slice %arg5[%run_scoped3A_45, %dma_start3A] : memref<8x128xi32, #tpu.memory_space<vmem>> -> memref<1x128xi32, #tpu.memory_space<vmem>>
        %dma_start3A_52 = tpu.memref_squeeze %dma_start3A_51 : memref<1x128xi32, #tpu.memory_space<vmem>> -> memref<128xi32, #tpu.memory_space<vmem>>
        %dma_start3A_53 = arith.constant 0 : i32
        %dma_start3A_54 = arith.constant 0 : i32
        %dma_start3A_55 = tpu.memref_slice %arg4[%dma_start3A_53, %dma_start3A_54] : memref<10112x128xf32, #tpu.memory_space<vmem_shared>> -> memref<10112x128xf32, #tpu.memory_space<vmem_shared>>
        tpu.enqueue_indirect_dma source(%arg6 : memref<128x128xf32, #tpu.memory_space<vmem>>) target(%dma_start3A_55 : memref<10112x128xf32, #tpu.memory_space<vmem_shared>>) offsets(%dma_start3A_52 : memref<128xi32, #tpu.memory_space<vmem>>) semaphore(%run_scoped3A_50 : memref<!tpu.dma_semaphore, #tpu.memory_space<semaphore_mem>>) {add = true}
        %dma_wait3A = arith.constant 0 : i32
        %dma_wait3A_56 = tpu.memref_slice %arg5[%run_scoped3A_45, %dma_wait3A] : memref<8x128xi32, #tpu.memory_space<vmem>> -> memref<1x128xi32, #tpu.memory_space<vmem>>
        %dma_wait3A_57 = tpu.memref_squeeze %dma_wait3A_56 : memref<1x128xi32, #tpu.memory_space<vmem>> -> memref<128xi32, #tpu.memory_space<vmem>>
        %dma_wait3A_58 = arith.constant 0 : i32
        %dma_wait3A_59 = arith.constant 0 : i32
        %dma_wait3A_60 = tpu.memref_slice %arg4[%dma_wait3A_58, %dma_wait3A_59] : memref<10112x128xf32, #tpu.memory_space<vmem_shared>> -> memref<10112x128xf32, #tpu.memory_space<vmem_shared>>
        tpu.wait_indirect_dma semaphore(%run_scoped3A_50 : memref<!tpu.dma_semaphore, #tpu.memory_space<semaphore_mem>>) src(%arg6 : memref<128x128xf32, #tpu.memory_space<vmem>>) dst(%dma_wait3A_60 : memref<10112x128xf32, #tpu.memory_space<vmem_shared>>)
        tpu.yield
      }) : () -> ()
      %run_scoped3A_46 = arith.constant 5 : i32
      "tpu.region"() ({
        %run_scoped3A_50 = tpu.sem_alloc : memref<!tpu.dma_semaphore, #tpu.memory_space<semaphore_mem>>
        %dma_start3A = arith.constant 0 : i32
        %dma_start3A_51 = tpu.memref_slice %arg5[%run_scoped3A_46, %dma_start3A] : memref<8x128xi32, #tpu.memory_space<vmem>> -> memref<1x128xi32, #tpu.memory_space<vmem>>
        %dma_start3A_52 = tpu.memref_squeeze %dma_start3A_51 : memref<1x128xi32, #tpu.memory_space<vmem>> -> memref<128xi32, #tpu.memory_space<vmem>>
        %dma_start3A_53 = arith.constant 0 : i32
        %dma_start3A_54 = arith.constant 0 : i32
        %dma_start3A_55 = tpu.memref_slice %arg4[%dma_start3A_53, %dma_start3A_54] : memref<10112x128xf32, #tpu.memory_space<vmem_shared>> -> memref<10112x128xf32, #tpu.memory_space<vmem_shared>>
        tpu.enqueue_indirect_dma source(%arg6 : memref<128x128xf32, #tpu.memory_space<vmem>>) target(%dma_start3A_55 : memref<10112x128xf32, #tpu.memory_space<vmem_shared>>) offsets(%dma_start3A_52 : memref<128xi32, #tpu.memory_space<vmem>>) semaphore(%run_scoped3A_50 : memref<!tpu.dma_semaphore, #tpu.memory_space<semaphore_mem>>) {add = true}
        %dma_wait3A = arith.constant 0 : i32
        %dma_wait3A_56 = tpu.memref_slice %arg5[%run_scoped3A_46, %dma_wait3A] : memref<8x128xi32, #tpu.memory_space<vmem>> -> memref<1x128xi32, #tpu.memory_space<vmem>>
        %dma_wait3A_57 = tpu.memref_squeeze %dma_wait3A_56 : memref<1x128xi32, #tpu.memory_space<vmem>> -> memref<128xi32, #tpu.memory_space<vmem>>
        %dma_wait3A_58 = arith.constant 0 : i32
        %dma_wait3A_59 = arith.constant 0 : i32
        %dma_wait3A_60 = tpu.memref_slice %arg4[%dma_wait3A_58, %dma_wait3A_59] : memref<10112x128xf32, #tpu.memory_space<vmem_shared>> -> memref<10112x128xf32, #tpu.memory_space<vmem_shared>>
        tpu.wait_indirect_dma semaphore(%run_scoped3A_50 : memref<!tpu.dma_semaphore, #tpu.memory_space<semaphore_mem>>) src(%arg6 : memref<128x128xf32, #tpu.memory_space<vmem>>) dst(%dma_wait3A_60 : memref<10112x128xf32, #tpu.memory_space<vmem_shared>>)
        tpu.yield
      }) : () -> ()
      %run_scoped3A_47 = arith.constant 6 : i32
      "tpu.region"() ({
        %run_scoped3A_50 = tpu.sem_alloc : memref<!tpu.dma_semaphore, #tpu.memory_space<semaphore_mem>>
        %dma_start3A = arith.constant 0 : i32
        %dma_start3A_51 = tpu.memref_slice %arg5[%run_scoped3A_47, %dma_start3A] : memref<8x128xi32, #tpu.memory_space<vmem>> -> memref<1x128xi32, #tpu.memory_space<vmem>>
        %dma_start3A_52 = tpu.memref_squeeze %dma_start3A_51 : memref<1x128xi32, #tpu.memory_space<vmem>> -> memref<128xi32, #tpu.memory_space<vmem>>
        %dma_start3A_53 = arith.constant 0 : i32
        %dma_start3A_54 = arith.constant 0 : i32
        %dma_start3A_55 = tpu.memref_slice %arg4[%dma_start3A_53, %dma_start3A_54] : memref<10112x128xf32, #tpu.memory_space<vmem_shared>> -> memref<10112x128xf32, #tpu.memory_space<vmem_shared>>
        tpu.enqueue_indirect_dma source(%arg6 : memref<128x128xf32, #tpu.memory_space<vmem>>) target(%dma_start3A_55 : memref<10112x128xf32, #tpu.memory_space<vmem_shared>>) offsets(%dma_start3A_52 : memref<128xi32, #tpu.memory_space<vmem>>) semaphore(%run_scoped3A_50 : memref<!tpu.dma_semaphore, #tpu.memory_space<semaphore_mem>>) {add = true}
        %dma_wait3A = arith.constant 0 : i32
        %dma_wait3A_56 = tpu.memref_slice %arg5[%run_scoped3A_47, %dma_wait3A] : memref<8x128xi32, #tpu.memory_space<vmem>> -> memref<1x128xi32, #tpu.memory_space<vmem>>
        %dma_wait3A_57 = tpu.memref_squeeze %dma_wait3A_56 : memref<1x128xi32, #tpu.memory_space<vmem>> -> memref<128xi32, #tpu.memory_space<vmem>>
        %dma_wait3A_58 = arith.constant 0 : i32
        %dma_wait3A_59 = arith.constant 0 : i32
        %dma_wait3A_60 = tpu.memref_slice %arg4[%dma_wait3A_58, %dma_wait3A_59] : memref<10112x128xf32, #tpu.memory_space<vmem_shared>> -> memref<10112x128xf32, #tpu.memory_space<vmem_shared>>
        tpu.wait_indirect_dma semaphore(%run_scoped3A_50 : memref<!tpu.dma_semaphore, #tpu.memory_space<semaphore_mem>>) src(%arg6 : memref<128x128xf32, #tpu.memory_space<vmem>>) dst(%dma_wait3A_60 : memref<10112x128xf32, #tpu.memory_space<vmem_shared>>)
        tpu.yield
      }) : () -> ()
      %run_scoped3A_48 = arith.constant 7 : i32
      "tpu.region"() ({
        %run_scoped3A_50 = tpu.sem_alloc : memref<!tpu.dma_semaphore, #tpu.memory_space<semaphore_mem>>
        %dma_start3A = arith.constant 0 : i32
        %dma_start3A_51 = tpu.memref_slice %arg5[%run_scoped3A_48, %dma_start3A] : memref<8x128xi32, #tpu.memory_space<vmem>> -> memref<1x128xi32, #tpu.memory_space<vmem>>
        %dma_start3A_52 = tpu.memref_squeeze %dma_start3A_51 : memref<1x128xi32, #tpu.memory_space<vmem>> -> memref<128xi32, #tpu.memory_space<vmem>>
        %dma_start3A_53 = arith.constant 0 : i32
        %dma_start3A_54 = arith.constant 0 : i32
        %dma_start3A_55 = tpu.memref_slice %arg4[%dma_start3A_53, %dma_start3A_54] : memref<10112x128xf32, #tpu.memory_space<vmem_shared>> -> memref<10112x128xf32, #tpu.memory_space<vmem_shared>>
        tpu.enqueue_indirect_dma source(%arg6 : memref<128x128xf32, #tpu.memory_space<vmem>>) target(%dma_start3A_55 : memref<10112x128xf32, #tpu.memory_space<vmem_shared>>) offsets(%dma_start3A_52 : memref<128xi32, #tpu.memory_space<vmem>>) semaphore(%run_scoped3A_50 : memref<!tpu.dma_semaphore, #tpu.memory_space<semaphore_mem>>) {add = true}
        %dma_wait3A = arith.constant 0 : i32
        %dma_wait3A_56 = tpu.memref_slice %arg5[%run_scoped3A_48, %dma_wait3A] : memref<8x128xi32, #tpu.memory_space<vmem>> -> memref<1x128xi32, #tpu.memory_space<vmem>>
        %dma_wait3A_57 = tpu.memref_squeeze %dma_wait3A_56 : memref<1x128xi32, #tpu.memory_space<vmem>> -> memref<128xi32, #tpu.memory_space<vmem>>
        %dma_wait3A_58 = arith.constant 0 : i32
        %dma_wait3A_59 = arith.constant 0 : i32
        %dma_wait3A_60 = tpu.memref_slice %arg4[%dma_wait3A_58, %dma_wait3A_59] : memref<10112x128xf32, #tpu.memory_space<vmem_shared>> -> memref<10112x128xf32, #tpu.memory_space<vmem_shared>>
        tpu.wait_indirect_dma semaphore(%run_scoped3A_50 : memref<!tpu.dma_semaphore, #tpu.memory_space<semaphore_mem>>) src(%arg6 : memref<128x128xf32, #tpu.memory_space<vmem>>) dst(%dma_wait3A_60 : memref<10112x128xf32, #tpu.memory_space<vmem_shared>>)
        tpu.yield
      }) : () -> ()
      %scan3A_49 = arith.constant 0 : i32
      scf.yield %scan3A_49 : i32
    }
    %scan3A_32 = arith.constant 10 : i32
    %barrier3A_33 = arith.constant 0 : index
    tpu.barrier barrier_id(%barrier3A_33)
    %mul3A_34 = arith.constant 632 : i32
    %mul3A_35 = arith.muli %arg1, %mul3A_34 : i32
    %mul3A_36 = arith.constant 632 : i32
    %mul3A_37 = arith.muli %arg1, %mul3A_36 : i32
    "tpu.region"() ({
      %run_scoped3A = tpu.sem_alloc : memref<!tpu.dma_semaphore, #tpu.memory_space<semaphore_mem>>
      %dma_start3A = arith.constant 0 : i32
      %dma_start3A_38 = tpu.memref_slice %arg3[%arg0, %mul3A_37, %dma_start3A] : memref<2x10112x128xf32, #tpu.memory_space<hbm>> -> memref<1x632x128xf32, #tpu.memory_space<hbm>>
      %dma_start3A_39 = tpu.memref_squeeze %dma_start3A_38 : memref<1x632x128xf32, #tpu.memory_space<hbm>> -> memref<632x128xf32, #tpu.memory_space<hbm>>
      %dma_start3A_40 = arith.constant 0 : i32
      %dma_start3A_41 = tpu.memref_slice %arg4[%mul3A_35, %dma_start3A_40] : memref<10112x128xf32, #tpu.memory_space<vmem_shared>> -> memref<632x128xf32, #tpu.memory_space<vmem_shared>>
      tpu.enqueue_dma source(%dma_start3A_41 : memref<632x128xf32, #tpu.memory_space<vmem_shared>>) target(%dma_start3A_39 : memref<632x128xf32, #tpu.memory_space<hbm>>) target_semaphore(%run_scoped3A : memref<!tpu.dma_semaphore, #tpu.memory_space<semaphore_mem>>)
      %dma_wait3A = arith.constant 0 : i32
      %dma_wait3A_42 = tpu.memref_slice %arg3[%arg0, %mul3A_37, %dma_wait3A] : memref<2x10112x128xf32, #tpu.memory_space<hbm>> -> memref<1x632x128xf32, #tpu.memory_space<hbm>>
      %dma_wait3A_43 = tpu.memref_squeeze %dma_wait3A_42 : memref<1x632x128xf32, #tpu.memory_space<hbm>> -> memref<632x128xf32, #tpu.memory_space<hbm>>
      %dma_wait3A_44 = arith.constant 0 : i32
      %dma_wait3A_45 = tpu.memref_slice %arg4[%mul3A_35, %dma_wait3A_44] : memref<10112x128xf32, #tpu.memory_space<vmem_shared>> -> memref<632x128xf32, #tpu.memory_space<vmem_shared>>
      tpu.wait_dma2 semaphore(%run_scoped3A : memref<!tpu.dma_semaphore, #tpu.memory_space<semaphore_mem>>) src(%dma_wait3A_45 : memref<632x128xf32, #tpu.memory_space<vmem_shared>>) dst(%dma_wait3A_43 : memref<632x128xf32, #tpu.memory_space<hbm>>)
      tpu.yield
    }) : () -> ()
    return
  }
}

#map = affine_map<(d0, d1) -> (0, 0)>
#map1 = affine_map<(d0, d1) -> (0)>
#map2 = affine_map<(d0, d1) -> (0, 0, 0)>
module attributes {stable_mosaic.version = 14 : i64} {
  func.func @_prop_body(%arg0: i32, %arg1: i32, %arg2: memref<10000x128xf32, #tpu.memory_space<hbm>>, %arg3: memref<327680xi32, #tpu.memory_space<hbm>>, %arg4: memref<2560x128xi32, #tpu.memory_space<hbm>>, %arg5: memref<2x10112x128xf32, #tpu.memory_space<hbm>>, %arg6: memref<10112x128xf32, #tpu.memory_space<vmem_shared>>, %arg7: memref<1024xi32, #tpu.memory_space<vmem>>, %arg8: memref<8x128xi32, #tpu.memory_space<vmem>>, %arg9: memref<128x128xf32, #tpu.memory_space<vmem>>, %arg10: memref<128x128xf32, #tpu.memory_space<vmem>>, %arg11: memref<!tpu.dma_semaphore, #tpu.memory_space<semaphore_mem>>, %arg12: memref<!tpu.dma_semaphore, #tpu.memory_space<semaphore_mem>>) attributes {dimension_semantics = [#tpu.dimension_semantics<core_parallel>, #tpu.dimension_semantics<subcore_parallel>], iteration_bounds = array<i64: 2, 16>, scalar_prefetch = 0 : i64, scratch_operands = 7 : i64, tpu.core_type = #tpu.core_type<sc_vector_subcore>, window_params = [{transform_indices = #map}, {transform_indices = #map1}, {transform_indices = #map}, {transform_indices = #map2}]} {
    %mul3A = arith.constant 632 : i32
    %mul3A_0 = arith.muli %arg1, %mul3A : i32
    %broadcast_in_dim3A = arith.constant 0.000000e+00 : f32
    %broadcast_in_dim3A_1 = vector.broadcast %broadcast_in_dim3A : f32 to vector<16xf32>
    %scan3A = arith.constant 0 : i32
    %scan3A_2 = arith.constant 0 : i32
    %scan3A_3 = arith.constant 128 : i32
    %scan3A_4 = arith.addi %scan3A_2, %scan3A_3 : i32
    %scan3A_5 = arith.constant 1 : i32
    %scan3A_6 = scf.for %scan3A_44 = %scan3A_2 to %scan3A_4 step %scan3A_5 iter_args(%scan3A_45 = %scan3A) -> (i32)  : i32 {
      %swap3A = arith.index_cast %scan3A_44 : i32 to index
      %swap3A_46 = arith.constant 0 : index
      %swap3A_47 = tpu.vector_load %arg9[%swap3A, %swap3A_46] {strides = array<i32>} : memref<128x128xf32, #tpu.memory_space<vmem>>, vector<1x16xf32>,
      %swap3A_48 = vector.shape_cast %swap3A_47 : vector<1x16xf32> to vector<16xf32>
      %swap3A_49 = vector.shape_cast %broadcast_in_dim3A_1 : vector<16xf32> to vector<1x16xf32>
      tpu.vector_store %arg9[%swap3A, %swap3A_46], %swap3A_49 {strides = array<i32>} : memref<128x128xf32, #tpu.memory_space<vmem>>, vector<1x16xf32>,
      %swap3A_50 = arith.index_cast %scan3A_44 : i32 to index
      %swap3A_51 = arith.constant 16 : index
      %swap3A_52 = tpu.vector_load %arg9[%swap3A_50, %swap3A_51] {strides = array<i32>} : memref<128x128xf32, #tpu.memory_space<vmem>>, vector<1x16xf32>,
      %swap3A_53 = vector.shape_cast %swap3A_52 : vector<1x16xf32> to vector<16xf32>
      %swap3A_54 = vector.shape_cast %broadcast_in_dim3A_1 : vector<16xf32> to vector<1x16xf32>
      tpu.vector_store %arg9[%swap3A_50, %swap3A_51], %swap3A_54 {strides = array<i32>} : memref<128x128xf32, #tpu.memory_space<vmem>>, vector<1x16xf32>,
      %swap3A_55 = arith.index_cast %scan3A_44 : i32 to index
      %swap3A_56 = arith.constant 32 : index
      %swap3A_57 = tpu.vector_load %arg9[%swap3A_55, %swap3A_56] {strides = array<i32>} : memref<128x128xf32, #tpu.memory_space<vmem>>, vector<1x16xf32>,
      %swap3A_58 = vector.shape_cast %swap3A_57 : vector<1x16xf32> to vector<16xf32>
      %swap3A_59 = vector.shape_cast %broadcast_in_dim3A_1 : vector<16xf32> to vector<1x16xf32>
      tpu.vector_store %arg9[%swap3A_55, %swap3A_56], %swap3A_59 {strides = array<i32>} : memref<128x128xf32, #tpu.memory_space<vmem>>, vector<1x16xf32>,
      %swap3A_60 = arith.index_cast %scan3A_44 : i32 to index
      %swap3A_61 = arith.constant 48 : index
      %swap3A_62 = tpu.vector_load %arg9[%swap3A_60, %swap3A_61] {strides = array<i32>} : memref<128x128xf32, #tpu.memory_space<vmem>>, vector<1x16xf32>,
      %swap3A_63 = vector.shape_cast %swap3A_62 : vector<1x16xf32> to vector<16xf32>
      %swap3A_64 = vector.shape_cast %broadcast_in_dim3A_1 : vector<16xf32> to vector<1x16xf32>
      tpu.vector_store %arg9[%swap3A_60, %swap3A_61], %swap3A_64 {strides = array<i32>} : memref<128x128xf32, #tpu.memory_space<vmem>>, vector<1x16xf32>,
      %swap3A_65 = arith.index_cast %scan3A_44 : i32 to index
      %swap3A_66 = arith.constant 64 : index
      %swap3A_67 = tpu.vector_load %arg9[%swap3A_65, %swap3A_66] {strides = array<i32>} : memref<128x128xf32, #tpu.memory_space<vmem>>, vector<1x16xf32>,
      %swap3A_68 = vector.shape_cast %swap3A_67 : vector<1x16xf32> to vector<16xf32>
      %swap3A_69 = vector.shape_cast %broadcast_in_dim3A_1 : vector<16xf32> to vector<1x16xf32>
      tpu.vector_store %arg9[%swap3A_65, %swap3A_66], %swap3A_69 {strides = array<i32>} : memref<128x128xf32, #tpu.memory_space<vmem>>, vector<1x16xf32>,
      %swap3A_70 = arith.index_cast %scan3A_44 : i32 to index
      %swap3A_71 = arith.constant 80 : index
      %swap3A_72 = tpu.vector_load %arg9[%swap3A_70, %swap3A_71] {strides = array<i32>} : memref<128x128xf32, #tpu.memory_space<vmem>>, vector<1x16xf32>,
      %swap3A_73 = vector.shape_cast %swap3A_72 : vector<1x16xf32> to vector<16xf32>
      %swap3A_74 = vector.shape_cast %broadcast_in_dim3A_1 : vector<16xf32> to vector<1x16xf32>
      tpu.vector_store %arg9[%swap3A_70, %swap3A_71], %swap3A_74 {strides = array<i32>} : memref<128x128xf32, #tpu.memory_space<vmem>>, vector<1x16xf32>,
      %swap3A_75 = arith.index_cast %scan3A_44 : i32 to index
      %swap3A_76 = arith.constant 96 : index
      %swap3A_77 = tpu.vector_load %arg9[%swap3A_75, %swap3A_76] {strides = array<i32>} : memref<128x128xf32, #tpu.memory_space<vmem>>, vector<1x16xf32>,
      %swap3A_78 = vector.shape_cast %swap3A_77 : vector<1x16xf32> to vector<16xf32>
      %swap3A_79 = vector.shape_cast %broadcast_in_dim3A_1 : vector<16xf32> to vector<1x16xf32>
      tpu.vector_store %arg9[%swap3A_75, %swap3A_76], %swap3A_79 {strides = array<i32>} : memref<128x128xf32, #tpu.memory_space<vmem>>, vector<1x16xf32>,
      %swap3A_80 = arith.index_cast %scan3A_44 : i32 to index
      %swap3A_81 = arith.constant 112 : index
      %swap3A_82 = tpu.vector_load %arg9[%swap3A_80, %swap3A_81] {strides = array<i32>} : memref<128x128xf32, #tpu.memory_space<vmem>>, vector<1x16xf32>,
      %swap3A_83 = vector.shape_cast %swap3A_82 : vector<1x16xf32> to vector<16xf32>
      %swap3A_84 = vector.shape_cast %broadcast_in_dim3A_1 : vector<16xf32> to vector<1x16xf32>
      tpu.vector_store %arg9[%swap3A_80, %swap3A_81], %swap3A_84 {strides = array<i32>} : memref<128x128xf32, #tpu.memory_space<vmem>>, vector<1x16xf32>,
      %scan3A_85 = arith.constant 0 : i32
      scf.yield %scan3A_85 : i32
    }
    %scan3A_7 = arith.constant 128 : i32
    %add3A = arith.constant 0 : i32
    %add3A_8 = arith.addi %mul3A_0, %add3A : i32
    "tpu.region"() ({
      %run_scoped3A = tpu.sem_alloc : memref<!tpu.dma_semaphore, #tpu.memory_space<semaphore_mem>>
      %dma_start3A = arith.constant 0 : i32
      %dma_start3A_44 = tpu.memref_slice %arg6[%add3A_8, %dma_start3A] : memref<10112x128xf32, #tpu.memory_space<vmem_shared>> -> memref<128x128xf32, #tpu.memory_space<vmem_shared>>
      %dma_start3A_45 = arith.constant 0 : i32
      %dma_start3A_46 = tpu.memref_slice %arg6[%add3A_8, %dma_start3A_45] : memref<10112x128xf32, #tpu.memory_space<vmem_shared>> -> memref<128x128xf32, #tpu.memory_space<vmem_shared>>
      tpu.enqueue_dma source(%arg9 : memref<128x128xf32, #tpu.memory_space<vmem>>) target(%dma_start3A_46 : memref<128x128xf32, #tpu.memory_space<vmem_shared>>) target_semaphore(%run_scoped3A : memref<!tpu.dma_semaphore, #tpu.memory_space<semaphore_mem>>)
      %dma_wait3A = arith.constant 0 : i32
      %dma_wait3A_47 = tpu.memref_slice %arg6[%add3A_8, %dma_wait3A] : memref<10112x128xf32, #tpu.memory_space<vmem_shared>> -> memref<128x128xf32, #tpu.memory_space<vmem_shared>>
      %dma_wait3A_48 = arith.constant 0 : i32
      %dma_wait3A_49 = tpu.memref_slice %arg6[%add3A_8, %dma_wait3A_48] : memref<10112x128xf32, #tpu.memory_space<vmem_shared>> -> memref<128x128xf32, #tpu.memory_space<vmem_shared>>
      tpu.wait_dma2 semaphore(%run_scoped3A : memref<!tpu.dma_semaphore, #tpu.memory_space<semaphore_mem>>) src(%arg9 : memref<128x128xf32, #tpu.memory_space<vmem>>) dst(%dma_wait3A_49 : memref<128x128xf32, #tpu.memory_space<vmem_shared>>)
      tpu.yield
    }) : () -> ()
    %add3A_9 = arith.constant 128 : i32
    %add3A_10 = arith.addi %mul3A_0, %add3A_9 : i32
    "tpu.region"() ({
      %run_scoped3A = tpu.sem_alloc : memref<!tpu.dma_semaphore, #tpu.memory_space<semaphore_mem>>
      %dma_start3A = arith.constant 0 : i32
      %dma_start3A_44 = tpu.memref_slice %arg6[%add3A_10, %dma_start3A] : memref<10112x128xf32, #tpu.memory_space<vmem_shared>> -> memref<128x128xf32, #tpu.memory_space<vmem_shared>>
      %dma_start3A_45 = arith.constant 0 : i32
      %dma_start3A_46 = tpu.memref_slice %arg6[%add3A_10, %dma_start3A_45] : memref<10112x128xf32, #tpu.memory_space<vmem_shared>> -> memref<128x128xf32, #tpu.memory_space<vmem_shared>>
      tpu.enqueue_dma source(%arg9 : memref<128x128xf32, #tpu.memory_space<vmem>>) target(%dma_start3A_46 : memref<128x128xf32, #tpu.memory_space<vmem_shared>>) target_semaphore(%run_scoped3A : memref<!tpu.dma_semaphore, #tpu.memory_space<semaphore_mem>>)
      %dma_wait3A = arith.constant 0 : i32
      %dma_wait3A_47 = tpu.memref_slice %arg6[%add3A_10, %dma_wait3A] : memref<10112x128xf32, #tpu.memory_space<vmem_shared>> -> memref<128x128xf32, #tpu.memory_space<vmem_shared>>
      %dma_wait3A_48 = arith.constant 0 : i32
      %dma_wait3A_49 = tpu.memref_slice %arg6[%add3A_10, %dma_wait3A_48] : memref<10112x128xf32, #tpu.memory_space<vmem_shared>> -> memref<128x128xf32, #tpu.memory_space<vmem_shared>>
      tpu.wait_dma2 semaphore(%run_scoped3A : memref<!tpu.dma_semaphore, #tpu.memory_space<semaphore_mem>>) src(%arg9 : memref<128x128xf32, #tpu.memory_space<vmem>>) dst(%dma_wait3A_49 : memref<128x128xf32, #tpu.memory_space<vmem_shared>>)
      tpu.yield
    }) : () -> ()
    %add3A_11 = arith.constant 256 : i32
    %add3A_12 = arith.addi %mul3A_0, %add3A_11 : i32
    "tpu.region"() ({
      %run_scoped3A = tpu.sem_alloc : memref<!tpu.dma_semaphore, #tpu.memory_space<semaphore_mem>>
      %dma_start3A = arith.constant 0 : i32
      %dma_start3A_44 = tpu.memref_slice %arg6[%add3A_12, %dma_start3A] : memref<10112x128xf32, #tpu.memory_space<vmem_shared>> -> memref<128x128xf32, #tpu.memory_space<vmem_shared>>
      %dma_start3A_45 = arith.constant 0 : i32
      %dma_start3A_46 = tpu.memref_slice %arg6[%add3A_12, %dma_start3A_45] : memref<10112x128xf32, #tpu.memory_space<vmem_shared>> -> memref<128x128xf32, #tpu.memory_space<vmem_shared>>
      tpu.enqueue_dma source(%arg9 : memref<128x128xf32, #tpu.memory_space<vmem>>) target(%dma_start3A_46 : memref<128x128xf32, #tpu.memory_space<vmem_shared>>) target_semaphore(%run_scoped3A : memref<!tpu.dma_semaphore, #tpu.memory_space<semaphore_mem>>)
      %dma_wait3A = arith.constant 0 : i32
      %dma_wait3A_47 = tpu.memref_slice %arg6[%add3A_12, %dma_wait3A] : memref<10112x128xf32, #tpu.memory_space<vmem_shared>> -> memref<128x128xf32, #tpu.memory_space<vmem_shared>>
      %dma_wait3A_48 = arith.constant 0 : i32
      %dma_wait3A_49 = tpu.memref_slice %arg6[%add3A_12, %dma_wait3A_48] : memref<10112x128xf32, #tpu.memory_space<vmem_shared>> -> memref<128x128xf32, #tpu.memory_space<vmem_shared>>
      tpu.wait_dma2 semaphore(%run_scoped3A : memref<!tpu.dma_semaphore, #tpu.memory_space<semaphore_mem>>) src(%arg9 : memref<128x128xf32, #tpu.memory_space<vmem>>) dst(%dma_wait3A_49 : memref<128x128xf32, #tpu.memory_space<vmem_shared>>)
      tpu.yield
    }) : () -> ()
    %add3A_13 = arith.constant 384 : i32
    %add3A_14 = arith.addi %mul3A_0, %add3A_13 : i32
    "tpu.region"() ({
      %run_scoped3A = tpu.sem_alloc : memref<!tpu.dma_semaphore, #tpu.memory_space<semaphore_mem>>
      %dma_start3A = arith.constant 0 : i32
      %dma_start3A_44 = tpu.memref_slice %arg6[%add3A_14, %dma_start3A] : memref<10112x128xf32, #tpu.memory_space<vmem_shared>> -> memref<128x128xf32, #tpu.memory_space<vmem_shared>>
      %dma_start3A_45 = arith.constant 0 : i32
      %dma_start3A_46 = tpu.memref_slice %arg6[%add3A_14, %dma_start3A_45] : memref<10112x128xf32, #tpu.memory_space<vmem_shared>> -> memref<128x128xf32, #tpu.memory_space<vmem_shared>>
      tpu.enqueue_dma source(%arg9 : memref<128x128xf32, #tpu.memory_space<vmem>>) target(%dma_start3A_46 : memref<128x128xf32, #tpu.memory_space<vmem_shared>>) target_semaphore(%run_scoped3A : memref<!tpu.dma_semaphore, #tpu.memory_space<semaphore_mem>>)
      %dma_wait3A = arith.constant 0 : i32
      %dma_wait3A_47 = tpu.memref_slice %arg6[%add3A_14, %dma_wait3A] : memref<10112x128xf32, #tpu.memory_space<vmem_shared>> -> memref<128x128xf32, #tpu.memory_space<vmem_shared>>
      %dma_wait3A_48 = arith.constant 0 : i32
      %dma_wait3A_49 = tpu.memref_slice %arg6[%add3A_14, %dma_wait3A_48] : memref<10112x128xf32, #tpu.memory_space<vmem_shared>> -> memref<128x128xf32, #tpu.memory_space<vmem_shared>>
      tpu.wait_dma2 semaphore(%run_scoped3A : memref<!tpu.dma_semaphore, #tpu.memory_space<semaphore_mem>>) src(%arg9 : memref<128x128xf32, #tpu.memory_space<vmem>>) dst(%dma_wait3A_49 : memref<128x128xf32, #tpu.memory_space<vmem_shared>>)
      tpu.yield
    }) : () -> ()
    %add3A_15 = arith.constant 512 : i32
    %add3A_16 = arith.addi %mul3A_0, %add3A_15 : i32
    "tpu.region"() ({
      %run_scoped3A = tpu.sem_alloc : memref<!tpu.dma_semaphore, #tpu.memory_space<semaphore_mem>>
      %dma_start3A = arith.constant 0 : i32
      %dma_start3A_44 = arith.constant 0 : i32
      %dma_start3A_45 = tpu.memref_slice %arg9[%dma_start3A, %dma_start3A_44] : memref<128x128xf32, #tpu.memory_space<vmem>> -> memref<120x128xf32, #tpu.memory_space<vmem>>
      %dma_start3A_46 = arith.constant 0 : i32
      %dma_start3A_47 = tpu.memref_slice %arg6[%add3A_16, %dma_start3A_46] : memref<10112x128xf32, #tpu.memory_space<vmem_shared>> -> memref<120x128xf32, #tpu.memory_space<vmem_shared>>
      %dma_start3A_48 = arith.constant 0 : i32
      %dma_start3A_49 = tpu.memref_slice %arg6[%add3A_16, %dma_start3A_48] : memref<10112x128xf32, #tpu.memory_space<vmem_shared>> -> memref<120x128xf32, #tpu.memory_space<vmem_shared>>
      %dma_start3A_50 = arith.constant 0 : i32
      %dma_start3A_51 = arith.constant 0 : i32
      %dma_start3A_52 = tpu.memref_slice %arg9[%dma_start3A_50, %dma_start3A_51] : memref<128x128xf32, #tpu.memory_space<vmem>> -> memref<120x128xf32, #tpu.memory_space<vmem>>
      tpu.enqueue_dma source(%dma_start3A_52 : memref<120x128xf32, #tpu.memory_space<vmem>>) target(%dma_start3A_49 : memref<120x128xf32, #tpu.memory_space<vmem_shared>>) target_semaphore(%run_scoped3A : memref<!tpu.dma_semaphore, #tpu.memory_space<semaphore_mem>>)
      %dma_wait3A = arith.constant 0 : i32
      %dma_wait3A_53 = arith.constant 0 : i32
      %dma_wait3A_54 = tpu.memref_slice %arg9[%dma_wait3A, %dma_wait3A_53] : memref<128x128xf32, #tpu.memory_space<vmem>> -> memref<120x128xf32, #tpu.memory_space<vmem>>
      %dma_wait3A_55 = arith.constant 0 : i32
      %dma_wait3A_56 = tpu.memref_slice %arg6[%add3A_16, %dma_wait3A_55] : memref<10112x128xf32, #tpu.memory_space<vmem_shared>> -> memref<120x128xf32, #tpu.memory_space<vmem_shared>>
      %dma_wait3A_57 = arith.constant 0 : i32
      %dma_wait3A_58 = tpu.memref_slice %arg6[%add3A_16, %dma_wait3A_57] : memref<10112x128xf32, #tpu.memory_space<vmem_shared>> -> memref<120x128xf32, #tpu.memory_space<vmem_shared>>
      %dma_wait3A_59 = arith.constant 0 : i32
      %dma_wait3A_60 = arith.constant 0 : i32
      %dma_wait3A_61 = tpu.memref_slice %arg9[%dma_wait3A_59, %dma_wait3A_60] : memref<128x128xf32, #tpu.memory_space<vmem>> -> memref<120x128xf32, #tpu.memory_space<vmem>>
      tpu.wait_dma2 semaphore(%run_scoped3A : memref<!tpu.dma_semaphore, #tpu.memory_space<semaphore_mem>>) src(%dma_wait3A_61 : memref<120x128xf32, #tpu.memory_space<vmem>>) dst(%dma_wait3A_58 : memref<120x128xf32, #tpu.memory_space<vmem_shared>>)
      tpu.yield
    }) : () -> ()
    %barrier3A = arith.constant 0 : index
    tpu.barrier barrier_id(%barrier3A)
    %eq3A = arith.constant 0 : i32
    %eq3A_17 = arith.cmpi eq, %arg0, %eq3A : i32
    %jit3A = arith.constant 19 : i32
    %jit3A_18 = arith.constant 1 : i32
    %select_n3A = arith.select %eq3A_17, %jit3A, %jit3A_18 : i32
    %eq3A_19 = arith.constant 0 : i32
    %eq3A_20 = arith.cmpi eq, %arg0, %eq3A_19 : i32
    %mul3A_21 = arith.constant 152 : i32
    %mul3A_22 = arith.muli %arg1, %mul3A_21 : i32
    %mul3A_23 = arith.constant 8 : i32
    %mul3A_24 = arith.muli %arg1, %mul3A_23 : i32
    %add3A_25 = arith.constant 2432 : i32
    %add3A_26 = arith.addi %add3A_25, %mul3A_24 : i32
    %select_n3A_27 = arith.select %eq3A_20, %mul3A_22, %add3A_26 : i32
    %while3A = arith.constant 0 : i32
    %while3A_28 = arith.constant 0 : i32
    %while3A_29 = arith.subi %select_n3A, %while3A : i32
    %while3A_30 = arith.addi %while3A, %while3A_29 : i32
    %while3A_31 = arith.constant 1 : i32
    %while3A_32 = arith.divsi %while3A_29, %while3A_31 : i32
    %while3A_33 = arith.muli %while3A_32, %while3A_31 : i32
    %while3A_34 = arith.addi %while3A, %while3A_33 : i32
    %while3A_35 = arith.constant 1 : i32
    %while3A_36 = scf.for %while3A_44 = %while3A to %while3A_34 step %while3A_35 iter_args(%while3A_45 = %while3A_28) -> (i32)  : i32 {
      %mul3A_46 = arith.constant 8 : i32
      %mul3A_47 = arith.muli %while3A_44, %mul3A_46 : i32
      %add3A_48 = arith.addi %select_n3A_27, %mul3A_47 : i32
      %mul3A_49 = arith.constant 128 : i32
      %mul3A_50 = arith.muli %add3A_48, %mul3A_49 : i32
      "tpu.region"() ({
        %run_scoped3A = tpu.sem_alloc : memref<!tpu.dma_semaphore, #tpu.memory_space<semaphore_mem>>
        %dma_start3A_242 = tpu.memref_slice %arg3[%mul3A_50] : memref<327680xi32, #tpu.memory_space<hbm>> -> memref<1024xi32, #tpu.memory_space<hbm>>
        %dma_start3A_243 = tpu.memref_slice %arg3[%mul3A_50] : memref<327680xi32, #tpu.memory_space<hbm>> -> memref<1024xi32, #tpu.memory_space<hbm>>
        tpu.enqueue_dma source(%dma_start3A_243 : memref<1024xi32, #tpu.memory_space<hbm>>) target(%arg7 : memref<1024xi32, #tpu.memory_space<vmem>>) target_semaphore(%run_scoped3A : memref<!tpu.dma_semaphore, #tpu.memory_space<semaphore_mem>>)
        %dma_wait3A_244 = tpu.memref_slice %arg3[%mul3A_50] : memref<327680xi32, #tpu.memory_space<hbm>> -> memref<1024xi32, #tpu.memory_space<hbm>>
        %dma_wait3A_245 = tpu.memref_slice %arg3[%mul3A_50] : memref<327680xi32, #tpu.memory_space<hbm>> -> memref<1024xi32, #tpu.memory_space<hbm>>
        tpu.wait_dma2 semaphore(%run_scoped3A : memref<!tpu.dma_semaphore, #tpu.memory_space<semaphore_mem>>) src(%dma_wait3A_245 : memref<1024xi32, #tpu.memory_space<hbm>>) dst(%arg7 : memref<1024xi32, #tpu.memory_space<vmem>>)
        tpu.yield
      }) : () -> ()
      "tpu.region"() ({
        %run_scoped3A = tpu.sem_alloc : memref<!tpu.dma_semaphore, #tpu.memory_space<semaphore_mem>>
        %dma_start3A_242 = arith.constant 0 : i32
        %dma_start3A_243 = tpu.memref_slice %arg4[%add3A_48, %dma_start3A_242] : memref<2560x128xi32, #tpu.memory_space<hbm>> -> memref<8x128xi32, #tpu.memory_space<hbm>>
        %dma_start3A_244 = arith.constant 0 : i32
        %dma_start3A_245 = tpu.memref_slice %arg4[%add3A_48, %dma_start3A_244] : memref<2560x128xi32, #tpu.memory_space<hbm>> -> memref<8x128xi32, #tpu.memory_space<hbm>>
        tpu.enqueue_dma source(%dma_start3A_245 : memref<8x128xi32, #tpu.memory_space<hbm>>) target(%arg8 : memref<8x128xi32, #tpu.memory_space<vmem>>) target_semaphore(%run_scoped3A : memref<!tpu.dma_semaphore, #tpu.memory_space<semaphore_mem>>)
        %dma_wait3A_246 = arith.constant 0 : i32
        %dma_wait3A_247 = tpu.memref_slice %arg4[%add3A_48, %dma_wait3A_246] : memref<2560x128xi32, #tpu.memory_space<hbm>> -> memref<8x128xi32, #tpu.memory_space<hbm>>
        %dma_wait3A_248 = arith.constant 0 : i32
        %dma_wait3A_249 = tpu.memref_slice %arg4[%add3A_48, %dma_wait3A_248] : memref<2560x128xi32, #tpu.memory_space<hbm>> -> memref<8x128xi32, #tpu.memory_space<hbm>>
        tpu.wait_dma2 semaphore(%run_scoped3A : memref<!tpu.dma_semaphore, #tpu.memory_space<semaphore_mem>>) src(%dma_wait3A_249 : memref<8x128xi32, #tpu.memory_space<hbm>>) dst(%arg8 : memref<8x128xi32, #tpu.memory_space<vmem>>)
        tpu.yield
      }) : () -> ()
      %dma_start3A = arith.constant 0 : i32
      %dma_start3A_51 = tpu.memref_slice %arg7[%dma_start3A] : memref<1024xi32, #tpu.memory_space<vmem>> -> memref<128xi32, #tpu.memory_space<vmem>>
      %dma_start3A_52 = arith.constant 0 : i32
      %dma_start3A_53 = arith.constant 0 : i32
      %dma_start3A_54 = tpu.memref_slice %arg2[%dma_start3A_52, %dma_start3A_53] : memref<10000x128xf32, #tpu.memory_space<hbm>> -> memref<10000x128xf32, #tpu.memory_space<hbm>>
      tpu.enqueue_indirect_dma source(%dma_start3A_54 : memref<10000x128xf32, #tpu.memory_space<hbm>>) target(%arg9 : memref<128x128xf32, #tpu.memory_space<vmem>>) offsets(%dma_start3A_51 : memref<128xi32, #tpu.memory_space<vmem>>) semaphore(%arg11 : memref<!tpu.dma_semaphore, #tpu.memory_space<semaphore_mem>>)
      %dma_start3A_55 = arith.constant 128 : i32
      %dma_start3A_56 = tpu.memref_slice %arg7[%dma_start3A_55] : memref<1024xi32, #tpu.memory_space<vmem>> -> memref<128xi32, #tpu.memory_space<vmem>>
      %dma_start3A_57 = arith.constant 0 : i32
      %dma_start3A_58 = arith.constant 0 : i32
      %dma_start3A_59 = tpu.memref_slice %arg2[%dma_start3A_57, %dma_start3A_58] : memref<10000x128xf32, #tpu.memory_space<hbm>> -> memref<10000x128xf32, #tpu.memory_space<hbm>>
      tpu.enqueue_indirect_dma source(%dma_start3A_59 : memref<10000x128xf32, #tpu.memory_space<hbm>>) target(%arg10 : memref<128x128xf32, #tpu.memory_space<vmem>>) offsets(%dma_start3A_56 : memref<128xi32, #tpu.memory_space<vmem>>) semaphore(%arg11 : memref<!tpu.dma_semaphore, #tpu.memory_space<semaphore_mem>>)
      %dma_wait3A = arith.constant 0 : i32
      %dma_wait3A_60 = tpu.memref_slice %arg7[%dma_wait3A] : memref<1024xi32, #tpu.memory_space<vmem>> -> memref<128xi32, #tpu.memory_space<vmem>>
      %dma_wait3A_61 = arith.constant 0 : i32
      %dma_wait3A_62 = arith.constant 0 : i32
      %dma_wait3A_63 = tpu.memref_slice %arg2[%dma_wait3A_61, %dma_wait3A_62] : memref<10000x128xf32, #tpu.memory_space<hbm>> -> memref<10000x128xf32, #tpu.memory_space<hbm>>
      tpu.wait_indirect_dma semaphore(%arg11 : memref<!tpu.dma_semaphore, #tpu.memory_space<semaphore_mem>>) src(%dma_wait3A_63 : memref<10000x128xf32, #tpu.memory_space<hbm>>) dst(%arg9 : memref<128x128xf32, #tpu.memory_space<vmem>>)
      %dma_start3A_64 = arith.constant 0 : i32
      %dma_start3A_65 = arith.constant 0 : i32
      %dma_start3A_66 = tpu.memref_slice %arg8[%dma_start3A_64, %dma_start3A_65] : memref<8x128xi32, #tpu.memory_space<vmem>> -> memref<1x128xi32, #tpu.memory_space<vmem>>
      %dma_start3A_67 = tpu.memref_squeeze %dma_start3A_66 : memref<1x128xi32, #tpu.memory_space<vmem>> -> memref<128xi32, #tpu.memory_space<vmem>>
      %dma_start3A_68 = arith.constant 0 : i32
      %dma_start3A_69 = arith.constant 0 : i32
      %dma_start3A_70 = tpu.memref_slice %arg6[%dma_start3A_68, %dma_start3A_69] : memref<10112x128xf32, #tpu.memory_space<vmem_shared>> -> memref<10112x128xf32, #tpu.memory_space<vmem_shared>>
      tpu.enqueue_indirect_dma source(%arg9 : memref<128x128xf32, #tpu.memory_space<vmem>>) target(%dma_start3A_70 : memref<10112x128xf32, #tpu.memory_space<vmem_shared>>) offsets(%dma_start3A_67 : memref<128xi32, #tpu.memory_space<vmem>>) semaphore(%arg12 : memref<!tpu.dma_semaphore, #tpu.memory_space<semaphore_mem>>) {add = true}
      %dma_wait3A_71 = arith.constant 0 : i32
      %dma_wait3A_72 = arith.constant 0 : i32
      %dma_wait3A_73 = tpu.memref_slice %arg8[%dma_wait3A_71, %dma_wait3A_72] : memref<8x128xi32, #tpu.memory_space<vmem>> -> memref<1x128xi32, #tpu.memory_space<vmem>>
      %dma_wait3A_74 = tpu.memref_squeeze %dma_wait3A_73 : memref<1x128xi32, #tpu.memory_space<vmem>> -> memref<128xi32, #tpu.memory_space<vmem>>
      %dma_wait3A_75 = arith.constant 0 : i32
      %dma_wait3A_76 = arith.constant 0 : i32
      %dma_wait3A_77 = tpu.memref_slice %arg6[%dma_wait3A_75, %dma_wait3A_76] : memref<10112x128xf32, #tpu.memory_space<vmem_shared>> -> memref<10112x128xf32, #tpu.memory_space<vmem_shared>>
      tpu.wait_indirect_dma semaphore(%arg12 : memref<!tpu.dma_semaphore, #tpu.memory_space<semaphore_mem>>) src(%arg9 : memref<128x128xf32, #tpu.memory_space<vmem>>) dst(%dma_wait3A_77 : memref<10112x128xf32, #tpu.memory_space<vmem_shared>>)
      %dma_start3A_78 = arith.constant 256 : i32
      %dma_start3A_79 = tpu.memref_slice %arg7[%dma_start3A_78] : memref<1024xi32, #tpu.memory_space<vmem>> -> memref<128xi32, #tpu.memory_space<vmem>>
      %dma_start3A_80 = arith.constant 0 : i32
      %dma_start3A_81 = arith.constant 0 : i32
      %dma_start3A_82 = tpu.memref_slice %arg2[%dma_start3A_80, %dma_start3A_81] : memref<10000x128xf32, #tpu.memory_space<hbm>> -> memref<10000x128xf32, #tpu.memory_space<hbm>>
      tpu.enqueue_indirect_dma source(%dma_start3A_82 : memref<10000x128xf32, #tpu.memory_space<hbm>>) target(%arg9 : memref<128x128xf32, #tpu.memory_space<vmem>>) offsets(%dma_start3A_79 : memref<128xi32, #tpu.memory_space<vmem>>) semaphore(%arg11 : memref<!tpu.dma_semaphore, #tpu.memory_space<semaphore_mem>>)
      %dma_wait3A_83 = arith.constant 128 : i32
      %dma_wait3A_84 = tpu.memref_slice %arg7[%dma_wait3A_83] : memref<1024xi32, #tpu.memory_space<vmem>> -> memref<128xi32, #tpu.memory_space<vmem>>
      %dma_wait3A_85 = arith.constant 0 : i32
      %dma_wait3A_86 = arith.constant 0 : i32
      %dma_wait3A_87 = tpu.memref_slice %arg2[%dma_wait3A_85, %dma_wait3A_86] : memref<10000x128xf32, #tpu.memory_space<hbm>> -> memref<10000x128xf32, #tpu.memory_space<hbm>>
      tpu.wait_indirect_dma semaphore(%arg11 : memref<!tpu.dma_semaphore, #tpu.memory_space<semaphore_mem>>) src(%dma_wait3A_87 : memref<10000x128xf32, #tpu.memory_space<hbm>>) dst(%arg10 : memref<128x128xf32, #tpu.memory_space<vmem>>)
      %dma_start3A_88 = arith.constant 1 : i32
      %dma_start3A_89 = arith.constant 0 : i32
      %dma_start3A_90 = tpu.memref_slice %arg8[%dma_start3A_88, %dma_start3A_89] : memref<8x128xi32, #tpu.memory_space<vmem>> -> memref<1x128xi32, #tpu.memory_space<vmem>>
      %dma_start3A_91 = tpu.memref_squeeze %dma_start3A_90 : memref<1x128xi32, #tpu.memory_space<vmem>> -> memref<128xi32, #tpu.memory_space<vmem>>
      %dma_start3A_92 = arith.constant 0 : i32
      %dma_start3A_93 = arith.constant 0 : i32
      %dma_start3A_94 = tpu.memref_slice %arg6[%dma_start3A_92, %dma_start3A_93] : memref<10112x128xf32, #tpu.memory_space<vmem_shared>> -> memref<10112x128xf32, #tpu.memory_space<vmem_shared>>
      tpu.enqueue_indirect_dma source(%arg10 : memref<128x128xf32, #tpu.memory_space<vmem>>) target(%dma_start3A_94 : memref<10112x128xf32, #tpu.memory_space<vmem_shared>>) offsets(%dma_start3A_91 : memref<128xi32, #tpu.memory_space<vmem>>) semaphore(%arg12 : memref<!tpu.dma_semaphore, #tpu.memory_space<semaphore_mem>>) {add = true}
      %dma_wait3A_95 = arith.constant 1 : i32
      %dma_wait3A_96 = arith.constant 0 : i32
      %dma_wait3A_97 = tpu.memref_slice %arg8[%dma_wait3A_95, %dma_wait3A_96] : memref<8x128xi32, #tpu.memory_space<vmem>> -> memref<1x128xi32, #tpu.memory_space<vmem>>
      %dma_wait3A_98 = tpu.memref_squeeze %dma_wait3A_97 : memref<1x128xi32, #tpu.memory_space<vmem>> -> memref<128xi32, #tpu.memory_space<vmem>>
      %dma_wait3A_99 = arith.constant 0 : i32
      %dma_wait3A_100 = arith.constant 0 : i32
      %dma_wait3A_101 = tpu.memref_slice %arg6[%dma_wait3A_99, %dma_wait3A_100] : memref<10112x128xf32, #tpu.memory_space<vmem_shared>> -> memref<10112x128xf32, #tpu.memory_space<vmem_shared>>
      tpu.wait_indirect_dma semaphore(%arg12 : memref<!tpu.dma_semaphore, #tpu.memory_space<semaphore_mem>>) src(%arg10 : memref<128x128xf32, #tpu.memory_space<vmem>>) dst(%dma_wait3A_101 : memref<10112x128xf32, #tpu.memory_space<vmem_shared>>)
      %dma_start3A_102 = arith.constant 384 : i32
      %dma_start3A_103 = tpu.memref_slice %arg7[%dma_start3A_102] : memref<1024xi32, #tpu.memory_space<vmem>> -> memref<128xi32, #tpu.memory_space<vmem>>
      %dma_start3A_104 = arith.constant 0 : i32
      %dma_start3A_105 = arith.constant 0 : i32
      %dma_start3A_106 = tpu.memref_slice %arg2[%dma_start3A_104, %dma_start3A_105] : memref<10000x128xf32, #tpu.memory_space<hbm>> -> memref<10000x128xf32, #tpu.memory_space<hbm>>
      tpu.enqueue_indirect_dma source(%dma_start3A_106 : memref<10000x128xf32, #tpu.memory_space<hbm>>) target(%arg10 : memref<128x128xf32, #tpu.memory_space<vmem>>) offsets(%dma_start3A_103 : memref<128xi32, #tpu.memory_space<vmem>>) semaphore(%arg11 : memref<!tpu.dma_semaphore, #tpu.memory_space<semaphore_mem>>)
      %dma_wait3A_107 = arith.constant 256 : i32
      %dma_wait3A_108 = tpu.memref_slice %arg7[%dma_wait3A_107] : memref<1024xi32, #tpu.memory_space<vmem>> -> memref<128xi32, #tpu.memory_space<vmem>>
      %dma_wait3A_109 = arith.constant 0 : i32
      %dma_wait3A_110 = arith.constant 0 : i32
      %dma_wait3A_111 = tpu.memref_slice %arg2[%dma_wait3A_109, %dma_wait3A_110] : memref<10000x128xf32, #tpu.memory_space<hbm>> -> memref<10000x128xf32, #tpu.memory_space<hbm>>
      tpu.wait_indirect_dma semaphore(%arg11 : memref<!tpu.dma_semaphore, #tpu.memory_space<semaphore_mem>>) src(%dma_wait3A_111 : memref<10000x128xf32, #tpu.memory_space<hbm>>) dst(%arg9 : memref<128x128xf32, #tpu.memory_space<vmem>>)
      %dma_start3A_112 = arith.constant 2 : i32
      %dma_start3A_113 = arith.constant 0 : i32
      %dma_start3A_114 = tpu.memref_slice %arg8[%dma_start3A_112, %dma_start3A_113] : memref<8x128xi32, #tpu.memory_space<vmem>> -> memref<1x128xi32, #tpu.memory_space<vmem>>
      %dma_start3A_115 = tpu.memref_squeeze %dma_start3A_114 : memref<1x128xi32, #tpu.memory_space<vmem>> -> memref<128xi32, #tpu.memory_space<vmem>>
      %dma_start3A_116 = arith.constant 0 : i32
      %dma_start3A_117 = arith.constant 0 : i32
      %dma_start3A_118 = tpu.memref_slice %arg6[%dma_start3A_116, %dma_start3A_117] : memref<10112x128xf32, #tpu.memory_space<vmem_shared>> -> memref<10112x128xf32, #tpu.memory_space<vmem_shared>>
      tpu.enqueue_indirect_dma source(%arg9 : memref<128x128xf32, #tpu.memory_space<vmem>>) target(%dma_start3A_118 : memref<10112x128xf32, #tpu.memory_space<vmem_shared>>) offsets(%dma_start3A_115 : memref<128xi32, #tpu.memory_space<vmem>>) semaphore(%arg12 : memref<!tpu.dma_semaphore, #tpu.memory_space<semaphore_mem>>) {add = true}
      %dma_wait3A_119 = arith.constant 2 : i32
      %dma_wait3A_120 = arith.constant 0 : i32
      %dma_wait3A_121 = tpu.memref_slice %arg8[%dma_wait3A_119, %dma_wait3A_120] : memref<8x128xi32, #tpu.memory_space<vmem>> -> memref<1x128xi32, #tpu.memory_space<vmem>>
      %dma_wait3A_122 = tpu.memref_squeeze %dma_wait3A_121 : memref<1x128xi32, #tpu.memory_space<vmem>> -> memref<128xi32, #tpu.memory_space<vmem>>
      %dma_wait3A_123 = arith.constant 0 : i32
      %dma_wait3A_124 = arith.constant 0 : i32
      %dma_wait3A_125 = tpu.memref_slice %arg6[%dma_wait3A_123, %dma_wait3A_124] : memref<10112x128xf32, #tpu.memory_space<vmem_shared>> -> memref<10112x128xf32, #tpu.memory_space<vmem_shared>>
      tpu.wait_indirect_dma semaphore(%arg12 : memref<!tpu.dma_semaphore, #tpu.memory_space<semaphore_mem>>) src(%arg9 : memref<128x128xf32, #tpu.memory_space<vmem>>) dst(%dma_wait3A_125 : memref<10112x128xf32, #tpu.memory_space<vmem_shared>>)
      %dma_start3A_126 = arith.constant 512 : i32
      %dma_start3A_127 = tpu.memref_slice %arg7[%dma_start3A_126] : memref<1024xi32, #tpu.memory_space<vmem>> -> memref<128xi32, #tpu.memory_space<vmem>>
      %dma_start3A_128 = arith.constant 0 : i32
      %dma_start3A_129 = arith.constant 0 : i32
      %dma_start3A_130 = tpu.memref_slice %arg2[%dma_start3A_128, %dma_start3A_129] : memref<10000x128xf32, #tpu.memory_space<hbm>> -> memref<10000x128xf32, #tpu.memory_space<hbm>>
      tpu.enqueue_indirect_dma source(%dma_start3A_130 : memref<10000x128xf32, #tpu.memory_space<hbm>>) target(%arg9 : memref<128x128xf32, #tpu.memory_space<vmem>>) offsets(%dma_start3A_127 : memref<128xi32, #tpu.memory_space<vmem>>) semaphore(%arg11 : memref<!tpu.dma_semaphore, #tpu.memory_space<semaphore_mem>>)
      %dma_wait3A_131 = arith.constant 384 : i32
      %dma_wait3A_132 = tpu.memref_slice %arg7[%dma_wait3A_131] : memref<1024xi32, #tpu.memory_space<vmem>> -> memref<128xi32, #tpu.memory_space<vmem>>
      %dma_wait3A_133 = arith.constant 0 : i32
      %dma_wait3A_134 = arith.constant 0 : i32
      %dma_wait3A_135 = tpu.memref_slice %arg2[%dma_wait3A_133, %dma_wait3A_134] : memref<10000x128xf32, #tpu.memory_space<hbm>> -> memref<10000x128xf32, #tpu.memory_space<hbm>>
      tpu.wait_indirect_dma semaphore(%arg11 : memref<!tpu.dma_semaphore, #tpu.memory_space<semaphore_mem>>) src(%dma_wait3A_135 : memref<10000x128xf32, #tpu.memory_space<hbm>>) dst(%arg10 : memref<128x128xf32, #tpu.memory_space<vmem>>)
      %dma_start3A_136 = arith.constant 3 : i32
      %dma_start3A_137 = arith.constant 0 : i32
      %dma_start3A_138 = tpu.memref_slice %arg8[%dma_start3A_136, %dma_start3A_137] : memref<8x128xi32, #tpu.memory_space<vmem>> -> memref<1x128xi32, #tpu.memory_space<vmem>>
      %dma_start3A_139 = tpu.memref_squeeze %dma_start3A_138 : memref<1x128xi32, #tpu.memory_space<vmem>> -> memref<128xi32, #tpu.memory_space<vmem>>
      %dma_start3A_140 = arith.constant 0 : i32
      %dma_start3A_141 = arith.constant 0 : i32
      %dma_start3A_142 = tpu.memref_slice %arg6[%dma_start3A_140, %dma_start3A_141] : memref<10112x128xf32, #tpu.memory_space<vmem_shared>> -> memref<10112x128xf32, #tpu.memory_space<vmem_shared>>
      tpu.enqueue_indirect_dma source(%arg10 : memref<128x128xf32, #tpu.memory_space<vmem>>) target(%dma_start3A_142 : memref<10112x128xf32, #tpu.memory_space<vmem_shared>>) offsets(%dma_start3A_139 : memref<128xi32, #tpu.memory_space<vmem>>) semaphore(%arg12 : memref<!tpu.dma_semaphore, #tpu.memory_space<semaphore_mem>>) {add = true}
      %dma_wait3A_143 = arith.constant 3 : i32
      %dma_wait3A_144 = arith.constant 0 : i32
      %dma_wait3A_145 = tpu.memref_slice %arg8[%dma_wait3A_143, %dma_wait3A_144] : memref<8x128xi32, #tpu.memory_space<vmem>> -> memref<1x128xi32, #tpu.memory_space<vmem>>
      %dma_wait3A_146 = tpu.memref_squeeze %dma_wait3A_145 : memref<1x128xi32, #tpu.memory_space<vmem>> -> memref<128xi32, #tpu.memory_space<vmem>>
      %dma_wait3A_147 = arith.constant 0 : i32
      %dma_wait3A_148 = arith.constant 0 : i32
      %dma_wait3A_149 = tpu.memref_slice %arg6[%dma_wait3A_147, %dma_wait3A_148] : memref<10112x128xf32, #tpu.memory_space<vmem_shared>> -> memref<10112x128xf32, #tpu.memory_space<vmem_shared>>
      tpu.wait_indirect_dma semaphore(%arg12 : memref<!tpu.dma_semaphore, #tpu.memory_space<semaphore_mem>>) src(%arg10 : memref<128x128xf32, #tpu.memory_space<vmem>>) dst(%dma_wait3A_149 : memref<10112x128xf32, #tpu.memory_space<vmem_shared>>)
      %dma_start3A_150 = arith.constant 640 : i32
      %dma_start3A_151 = tpu.memref_slice %arg7[%dma_start3A_150] : memref<1024xi32, #tpu.memory_space<vmem>> -> memref<128xi32, #tpu.memory_space<vmem>>
      %dma_start3A_152 = arith.constant 0 : i32
      %dma_start3A_153 = arith.constant 0 : i32
      %dma_start3A_154 = tpu.memref_slice %arg2[%dma_start3A_152, %dma_start3A_153] : memref<10000x128xf32, #tpu.memory_space<hbm>> -> memref<10000x128xf32, #tpu.memory_space<hbm>>
      tpu.enqueue_indirect_dma source(%dma_start3A_154 : memref<10000x128xf32, #tpu.memory_space<hbm>>) target(%arg10 : memref<128x128xf32, #tpu.memory_space<vmem>>) offsets(%dma_start3A_151 : memref<128xi32, #tpu.memory_space<vmem>>) semaphore(%arg11 : memref<!tpu.dma_semaphore, #tpu.memory_space<semaphore_mem>>)
      %dma_wait3A_155 = arith.constant 512 : i32
      %dma_wait3A_156 = tpu.memref_slice %arg7[%dma_wait3A_155] : memref<1024xi32, #tpu.memory_space<vmem>> -> memref<128xi32, #tpu.memory_space<vmem>>
      %dma_wait3A_157 = arith.constant 0 : i32
      %dma_wait3A_158 = arith.constant 0 : i32
      %dma_wait3A_159 = tpu.memref_slice %arg2[%dma_wait3A_157, %dma_wait3A_158] : memref<10000x128xf32, #tpu.memory_space<hbm>> -> memref<10000x128xf32, #tpu.memory_space<hbm>>
      tpu.wait_indirect_dma semaphore(%arg11 : memref<!tpu.dma_semaphore, #tpu.memory_space<semaphore_mem>>) src(%dma_wait3A_159 : memref<10000x128xf32, #tpu.memory_space<hbm>>) dst(%arg9 : memref<128x128xf32, #tpu.memory_space<vmem>>)
      %dma_start3A_160 = arith.constant 4 : i32
      %dma_start3A_161 = arith.constant 0 : i32
      %dma_start3A_162 = tpu.memref_slice %arg8[%dma_start3A_160, %dma_start3A_161] : memref<8x128xi32, #tpu.memory_space<vmem>> -> memref<1x128xi32, #tpu.memory_space<vmem>>
      %dma_start3A_163 = tpu.memref_squeeze %dma_start3A_162 : memref<1x128xi32, #tpu.memory_space<vmem>> -> memref<128xi32, #tpu.memory_space<vmem>>
      %dma_start3A_164 = arith.constant 0 : i32
      %dma_start3A_165 = arith.constant 0 : i32
      %dma_start3A_166 = tpu.memref_slice %arg6[%dma_start3A_164, %dma_start3A_165] : memref<10112x128xf32, #tpu.memory_space<vmem_shared>> -> memref<10112x128xf32, #tpu.memory_space<vmem_shared>>
      tpu.enqueue_indirect_dma source(%arg9 : memref<128x128xf32, #tpu.memory_space<vmem>>) target(%dma_start3A_166 : memref<10112x128xf32, #tpu.memory_space<vmem_shared>>) offsets(%dma_start3A_163 : memref<128xi32, #tpu.memory_space<vmem>>) semaphore(%arg12 : memref<!tpu.dma_semaphore, #tpu.memory_space<semaphore_mem>>) {add = true}
      %dma_wait3A_167 = arith.constant 4 : i32
      %dma_wait3A_168 = arith.constant 0 : i32
      %dma_wait3A_169 = tpu.memref_slice %arg8[%dma_wait3A_167, %dma_wait3A_168] : memref<8x128xi32, #tpu.memory_space<vmem>> -> memref<1x128xi32, #tpu.memory_space<vmem>>
      %dma_wait3A_170 = tpu.memref_squeeze %dma_wait3A_169 : memref<1x128xi32, #tpu.memory_space<vmem>> -> memref<128xi32, #tpu.memory_space<vmem>>
      %dma_wait3A_171 = arith.constant 0 : i32
      %dma_wait3A_172 = arith.constant 0 : i32
      %dma_wait3A_173 = tpu.memref_slice %arg6[%dma_wait3A_171, %dma_wait3A_172] : memref<10112x128xf32, #tpu.memory_space<vmem_shared>> -> memref<10112x128xf32, #tpu.memory_space<vmem_shared>>
      tpu.wait_indirect_dma semaphore(%arg12 : memref<!tpu.dma_semaphore, #tpu.memory_space<semaphore_mem>>) src(%arg9 : memref<128x128xf32, #tpu.memory_space<vmem>>) dst(%dma_wait3A_173 : memref<10112x128xf32, #tpu.memory_space<vmem_shared>>)
      %dma_start3A_174 = arith.constant 768 : i32
      %dma_start3A_175 = tpu.memref_slice %arg7[%dma_start3A_174] : memref<1024xi32, #tpu.memory_space<vmem>> -> memref<128xi32, #tpu.memory_space<vmem>>
      %dma_start3A_176 = arith.constant 0 : i32
      %dma_start3A_177 = arith.constant 0 : i32
      %dma_start3A_178 = tpu.memref_slice %arg2[%dma_start3A_176, %dma_start3A_177] : memref<10000x128xf32, #tpu.memory_space<hbm>> -> memref<10000x128xf32, #tpu.memory_space<hbm>>
      tpu.enqueue_indirect_dma source(%dma_start3A_178 : memref<10000x128xf32, #tpu.memory_space<hbm>>) target(%arg9 : memref<128x128xf32, #tpu.memory_space<vmem>>) offsets(%dma_start3A_175 : memref<128xi32, #tpu.memory_space<vmem>>) semaphore(%arg11 : memref<!tpu.dma_semaphore, #tpu.memory_space<semaphore_mem>>)
      %dma_wait3A_179 = arith.constant 640 : i32
      %dma_wait3A_180 = tpu.memref_slice %arg7[%dma_wait3A_179] : memref<1024xi32, #tpu.memory_space<vmem>> -> memref<128xi32, #tpu.memory_space<vmem>>
      %dma_wait3A_181 = arith.constant 0 : i32
      %dma_wait3A_182 = arith.constant 0 : i32
      %dma_wait3A_183 = tpu.memref_slice %arg2[%dma_wait3A_181, %dma_wait3A_182] : memref<10000x128xf32, #tpu.memory_space<hbm>> -> memref<10000x128xf32, #tpu.memory_space<hbm>>
      tpu.wait_indirect_dma semaphore(%arg11 : memref<!tpu.dma_semaphore, #tpu.memory_space<semaphore_mem>>) src(%dma_wait3A_183 : memref<10000x128xf32, #tpu.memory_space<hbm>>) dst(%arg10 : memref<128x128xf32, #tpu.memory_space<vmem>>)
      %dma_start3A_184 = arith.constant 5 : i32
      %dma_start3A_185 = arith.constant 0 : i32
      %dma_start3A_186 = tpu.memref_slice %arg8[%dma_start3A_184, %dma_start3A_185] : memref<8x128xi32, #tpu.memory_space<vmem>> -> memref<1x128xi32, #tpu.memory_space<vmem>>
      %dma_start3A_187 = tpu.memref_squeeze %dma_start3A_186 : memref<1x128xi32, #tpu.memory_space<vmem>> -> memref<128xi32, #tpu.memory_space<vmem>>
      %dma_start3A_188 = arith.constant 0 : i32
      %dma_start3A_189 = arith.constant 0 : i32
      %dma_start3A_190 = tpu.memref_slice %arg6[%dma_start3A_188, %dma_start3A_189] : memref<10112x128xf32, #tpu.memory_space<vmem_shared>> -> memref<10112x128xf32, #tpu.memory_space<vmem_shared>>
      tpu.enqueue_indirect_dma source(%arg10 : memref<128x128xf32, #tpu.memory_space<vmem>>) target(%dma_start3A_190 : memref<10112x128xf32, #tpu.memory_space<vmem_shared>>) offsets(%dma_start3A_187 : memref<128xi32, #tpu.memory_space<vmem>>) semaphore(%arg12 : memref<!tpu.dma_semaphore, #tpu.memory_space<semaphore_mem>>) {add = true}
      %dma_wait3A_191 = arith.constant 5 : i32
      %dma_wait3A_192 = arith.constant 0 : i32
      %dma_wait3A_193 = tpu.memref_slice %arg8[%dma_wait3A_191, %dma_wait3A_192] : memref<8x128xi32, #tpu.memory_space<vmem>> -> memref<1x128xi32, #tpu.memory_space<vmem>>
      %dma_wait3A_194 = tpu.memref_squeeze %dma_wait3A_193 : memref<1x128xi32, #tpu.memory_space<vmem>> -> memref<128xi32, #tpu.memory_space<vmem>>
      %dma_wait3A_195 = arith.constant 0 : i32
      %dma_wait3A_196 = arith.constant 0 : i32
      %dma_wait3A_197 = tpu.memref_slice %arg6[%dma_wait3A_195, %dma_wait3A_196] : memref<10112x128xf32, #tpu.memory_space<vmem_shared>> -> memref<10112x128xf32, #tpu.memory_space<vmem_shared>>
      tpu.wait_indirect_dma semaphore(%arg12 : memref<!tpu.dma_semaphore, #tpu.memory_space<semaphore_mem>>) src(%arg10 : memref<128x128xf32, #tpu.memory_space<vmem>>) dst(%dma_wait3A_197 : memref<10112x128xf32, #tpu.memory_space<vmem_shared>>)
      %dma_start3A_198 = arith.constant 896 : i32
      %dma_start3A_199 = tpu.memref_slice %arg7[%dma_start3A_198] : memref<1024xi32, #tpu.memory_space<vmem>> -> memref<128xi32, #tpu.memory_space<vmem>>
      %dma_start3A_200 = arith.constant 0 : i32
      %dma_start3A_201 = arith.constant 0 : i32
      %dma_start3A_202 = tpu.memref_slice %arg2[%dma_start3A_200, %dma_start3A_201] : memref<10000x128xf32, #tpu.memory_space<hbm>> -> memref<10000x128xf32, #tpu.memory_space<hbm>>
      tpu.enqueue_indirect_dma source(%dma_start3A_202 : memref<10000x128xf32, #tpu.memory_space<hbm>>) target(%arg10 : memref<128x128xf32, #tpu.memory_space<vmem>>) offsets(%dma_start3A_199 : memref<128xi32, #tpu.memory_space<vmem>>) semaphore(%arg11 : memref<!tpu.dma_semaphore, #tpu.memory_space<semaphore_mem>>)
      %dma_wait3A_203 = arith.constant 768 : i32
      %dma_wait3A_204 = tpu.memref_slice %arg7[%dma_wait3A_203] : memref<1024xi32, #tpu.memory_space<vmem>> -> memref<128xi32, #tpu.memory_space<vmem>>
      %dma_wait3A_205 = arith.constant 0 : i32
      %dma_wait3A_206 = arith.constant 0 : i32
      %dma_wait3A_207 = tpu.memref_slice %arg2[%dma_wait3A_205, %dma_wait3A_206] : memref<10000x128xf32, #tpu.memory_space<hbm>> -> memref<10000x128xf32, #tpu.memory_space<hbm>>
      tpu.wait_indirect_dma semaphore(%arg11 : memref<!tpu.dma_semaphore, #tpu.memory_space<semaphore_mem>>) src(%dma_wait3A_207 : memref<10000x128xf32, #tpu.memory_space<hbm>>) dst(%arg9 : memref<128x128xf32, #tpu.memory_space<vmem>>)
      %dma_start3A_208 = arith.constant 6 : i32
      %dma_start3A_209 = arith.constant 0 : i32
      %dma_start3A_210 = tpu.memref_slice %arg8[%dma_start3A_208, %dma_start3A_209] : memref<8x128xi32, #tpu.memory_space<vmem>> -> memref<1x128xi32, #tpu.memory_space<vmem>>
      %dma_start3A_211 = tpu.memref_squeeze %dma_start3A_210 : memref<1x128xi32, #tpu.memory_space<vmem>> -> memref<128xi32, #tpu.memory_space<vmem>>
      %dma_start3A_212 = arith.constant 0 : i32
      %dma_start3A_213 = arith.constant 0 : i32
      %dma_start3A_214 = tpu.memref_slice %arg6[%dma_start3A_212, %dma_start3A_213] : memref<10112x128xf32, #tpu.memory_space<vmem_shared>> -> memref<10112x128xf32, #tpu.memory_space<vmem_shared>>
      tpu.enqueue_indirect_dma source(%arg9 : memref<128x128xf32, #tpu.memory_space<vmem>>) target(%dma_start3A_214 : memref<10112x128xf32, #tpu.memory_space<vmem_shared>>) offsets(%dma_start3A_211 : memref<128xi32, #tpu.memory_space<vmem>>) semaphore(%arg12 : memref<!tpu.dma_semaphore, #tpu.memory_space<semaphore_mem>>) {add = true}
      %dma_wait3A_215 = arith.constant 896 : i32
      %dma_wait3A_216 = tpu.memref_slice %arg7[%dma_wait3A_215] : memref<1024xi32, #tpu.memory_space<vmem>> -> memref<128xi32, #tpu.memory_space<vmem>>
      %dma_wait3A_217 = arith.constant 0 : i32
      %dma_wait3A_218 = arith.constant 0 : i32
      %dma_wait3A_219 = tpu.memref_slice %arg2[%dma_wait3A_217, %dma_wait3A_218] : memref<10000x128xf32, #tpu.memory_space<hbm>> -> memref<10000x128xf32, #tpu.memory_space<hbm>>
      tpu.wait_indirect_dma semaphore(%arg11 : memref<!tpu.dma_semaphore, #tpu.memory_space<semaphore_mem>>) src(%dma_wait3A_219 : memref<10000x128xf32, #tpu.memory_space<hbm>>) dst(%arg10 : memref<128x128xf32, #tpu.memory_space<vmem>>)
      %dma_start3A_220 = arith.constant 7 : i32
      %dma_start3A_221 = arith.constant 0 : i32
      %dma_start3A_222 = tpu.memref_slice %arg8[%dma_start3A_220, %dma_start3A_221] : memref<8x128xi32, #tpu.memory_space<vmem>> -> memref<1x128xi32, #tpu.memory_space<vmem>>
      %dma_start3A_223 = tpu.memref_squeeze %dma_start3A_222 : memref<1x128xi32, #tpu.memory_space<vmem>> -> memref<128xi32, #tpu.memory_space<vmem>>
      %dma_start3A_224 = arith.constant 0 : i32
      %dma_start3A_225 = arith.constant 0 : i32
      %dma_start3A_226 = tpu.memref_slice %arg6[%dma_start3A_224, %dma_start3A_225] : memref<10112x128xf32, #tpu.memory_space<vmem_shared>> -> memref<10112x128xf32, #tpu.memory_space<vmem_shared>>
      tpu.enqueue_indirect_dma source(%arg10 : memref<128x128xf32, #tpu.memory_space<vmem>>) target(%dma_start3A_226 : memref<10112x128xf32, #tpu.memory_space<vmem_shared>>) offsets(%dma_start3A_223 : memref<128xi32, #tpu.memory_space<vmem>>) semaphore(%arg12 : memref<!tpu.dma_semaphore, #tpu.memory_space<semaphore_mem>>) {add = true}
      %dma_wait3A_227 = arith.constant 6 : i32
      %dma_wait3A_228 = arith.constant 0 : i32
      %dma_wait3A_229 = tpu.memref_slice %arg8[%dma_wait3A_227, %dma_wait3A_228] : memref<8x128xi32, #tpu.memory_space<vmem>> -> memref<1x128xi32, #tpu.memory_space<vmem>>
      %dma_wait3A_230 = tpu.memref_squeeze %dma_wait3A_229 : memref<1x128xi32, #tpu.memory_space<vmem>> -> memref<128xi32, #tpu.memory_space<vmem>>
      %dma_wait3A_231 = arith.constant 0 : i32
      %dma_wait3A_232 = arith.constant 0 : i32
      %dma_wait3A_233 = tpu.memref_slice %arg6[%dma_wait3A_231, %dma_wait3A_232] : memref<10112x128xf32, #tpu.memory_space<vmem_shared>> -> memref<10112x128xf32, #tpu.memory_space<vmem_shared>>
      tpu.wait_indirect_dma semaphore(%arg12 : memref<!tpu.dma_semaphore, #tpu.memory_space<semaphore_mem>>) src(%arg9 : memref<128x128xf32, #tpu.memory_space<vmem>>) dst(%dma_wait3A_233 : memref<10112x128xf32, #tpu.memory_space<vmem_shared>>)
      %dma_wait3A_234 = arith.constant 7 : i32
      %dma_wait3A_235 = arith.constant 0 : i32
      %dma_wait3A_236 = tpu.memref_slice %arg8[%dma_wait3A_234, %dma_wait3A_235] : memref<8x128xi32, #tpu.memory_space<vmem>> -> memref<1x128xi32, #tpu.memory_space<vmem>>
      %dma_wait3A_237 = tpu.memref_squeeze %dma_wait3A_236 : memref<1x128xi32, #tpu.memory_space<vmem>> -> memref<128xi32, #tpu.memory_space<vmem>>
      %dma_wait3A_238 = arith.constant 0 : i32
      %dma_wait3A_239 = arith.constant 0 : i32
      %dma_wait3A_240 = tpu.memref_slice %arg6[%dma_wait3A_238, %dma_wait3A_239] : memref<10112x128xf32, #tpu.memory_space<vmem_shared>> -> memref<10112x128xf32, #tpu.memory_space<vmem_shared>>
      tpu.wait_indirect_dma semaphore(%arg12 : memref<!tpu.dma_semaphore, #tpu.memory_space<semaphore_mem>>) src(%arg10 : memref<128x128xf32, #tpu.memory_space<vmem>>) dst(%dma_wait3A_240 : memref<10112x128xf32, #tpu.memory_space<vmem_shared>>)
      %while3A_241 = arith.constant 0 : i32
      scf.yield %while3A_241 : i32
    }
    %while3A_37 = arith.constant 1 : i32
    %while3A_38 = scf.for %while3A_44 = %while3A_34 to %while3A_30 step %while3A_37 iter_args(%while3A_45 = %while3A_36) -> (i32)  : i32 {
      %mul3A_46 = arith.constant 8 : i32
      %mul3A_47 = arith.muli %while3A_44, %mul3A_46 : i32
      %add3A_48 = arith.addi %select_n3A_27, %mul3A_47 : i32
      %mul3A_49 = arith.constant 128 : i32
      %mul3A_50 = arith.muli %add3A_48, %mul3A_49 : i32
      "tpu.region"() ({
        %run_scoped3A = tpu.sem_alloc : memref<!tpu.dma_semaphore, #tpu.memory_space<semaphore_mem>>
        %dma_start3A_242 = tpu.memref_slice %arg3[%mul3A_50] : memref<327680xi32, #tpu.memory_space<hbm>> -> memref<1024xi32, #tpu.memory_space<hbm>>
        %dma_start3A_243 = tpu.memref_slice %arg3[%mul3A_50] : memref<327680xi32, #tpu.memory_space<hbm>> -> memref<1024xi32, #tpu.memory_space<hbm>>
        tpu.enqueue_dma source(%dma_start3A_243 : memref<1024xi32, #tpu.memory_space<hbm>>) target(%arg7 : memref<1024xi32, #tpu.memory_space<vmem>>) target_semaphore(%run_scoped3A : memref<!tpu.dma_semaphore, #tpu.memory_space<semaphore_mem>>)
        %dma_wait3A_244 = tpu.memref_slice %arg3[%mul3A_50] : memref<327680xi32, #tpu.memory_space<hbm>> -> memref<1024xi32, #tpu.memory_space<hbm>>
        %dma_wait3A_245 = tpu.memref_slice %arg3[%mul3A_50] : memref<327680xi32, #tpu.memory_space<hbm>> -> memref<1024xi32, #tpu.memory_space<hbm>>
        tpu.wait_dma2 semaphore(%run_scoped3A : memref<!tpu.dma_semaphore, #tpu.memory_space<semaphore_mem>>) src(%dma_wait3A_245 : memref<1024xi32, #tpu.memory_space<hbm>>) dst(%arg7 : memref<1024xi32, #tpu.memory_space<vmem>>)
        tpu.yield
      }) : () -> ()
      "tpu.region"() ({
        %run_scoped3A = tpu.sem_alloc : memref<!tpu.dma_semaphore, #tpu.memory_space<semaphore_mem>>
        %dma_start3A_242 = arith.constant 0 : i32
        %dma_start3A_243 = tpu.memref_slice %arg4[%add3A_48, %dma_start3A_242] : memref<2560x128xi32, #tpu.memory_space<hbm>> -> memref<8x128xi32, #tpu.memory_space<hbm>>
        %dma_start3A_244 = arith.constant 0 : i32
        %dma_start3A_245 = tpu.memref_slice %arg4[%add3A_48, %dma_start3A_244] : memref<2560x128xi32, #tpu.memory_space<hbm>> -> memref<8x128xi32, #tpu.memory_space<hbm>>
        tpu.enqueue_dma source(%dma_start3A_245 : memref<8x128xi32, #tpu.memory_space<hbm>>) target(%arg8 : memref<8x128xi32, #tpu.memory_space<vmem>>) target_semaphore(%run_scoped3A : memref<!tpu.dma_semaphore, #tpu.memory_space<semaphore_mem>>)
        %dma_wait3A_246 = arith.constant 0 : i32
        %dma_wait3A_247 = tpu.memref_slice %arg4[%add3A_48, %dma_wait3A_246] : memref<2560x128xi32, #tpu.memory_space<hbm>> -> memref<8x128xi32, #tpu.memory_space<hbm>>
        %dma_wait3A_248 = arith.constant 0 : i32
        %dma_wait3A_249 = tpu.memref_slice %arg4[%add3A_48, %dma_wait3A_248] : memref<2560x128xi32, #tpu.memory_space<hbm>> -> memref<8x128xi32, #tpu.memory_space<hbm>>
        tpu.wait_dma2 semaphore(%run_scoped3A : memref<!tpu.dma_semaphore, #tpu.memory_space<semaphore_mem>>) src(%dma_wait3A_249 : memref<8x128xi32, #tpu.memory_space<hbm>>) dst(%arg8 : memref<8x128xi32, #tpu.memory_space<vmem>>)
        tpu.yield
      }) : () -> ()
      %dma_start3A = arith.constant 0 : i32
      %dma_start3A_51 = tpu.memref_slice %arg7[%dma_start3A] : memref<1024xi32, #tpu.memory_space<vmem>> -> memref<128xi32, #tpu.memory_space<vmem>>
      %dma_start3A_52 = arith.constant 0 : i32
      %dma_start3A_53 = arith.constant 0 : i32
      %dma_start3A_54 = tpu.memref_slice %arg2[%dma_start3A_52, %dma_start3A_53] : memref<10000x128xf32, #tpu.memory_space<hbm>> -> memref<10000x128xf32, #tpu.memory_space<hbm>>
      tpu.enqueue_indirect_dma source(%dma_start3A_54 : memref<10000x128xf32, #tpu.memory_space<hbm>>) target(%arg9 : memref<128x128xf32, #tpu.memory_space<vmem>>) offsets(%dma_start3A_51 : memref<128xi32, #tpu.memory_space<vmem>>) semaphore(%arg11 : memref<!tpu.dma_semaphore, #tpu.memory_space<semaphore_mem>>)
      %dma_start3A_55 = arith.constant 128 : i32
      %dma_start3A_56 = tpu.memref_slice %arg7[%dma_start3A_55] : memref<1024xi32, #tpu.memory_space<vmem>> -> memref<128xi32, #tpu.memory_space<vmem>>
      %dma_start3A_57 = arith.constant 0 : i32
      %dma_start3A_58 = arith.constant 0 : i32
      %dma_start3A_59 = tpu.memref_slice %arg2[%dma_start3A_57, %dma_start3A_58] : memref<10000x128xf32, #tpu.memory_space<hbm>> -> memref<10000x128xf32, #tpu.memory_space<hbm>>
      tpu.enqueue_indirect_dma source(%dma_start3A_59 : memref<10000x128xf32, #tpu.memory_space<hbm>>) target(%arg10 : memref<128x128xf32, #tpu.memory_space<vmem>>) offsets(%dma_start3A_56 : memref<128xi32, #tpu.memory_space<vmem>>) semaphore(%arg11 : memref<!tpu.dma_semaphore, #tpu.memory_space<semaphore_mem>>)
      %dma_wait3A = arith.constant 0 : i32
      %dma_wait3A_60 = tpu.memref_slice %arg7[%dma_wait3A] : memref<1024xi32, #tpu.memory_space<vmem>> -> memref<128xi32, #tpu.memory_space<vmem>>
      %dma_wait3A_61 = arith.constant 0 : i32
      %dma_wait3A_62 = arith.constant 0 : i32
      %dma_wait3A_63 = tpu.memref_slice %arg2[%dma_wait3A_61, %dma_wait3A_62] : memref<10000x128xf32, #tpu.memory_space<hbm>> -> memref<10000x128xf32, #tpu.memory_space<hbm>>
      tpu.wait_indirect_dma semaphore(%arg11 : memref<!tpu.dma_semaphore, #tpu.memory_space<semaphore_mem>>) src(%dma_wait3A_63 : memref<10000x128xf32, #tpu.memory_space<hbm>>) dst(%arg9 : memref<128x128xf32, #tpu.memory_space<vmem>>)
      %dma_start3A_64 = arith.constant 0 : i32
      %dma_start3A_65 = arith.constant 0 : i32
      %dma_start3A_66 = tpu.memref_slice %arg8[%dma_start3A_64, %dma_start3A_65] : memref<8x128xi32, #tpu.memory_space<vmem>> -> memref<1x128xi32, #tpu.memory_space<vmem>>
      %dma_start3A_67 = tpu.memref_squeeze %dma_start3A_66 : memref<1x128xi32, #tpu.memory_space<vmem>> -> memref<128xi32, #tpu.memory_space<vmem>>
      %dma_start3A_68 = arith.constant 0 : i32
      %dma_start3A_69 = arith.constant 0 : i32
      %dma_start3A_70 = tpu.memref_slice %arg6[%dma_start3A_68, %dma_start3A_69] : memref<10112x128xf32, #tpu.memory_space<vmem_shared>> -> memref<10112x128xf32, #tpu.memory_space<vmem_shared>>
      tpu.enqueue_indirect_dma source(%arg9 : memref<128x128xf32, #tpu.memory_space<vmem>>) target(%dma_start3A_70 : memref<10112x128xf32, #tpu.memory_space<vmem_shared>>) offsets(%dma_start3A_67 : memref<128xi32, #tpu.memory_space<vmem>>) semaphore(%arg12 : memref<!tpu.dma_semaphore, #tpu.memory_space<semaphore_mem>>) {add = true}
      %dma_wait3A_71 = arith.constant 0 : i32
      %dma_wait3A_72 = arith.constant 0 : i32
      %dma_wait3A_73 = tpu.memref_slice %arg8[%dma_wait3A_71, %dma_wait3A_72] : memref<8x128xi32, #tpu.memory_space<vmem>> -> memref<1x128xi32, #tpu.memory_space<vmem>>
      %dma_wait3A_74 = tpu.memref_squeeze %dma_wait3A_73 : memref<1x128xi32, #tpu.memory_space<vmem>> -> memref<128xi32, #tpu.memory_space<vmem>>
      %dma_wait3A_75 = arith.constant 0 : i32
      %dma_wait3A_76 = arith.constant 0 : i32
      %dma_wait3A_77 = tpu.memref_slice %arg6[%dma_wait3A_75, %dma_wait3A_76] : memref<10112x128xf32, #tpu.memory_space<vmem_shared>> -> memref<10112x128xf32, #tpu.memory_space<vmem_shared>>
      tpu.wait_indirect_dma semaphore(%arg12 : memref<!tpu.dma_semaphore, #tpu.memory_space<semaphore_mem>>) src(%arg9 : memref<128x128xf32, #tpu.memory_space<vmem>>) dst(%dma_wait3A_77 : memref<10112x128xf32, #tpu.memory_space<vmem_shared>>)
      %dma_start3A_78 = arith.constant 256 : i32
      %dma_start3A_79 = tpu.memref_slice %arg7[%dma_start3A_78] : memref<1024xi32, #tpu.memory_space<vmem>> -> memref<128xi32, #tpu.memory_space<vmem>>
      %dma_start3A_80 = arith.constant 0 : i32
      %dma_start3A_81 = arith.constant 0 : i32
      %dma_start3A_82 = tpu.memref_slice %arg2[%dma_start3A_80, %dma_start3A_81] : memref<10000x128xf32, #tpu.memory_space<hbm>> -> memref<10000x128xf32, #tpu.memory_space<hbm>>
      tpu.enqueue_indirect_dma source(%dma_start3A_82 : memref<10000x128xf32, #tpu.memory_space<hbm>>) target(%arg9 : memref<128x128xf32, #tpu.memory_space<vmem>>) offsets(%dma_start3A_79 : memref<128xi32, #tpu.memory_space<vmem>>) semaphore(%arg11 : memref<!tpu.dma_semaphore, #tpu.memory_space<semaphore_mem>>)
      %dma_wait3A_83 = arith.constant 128 : i32
      %dma_wait3A_84 = tpu.memref_slice %arg7[%dma_wait3A_83] : memref<1024xi32, #tpu.memory_space<vmem>> -> memref<128xi32, #tpu.memory_space<vmem>>
      %dma_wait3A_85 = arith.constant 0 : i32
      %dma_wait3A_86 = arith.constant 0 : i32
      %dma_wait3A_87 = tpu.memref_slice %arg2[%dma_wait3A_85, %dma_wait3A_86] : memref<10000x128xf32, #tpu.memory_space<hbm>> -> memref<10000x128xf32, #tpu.memory_space<hbm>>
      tpu.wait_indirect_dma semaphore(%arg11 : memref<!tpu.dma_semaphore, #tpu.memory_space<semaphore_mem>>) src(%dma_wait3A_87 : memref<10000x128xf32, #tpu.memory_space<hbm>>) dst(%arg10 : memref<128x128xf32, #tpu.memory_space<vmem>>)
      %dma_start3A_88 = arith.constant 1 : i32
      %dma_start3A_89 = arith.constant 0 : i32
      %dma_start3A_90 = tpu.memref_slice %arg8[%dma_start3A_88, %dma_start3A_89] : memref<8x128xi32, #tpu.memory_space<vmem>> -> memref<1x128xi32, #tpu.memory_space<vmem>>
      %dma_start3A_91 = tpu.memref_squeeze %dma_start3A_90 : memref<1x128xi32, #tpu.memory_space<vmem>> -> memref<128xi32, #tpu.memory_space<vmem>>
      %dma_start3A_92 = arith.constant 0 : i32
      %dma_start3A_93 = arith.constant 0 : i32
      %dma_start3A_94 = tpu.memref_slice %arg6[%dma_start3A_92, %dma_start3A_93] : memref<10112x128xf32, #tpu.memory_space<vmem_shared>> -> memref<10112x128xf32, #tpu.memory_space<vmem_shared>>
      tpu.enqueue_indirect_dma source(%arg10 : memref<128x128xf32, #tpu.memory_space<vmem>>) target(%dma_start3A_94 : memref<10112x128xf32, #tpu.memory_space<vmem_shared>>) offsets(%dma_start3A_91 : memref<128xi32, #tpu.memory_space<vmem>>) semaphore(%arg12 : memref<!tpu.dma_semaphore, #tpu.memory_space<semaphore_mem>>) {add = true}
      %dma_wait3A_95 = arith.constant 1 : i32
      %dma_wait3A_96 = arith.constant 0 : i32
      %dma_wait3A_97 = tpu.memref_slice %arg8[%dma_wait3A_95, %dma_wait3A_96] : memref<8x128xi32, #tpu.memory_space<vmem>> -> memref<1x128xi32, #tpu.memory_space<vmem>>
      %dma_wait3A_98 = tpu.memref_squeeze %dma_wait3A_97 : memref<1x128xi32, #tpu.memory_space<vmem>> -> memref<128xi32, #tpu.memory_space<vmem>>
      %dma_wait3A_99 = arith.constant 0 : i32
      %dma_wait3A_100 = arith.constant 0 : i32
      %dma_wait3A_101 = tpu.memref_slice %arg6[%dma_wait3A_99, %dma_wait3A_100] : memref<10112x128xf32, #tpu.memory_space<vmem_shared>> -> memref<10112x128xf32, #tpu.memory_space<vmem_shared>>
      tpu.wait_indirect_dma semaphore(%arg12 : memref<!tpu.dma_semaphore, #tpu.memory_space<semaphore_mem>>) src(%arg10 : memref<128x128xf32, #tpu.memory_space<vmem>>) dst(%dma_wait3A_101 : memref<10112x128xf32, #tpu.memory_space<vmem_shared>>)
      %dma_start3A_102 = arith.constant 384 : i32
      %dma_start3A_103 = tpu.memref_slice %arg7[%dma_start3A_102] : memref<1024xi32, #tpu.memory_space<vmem>> -> memref<128xi32, #tpu.memory_space<vmem>>
      %dma_start3A_104 = arith.constant 0 : i32
      %dma_start3A_105 = arith.constant 0 : i32
      %dma_start3A_106 = tpu.memref_slice %arg2[%dma_start3A_104, %dma_start3A_105] : memref<10000x128xf32, #tpu.memory_space<hbm>> -> memref<10000x128xf32, #tpu.memory_space<hbm>>
      tpu.enqueue_indirect_dma source(%dma_start3A_106 : memref<10000x128xf32, #tpu.memory_space<hbm>>) target(%arg10 : memref<128x128xf32, #tpu.memory_space<vmem>>) offsets(%dma_start3A_103 : memref<128xi32, #tpu.memory_space<vmem>>) semaphore(%arg11 : memref<!tpu.dma_semaphore, #tpu.memory_space<semaphore_mem>>)
      %dma_wait3A_107 = arith.constant 256 : i32
      %dma_wait3A_108 = tpu.memref_slice %arg7[%dma_wait3A_107] : memref<1024xi32, #tpu.memory_space<vmem>> -> memref<128xi32, #tpu.memory_space<vmem>>
      %dma_wait3A_109 = arith.constant 0 : i32
      %dma_wait3A_110 = arith.constant 0 : i32
      %dma_wait3A_111 = tpu.memref_slice %arg2[%dma_wait3A_109, %dma_wait3A_110] : memref<10000x128xf32, #tpu.memory_space<hbm>> -> memref<10000x128xf32, #tpu.memory_space<hbm>>
      tpu.wait_indirect_dma semaphore(%arg11 : memref<!tpu.dma_semaphore, #tpu.memory_space<semaphore_mem>>) src(%dma_wait3A_111 : memref<10000x128xf32, #tpu.memory_space<hbm>>) dst(%arg9 : memref<128x128xf32, #tpu.memory_space<vmem>>)
      %dma_start3A_112 = arith.constant 2 : i32
      %dma_start3A_113 = arith.constant 0 : i32
      %dma_start3A_114 = tpu.memref_slice %arg8[%dma_start3A_112, %dma_start3A_113] : memref<8x128xi32, #tpu.memory_space<vmem>> -> memref<1x128xi32, #tpu.memory_space<vmem>>
      %dma_start3A_115 = tpu.memref_squeeze %dma_start3A_114 : memref<1x128xi32, #tpu.memory_space<vmem>> -> memref<128xi32, #tpu.memory_space<vmem>>
      %dma_start3A_116 = arith.constant 0 : i32
      %dma_start3A_117 = arith.constant 0 : i32
      %dma_start3A_118 = tpu.memref_slice %arg6[%dma_start3A_116, %dma_start3A_117] : memref<10112x128xf32, #tpu.memory_space<vmem_shared>> -> memref<10112x128xf32, #tpu.memory_space<vmem_shared>>
      tpu.enqueue_indirect_dma source(%arg9 : memref<128x128xf32, #tpu.memory_space<vmem>>) target(%dma_start3A_118 : memref<10112x128xf32, #tpu.memory_space<vmem_shared>>) offsets(%dma_start3A_115 : memref<128xi32, #tpu.memory_space<vmem>>) semaphore(%arg12 : memref<!tpu.dma_semaphore, #tpu.memory_space<semaphore_mem>>) {add = true}
      %dma_wait3A_119 = arith.constant 2 : i32
      %dma_wait3A_120 = arith.constant 0 : i32
      %dma_wait3A_121 = tpu.memref_slice %arg8[%dma_wait3A_119, %dma_wait3A_120] : memref<8x128xi32, #tpu.memory_space<vmem>> -> memref<1x128xi32, #tpu.memory_space<vmem>>
      %dma_wait3A_122 = tpu.memref_squeeze %dma_wait3A_121 : memref<1x128xi32, #tpu.memory_space<vmem>> -> memref<128xi32, #tpu.memory_space<vmem>>
      %dma_wait3A_123 = arith.constant 0 : i32
      %dma_wait3A_124 = arith.constant 0 : i32
      %dma_wait3A_125 = tpu.memref_slice %arg6[%dma_wait3A_123, %dma_wait3A_124] : memref<10112x128xf32, #tpu.memory_space<vmem_shared>> -> memref<10112x128xf32, #tpu.memory_space<vmem_shared>>
      tpu.wait_indirect_dma semaphore(%arg12 : memref<!tpu.dma_semaphore, #tpu.memory_space<semaphore_mem>>) src(%arg9 : memref<128x128xf32, #tpu.memory_space<vmem>>) dst(%dma_wait3A_125 : memref<10112x128xf32, #tpu.memory_space<vmem_shared>>)
      %dma_start3A_126 = arith.constant 512 : i32
      %dma_start3A_127 = tpu.memref_slice %arg7[%dma_start3A_126] : memref<1024xi32, #tpu.memory_space<vmem>> -> memref<128xi32, #tpu.memory_space<vmem>>
      %dma_start3A_128 = arith.constant 0 : i32
      %dma_start3A_129 = arith.constant 0 : i32
      %dma_start3A_130 = tpu.memref_slice %arg2[%dma_start3A_128, %dma_start3A_129] : memref<10000x128xf32, #tpu.memory_space<hbm>> -> memref<10000x128xf32, #tpu.memory_space<hbm>>
      tpu.enqueue_indirect_dma source(%dma_start3A_130 : memref<10000x128xf32, #tpu.memory_space<hbm>>) target(%arg9 : memref<128x128xf32, #tpu.memory_space<vmem>>) offsets(%dma_start3A_127 : memref<128xi32, #tpu.memory_space<vmem>>) semaphore(%arg11 : memref<!tpu.dma_semaphore, #tpu.memory_space<semaphore_mem>>)
      %dma_wait3A_131 = arith.constant 384 : i32
      %dma_wait3A_132 = tpu.memref_slice %arg7[%dma_wait3A_131] : memref<1024xi32, #tpu.memory_space<vmem>> -> memref<128xi32, #tpu.memory_space<vmem>>
      %dma_wait3A_133 = arith.constant 0 : i32
      %dma_wait3A_134 = arith.constant 0 : i32
      %dma_wait3A_135 = tpu.memref_slice %arg2[%dma_wait3A_133, %dma_wait3A_134] : memref<10000x128xf32, #tpu.memory_space<hbm>> -> memref<10000x128xf32, #tpu.memory_space<hbm>>
      tpu.wait_indirect_dma semaphore(%arg11 : memref<!tpu.dma_semaphore, #tpu.memory_space<semaphore_mem>>) src(%dma_wait3A_135 : memref<10000x128xf32, #tpu.memory_space<hbm>>) dst(%arg10 : memref<128x128xf32, #tpu.memory_space<vmem>>)
      %dma_start3A_136 = arith.constant 3 : i32
      %dma_start3A_137 = arith.constant 0 : i32
      %dma_start3A_138 = tpu.memref_slice %arg8[%dma_start3A_136, %dma_start3A_137] : memref<8x128xi32, #tpu.memory_space<vmem>> -> memref<1x128xi32, #tpu.memory_space<vmem>>
      %dma_start3A_139 = tpu.memref_squeeze %dma_start3A_138 : memref<1x128xi32, #tpu.memory_space<vmem>> -> memref<128xi32, #tpu.memory_space<vmem>>
      %dma_start3A_140 = arith.constant 0 : i32
      %dma_start3A_141 = arith.constant 0 : i32
      %dma_start3A_142 = tpu.memref_slice %arg6[%dma_start3A_140, %dma_start3A_141] : memref<10112x128xf32, #tpu.memory_space<vmem_shared>> -> memref<10112x128xf32, #tpu.memory_space<vmem_shared>>
      tpu.enqueue_indirect_dma source(%arg10 : memref<128x128xf32, #tpu.memory_space<vmem>>) target(%dma_start3A_142 : memref<10112x128xf32, #tpu.memory_space<vmem_shared>>) offsets(%dma_start3A_139 : memref<128xi32, #tpu.memory_space<vmem>>) semaphore(%arg12 : memref<!tpu.dma_semaphore, #tpu.memory_space<semaphore_mem>>) {add = true}
      %dma_wait3A_143 = arith.constant 3 : i32
      %dma_wait3A_144 = arith.constant 0 : i32
      %dma_wait3A_145 = tpu.memref_slice %arg8[%dma_wait3A_143, %dma_wait3A_144] : memref<8x128xi32, #tpu.memory_space<vmem>> -> memref<1x128xi32, #tpu.memory_space<vmem>>
      %dma_wait3A_146 = tpu.memref_squeeze %dma_wait3A_145 : memref<1x128xi32, #tpu.memory_space<vmem>> -> memref<128xi32, #tpu.memory_space<vmem>>
      %dma_wait3A_147 = arith.constant 0 : i32
      %dma_wait3A_148 = arith.constant 0 : i32
      %dma_wait3A_149 = tpu.memref_slice %arg6[%dma_wait3A_147, %dma_wait3A_148] : memref<10112x128xf32, #tpu.memory_space<vmem_shared>> -> memref<10112x128xf32, #tpu.memory_space<vmem_shared>>
      tpu.wait_indirect_dma semaphore(%arg12 : memref<!tpu.dma_semaphore, #tpu.memory_space<semaphore_mem>>) src(%arg10 : memref<128x128xf32, #tpu.memory_space<vmem>>) dst(%dma_wait3A_149 : memref<10112x128xf32, #tpu.memory_space<vmem_shared>>)
      %dma_start3A_150 = arith.constant 640 : i32
      %dma_start3A_151 = tpu.memref_slice %arg7[%dma_start3A_150] : memref<1024xi32, #tpu.memory_space<vmem>> -> memref<128xi32, #tpu.memory_space<vmem>>
      %dma_start3A_152 = arith.constant 0 : i32
      %dma_start3A_153 = arith.constant 0 : i32
      %dma_start3A_154 = tpu.memref_slice %arg2[%dma_start3A_152, %dma_start3A_153] : memref<10000x128xf32, #tpu.memory_space<hbm>> -> memref<10000x128xf32, #tpu.memory_space<hbm>>
      tpu.enqueue_indirect_dma source(%dma_start3A_154 : memref<10000x128xf32, #tpu.memory_space<hbm>>) target(%arg10 : memref<128x128xf32, #tpu.memory_space<vmem>>) offsets(%dma_start3A_151 : memref<128xi32, #tpu.memory_space<vmem>>) semaphore(%arg11 : memref<!tpu.dma_semaphore, #tpu.memory_space<semaphore_mem>>)
      %dma_wait3A_155 = arith.constant 512 : i32
      %dma_wait3A_156 = tpu.memref_slice %arg7[%dma_wait3A_155] : memref<1024xi32, #tpu.memory_space<vmem>> -> memref<128xi32, #tpu.memory_space<vmem>>
      %dma_wait3A_157 = arith.constant 0 : i32
      %dma_wait3A_158 = arith.constant 0 : i32
      %dma_wait3A_159 = tpu.memref_slice %arg2[%dma_wait3A_157, %dma_wait3A_158] : memref<10000x128xf32, #tpu.memory_space<hbm>> -> memref<10000x128xf32, #tpu.memory_space<hbm>>
      tpu.wait_indirect_dma semaphore(%arg11 : memref<!tpu.dma_semaphore, #tpu.memory_space<semaphore_mem>>) src(%dma_wait3A_159 : memref<10000x128xf32, #tpu.memory_space<hbm>>) dst(%arg9 : memref<128x128xf32, #tpu.memory_space<vmem>>)
      %dma_start3A_160 = arith.constant 4 : i32
      %dma_start3A_161 = arith.constant 0 : i32
      %dma_start3A_162 = tpu.memref_slice %arg8[%dma_start3A_160, %dma_start3A_161] : memref<8x128xi32, #tpu.memory_space<vmem>> -> memref<1x128xi32, #tpu.memory_space<vmem>>
      %dma_start3A_163 = tpu.memref_squeeze %dma_start3A_162 : memref<1x128xi32, #tpu.memory_space<vmem>> -> memref<128xi32, #tpu.memory_space<vmem>>
      %dma_start3A_164 = arith.constant 0 : i32
      %dma_start3A_165 = arith.constant 0 : i32
      %dma_start3A_166 = tpu.memref_slice %arg6[%dma_start3A_164, %dma_start3A_165] : memref<10112x128xf32, #tpu.memory_space<vmem_shared>> -> memref<10112x128xf32, #tpu.memory_space<vmem_shared>>
      tpu.enqueue_indirect_dma source(%arg9 : memref<128x128xf32, #tpu.memory_space<vmem>>) target(%dma_start3A_166 : memref<10112x128xf32, #tpu.memory_space<vmem_shared>>) offsets(%dma_start3A_163 : memref<128xi32, #tpu.memory_space<vmem>>) semaphore(%arg12 : memref<!tpu.dma_semaphore, #tpu.memory_space<semaphore_mem>>) {add = true}
      %dma_wait3A_167 = arith.constant 4 : i32
      %dma_wait3A_168 = arith.constant 0 : i32
      %dma_wait3A_169 = tpu.memref_slice %arg8[%dma_wait3A_167, %dma_wait3A_168] : memref<8x128xi32, #tpu.memory_space<vmem>> -> memref<1x128xi32, #tpu.memory_space<vmem>>
      %dma_wait3A_170 = tpu.memref_squeeze %dma_wait3A_169 : memref<1x128xi32, #tpu.memory_space<vmem>> -> memref<128xi32, #tpu.memory_space<vmem>>
      %dma_wait3A_171 = arith.constant 0 : i32
      %dma_wait3A_172 = arith.constant 0 : i32
      %dma_wait3A_173 = tpu.memref_slice %arg6[%dma_wait3A_171, %dma_wait3A_172] : memref<10112x128xf32, #tpu.memory_space<vmem_shared>> -> memref<10112x128xf32, #tpu.memory_space<vmem_shared>>
      tpu.wait_indirect_dma semaphore(%arg12 : memref<!tpu.dma_semaphore, #tpu.memory_space<semaphore_mem>>) src(%arg9 : memref<128x128xf32, #tpu.memory_space<vmem>>) dst(%dma_wait3A_173 : memref<10112x128xf32, #tpu.memory_space<vmem_shared>>)
      %dma_start3A_174 = arith.constant 768 : i32
      %dma_start3A_175 = tpu.memref_slice %arg7[%dma_start3A_174] : memref<1024xi32, #tpu.memory_space<vmem>> -> memref<128xi32, #tpu.memory_space<vmem>>
      %dma_start3A_176 = arith.constant 0 : i32
      %dma_start3A_177 = arith.constant 0 : i32
      %dma_start3A_178 = tpu.memref_slice %arg2[%dma_start3A_176, %dma_start3A_177] : memref<10000x128xf32, #tpu.memory_space<hbm>> -> memref<10000x128xf32, #tpu.memory_space<hbm>>
      tpu.enqueue_indirect_dma source(%dma_start3A_178 : memref<10000x128xf32, #tpu.memory_space<hbm>>) target(%arg9 : memref<128x128xf32, #tpu.memory_space<vmem>>) offsets(%dma_start3A_175 : memref<128xi32, #tpu.memory_space<vmem>>) semaphore(%arg11 : memref<!tpu.dma_semaphore, #tpu.memory_space<semaphore_mem>>)
      %dma_wait3A_179 = arith.constant 640 : i32
      %dma_wait3A_180 = tpu.memref_slice %arg7[%dma_wait3A_179] : memref<1024xi32, #tpu.memory_space<vmem>> -> memref<128xi32, #tpu.memory_space<vmem>>
      %dma_wait3A_181 = arith.constant 0 : i32
      %dma_wait3A_182 = arith.constant 0 : i32
      %dma_wait3A_183 = tpu.memref_slice %arg2[%dma_wait3A_181, %dma_wait3A_182] : memref<10000x128xf32, #tpu.memory_space<hbm>> -> memref<10000x128xf32, #tpu.memory_space<hbm>>
      tpu.wait_indirect_dma semaphore(%arg11 : memref<!tpu.dma_semaphore, #tpu.memory_space<semaphore_mem>>) src(%dma_wait3A_183 : memref<10000x128xf32, #tpu.memory_space<hbm>>) dst(%arg10 : memref<128x128xf32, #tpu.memory_space<vmem>>)
      %dma_start3A_184 = arith.constant 5 : i32
      %dma_start3A_185 = arith.constant 0 : i32
      %dma_start3A_186 = tpu.memref_slice %arg8[%dma_start3A_184, %dma_start3A_185] : memref<8x128xi32, #tpu.memory_space<vmem>> -> memref<1x128xi32, #tpu.memory_space<vmem>>
      %dma_start3A_187 = tpu.memref_squeeze %dma_start3A_186 : memref<1x128xi32, #tpu.memory_space<vmem>> -> memref<128xi32, #tpu.memory_space<vmem>>
      %dma_start3A_188 = arith.constant 0 : i32
      %dma_start3A_189 = arith.constant 0 : i32
      %dma_start3A_190 = tpu.memref_slice %arg6[%dma_start3A_188, %dma_start3A_189] : memref<10112x128xf32, #tpu.memory_space<vmem_shared>> -> memref<10112x128xf32, #tpu.memory_space<vmem_shared>>
      tpu.enqueue_indirect_dma source(%arg10 : memref<128x128xf32, #tpu.memory_space<vmem>>) target(%dma_start3A_190 : memref<10112x128xf32, #tpu.memory_space<vmem_shared>>) offsets(%dma_start3A_187 : memref<128xi32, #tpu.memory_space<vmem>>) semaphore(%arg12 : memref<!tpu.dma_semaphore, #tpu.memory_space<semaphore_mem>>) {add = true}
      %dma_wait3A_191 = arith.constant 5 : i32
      %dma_wait3A_192 = arith.constant 0 : i32
      %dma_wait3A_193 = tpu.memref_slice %arg8[%dma_wait3A_191, %dma_wait3A_192] : memref<8x128xi32, #tpu.memory_space<vmem>> -> memref<1x128xi32, #tpu.memory_space<vmem>>
      %dma_wait3A_194 = tpu.memref_squeeze %dma_wait3A_193 : memref<1x128xi32, #tpu.memory_space<vmem>> -> memref<128xi32, #tpu.memory_space<vmem>>
      %dma_wait3A_195 = arith.constant 0 : i32
      %dma_wait3A_196 = arith.constant 0 : i32
      %dma_wait3A_197 = tpu.memref_slice %arg6[%dma_wait3A_195, %dma_wait3A_196] : memref<10112x128xf32, #tpu.memory_space<vmem_shared>> -> memref<10112x128xf32, #tpu.memory_space<vmem_shared>>
      tpu.wait_indirect_dma semaphore(%arg12 : memref<!tpu.dma_semaphore, #tpu.memory_space<semaphore_mem>>) src(%arg10 : memref<128x128xf32, #tpu.memory_space<vmem>>) dst(%dma_wait3A_197 : memref<10112x128xf32, #tpu.memory_space<vmem_shared>>)
      %dma_start3A_198 = arith.constant 896 : i32
      %dma_start3A_199 = tpu.memref_slice %arg7[%dma_start3A_198] : memref<1024xi32, #tpu.memory_space<vmem>> -> memref<128xi32, #tpu.memory_space<vmem>>
      %dma_start3A_200 = arith.constant 0 : i32
      %dma_start3A_201 = arith.constant 0 : i32
      %dma_start3A_202 = tpu.memref_slice %arg2[%dma_start3A_200, %dma_start3A_201] : memref<10000x128xf32, #tpu.memory_space<hbm>> -> memref<10000x128xf32, #tpu.memory_space<hbm>>
      tpu.enqueue_indirect_dma source(%dma_start3A_202 : memref<10000x128xf32, #tpu.memory_space<hbm>>) target(%arg10 : memref<128x128xf32, #tpu.memory_space<vmem>>) offsets(%dma_start3A_199 : memref<128xi32, #tpu.memory_space<vmem>>) semaphore(%arg11 : memref<!tpu.dma_semaphore, #tpu.memory_space<semaphore_mem>>)
      %dma_wait3A_203 = arith.constant 768 : i32
      %dma_wait3A_204 = tpu.memref_slice %arg7[%dma_wait3A_203] : memref<1024xi32, #tpu.memory_space<vmem>> -> memref<128xi32, #tpu.memory_space<vmem>>
      %dma_wait3A_205 = arith.constant 0 : i32
      %dma_wait3A_206 = arith.constant 0 : i32
      %dma_wait3A_207 = tpu.memref_slice %arg2[%dma_wait3A_205, %dma_wait3A_206] : memref<10000x128xf32, #tpu.memory_space<hbm>> -> memref<10000x128xf32, #tpu.memory_space<hbm>>
      tpu.wait_indirect_dma semaphore(%arg11 : memref<!tpu.dma_semaphore, #tpu.memory_space<semaphore_mem>>) src(%dma_wait3A_207 : memref<10000x128xf32, #tpu.memory_space<hbm>>) dst(%arg9 : memref<128x128xf32, #tpu.memory_space<vmem>>)
      %dma_start3A_208 = arith.constant 6 : i32
      %dma_start3A_209 = arith.constant 0 : i32
      %dma_start3A_210 = tpu.memref_slice %arg8[%dma_start3A_208, %dma_start3A_209] : memref<8x128xi32, #tpu.memory_space<vmem>> -> memref<1x128xi32, #tpu.memory_space<vmem>>
      %dma_start3A_211 = tpu.memref_squeeze %dma_start3A_210 : memref<1x128xi32, #tpu.memory_space<vmem>> -> memref<128xi32, #tpu.memory_space<vmem>>
      %dma_start3A_212 = arith.constant 0 : i32
      %dma_start3A_213 = arith.constant 0 : i32
      %dma_start3A_214 = tpu.memref_slice %arg6[%dma_start3A_212, %dma_start3A_213] : memref<10112x128xf32, #tpu.memory_space<vmem_shared>> -> memref<10112x128xf32, #tpu.memory_space<vmem_shared>>
      tpu.enqueue_indirect_dma source(%arg9 : memref<128x128xf32, #tpu.memory_space<vmem>>) target(%dma_start3A_214 : memref<10112x128xf32, #tpu.memory_space<vmem_shared>>) offsets(%dma_start3A_211 : memref<128xi32, #tpu.memory_space<vmem>>) semaphore(%arg12 : memref<!tpu.dma_semaphore, #tpu.memory_space<semaphore_mem>>) {add = true}
      %dma_wait3A_215 = arith.constant 896 : i32
      %dma_wait3A_216 = tpu.memref_slice %arg7[%dma_wait3A_215] : memref<1024xi32, #tpu.memory_space<vmem>> -> memref<128xi32, #tpu.memory_space<vmem>>
      %dma_wait3A_217 = arith.constant 0 : i32
      %dma_wait3A_218 = arith.constant 0 : i32
      %dma_wait3A_219 = tpu.memref_slice %arg2[%dma_wait3A_217, %dma_wait3A_218] : memref<10000x128xf32, #tpu.memory_space<hbm>> -> memref<10000x128xf32, #tpu.memory_space<hbm>>
      tpu.wait_indirect_dma semaphore(%arg11 : memref<!tpu.dma_semaphore, #tpu.memory_space<semaphore_mem>>) src(%dma_wait3A_219 : memref<10000x128xf32, #tpu.memory_space<hbm>>) dst(%arg10 : memref<128x128xf32, #tpu.memory_space<vmem>>)
      %dma_start3A_220 = arith.constant 7 : i32
      %dma_start3A_221 = arith.constant 0 : i32
      %dma_start3A_222 = tpu.memref_slice %arg8[%dma_start3A_220, %dma_start3A_221] : memref<8x128xi32, #tpu.memory_space<vmem>> -> memref<1x128xi32, #tpu.memory_space<vmem>>
      %dma_start3A_223 = tpu.memref_squeeze %dma_start3A_222 : memref<1x128xi32, #tpu.memory_space<vmem>> -> memref<128xi32, #tpu.memory_space<vmem>>
      %dma_start3A_224 = arith.constant 0 : i32
      %dma_start3A_225 = arith.constant 0 : i32
      %dma_start3A_226 = tpu.memref_slice %arg6[%dma_start3A_224, %dma_start3A_225] : memref<10112x128xf32, #tpu.memory_space<vmem_shared>> -> memref<10112x128xf32, #tpu.memory_space<vmem_shared>>
      tpu.enqueue_indirect_dma source(%arg10 : memref<128x128xf32, #tpu.memory_space<vmem>>) target(%dma_start3A_226 : memref<10112x128xf32, #tpu.memory_space<vmem_shared>>) offsets(%dma_start3A_223 : memref<128xi32, #tpu.memory_space<vmem>>) semaphore(%arg12 : memref<!tpu.dma_semaphore, #tpu.memory_space<semaphore_mem>>) {add = true}
      %dma_wait3A_227 = arith.constant 6 : i32
      %dma_wait3A_228 = arith.constant 0 : i32
      %dma_wait3A_229 = tpu.memref_slice %arg8[%dma_wait3A_227, %dma_wait3A_228] : memref<8x128xi32, #tpu.memory_space<vmem>> -> memref<1x128xi32, #tpu.memory_space<vmem>>
      %dma_wait3A_230 = tpu.memref_squeeze %dma_wait3A_229 : memref<1x128xi32, #tpu.memory_space<vmem>> -> memref<128xi32, #tpu.memory_space<vmem>>
      %dma_wait3A_231 = arith.constant 0 : i32
      %dma_wait3A_232 = arith.constant 0 : i32
      %dma_wait3A_233 = tpu.memref_slice %arg6[%dma_wait3A_231, %dma_wait3A_232] : memref<10112x128xf32, #tpu.memory_space<vmem_shared>> -> memref<10112x128xf32, #tpu.memory_space<vmem_shared>>
      tpu.wait_indirect_dma semaphore(%arg12 : memref<!tpu.dma_semaphore, #tpu.memory_space<semaphore_mem>>) src(%arg9 : memref<128x128xf32, #tpu.memory_space<vmem>>) dst(%dma_wait3A_233 : memref<10112x128xf32, #tpu.memory_space<vmem_shared>>)
      %dma_wait3A_234 = arith.constant 7 : i32
      %dma_wait3A_235 = arith.constant 0 : i32
      %dma_wait3A_236 = tpu.memref_slice %arg8[%dma_wait3A_234, %dma_wait3A_235] : memref<8x128xi32, #tpu.memory_space<vmem>> -> memref<1x128xi32, #tpu.memory_space<vmem>>
      %dma_wait3A_237 = tpu.memref_squeeze %dma_wait3A_236 : memref<1x128xi32, #tpu.memory_space<vmem>> -> memref<128xi32, #tpu.memory_space<vmem>>
      %dma_wait3A_238 = arith.constant 0 : i32
      %dma_wait3A_239 = arith.constant 0 : i32
      %dma_wait3A_240 = tpu.memref_slice %arg6[%dma_wait3A_238, %dma_wait3A_239] : memref<10112x128xf32, #tpu.memory_space<vmem_shared>> -> memref<10112x128xf32, #tpu.memory_space<vmem_shared>>
      tpu.wait_indirect_dma semaphore(%arg12 : memref<!tpu.dma_semaphore, #tpu.memory_space<semaphore_mem>>) src(%arg10 : memref<128x128xf32, #tpu.memory_space<vmem>>) dst(%dma_wait3A_240 : memref<10112x128xf32, #tpu.memory_space<vmem_shared>>)
      %while3A_241 = arith.constant 0 : i32
      scf.yield %while3A_241 : i32
    }
    %barrier3A_39 = arith.constant 0 : index
    tpu.barrier barrier_id(%barrier3A_39)
    %mul3A_40 = arith.constant 632 : i32
    %mul3A_41 = arith.muli %arg1, %mul3A_40 : i32
    %mul3A_42 = arith.constant 632 : i32
    %mul3A_43 = arith.muli %arg1, %mul3A_42 : i32
    "tpu.region"() ({
      %run_scoped3A = tpu.sem_alloc : memref<!tpu.dma_semaphore, #tpu.memory_space<semaphore_mem>>
      %dma_start3A = arith.constant 0 : i32
      %dma_start3A_44 = tpu.memref_slice %arg5[%arg0, %mul3A_43, %dma_start3A] : memref<2x10112x128xf32, #tpu.memory_space<hbm>> -> memref<1x632x128xf32, #tpu.memory_space<hbm>>
      %dma_start3A_45 = tpu.memref_squeeze %dma_start3A_44 : memref<1x632x128xf32, #tpu.memory_space<hbm>> -> memref<632x128xf32, #tpu.memory_space<hbm>>
      %dma_start3A_46 = arith.constant 0 : i32
      %dma_start3A_47 = tpu.memref_slice %arg6[%mul3A_41, %dma_start3A_46] : memref<10112x128xf32, #tpu.memory_space<vmem_shared>> -> memref<632x128xf32, #tpu.memory_space<vmem_shared>>
      tpu.enqueue_dma source(%dma_start3A_47 : memref<632x128xf32, #tpu.memory_space<vmem_shared>>) target(%dma_start3A_45 : memref<632x128xf32, #tpu.memory_space<hbm>>) target_semaphore(%run_scoped3A : memref<!tpu.dma_semaphore, #tpu.memory_space<semaphore_mem>>)
      %dma_wait3A = arith.constant 0 : i32
      %dma_wait3A_48 = tpu.memref_slice %arg5[%arg0, %mul3A_43, %dma_wait3A] : memref<2x10112x128xf32, #tpu.memory_space<hbm>> -> memref<1x632x128xf32, #tpu.memory_space<hbm>>
      %dma_wait3A_49 = tpu.memref_squeeze %dma_wait3A_48 : memref<1x632x128xf32, #tpu.memory_space<hbm>> -> memref<632x128xf32, #tpu.memory_space<hbm>>
      %dma_wait3A_50 = arith.constant 0 : i32
      %dma_wait3A_51 = tpu.memref_slice %arg6[%mul3A_41, %dma_wait3A_50] : memref<10112x128xf32, #tpu.memory_space<vmem_shared>> -> memref<632x128xf32, #tpu.memory_space<vmem_shared>>
      tpu.wait_dma2 semaphore(%run_scoped3A : memref<!tpu.dma_semaphore, #tpu.memory_space<semaphore_mem>>) src(%dma_wait3A_51 : memref<632x128xf32, #tpu.memory_space<vmem_shared>>) dst(%dma_wait3A_49 : memref<632x128xf32, #tpu.memory_space<hbm>>)
      tpu.yield
    }) : () -> ()
    return
  }
}

#map = affine_map<(d0, d1) -> (0, 0)>
#map1 = affine_map<(d0, d1) -> (0)>
#map2 = affine_map<(d0, d1) -> (0, 0, 0)>
module attributes {stable_mosaic.version = 14 : i64} {
  func.func @_prop_body(%arg0: i32, %arg1: i32, %arg2: memref<10000x128xf32, #tpu.memory_space<hbm>>, %arg3: memref<327680xi32, #tpu.memory_space<hbm>>, %arg4: memref<2560x128xi32, #tpu.memory_space<hbm>>, %arg5: memref<2x10112x128xf32, #tpu.memory_space<hbm>>, %arg6: memref<10112x128xf32, #tpu.memory_space<vmem_shared>>, %arg7: memref<1024xi32, #tpu.memory_space<vmem>>, %arg8: memref<8x128xi32, #tpu.memory_space<vmem>>, %arg9: memref<128x128xf32, #tpu.memory_space<vmem>>, %arg10: memref<128x128xf32, #tpu.memory_space<vmem>>, %arg11: memref<!tpu.dma_semaphore, #tpu.memory_space<semaphore_mem>>, %arg12: memref<!tpu.dma_semaphore, #tpu.memory_space<semaphore_mem>>) attributes {dimension_semantics = [#tpu.dimension_semantics<core_parallel>, #tpu.dimension_semantics<subcore_parallel>], iteration_bounds = array<i64: 2, 16>, scalar_prefetch = 0 : i64, scratch_operands = 7 : i64, tpu.core_type = #tpu.core_type<sc_vector_subcore>, window_params = [{transform_indices = #map}, {transform_indices = #map1}, {transform_indices = #map}, {transform_indices = #map2}]} {
    %mul3A = arith.constant 632 : i32
    %mul3A_0 = arith.muli %arg1, %mul3A : i32
    %broadcast_in_dim3A = arith.constant 0.000000e+00 : f32
    %broadcast_in_dim3A_1 = vector.broadcast %broadcast_in_dim3A : f32 to vector<16xf32>
    %scan3A = arith.constant 0 : i32
    %scan3A_2 = arith.constant 0 : i32
    %scan3A_3 = arith.constant 128 : i32
    %scan3A_4 = arith.addi %scan3A_2, %scan3A_3 : i32
    %scan3A_5 = arith.constant 1 : i32
    %scan3A_6 = scf.for %scan3A_44 = %scan3A_2 to %scan3A_4 step %scan3A_5 iter_args(%scan3A_45 = %scan3A) -> (i32)  : i32 {
      %swap3A = arith.index_cast %scan3A_44 : i32 to index
      %swap3A_46 = arith.constant 0 : index
      %swap3A_47 = tpu.vector_load %arg9[%swap3A, %swap3A_46] {strides = array<i32>} : memref<128x128xf32, #tpu.memory_space<vmem>>, vector<1x16xf32>,
      %swap3A_48 = vector.shape_cast %swap3A_47 : vector<1x16xf32> to vector<16xf32>
      %swap3A_49 = vector.shape_cast %broadcast_in_dim3A_1 : vector<16xf32> to vector<1x16xf32>
      tpu.vector_store %arg9[%swap3A, %swap3A_46], %swap3A_49 {strides = array<i32>} : memref<128x128xf32, #tpu.memory_space<vmem>>, vector<1x16xf32>,
      %swap3A_50 = arith.index_cast %scan3A_44 : i32 to index
      %swap3A_51 = arith.constant 16 : index
      %swap3A_52 = tpu.vector_load %arg9[%swap3A_50, %swap3A_51] {strides = array<i32>} : memref<128x128xf32, #tpu.memory_space<vmem>>, vector<1x16xf32>,
      %swap3A_53 = vector.shape_cast %swap3A_52 : vector<1x16xf32> to vector<16xf32>
      %swap3A_54 = vector.shape_cast %broadcast_in_dim3A_1 : vector<16xf32> to vector<1x16xf32>
      tpu.vector_store %arg9[%swap3A_50, %swap3A_51], %swap3A_54 {strides = array<i32>} : memref<128x128xf32, #tpu.memory_space<vmem>>, vector<1x16xf32>,
      %swap3A_55 = arith.index_cast %scan3A_44 : i32 to index
      %swap3A_56 = arith.constant 32 : index
      %swap3A_57 = tpu.vector_load %arg9[%swap3A_55, %swap3A_56] {strides = array<i32>} : memref<128x128xf32, #tpu.memory_space<vmem>>, vector<1x16xf32>,
      %swap3A_58 = vector.shape_cast %swap3A_57 : vector<1x16xf32> to vector<16xf32>
      %swap3A_59 = vector.shape_cast %broadcast_in_dim3A_1 : vector<16xf32> to vector<1x16xf32>
      tpu.vector_store %arg9[%swap3A_55, %swap3A_56], %swap3A_59 {strides = array<i32>} : memref<128x128xf32, #tpu.memory_space<vmem>>, vector<1x16xf32>,
      %swap3A_60 = arith.index_cast %scan3A_44 : i32 to index
      %swap3A_61 = arith.constant 48 : index
      %swap3A_62 = tpu.vector_load %arg9[%swap3A_60, %swap3A_61] {strides = array<i32>} : memref<128x128xf32, #tpu.memory_space<vmem>>, vector<1x16xf32>,
      %swap3A_63 = vector.shape_cast %swap3A_62 : vector<1x16xf32> to vector<16xf32>
      %swap3A_64 = vector.shape_cast %broadcast_in_dim3A_1 : vector<16xf32> to vector<1x16xf32>
      tpu.vector_store %arg9[%swap3A_60, %swap3A_61], %swap3A_64 {strides = array<i32>} : memref<128x128xf32, #tpu.memory_space<vmem>>, vector<1x16xf32>,
      %swap3A_65 = arith.index_cast %scan3A_44 : i32 to index
      %swap3A_66 = arith.constant 64 : index
      %swap3A_67 = tpu.vector_load %arg9[%swap3A_65, %swap3A_66] {strides = array<i32>} : memref<128x128xf32, #tpu.memory_space<vmem>>, vector<1x16xf32>,
      %swap3A_68 = vector.shape_cast %swap3A_67 : vector<1x16xf32> to vector<16xf32>
      %swap3A_69 = vector.shape_cast %broadcast_in_dim3A_1 : vector<16xf32> to vector<1x16xf32>
      tpu.vector_store %arg9[%swap3A_65, %swap3A_66], %swap3A_69 {strides = array<i32>} : memref<128x128xf32, #tpu.memory_space<vmem>>, vector<1x16xf32>,
      %swap3A_70 = arith.index_cast %scan3A_44 : i32 to index
      %swap3A_71 = arith.constant 80 : index
      %swap3A_72 = tpu.vector_load %arg9[%swap3A_70, %swap3A_71] {strides = array<i32>} : memref<128x128xf32, #tpu.memory_space<vmem>>, vector<1x16xf32>,
      %swap3A_73 = vector.shape_cast %swap3A_72 : vector<1x16xf32> to vector<16xf32>
      %swap3A_74 = vector.shape_cast %broadcast_in_dim3A_1 : vector<16xf32> to vector<1x16xf32>
      tpu.vector_store %arg9[%swap3A_70, %swap3A_71], %swap3A_74 {strides = array<i32>} : memref<128x128xf32, #tpu.memory_space<vmem>>, vector<1x16xf32>,
      %swap3A_75 = arith.index_cast %scan3A_44 : i32 to index
      %swap3A_76 = arith.constant 96 : index
      %swap3A_77 = tpu.vector_load %arg9[%swap3A_75, %swap3A_76] {strides = array<i32>} : memref<128x128xf32, #tpu.memory_space<vmem>>, vector<1x16xf32>,
      %swap3A_78 = vector.shape_cast %swap3A_77 : vector<1x16xf32> to vector<16xf32>
      %swap3A_79 = vector.shape_cast %broadcast_in_dim3A_1 : vector<16xf32> to vector<1x16xf32>
      tpu.vector_store %arg9[%swap3A_75, %swap3A_76], %swap3A_79 {strides = array<i32>} : memref<128x128xf32, #tpu.memory_space<vmem>>, vector<1x16xf32>,
      %swap3A_80 = arith.index_cast %scan3A_44 : i32 to index
      %swap3A_81 = arith.constant 112 : index
      %swap3A_82 = tpu.vector_load %arg9[%swap3A_80, %swap3A_81] {strides = array<i32>} : memref<128x128xf32, #tpu.memory_space<vmem>>, vector<1x16xf32>,
      %swap3A_83 = vector.shape_cast %swap3A_82 : vector<1x16xf32> to vector<16xf32>
      %swap3A_84 = vector.shape_cast %broadcast_in_dim3A_1 : vector<16xf32> to vector<1x16xf32>
      tpu.vector_store %arg9[%swap3A_80, %swap3A_81], %swap3A_84 {strides = array<i32>} : memref<128x128xf32, #tpu.memory_space<vmem>>, vector<1x16xf32>,
      %scan3A_85 = arith.constant 0 : i32
      scf.yield %scan3A_85 : i32
    }
    %scan3A_7 = arith.constant 128 : i32
    %add3A = arith.constant 0 : i32
    %add3A_8 = arith.addi %mul3A_0, %add3A : i32
    "tpu.region"() ({
      %run_scoped3A = tpu.sem_alloc : memref<!tpu.dma_semaphore, #tpu.memory_space<semaphore_mem>>
      %dma_start3A = arith.constant 0 : i32
      %dma_start3A_44 = tpu.memref_slice %arg6[%add3A_8, %dma_start3A] : memref<10112x128xf32, #tpu.memory_space<vmem_shared>> -> memref<128x128xf32, #tpu.memory_space<vmem_shared>>
      %dma_start3A_45 = arith.constant 0 : i32
      %dma_start3A_46 = tpu.memref_slice %arg6[%add3A_8, %dma_start3A_45] : memref<10112x128xf32, #tpu.memory_space<vmem_shared>> -> memref<128x128xf32, #tpu.memory_space<vmem_shared>>
      tpu.enqueue_dma source(%arg9 : memref<128x128xf32, #tpu.memory_space<vmem>>) target(%dma_start3A_46 : memref<128x128xf32, #tpu.memory_space<vmem_shared>>) target_semaphore(%run_scoped3A : memref<!tpu.dma_semaphore, #tpu.memory_space<semaphore_mem>>)
      %dma_wait3A = arith.constant 0 : i32
      %dma_wait3A_47 = tpu.memref_slice %arg6[%add3A_8, %dma_wait3A] : memref<10112x128xf32, #tpu.memory_space<vmem_shared>> -> memref<128x128xf32, #tpu.memory_space<vmem_shared>>
      %dma_wait3A_48 = arith.constant 0 : i32
      %dma_wait3A_49 = tpu.memref_slice %arg6[%add3A_8, %dma_wait3A_48] : memref<10112x128xf32, #tpu.memory_space<vmem_shared>> -> memref<128x128xf32, #tpu.memory_space<vmem_shared>>
      tpu.wait_dma2 semaphore(%run_scoped3A : memref<!tpu.dma_semaphore, #tpu.memory_space<semaphore_mem>>) src(%arg9 : memref<128x128xf32, #tpu.memory_space<vmem>>) dst(%dma_wait3A_49 : memref<128x128xf32, #tpu.memory_space<vmem_shared>>)
      tpu.yield
    }) : () -> ()
    %add3A_9 = arith.constant 128 : i32
    %add3A_10 = arith.addi %mul3A_0, %add3A_9 : i32
    "tpu.region"() ({
      %run_scoped3A = tpu.sem_alloc : memref<!tpu.dma_semaphore, #tpu.memory_space<semaphore_mem>>
      %dma_start3A = arith.constant 0 : i32
      %dma_start3A_44 = tpu.memref_slice %arg6[%add3A_10, %dma_start3A] : memref<10112x128xf32, #tpu.memory_space<vmem_shared>> -> memref<128x128xf32, #tpu.memory_space<vmem_shared>>
      %dma_start3A_45 = arith.constant 0 : i32
      %dma_start3A_46 = tpu.memref_slice %arg6[%add3A_10, %dma_start3A_45] : memref<10112x128xf32, #tpu.memory_space<vmem_shared>> -> memref<128x128xf32, #tpu.memory_space<vmem_shared>>
      tpu.enqueue_dma source(%arg9 : memref<128x128xf32, #tpu.memory_space<vmem>>) target(%dma_start3A_46 : memref<128x128xf32, #tpu.memory_space<vmem_shared>>) target_semaphore(%run_scoped3A : memref<!tpu.dma_semaphore, #tpu.memory_space<semaphore_mem>>)
      %dma_wait3A = arith.constant 0 : i32
      %dma_wait3A_47 = tpu.memref_slice %arg6[%add3A_10, %dma_wait3A] : memref<10112x128xf32, #tpu.memory_space<vmem_shared>> -> memref<128x128xf32, #tpu.memory_space<vmem_shared>>
      %dma_wait3A_48 = arith.constant 0 : i32
      %dma_wait3A_49 = tpu.memref_slice %arg6[%add3A_10, %dma_wait3A_48] : memref<10112x128xf32, #tpu.memory_space<vmem_shared>> -> memref<128x128xf32, #tpu.memory_space<vmem_shared>>
      tpu.wait_dma2 semaphore(%run_scoped3A : memref<!tpu.dma_semaphore, #tpu.memory_space<semaphore_mem>>) src(%arg9 : memref<128x128xf32, #tpu.memory_space<vmem>>) dst(%dma_wait3A_49 : memref<128x128xf32, #tpu.memory_space<vmem_shared>>)
      tpu.yield
    }) : () -> ()
    %add3A_11 = arith.constant 256 : i32
    %add3A_12 = arith.addi %mul3A_0, %add3A_11 : i32
    "tpu.region"() ({
      %run_scoped3A = tpu.sem_alloc : memref<!tpu.dma_semaphore, #tpu.memory_space<semaphore_mem>>
      %dma_start3A = arith.constant 0 : i32
      %dma_start3A_44 = tpu.memref_slice %arg6[%add3A_12, %dma_start3A] : memref<10112x128xf32, #tpu.memory_space<vmem_shared>> -> memref<128x128xf32, #tpu.memory_space<vmem_shared>>
      %dma_start3A_45 = arith.constant 0 : i32
      %dma_start3A_46 = tpu.memref_slice %arg6[%add3A_12, %dma_start3A_45] : memref<10112x128xf32, #tpu.memory_space<vmem_shared>> -> memref<128x128xf32, #tpu.memory_space<vmem_shared>>
      tpu.enqueue_dma source(%arg9 : memref<128x128xf32, #tpu.memory_space<vmem>>) target(%dma_start3A_46 : memref<128x128xf32, #tpu.memory_space<vmem_shared>>) target_semaphore(%run_scoped3A : memref<!tpu.dma_semaphore, #tpu.memory_space<semaphore_mem>>)
      %dma_wait3A = arith.constant 0 : i32
      %dma_wait3A_47 = tpu.memref_slice %arg6[%add3A_12, %dma_wait3A] : memref<10112x128xf32, #tpu.memory_space<vmem_shared>> -> memref<128x128xf32, #tpu.memory_space<vmem_shared>>
      %dma_wait3A_48 = arith.constant 0 : i32
      %dma_wait3A_49 = tpu.memref_slice %arg6[%add3A_12, %dma_wait3A_48] : memref<10112x128xf32, #tpu.memory_space<vmem_shared>> -> memref<128x128xf32, #tpu.memory_space<vmem_shared>>
      tpu.wait_dma2 semaphore(%run_scoped3A : memref<!tpu.dma_semaphore, #tpu.memory_space<semaphore_mem>>) src(%arg9 : memref<128x128xf32, #tpu.memory_space<vmem>>) dst(%dma_wait3A_49 : memref<128x128xf32, #tpu.memory_space<vmem_shared>>)
      tpu.yield
    }) : () -> ()
    %add3A_13 = arith.constant 384 : i32
    %add3A_14 = arith.addi %mul3A_0, %add3A_13 : i32
    "tpu.region"() ({
      %run_scoped3A = tpu.sem_alloc : memref<!tpu.dma_semaphore, #tpu.memory_space<semaphore_mem>>
      %dma_start3A = arith.constant 0 : i32
      %dma_start3A_44 = tpu.memref_slice %arg6[%add3A_14, %dma_start3A] : memref<10112x128xf32, #tpu.memory_space<vmem_shared>> -> memref<128x128xf32, #tpu.memory_space<vmem_shared>>
      %dma_start3A_45 = arith.constant 0 : i32
      %dma_start3A_46 = tpu.memref_slice %arg6[%add3A_14, %dma_start3A_45] : memref<10112x128xf32, #tpu.memory_space<vmem_shared>> -> memref<128x128xf32, #tpu.memory_space<vmem_shared>>
      tpu.enqueue_dma source(%arg9 : memref<128x128xf32, #tpu.memory_space<vmem>>) target(%dma_start3A_46 : memref<128x128xf32, #tpu.memory_space<vmem_shared>>) target_semaphore(%run_scoped3A : memref<!tpu.dma_semaphore, #tpu.memory_space<semaphore_mem>>)
      %dma_wait3A = arith.constant 0 : i32
      %dma_wait3A_47 = tpu.memref_slice %arg6[%add3A_14, %dma_wait3A] : memref<10112x128xf32, #tpu.memory_space<vmem_shared>> -> memref<128x128xf32, #tpu.memory_space<vmem_shared>>
      %dma_wait3A_48 = arith.constant 0 : i32
      %dma_wait3A_49 = tpu.memref_slice %arg6[%add3A_14, %dma_wait3A_48] : memref<10112x128xf32, #tpu.memory_space<vmem_shared>> -> memref<128x128xf32, #tpu.memory_space<vmem_shared>>
      tpu.wait_dma2 semaphore(%run_scoped3A : memref<!tpu.dma_semaphore, #tpu.memory_space<semaphore_mem>>) src(%arg9 : memref<128x128xf32, #tpu.memory_space<vmem>>) dst(%dma_wait3A_49 : memref<128x128xf32, #tpu.memory_space<vmem_shared>>)
      tpu.yield
    }) : () -> ()
    %add3A_15 = arith.constant 512 : i32
    %add3A_16 = arith.addi %mul3A_0, %add3A_15 : i32
    "tpu.region"() ({
      %run_scoped3A = tpu.sem_alloc : memref<!tpu.dma_semaphore, #tpu.memory_space<semaphore_mem>>
      %dma_start3A = arith.constant 0 : i32
      %dma_start3A_44 = arith.constant 0 : i32
      %dma_start3A_45 = tpu.memref_slice %arg9[%dma_start3A, %dma_start3A_44] : memref<128x128xf32, #tpu.memory_space<vmem>> -> memref<120x128xf32, #tpu.memory_space<vmem>>
      %dma_start3A_46 = arith.constant 0 : i32
      %dma_start3A_47 = tpu.memref_slice %arg6[%add3A_16, %dma_start3A_46] : memref<10112x128xf32, #tpu.memory_space<vmem_shared>> -> memref<120x128xf32, #tpu.memory_space<vmem_shared>>
      %dma_start3A_48 = arith.constant 0 : i32
      %dma_start3A_49 = tpu.memref_slice %arg6[%add3A_16, %dma_start3A_48] : memref<10112x128xf32, #tpu.memory_space<vmem_shared>> -> memref<120x128xf32, #tpu.memory_space<vmem_shared>>
      %dma_start3A_50 = arith.constant 0 : i32
      %dma_start3A_51 = arith.constant 0 : i32
      %dma_start3A_52 = tpu.memref_slice %arg9[%dma_start3A_50, %dma_start3A_51] : memref<128x128xf32, #tpu.memory_space<vmem>> -> memref<120x128xf32, #tpu.memory_space<vmem>>
      tpu.enqueue_dma source(%dma_start3A_52 : memref<120x128xf32, #tpu.memory_space<vmem>>) target(%dma_start3A_49 : memref<120x128xf32, #tpu.memory_space<vmem_shared>>) target_semaphore(%run_scoped3A : memref<!tpu.dma_semaphore, #tpu.memory_space<semaphore_mem>>)
      %dma_wait3A = arith.constant 0 : i32
      %dma_wait3A_53 = arith.constant 0 : i32
      %dma_wait3A_54 = tpu.memref_slice %arg9[%dma_wait3A, %dma_wait3A_53] : memref<128x128xf32, #tpu.memory_space<vmem>> -> memref<120x128xf32, #tpu.memory_space<vmem>>
      %dma_wait3A_55 = arith.constant 0 : i32
      %dma_wait3A_56 = tpu.memref_slice %arg6[%add3A_16, %dma_wait3A_55] : memref<10112x128xf32, #tpu.memory_space<vmem_shared>> -> memref<120x128xf32, #tpu.memory_space<vmem_shared>>
      %dma_wait3A_57 = arith.constant 0 : i32
      %dma_wait3A_58 = tpu.memref_slice %arg6[%add3A_16, %dma_wait3A_57] : memref<10112x128xf32, #tpu.memory_space<vmem_shared>> -> memref<120x128xf32, #tpu.memory_space<vmem_shared>>
      %dma_wait3A_59 = arith.constant 0 : i32
      %dma_wait3A_60 = arith.constant 0 : i32
      %dma_wait3A_61 = tpu.memref_slice %arg9[%dma_wait3A_59, %dma_wait3A_60] : memref<128x128xf32, #tpu.memory_space<vmem>> -> memref<120x128xf32, #tpu.memory_space<vmem>>
      tpu.wait_dma2 semaphore(%run_scoped3A : memref<!tpu.dma_semaphore, #tpu.memory_space<semaphore_mem>>) src(%dma_wait3A_61 : memref<120x128xf32, #tpu.memory_space<vmem>>) dst(%dma_wait3A_58 : memref<120x128xf32, #tpu.memory_space<vmem_shared>>)
      tpu.yield
    }) : () -> ()
    %barrier3A = arith.constant 0 : index
    tpu.barrier barrier_id(%barrier3A)
    %eq3A = arith.constant 0 : i32
    %eq3A_17 = arith.cmpi eq, %arg0, %eq3A : i32
    %jit3A = arith.constant 19 : i32
    %jit3A_18 = arith.constant 1 : i32
    %select_n3A = arith.select %eq3A_17, %jit3A, %jit3A_18 : i32
    %eq3A_19 = arith.constant 0 : i32
    %eq3A_20 = arith.cmpi eq, %arg0, %eq3A_19 : i32
    %mul3A_21 = arith.constant 152 : i32
    %mul3A_22 = arith.muli %arg1, %mul3A_21 : i32
    %mul3A_23 = arith.constant 8 : i32
    %mul3A_24 = arith.muli %arg1, %mul3A_23 : i32
    %add3A_25 = arith.constant 2432 : i32
    %add3A_26 = arith.addi %add3A_25, %mul3A_24 : i32
    %select_n3A_27 = arith.select %eq3A_20, %mul3A_22, %add3A_26 : i32
    %while3A = arith.constant 0 : i32
    %while3A_28 = arith.constant 0 : i32
    %while3A_29 = arith.subi %select_n3A, %while3A : i32
    %while3A_30 = arith.addi %while3A, %while3A_29 : i32
    %while3A_31 = arith.constant 1 : i32
    %while3A_32 = arith.divsi %while3A_29, %while3A_31 : i32
    %while3A_33 = arith.muli %while3A_32, %while3A_31 : i32
    %while3A_34 = arith.addi %while3A, %while3A_33 : i32
    %while3A_35 = arith.constant 1 : i32
    %while3A_36 = scf.for %while3A_44 = %while3A to %while3A_34 step %while3A_35 iter_args(%while3A_45 = %while3A_28) -> (i32)  : i32 {
      %mul3A_46 = arith.constant 8 : i32
      %mul3A_47 = arith.muli %while3A_44, %mul3A_46 : i32
      %add3A_48 = arith.addi %select_n3A_27, %mul3A_47 : i32
      %mul3A_49 = arith.constant 128 : i32
      %mul3A_50 = arith.muli %add3A_48, %mul3A_49 : i32
      "tpu.region"() ({
        %run_scoped3A = tpu.sem_alloc : memref<!tpu.dma_semaphore, #tpu.memory_space<semaphore_mem>>
        %dma_start3A_242 = tpu.memref_slice %arg3[%mul3A_50] : memref<327680xi32, #tpu.memory_space<hbm>> -> memref<1024xi32, #tpu.memory_space<hbm>>
        %dma_start3A_243 = tpu.memref_slice %arg3[%mul3A_50] : memref<327680xi32, #tpu.memory_space<hbm>> -> memref<1024xi32, #tpu.memory_space<hbm>>
        tpu.enqueue_dma source(%dma_start3A_243 : memref<1024xi32, #tpu.memory_space<hbm>>) target(%arg7 : memref<1024xi32, #tpu.memory_space<vmem>>) target_semaphore(%run_scoped3A : memref<!tpu.dma_semaphore, #tpu.memory_space<semaphore_mem>>)
        %dma_wait3A_244 = tpu.memref_slice %arg3[%mul3A_50] : memref<327680xi32, #tpu.memory_space<hbm>> -> memref<1024xi32, #tpu.memory_space<hbm>>
        %dma_wait3A_245 = tpu.memref_slice %arg3[%mul3A_50] : memref<327680xi32, #tpu.memory_space<hbm>> -> memref<1024xi32, #tpu.memory_space<hbm>>
        tpu.wait_dma2 semaphore(%run_scoped3A : memref<!tpu.dma_semaphore, #tpu.memory_space<semaphore_mem>>) src(%dma_wait3A_245 : memref<1024xi32, #tpu.memory_space<hbm>>) dst(%arg7 : memref<1024xi32, #tpu.memory_space<vmem>>)
        tpu.yield
      }) : () -> ()
      "tpu.region"() ({
        %run_scoped3A = tpu.sem_alloc : memref<!tpu.dma_semaphore, #tpu.memory_space<semaphore_mem>>
        %dma_start3A_242 = arith.constant 0 : i32
        %dma_start3A_243 = tpu.memref_slice %arg4[%add3A_48, %dma_start3A_242] : memref<2560x128xi32, #tpu.memory_space<hbm>> -> memref<8x128xi32, #tpu.memory_space<hbm>>
        %dma_start3A_244 = arith.constant 0 : i32
        %dma_start3A_245 = tpu.memref_slice %arg4[%add3A_48, %dma_start3A_244] : memref<2560x128xi32, #tpu.memory_space<hbm>> -> memref<8x128xi32, #tpu.memory_space<hbm>>
        tpu.enqueue_dma source(%dma_start3A_245 : memref<8x128xi32, #tpu.memory_space<hbm>>) target(%arg8 : memref<8x128xi32, #tpu.memory_space<vmem>>) target_semaphore(%run_scoped3A : memref<!tpu.dma_semaphore, #tpu.memory_space<semaphore_mem>>)
        %dma_wait3A_246 = arith.constant 0 : i32
        %dma_wait3A_247 = tpu.memref_slice %arg4[%add3A_48, %dma_wait3A_246] : memref<2560x128xi32, #tpu.memory_space<hbm>> -> memref<8x128xi32, #tpu.memory_space<hbm>>
        %dma_wait3A_248 = arith.constant 0 : i32
        %dma_wait3A_249 = tpu.memref_slice %arg4[%add3A_48, %dma_wait3A_248] : memref<2560x128xi32, #tpu.memory_space<hbm>> -> memref<8x128xi32, #tpu.memory_space<hbm>>
        tpu.wait_dma2 semaphore(%run_scoped3A : memref<!tpu.dma_semaphore, #tpu.memory_space<semaphore_mem>>) src(%dma_wait3A_249 : memref<8x128xi32, #tpu.memory_space<hbm>>) dst(%arg8 : memref<8x128xi32, #tpu.memory_space<vmem>>)
        tpu.yield
      }) : () -> ()
      %dma_start3A = arith.constant 0 : i32
      %dma_start3A_51 = tpu.memref_slice %arg7[%dma_start3A] : memref<1024xi32, #tpu.memory_space<vmem>> -> memref<128xi32, #tpu.memory_space<vmem>>
      %dma_start3A_52 = arith.constant 0 : i32
      %dma_start3A_53 = arith.constant 0 : i32
      %dma_start3A_54 = tpu.memref_slice %arg2[%dma_start3A_52, %dma_start3A_53] : memref<10000x128xf32, #tpu.memory_space<hbm>> -> memref<10000x128xf32, #tpu.memory_space<hbm>>
      tpu.enqueue_indirect_dma source(%dma_start3A_54 : memref<10000x128xf32, #tpu.memory_space<hbm>>) target(%arg9 : memref<128x128xf32, #tpu.memory_space<vmem>>) offsets(%dma_start3A_51 : memref<128xi32, #tpu.memory_space<vmem>>) semaphore(%arg11 : memref<!tpu.dma_semaphore, #tpu.memory_space<semaphore_mem>>)
      %dma_start3A_55 = arith.constant 128 : i32
      %dma_start3A_56 = tpu.memref_slice %arg7[%dma_start3A_55] : memref<1024xi32, #tpu.memory_space<vmem>> -> memref<128xi32, #tpu.memory_space<vmem>>
      %dma_start3A_57 = arith.constant 0 : i32
      %dma_start3A_58 = arith.constant 0 : i32
      %dma_start3A_59 = tpu.memref_slice %arg2[%dma_start3A_57, %dma_start3A_58] : memref<10000x128xf32, #tpu.memory_space<hbm>> -> memref<10000x128xf32, #tpu.memory_space<hbm>>
      tpu.enqueue_indirect_dma source(%dma_start3A_59 : memref<10000x128xf32, #tpu.memory_space<hbm>>) target(%arg10 : memref<128x128xf32, #tpu.memory_space<vmem>>) offsets(%dma_start3A_56 : memref<128xi32, #tpu.memory_space<vmem>>) semaphore(%arg11 : memref<!tpu.dma_semaphore, #tpu.memory_space<semaphore_mem>>)
      %dma_wait3A = arith.constant 0 : i32
      %dma_wait3A_60 = tpu.memref_slice %arg7[%dma_wait3A] : memref<1024xi32, #tpu.memory_space<vmem>> -> memref<128xi32, #tpu.memory_space<vmem>>
      %dma_wait3A_61 = arith.constant 0 : i32
      %dma_wait3A_62 = arith.constant 0 : i32
      %dma_wait3A_63 = tpu.memref_slice %arg2[%dma_wait3A_61, %dma_wait3A_62] : memref<10000x128xf32, #tpu.memory_space<hbm>> -> memref<10000x128xf32, #tpu.memory_space<hbm>>
      tpu.wait_indirect_dma semaphore(%arg11 : memref<!tpu.dma_semaphore, #tpu.memory_space<semaphore_mem>>) src(%dma_wait3A_63 : memref<10000x128xf32, #tpu.memory_space<hbm>>) dst(%arg9 : memref<128x128xf32, #tpu.memory_space<vmem>>)
      %dma_start3A_64 = arith.constant 0 : i32
      %dma_start3A_65 = arith.constant 0 : i32
      %dma_start3A_66 = tpu.memref_slice %arg8[%dma_start3A_64, %dma_start3A_65] : memref<8x128xi32, #tpu.memory_space<vmem>> -> memref<1x128xi32, #tpu.memory_space<vmem>>
      %dma_start3A_67 = tpu.memref_squeeze %dma_start3A_66 : memref<1x128xi32, #tpu.memory_space<vmem>> -> memref<128xi32, #tpu.memory_space<vmem>>
      %dma_start3A_68 = arith.constant 0 : i32
      %dma_start3A_69 = arith.constant 0 : i32
      %dma_start3A_70 = tpu.memref_slice %arg6[%dma_start3A_68, %dma_start3A_69] : memref<10112x128xf32, #tpu.memory_space<vmem_shared>> -> memref<10112x128xf32, #tpu.memory_space<vmem_shared>>
      tpu.enqueue_indirect_dma source(%arg9 : memref<128x128xf32, #tpu.memory_space<vmem>>) target(%dma_start3A_70 : memref<10112x128xf32, #tpu.memory_space<vmem_shared>>) offsets(%dma_start3A_67 : memref<128xi32, #tpu.memory_space<vmem>>) semaphore(%arg12 : memref<!tpu.dma_semaphore, #tpu.memory_space<semaphore_mem>>) {add = true}
      %dma_wait3A_71 = arith.constant 0 : i32
      %dma_wait3A_72 = arith.constant 0 : i32
      %dma_wait3A_73 = tpu.memref_slice %arg8[%dma_wait3A_71, %dma_wait3A_72] : memref<8x128xi32, #tpu.memory_space<vmem>> -> memref<1x128xi32, #tpu.memory_space<vmem>>
      %dma_wait3A_74 = tpu.memref_squeeze %dma_wait3A_73 : memref<1x128xi32, #tpu.memory_space<vmem>> -> memref<128xi32, #tpu.memory_space<vmem>>
      %dma_wait3A_75 = arith.constant 0 : i32
      %dma_wait3A_76 = arith.constant 0 : i32
      %dma_wait3A_77 = tpu.memref_slice %arg6[%dma_wait3A_75, %dma_wait3A_76] : memref<10112x128xf32, #tpu.memory_space<vmem_shared>> -> memref<10112x128xf32, #tpu.memory_space<vmem_shared>>
      tpu.wait_indirect_dma semaphore(%arg12 : memref<!tpu.dma_semaphore, #tpu.memory_space<semaphore_mem>>) src(%arg9 : memref<128x128xf32, #tpu.memory_space<vmem>>) dst(%dma_wait3A_77 : memref<10112x128xf32, #tpu.memory_space<vmem_shared>>)
      %dma_start3A_78 = arith.constant 256 : i32
      %dma_start3A_79 = tpu.memref_slice %arg7[%dma_start3A_78] : memref<1024xi32, #tpu.memory_space<vmem>> -> memref<128xi32, #tpu.memory_space<vmem>>
      %dma_start3A_80 = arith.constant 0 : i32
      %dma_start3A_81 = arith.constant 0 : i32
      %dma_start3A_82 = tpu.memref_slice %arg2[%dma_start3A_80, %dma_start3A_81] : memref<10000x128xf32, #tpu.memory_space<hbm>> -> memref<10000x128xf32, #tpu.memory_space<hbm>>
      tpu.enqueue_indirect_dma source(%dma_start3A_82 : memref<10000x128xf32, #tpu.memory_space<hbm>>) target(%arg9 : memref<128x128xf32, #tpu.memory_space<vmem>>) offsets(%dma_start3A_79 : memref<128xi32, #tpu.memory_space<vmem>>) semaphore(%arg11 : memref<!tpu.dma_semaphore, #tpu.memory_space<semaphore_mem>>)
      %dma_wait3A_83 = arith.constant 128 : i32
      %dma_wait3A_84 = tpu.memref_slice %arg7[%dma_wait3A_83] : memref<1024xi32, #tpu.memory_space<vmem>> -> memref<128xi32, #tpu.memory_space<vmem>>
      %dma_wait3A_85 = arith.constant 0 : i32
      %dma_wait3A_86 = arith.constant 0 : i32
      %dma_wait3A_87 = tpu.memref_slice %arg2[%dma_wait3A_85, %dma_wait3A_86] : memref<10000x128xf32, #tpu.memory_space<hbm>> -> memref<10000x128xf32, #tpu.memory_space<hbm>>
      tpu.wait_indirect_dma semaphore(%arg11 : memref<!tpu.dma_semaphore, #tpu.memory_space<semaphore_mem>>) src(%dma_wait3A_87 : memref<10000x128xf32, #tpu.memory_space<hbm>>) dst(%arg10 : memref<128x128xf32, #tpu.memory_space<vmem>>)
      %dma_start3A_88 = arith.constant 1 : i32
      %dma_start3A_89 = arith.constant 0 : i32
      %dma_start3A_90 = tpu.memref_slice %arg8[%dma_start3A_88, %dma_start3A_89] : memref<8x128xi32, #tpu.memory_space<vmem>> -> memref<1x128xi32, #tpu.memory_space<vmem>>
      %dma_start3A_91 = tpu.memref_squeeze %dma_start3A_90 : memref<1x128xi32, #tpu.memory_space<vmem>> -> memref<128xi32, #tpu.memory_space<vmem>>
      %dma_start3A_92 = arith.constant 0 : i32
      %dma_start3A_93 = arith.constant 0 : i32
      %dma_start3A_94 = tpu.memref_slice %arg6[%dma_start3A_92, %dma_start3A_93] : memref<10112x128xf32, #tpu.memory_space<vmem_shared>> -> memref<10112x128xf32, #tpu.memory_space<vmem_shared>>
      tpu.enqueue_indirect_dma source(%arg10 : memref<128x128xf32, #tpu.memory_space<vmem>>) target(%dma_start3A_94 : memref<10112x128xf32, #tpu.memory_space<vmem_shared>>) offsets(%dma_start3A_91 : memref<128xi32, #tpu.memory_space<vmem>>) semaphore(%arg12 : memref<!tpu.dma_semaphore, #tpu.memory_space<semaphore_mem>>) {add = true}
      %dma_wait3A_95 = arith.constant 1 : i32
      %dma_wait3A_96 = arith.constant 0 : i32
      %dma_wait3A_97 = tpu.memref_slice %arg8[%dma_wait3A_95, %dma_wait3A_96] : memref<8x128xi32, #tpu.memory_space<vmem>> -> memref<1x128xi32, #tpu.memory_space<vmem>>
      %dma_wait3A_98 = tpu.memref_squeeze %dma_wait3A_97 : memref<1x128xi32, #tpu.memory_space<vmem>> -> memref<128xi32, #tpu.memory_space<vmem>>
      %dma_wait3A_99 = arith.constant 0 : i32
      %dma_wait3A_100 = arith.constant 0 : i32
      %dma_wait3A_101 = tpu.memref_slice %arg6[%dma_wait3A_99, %dma_wait3A_100] : memref<10112x128xf32, #tpu.memory_space<vmem_shared>> -> memref<10112x128xf32, #tpu.memory_space<vmem_shared>>
      tpu.wait_indirect_dma semaphore(%arg12 : memref<!tpu.dma_semaphore, #tpu.memory_space<semaphore_mem>>) src(%arg10 : memref<128x128xf32, #tpu.memory_space<vmem>>) dst(%dma_wait3A_101 : memref<10112x128xf32, #tpu.memory_space<vmem_shared>>)
      %dma_start3A_102 = arith.constant 384 : i32
      %dma_start3A_103 = tpu.memref_slice %arg7[%dma_start3A_102] : memref<1024xi32, #tpu.memory_space<vmem>> -> memref<128xi32, #tpu.memory_space<vmem>>
      %dma_start3A_104 = arith.constant 0 : i32
      %dma_start3A_105 = arith.constant 0 : i32
      %dma_start3A_106 = tpu.memref_slice %arg2[%dma_start3A_104, %dma_start3A_105] : memref<10000x128xf32, #tpu.memory_space<hbm>> -> memref<10000x128xf32, #tpu.memory_space<hbm>>
      tpu.enqueue_indirect_dma source(%dma_start3A_106 : memref<10000x128xf32, #tpu.memory_space<hbm>>) target(%arg10 : memref<128x128xf32, #tpu.memory_space<vmem>>) offsets(%dma_start3A_103 : memref<128xi32, #tpu.memory_space<vmem>>) semaphore(%arg11 : memref<!tpu.dma_semaphore, #tpu.memory_space<semaphore_mem>>)
      %dma_wait3A_107 = arith.constant 256 : i32
      %dma_wait3A_108 = tpu.memref_slice %arg7[%dma_wait3A_107] : memref<1024xi32, #tpu.memory_space<vmem>> -> memref<128xi32, #tpu.memory_space<vmem>>
      %dma_wait3A_109 = arith.constant 0 : i32
      %dma_wait3A_110 = arith.constant 0 : i32
      %dma_wait3A_111 = tpu.memref_slice %arg2[%dma_wait3A_109, %dma_wait3A_110] : memref<10000x128xf32, #tpu.memory_space<hbm>> -> memref<10000x128xf32, #tpu.memory_space<hbm>>
      tpu.wait_indirect_dma semaphore(%arg11 : memref<!tpu.dma_semaphore, #tpu.memory_space<semaphore_mem>>) src(%dma_wait3A_111 : memref<10000x128xf32, #tpu.memory_space<hbm>>) dst(%arg9 : memref<128x128xf32, #tpu.memory_space<vmem>>)
      %dma_start3A_112 = arith.constant 2 : i32
      %dma_start3A_113 = arith.constant 0 : i32
      %dma_start3A_114 = tpu.memref_slice %arg8[%dma_start3A_112, %dma_start3A_113] : memref<8x128xi32, #tpu.memory_space<vmem>> -> memref<1x128xi32, #tpu.memory_space<vmem>>
      %dma_start3A_115 = tpu.memref_squeeze %dma_start3A_114 : memref<1x128xi32, #tpu.memory_space<vmem>> -> memref<128xi32, #tpu.memory_space<vmem>>
      %dma_start3A_116 = arith.constant 0 : i32
      %dma_start3A_117 = arith.constant 0 : i32
      %dma_start3A_118 = tpu.memref_slice %arg6[%dma_start3A_116, %dma_start3A_117] : memref<10112x128xf32, #tpu.memory_space<vmem_shared>> -> memref<10112x128xf32, #tpu.memory_space<vmem_shared>>
      tpu.enqueue_indirect_dma source(%arg9 : memref<128x128xf32, #tpu.memory_space<vmem>>) target(%dma_start3A_118 : memref<10112x128xf32, #tpu.memory_space<vmem_shared>>) offsets(%dma_start3A_115 : memref<128xi32, #tpu.memory_space<vmem>>) semaphore(%arg12 : memref<!tpu.dma_semaphore, #tpu.memory_space<semaphore_mem>>) {add = true}
      %dma_wait3A_119 = arith.constant 2 : i32
      %dma_wait3A_120 = arith.constant 0 : i32
      %dma_wait3A_121 = tpu.memref_slice %arg8[%dma_wait3A_119, %dma_wait3A_120] : memref<8x128xi32, #tpu.memory_space<vmem>> -> memref<1x128xi32, #tpu.memory_space<vmem>>
      %dma_wait3A_122 = tpu.memref_squeeze %dma_wait3A_121 : memref<1x128xi32, #tpu.memory_space<vmem>> -> memref<128xi32, #tpu.memory_space<vmem>>
      %dma_wait3A_123 = arith.constant 0 : i32
      %dma_wait3A_124 = arith.constant 0 : i32
      %dma_wait3A_125 = tpu.memref_slice %arg6[%dma_wait3A_123, %dma_wait3A_124] : memref<10112x128xf32, #tpu.memory_space<vmem_shared>> -> memref<10112x128xf32, #tpu.memory_space<vmem_shared>>
      tpu.wait_indirect_dma semaphore(%arg12 : memref<!tpu.dma_semaphore, #tpu.memory_space<semaphore_mem>>) src(%arg9 : memref<128x128xf32, #tpu.memory_space<vmem>>) dst(%dma_wait3A_125 : memref<10112x128xf32, #tpu.memory_space<vmem_shared>>)
      %dma_start3A_126 = arith.constant 512 : i32
      %dma_start3A_127 = tpu.memref_slice %arg7[%dma_start3A_126] : memref<1024xi32, #tpu.memory_space<vmem>> -> memref<128xi32, #tpu.memory_space<vmem>>
      %dma_start3A_128 = arith.constant 0 : i32
      %dma_start3A_129 = arith.constant 0 : i32
      %dma_start3A_130 = tpu.memref_slice %arg2[%dma_start3A_128, %dma_start3A_129] : memref<10000x128xf32, #tpu.memory_space<hbm>> -> memref<10000x128xf32, #tpu.memory_space<hbm>>
      tpu.enqueue_indirect_dma source(%dma_start3A_130 : memref<10000x128xf32, #tpu.memory_space<hbm>>) target(%arg9 : memref<128x128xf32, #tpu.memory_space<vmem>>) offsets(%dma_start3A_127 : memref<128xi32, #tpu.memory_space<vmem>>) semaphore(%arg11 : memref<!tpu.dma_semaphore, #tpu.memory_space<semaphore_mem>>)
      %dma_wait3A_131 = arith.constant 384 : i32
      %dma_wait3A_132 = tpu.memref_slice %arg7[%dma_wait3A_131] : memref<1024xi32, #tpu.memory_space<vmem>> -> memref<128xi32, #tpu.memory_space<vmem>>
      %dma_wait3A_133 = arith.constant 0 : i32
      %dma_wait3A_134 = arith.constant 0 : i32
      %dma_wait3A_135 = tpu.memref_slice %arg2[%dma_wait3A_133, %dma_wait3A_134] : memref<10000x128xf32, #tpu.memory_space<hbm>> -> memref<10000x128xf32, #tpu.memory_space<hbm>>
      tpu.wait_indirect_dma semaphore(%arg11 : memref<!tpu.dma_semaphore, #tpu.memory_space<semaphore_mem>>) src(%dma_wait3A_135 : memref<10000x128xf32, #tpu.memory_space<hbm>>) dst(%arg10 : memref<128x128xf32, #tpu.memory_space<vmem>>)
      %dma_start3A_136 = arith.constant 3 : i32
      %dma_start3A_137 = arith.constant 0 : i32
      %dma_start3A_138 = tpu.memref_slice %arg8[%dma_start3A_136, %dma_start3A_137] : memref<8x128xi32, #tpu.memory_space<vmem>> -> memref<1x128xi32, #tpu.memory_space<vmem>>
      %dma_start3A_139 = tpu.memref_squeeze %dma_start3A_138 : memref<1x128xi32, #tpu.memory_space<vmem>> -> memref<128xi32, #tpu.memory_space<vmem>>
      %dma_start3A_140 = arith.constant 0 : i32
      %dma_start3A_141 = arith.constant 0 : i32
      %dma_start3A_142 = tpu.memref_slice %arg6[%dma_start3A_140, %dma_start3A_141] : memref<10112x128xf32, #tpu.memory_space<vmem_shared>> -> memref<10112x128xf32, #tpu.memory_space<vmem_shared>>
      tpu.enqueue_indirect_dma source(%arg10 : memref<128x128xf32, #tpu.memory_space<vmem>>) target(%dma_start3A_142 : memref<10112x128xf32, #tpu.memory_space<vmem_shared>>) offsets(%dma_start3A_139 : memref<128xi32, #tpu.memory_space<vmem>>) semaphore(%arg12 : memref<!tpu.dma_semaphore, #tpu.memory_space<semaphore_mem>>) {add = true}
      %dma_wait3A_143 = arith.constant 3 : i32
      %dma_wait3A_144 = arith.constant 0 : i32
      %dma_wait3A_145 = tpu.memref_slice %arg8[%dma_wait3A_143, %dma_wait3A_144] : memref<8x128xi32, #tpu.memory_space<vmem>> -> memref<1x128xi32, #tpu.memory_space<vmem>>
      %dma_wait3A_146 = tpu.memref_squeeze %dma_wait3A_145 : memref<1x128xi32, #tpu.memory_space<vmem>> -> memref<128xi32, #tpu.memory_space<vmem>>
      %dma_wait3A_147 = arith.constant 0 : i32
      %dma_wait3A_148 = arith.constant 0 : i32
      %dma_wait3A_149 = tpu.memref_slice %arg6[%dma_wait3A_147, %dma_wait3A_148] : memref<10112x128xf32, #tpu.memory_space<vmem_shared>> -> memref<10112x128xf32, #tpu.memory_space<vmem_shared>>
      tpu.wait_indirect_dma semaphore(%arg12 : memref<!tpu.dma_semaphore, #tpu.memory_space<semaphore_mem>>) src(%arg10 : memref<128x128xf32, #tpu.memory_space<vmem>>) dst(%dma_wait3A_149 : memref<10112x128xf32, #tpu.memory_space<vmem_shared>>)
      %dma_start3A_150 = arith.constant 640 : i32
      %dma_start3A_151 = tpu.memref_slice %arg7[%dma_start3A_150] : memref<1024xi32, #tpu.memory_space<vmem>> -> memref<128xi32, #tpu.memory_space<vmem>>
      %dma_start3A_152 = arith.constant 0 : i32
      %dma_start3A_153 = arith.constant 0 : i32
      %dma_start3A_154 = tpu.memref_slice %arg2[%dma_start3A_152, %dma_start3A_153] : memref<10000x128xf32, #tpu.memory_space<hbm>> -> memref<10000x128xf32, #tpu.memory_space<hbm>>
      tpu.enqueue_indirect_dma source(%dma_start3A_154 : memref<10000x128xf32, #tpu.memory_space<hbm>>) target(%arg10 : memref<128x128xf32, #tpu.memory_space<vmem>>) offsets(%dma_start3A_151 : memref<128xi32, #tpu.memory_space<vmem>>) semaphore(%arg11 : memref<!tpu.dma_semaphore, #tpu.memory_space<semaphore_mem>>)
      %dma_wait3A_155 = arith.constant 512 : i32
      %dma_wait3A_156 = tpu.memref_slice %arg7[%dma_wait3A_155] : memref<1024xi32, #tpu.memory_space<vmem>> -> memref<128xi32, #tpu.memory_space<vmem>>
      %dma_wait3A_157 = arith.constant 0 : i32
      %dma_wait3A_158 = arith.constant 0 : i32
      %dma_wait3A_159 = tpu.memref_slice %arg2[%dma_wait3A_157, %dma_wait3A_158] : memref<10000x128xf32, #tpu.memory_space<hbm>> -> memref<10000x128xf32, #tpu.memory_space<hbm>>
      tpu.wait_indirect_dma semaphore(%arg11 : memref<!tpu.dma_semaphore, #tpu.memory_space<semaphore_mem>>) src(%dma_wait3A_159 : memref<10000x128xf32, #tpu.memory_space<hbm>>) dst(%arg9 : memref<128x128xf32, #tpu.memory_space<vmem>>)
      %dma_start3A_160 = arith.constant 4 : i32
      %dma_start3A_161 = arith.constant 0 : i32
      %dma_start3A_162 = tpu.memref_slice %arg8[%dma_start3A_160, %dma_start3A_161] : memref<8x128xi32, #tpu.memory_space<vmem>> -> memref<1x128xi32, #tpu.memory_space<vmem>>
      %dma_start3A_163 = tpu.memref_squeeze %dma_start3A_162 : memref<1x128xi32, #tpu.memory_space<vmem>> -> memref<128xi32, #tpu.memory_space<vmem>>
      %dma_start3A_164 = arith.constant 0 : i32
      %dma_start3A_165 = arith.constant 0 : i32
      %dma_start3A_166 = tpu.memref_slice %arg6[%dma_start3A_164, %dma_start3A_165] : memref<10112x128xf32, #tpu.memory_space<vmem_shared>> -> memref<10112x128xf32, #tpu.memory_space<vmem_shared>>
      tpu.enqueue_indirect_dma source(%arg9 : memref<128x128xf32, #tpu.memory_space<vmem>>) target(%dma_start3A_166 : memref<10112x128xf32, #tpu.memory_space<vmem_shared>>) offsets(%dma_start3A_163 : memref<128xi32, #tpu.memory_space<vmem>>) semaphore(%arg12 : memref<!tpu.dma_semaphore, #tpu.memory_space<semaphore_mem>>) {add = true}
      %dma_wait3A_167 = arith.constant 4 : i32
      %dma_wait3A_168 = arith.constant 0 : i32
      %dma_wait3A_169 = tpu.memref_slice %arg8[%dma_wait3A_167, %dma_wait3A_168] : memref<8x128xi32, #tpu.memory_space<vmem>> -> memref<1x128xi32, #tpu.memory_space<vmem>>
      %dma_wait3A_170 = tpu.memref_squeeze %dma_wait3A_169 : memref<1x128xi32, #tpu.memory_space<vmem>> -> memref<128xi32, #tpu.memory_space<vmem>>
      %dma_wait3A_171 = arith.constant 0 : i32
      %dma_wait3A_172 = arith.constant 0 : i32
      %dma_wait3A_173 = tpu.memref_slice %arg6[%dma_wait3A_171, %dma_wait3A_172] : memref<10112x128xf32, #tpu.memory_space<vmem_shared>> -> memref<10112x128xf32, #tpu.memory_space<vmem_shared>>
      tpu.wait_indirect_dma semaphore(%arg12 : memref<!tpu.dma_semaphore, #tpu.memory_space<semaphore_mem>>) src(%arg9 : memref<128x128xf32, #tpu.memory_space<vmem>>) dst(%dma_wait3A_173 : memref<10112x128xf32, #tpu.memory_space<vmem_shared>>)
      %dma_start3A_174 = arith.constant 768 : i32
      %dma_start3A_175 = tpu.memref_slice %arg7[%dma_start3A_174] : memref<1024xi32, #tpu.memory_space<vmem>> -> memref<128xi32, #tpu.memory_space<vmem>>
      %dma_start3A_176 = arith.constant 0 : i32
      %dma_start3A_177 = arith.constant 0 : i32
      %dma_start3A_178 = tpu.memref_slice %arg2[%dma_start3A_176, %dma_start3A_177] : memref<10000x128xf32, #tpu.memory_space<hbm>> -> memref<10000x128xf32, #tpu.memory_space<hbm>>
      tpu.enqueue_indirect_dma source(%dma_start3A_178 : memref<10000x128xf32, #tpu.memory_space<hbm>>) target(%arg9 : memref<128x128xf32, #tpu.memory_space<vmem>>) offsets(%dma_start3A_175 : memref<128xi32, #tpu.memory_space<vmem>>) semaphore(%arg11 : memref<!tpu.dma_semaphore, #tpu.memory_space<semaphore_mem>>)
      %dma_wait3A_179 = arith.constant 640 : i32
      %dma_wait3A_180 = tpu.memref_slice %arg7[%dma_wait3A_179] : memref<1024xi32, #tpu.memory_space<vmem>> -> memref<128xi32, #tpu.memory_space<vmem>>
      %dma_wait3A_181 = arith.constant 0 : i32
      %dma_wait3A_182 = arith.constant 0 : i32
      %dma_wait3A_183 = tpu.memref_slice %arg2[%dma_wait3A_181, %dma_wait3A_182] : memref<10000x128xf32, #tpu.memory_space<hbm>> -> memref<10000x128xf32, #tpu.memory_space<hbm>>
      tpu.wait_indirect_dma semaphore(%arg11 : memref<!tpu.dma_semaphore, #tpu.memory_space<semaphore_mem>>) src(%dma_wait3A_183 : memref<10000x128xf32, #tpu.memory_space<hbm>>) dst(%arg10 : memref<128x128xf32, #tpu.memory_space<vmem>>)
      %dma_start3A_184 = arith.constant 5 : i32
      %dma_start3A_185 = arith.constant 0 : i32
      %dma_start3A_186 = tpu.memref_slice %arg8[%dma_start3A_184, %dma_start3A_185] : memref<8x128xi32, #tpu.memory_space<vmem>> -> memref<1x128xi32, #tpu.memory_space<vmem>>
      %dma_start3A_187 = tpu.memref_squeeze %dma_start3A_186 : memref<1x128xi32, #tpu.memory_space<vmem>> -> memref<128xi32, #tpu.memory_space<vmem>>
      %dma_start3A_188 = arith.constant 0 : i32
      %dma_start3A_189 = arith.constant 0 : i32
      %dma_start3A_190 = tpu.memref_slice %arg6[%dma_start3A_188, %dma_start3A_189] : memref<10112x128xf32, #tpu.memory_space<vmem_shared>> -> memref<10112x128xf32, #tpu.memory_space<vmem_shared>>
      tpu.enqueue_indirect_dma source(%arg10 : memref<128x128xf32, #tpu.memory_space<vmem>>) target(%dma_start3A_190 : memref<10112x128xf32, #tpu.memory_space<vmem_shared>>) offsets(%dma_start3A_187 : memref<128xi32, #tpu.memory_space<vmem>>) semaphore(%arg12 : memref<!tpu.dma_semaphore, #tpu.memory_space<semaphore_mem>>) {add = true}
      %dma_wait3A_191 = arith.constant 5 : i32
      %dma_wait3A_192 = arith.constant 0 : i32
      %dma_wait3A_193 = tpu.memref_slice %arg8[%dma_wait3A_191, %dma_wait3A_192] : memref<8x128xi32, #tpu.memory_space<vmem>> -> memref<1x128xi32, #tpu.memory_space<vmem>>
      %dma_wait3A_194 = tpu.memref_squeeze %dma_wait3A_193 : memref<1x128xi32, #tpu.memory_space<vmem>> -> memref<128xi32, #tpu.memory_space<vmem>>
      %dma_wait3A_195 = arith.constant 0 : i32
      %dma_wait3A_196 = arith.constant 0 : i32
      %dma_wait3A_197 = tpu.memref_slice %arg6[%dma_wait3A_195, %dma_wait3A_196] : memref<10112x128xf32, #tpu.memory_space<vmem_shared>> -> memref<10112x128xf32, #tpu.memory_space<vmem_shared>>
      tpu.wait_indirect_dma semaphore(%arg12 : memref<!tpu.dma_semaphore, #tpu.memory_space<semaphore_mem>>) src(%arg10 : memref<128x128xf32, #tpu.memory_space<vmem>>) dst(%dma_wait3A_197 : memref<10112x128xf32, #tpu.memory_space<vmem_shared>>)
      %dma_start3A_198 = arith.constant 896 : i32
      %dma_start3A_199 = tpu.memref_slice %arg7[%dma_start3A_198] : memref<1024xi32, #tpu.memory_space<vmem>> -> memref<128xi32, #tpu.memory_space<vmem>>
      %dma_start3A_200 = arith.constant 0 : i32
      %dma_start3A_201 = arith.constant 0 : i32
      %dma_start3A_202 = tpu.memref_slice %arg2[%dma_start3A_200, %dma_start3A_201] : memref<10000x128xf32, #tpu.memory_space<hbm>> -> memref<10000x128xf32, #tpu.memory_space<hbm>>
      tpu.enqueue_indirect_dma source(%dma_start3A_202 : memref<10000x128xf32, #tpu.memory_space<hbm>>) target(%arg10 : memref<128x128xf32, #tpu.memory_space<vmem>>) offsets(%dma_start3A_199 : memref<128xi32, #tpu.memory_space<vmem>>) semaphore(%arg11 : memref<!tpu.dma_semaphore, #tpu.memory_space<semaphore_mem>>)
      %dma_wait3A_203 = arith.constant 768 : i32
      %dma_wait3A_204 = tpu.memref_slice %arg7[%dma_wait3A_203] : memref<1024xi32, #tpu.memory_space<vmem>> -> memref<128xi32, #tpu.memory_space<vmem>>
      %dma_wait3A_205 = arith.constant 0 : i32
      %dma_wait3A_206 = arith.constant 0 : i32
      %dma_wait3A_207 = tpu.memref_slice %arg2[%dma_wait3A_205, %dma_wait3A_206] : memref<10000x128xf32, #tpu.memory_space<hbm>> -> memref<10000x128xf32, #tpu.memory_space<hbm>>
      tpu.wait_indirect_dma semaphore(%arg11 : memref<!tpu.dma_semaphore, #tpu.memory_space<semaphore_mem>>) src(%dma_wait3A_207 : memref<10000x128xf32, #tpu.memory_space<hbm>>) dst(%arg9 : memref<128x128xf32, #tpu.memory_space<vmem>>)
      %dma_start3A_208 = arith.constant 6 : i32
      %dma_start3A_209 = arith.constant 0 : i32
      %dma_start3A_210 = tpu.memref_slice %arg8[%dma_start3A_208, %dma_start3A_209] : memref<8x128xi32, #tpu.memory_space<vmem>> -> memref<1x128xi32, #tpu.memory_space<vmem>>
      %dma_start3A_211 = tpu.memref_squeeze %dma_start3A_210 : memref<1x128xi32, #tpu.memory_space<vmem>> -> memref<128xi32, #tpu.memory_space<vmem>>
      %dma_start3A_212 = arith.constant 0 : i32
      %dma_start3A_213 = arith.constant 0 : i32
      %dma_start3A_214 = tpu.memref_slice %arg6[%dma_start3A_212, %dma_start3A_213] : memref<10112x128xf32, #tpu.memory_space<vmem_shared>> -> memref<10112x128xf32, #tpu.memory_space<vmem_shared>>
      tpu.enqueue_indirect_dma source(%arg9 : memref<128x128xf32, #tpu.memory_space<vmem>>) target(%dma_start3A_214 : memref<10112x128xf32, #tpu.memory_space<vmem_shared>>) offsets(%dma_start3A_211 : memref<128xi32, #tpu.memory_space<vmem>>) semaphore(%arg12 : memref<!tpu.dma_semaphore, #tpu.memory_space<semaphore_mem>>) {add = true}
      %dma_wait3A_215 = arith.constant 896 : i32
      %dma_wait3A_216 = tpu.memref_slice %arg7[%dma_wait3A_215] : memref<1024xi32, #tpu.memory_space<vmem>> -> memref<128xi32, #tpu.memory_space<vmem>>
      %dma_wait3A_217 = arith.constant 0 : i32
      %dma_wait3A_218 = arith.constant 0 : i32
      %dma_wait3A_219 = tpu.memref_slice %arg2[%dma_wait3A_217, %dma_wait3A_218] : memref<10000x128xf32, #tpu.memory_space<hbm>> -> memref<10000x128xf32, #tpu.memory_space<hbm>>
      tpu.wait_indirect_dma semaphore(%arg11 : memref<!tpu.dma_semaphore, #tpu.memory_space<semaphore_mem>>) src(%dma_wait3A_219 : memref<10000x128xf32, #tpu.memory_space<hbm>>) dst(%arg10 : memref<128x128xf32, #tpu.memory_space<vmem>>)
      %dma_start3A_220 = arith.constant 7 : i32
      %dma_start3A_221 = arith.constant 0 : i32
      %dma_start3A_222 = tpu.memref_slice %arg8[%dma_start3A_220, %dma_start3A_221] : memref<8x128xi32, #tpu.memory_space<vmem>> -> memref<1x128xi32, #tpu.memory_space<vmem>>
      %dma_start3A_223 = tpu.memref_squeeze %dma_start3A_222 : memref<1x128xi32, #tpu.memory_space<vmem>> -> memref<128xi32, #tpu.memory_space<vmem>>
      %dma_start3A_224 = arith.constant 0 : i32
      %dma_start3A_225 = arith.constant 0 : i32
      %dma_start3A_226 = tpu.memref_slice %arg6[%dma_start3A_224, %dma_start3A_225] : memref<10112x128xf32, #tpu.memory_space<vmem_shared>> -> memref<10112x128xf32, #tpu.memory_space<vmem_shared>>
      tpu.enqueue_indirect_dma source(%arg10 : memref<128x128xf32, #tpu.memory_space<vmem>>) target(%dma_start3A_226 : memref<10112x128xf32, #tpu.memory_space<vmem_shared>>) offsets(%dma_start3A_223 : memref<128xi32, #tpu.memory_space<vmem>>) semaphore(%arg12 : memref<!tpu.dma_semaphore, #tpu.memory_space<semaphore_mem>>) {add = true}
      %dma_wait3A_227 = arith.constant 6 : i32
      %dma_wait3A_228 = arith.constant 0 : i32
      %dma_wait3A_229 = tpu.memref_slice %arg8[%dma_wait3A_227, %dma_wait3A_228] : memref<8x128xi32, #tpu.memory_space<vmem>> -> memref<1x128xi32, #tpu.memory_space<vmem>>
      %dma_wait3A_230 = tpu.memref_squeeze %dma_wait3A_229 : memref<1x128xi32, #tpu.memory_space<vmem>> -> memref<128xi32, #tpu.memory_space<vmem>>
      %dma_wait3A_231 = arith.constant 0 : i32
      %dma_wait3A_232 = arith.constant 0 : i32
      %dma_wait3A_233 = tpu.memref_slice %arg6[%dma_wait3A_231, %dma_wait3A_232] : memref<10112x128xf32, #tpu.memory_space<vmem_shared>> -> memref<10112x128xf32, #tpu.memory_space<vmem_shared>>
      tpu.wait_indirect_dma semaphore(%arg12 : memref<!tpu.dma_semaphore, #tpu.memory_space<semaphore_mem>>) src(%arg9 : memref<128x128xf32, #tpu.memory_space<vmem>>) dst(%dma_wait3A_233 : memref<10112x128xf32, #tpu.memory_space<vmem_shared>>)
      %dma_wait3A_234 = arith.constant 7 : i32
      %dma_wait3A_235 = arith.constant 0 : i32
      %dma_wait3A_236 = tpu.memref_slice %arg8[%dma_wait3A_234, %dma_wait3A_235] : memref<8x128xi32, #tpu.memory_space<vmem>> -> memref<1x128xi32, #tpu.memory_space<vmem>>
      %dma_wait3A_237 = tpu.memref_squeeze %dma_wait3A_236 : memref<1x128xi32, #tpu.memory_space<vmem>> -> memref<128xi32, #tpu.memory_space<vmem>>
      %dma_wait3A_238 = arith.constant 0 : i32
      %dma_wait3A_239 = arith.constant 0 : i32
      %dma_wait3A_240 = tpu.memref_slice %arg6[%dma_wait3A_238, %dma_wait3A_239] : memref<10112x128xf32, #tpu.memory_space<vmem_shared>> -> memref<10112x128xf32, #tpu.memory_space<vmem_shared>>
      tpu.wait_indirect_dma semaphore(%arg12 : memref<!tpu.dma_semaphore, #tpu.memory_space<semaphore_mem>>) src(%arg10 : memref<128x128xf32, #tpu.memory_space<vmem>>) dst(%dma_wait3A_240 : memref<10112x128xf32, #tpu.memory_space<vmem_shared>>)
      %while3A_241 = arith.constant 0 : i32
      scf.yield %while3A_241 : i32
    }
    %while3A_37 = arith.constant 1 : i32
    %while3A_38 = scf.for %while3A_44 = %while3A_34 to %while3A_30 step %while3A_37 iter_args(%while3A_45 = %while3A_36) -> (i32)  : i32 {
      %mul3A_46 = arith.constant 8 : i32
      %mul3A_47 = arith.muli %while3A_44, %mul3A_46 : i32
      %add3A_48 = arith.addi %select_n3A_27, %mul3A_47 : i32
      %mul3A_49 = arith.constant 128 : i32
      %mul3A_50 = arith.muli %add3A_48, %mul3A_49 : i32
      "tpu.region"() ({
        %run_scoped3A = tpu.sem_alloc : memref<!tpu.dma_semaphore, #tpu.memory_space<semaphore_mem>>
        %dma_start3A_242 = tpu.memref_slice %arg3[%mul3A_50] : memref<327680xi32, #tpu.memory_space<hbm>> -> memref<1024xi32, #tpu.memory_space<hbm>>
        %dma_start3A_243 = tpu.memref_slice %arg3[%mul3A_50] : memref<327680xi32, #tpu.memory_space<hbm>> -> memref<1024xi32, #tpu.memory_space<hbm>>
        tpu.enqueue_dma source(%dma_start3A_243 : memref<1024xi32, #tpu.memory_space<hbm>>) target(%arg7 : memref<1024xi32, #tpu.memory_space<vmem>>) target_semaphore(%run_scoped3A : memref<!tpu.dma_semaphore, #tpu.memory_space<semaphore_mem>>)
        %dma_wait3A_244 = tpu.memref_slice %arg3[%mul3A_50] : memref<327680xi32, #tpu.memory_space<hbm>> -> memref<1024xi32, #tpu.memory_space<hbm>>
        %dma_wait3A_245 = tpu.memref_slice %arg3[%mul3A_50] : memref<327680xi32, #tpu.memory_space<hbm>> -> memref<1024xi32, #tpu.memory_space<hbm>>
        tpu.wait_dma2 semaphore(%run_scoped3A : memref<!tpu.dma_semaphore, #tpu.memory_space<semaphore_mem>>) src(%dma_wait3A_245 : memref<1024xi32, #tpu.memory_space<hbm>>) dst(%arg7 : memref<1024xi32, #tpu.memory_space<vmem>>)
        tpu.yield
      }) : () -> ()
      "tpu.region"() ({
        %run_scoped3A = tpu.sem_alloc : memref<!tpu.dma_semaphore, #tpu.memory_space<semaphore_mem>>
        %dma_start3A_242 = arith.constant 0 : i32
        %dma_start3A_243 = tpu.memref_slice %arg4[%add3A_48, %dma_start3A_242] : memref<2560x128xi32, #tpu.memory_space<hbm>> -> memref<8x128xi32, #tpu.memory_space<hbm>>
        %dma_start3A_244 = arith.constant 0 : i32
        %dma_start3A_245 = tpu.memref_slice %arg4[%add3A_48, %dma_start3A_244] : memref<2560x128xi32, #tpu.memory_space<hbm>> -> memref<8x128xi32, #tpu.memory_space<hbm>>
        tpu.enqueue_dma source(%dma_start3A_245 : memref<8x128xi32, #tpu.memory_space<hbm>>) target(%arg8 : memref<8x128xi32, #tpu.memory_space<vmem>>) target_semaphore(%run_scoped3A : memref<!tpu.dma_semaphore, #tpu.memory_space<semaphore_mem>>)
        %dma_wait3A_246 = arith.constant 0 : i32
        %dma_wait3A_247 = tpu.memref_slice %arg4[%add3A_48, %dma_wait3A_246] : memref<2560x128xi32, #tpu.memory_space<hbm>> -> memref<8x128xi32, #tpu.memory_space<hbm>>
        %dma_wait3A_248 = arith.constant 0 : i32
        %dma_wait3A_249 = tpu.memref_slice %arg4[%add3A_48, %dma_wait3A_248] : memref<2560x128xi32, #tpu.memory_space<hbm>> -> memref<8x128xi32, #tpu.memory_space<hbm>>
        tpu.wait_dma2 semaphore(%run_scoped3A : memref<!tpu.dma_semaphore, #tpu.memory_space<semaphore_mem>>) src(%dma_wait3A_249 : memref<8x128xi32, #tpu.memory_space<hbm>>) dst(%arg8 : memref<8x128xi32, #tpu.memory_space<vmem>>)
        tpu.yield
      }) : () -> ()
      %dma_start3A = arith.constant 0 : i32
      %dma_start3A_51 = tpu.memref_slice %arg7[%dma_start3A] : memref<1024xi32, #tpu.memory_space<vmem>> -> memref<128xi32, #tpu.memory_space<vmem>>
      %dma_start3A_52 = arith.constant 0 : i32
      %dma_start3A_53 = arith.constant 0 : i32
      %dma_start3A_54 = tpu.memref_slice %arg2[%dma_start3A_52, %dma_start3A_53] : memref<10000x128xf32, #tpu.memory_space<hbm>> -> memref<10000x128xf32, #tpu.memory_space<hbm>>
      tpu.enqueue_indirect_dma source(%dma_start3A_54 : memref<10000x128xf32, #tpu.memory_space<hbm>>) target(%arg9 : memref<128x128xf32, #tpu.memory_space<vmem>>) offsets(%dma_start3A_51 : memref<128xi32, #tpu.memory_space<vmem>>) semaphore(%arg11 : memref<!tpu.dma_semaphore, #tpu.memory_space<semaphore_mem>>)
      %dma_start3A_55 = arith.constant 128 : i32
      %dma_start3A_56 = tpu.memref_slice %arg7[%dma_start3A_55] : memref<1024xi32, #tpu.memory_space<vmem>> -> memref<128xi32, #tpu.memory_space<vmem>>
      %dma_start3A_57 = arith.constant 0 : i32
      %dma_start3A_58 = arith.constant 0 : i32
      %dma_start3A_59 = tpu.memref_slice %arg2[%dma_start3A_57, %dma_start3A_58] : memref<10000x128xf32, #tpu.memory_space<hbm>> -> memref<10000x128xf32, #tpu.memory_space<hbm>>
      tpu.enqueue_indirect_dma source(%dma_start3A_59 : memref<10000x128xf32, #tpu.memory_space<hbm>>) target(%arg10 : memref<128x128xf32, #tpu.memory_space<vmem>>) offsets(%dma_start3A_56 : memref<128xi32, #tpu.memory_space<vmem>>) semaphore(%arg11 : memref<!tpu.dma_semaphore, #tpu.memory_space<semaphore_mem>>)
      %dma_wait3A = arith.constant 0 : i32
      %dma_wait3A_60 = tpu.memref_slice %arg7[%dma_wait3A] : memref<1024xi32, #tpu.memory_space<vmem>> -> memref<128xi32, #tpu.memory_space<vmem>>
      %dma_wait3A_61 = arith.constant 0 : i32
      %dma_wait3A_62 = arith.constant 0 : i32
      %dma_wait3A_63 = tpu.memref_slice %arg2[%dma_wait3A_61, %dma_wait3A_62] : memref<10000x128xf32, #tpu.memory_space<hbm>> -> memref<10000x128xf32, #tpu.memory_space<hbm>>
      tpu.wait_indirect_dma semaphore(%arg11 : memref<!tpu.dma_semaphore, #tpu.memory_space<semaphore_mem>>) src(%dma_wait3A_63 : memref<10000x128xf32, #tpu.memory_space<hbm>>) dst(%arg9 : memref<128x128xf32, #tpu.memory_space<vmem>>)
      %dma_start3A_64 = arith.constant 0 : i32
      %dma_start3A_65 = arith.constant 0 : i32
      %dma_start3A_66 = tpu.memref_slice %arg8[%dma_start3A_64, %dma_start3A_65] : memref<8x128xi32, #tpu.memory_space<vmem>> -> memref<1x128xi32, #tpu.memory_space<vmem>>
      %dma_start3A_67 = tpu.memref_squeeze %dma_start3A_66 : memref<1x128xi32, #tpu.memory_space<vmem>> -> memref<128xi32, #tpu.memory_space<vmem>>
      %dma_start3A_68 = arith.constant 0 : i32
      %dma_start3A_69 = arith.constant 0 : i32
      %dma_start3A_70 = tpu.memref_slice %arg6[%dma_start3A_68, %dma_start3A_69] : memref<10112x128xf32, #tpu.memory_space<vmem_shared>> -> memref<10112x128xf32, #tpu.memory_space<vmem_shared>>
      tpu.enqueue_indirect_dma source(%arg9 : memref<128x128xf32, #tpu.memory_space<vmem>>) target(%dma_start3A_70 : memref<10112x128xf32, #tpu.memory_space<vmem_shared>>) offsets(%dma_start3A_67 : memref<128xi32, #tpu.memory_space<vmem>>) semaphore(%arg12 : memref<!tpu.dma_semaphore, #tpu.memory_space<semaphore_mem>>) {add = true}
      %dma_wait3A_71 = arith.constant 0 : i32
      %dma_wait3A_72 = arith.constant 0 : i32
      %dma_wait3A_73 = tpu.memref_slice %arg8[%dma_wait3A_71, %dma_wait3A_72] : memref<8x128xi32, #tpu.memory_space<vmem>> -> memref<1x128xi32, #tpu.memory_space<vmem>>
      %dma_wait3A_74 = tpu.memref_squeeze %dma_wait3A_73 : memref<1x128xi32, #tpu.memory_space<vmem>> -> memref<128xi32, #tpu.memory_space<vmem>>
      %dma_wait3A_75 = arith.constant 0 : i32
      %dma_wait3A_76 = arith.constant 0 : i32
      %dma_wait3A_77 = tpu.memref_slice %arg6[%dma_wait3A_75, %dma_wait3A_76] : memref<10112x128xf32, #tpu.memory_space<vmem_shared>> -> memref<10112x128xf32, #tpu.memory_space<vmem_shared>>
      tpu.wait_indirect_dma semaphore(%arg12 : memref<!tpu.dma_semaphore, #tpu.memory_space<semaphore_mem>>) src(%arg9 : memref<128x128xf32, #tpu.memory_space<vmem>>) dst(%dma_wait3A_77 : memref<10112x128xf32, #tpu.memory_space<vmem_shared>>)
      %dma_start3A_78 = arith.constant 256 : i32
      %dma_start3A_79 = tpu.memref_slice %arg7[%dma_start3A_78] : memref<1024xi32, #tpu.memory_space<vmem>> -> memref<128xi32, #tpu.memory_space<vmem>>
      %dma_start3A_80 = arith.constant 0 : i32
      %dma_start3A_81 = arith.constant 0 : i32
      %dma_start3A_82 = tpu.memref_slice %arg2[%dma_start3A_80, %dma_start3A_81] : memref<10000x128xf32, #tpu.memory_space<hbm>> -> memref<10000x128xf32, #tpu.memory_space<hbm>>
      tpu.enqueue_indirect_dma source(%dma_start3A_82 : memref<10000x128xf32, #tpu.memory_space<hbm>>) target(%arg9 : memref<128x128xf32, #tpu.memory_space<vmem>>) offsets(%dma_start3A_79 : memref<128xi32, #tpu.memory_space<vmem>>) semaphore(%arg11 : memref<!tpu.dma_semaphore, #tpu.memory_space<semaphore_mem>>)
      %dma_wait3A_83 = arith.constant 128 : i32
      %dma_wait3A_84 = tpu.memref_slice %arg7[%dma_wait3A_83] : memref<1024xi32, #tpu.memory_space<vmem>> -> memref<128xi32, #tpu.memory_space<vmem>>
      %dma_wait3A_85 = arith.constant 0 : i32
      %dma_wait3A_86 = arith.constant 0 : i32
      %dma_wait3A_87 = tpu.memref_slice %arg2[%dma_wait3A_85, %dma_wait3A_86] : memref<10000x128xf32, #tpu.memory_space<hbm>> -> memref<10000x128xf32, #tpu.memory_space<hbm>>
      tpu.wait_indirect_dma semaphore(%arg11 : memref<!tpu.dma_semaphore, #tpu.memory_space<semaphore_mem>>) src(%dma_wait3A_87 : memref<10000x128xf32, #tpu.memory_space<hbm>>) dst(%arg10 : memref<128x128xf32, #tpu.memory_space<vmem>>)
      %dma_start3A_88 = arith.constant 1 : i32
      %dma_start3A_89 = arith.constant 0 : i32
      %dma_start3A_90 = tpu.memref_slice %arg8[%dma_start3A_88, %dma_start3A_89] : memref<8x128xi32, #tpu.memory_space<vmem>> -> memref<1x128xi32, #tpu.memory_space<vmem>>
      %dma_start3A_91 = tpu.memref_squeeze %dma_start3A_90 : memref<1x128xi32, #tpu.memory_space<vmem>> -> memref<128xi32, #tpu.memory_space<vmem>>
      %dma_start3A_92 = arith.constant 0 : i32
      %dma_start3A_93 = arith.constant 0 : i32
      %dma_start3A_94 = tpu.memref_slice %arg6[%dma_start3A_92, %dma_start3A_93] : memref<10112x128xf32, #tpu.memory_space<vmem_shared>> -> memref<10112x128xf32, #tpu.memory_space<vmem_shared>>
      tpu.enqueue_indirect_dma source(%arg10 : memref<128x128xf32, #tpu.memory_space<vmem>>) target(%dma_start3A_94 : memref<10112x128xf32, #tpu.memory_space<vmem_shared>>) offsets(%dma_start3A_91 : memref<128xi32, #tpu.memory_space<vmem>>) semaphore(%arg12 : memref<!tpu.dma_semaphore, #tpu.memory_space<semaphore_mem>>) {add = true}
      %dma_wait3A_95 = arith.constant 1 : i32
      %dma_wait3A_96 = arith.constant 0 : i32
      %dma_wait3A_97 = tpu.memref_slice %arg8[%dma_wait3A_95, %dma_wait3A_96] : memref<8x128xi32, #tpu.memory_space<vmem>> -> memref<1x128xi32, #tpu.memory_space<vmem>>
      %dma_wait3A_98 = tpu.memref_squeeze %dma_wait3A_97 : memref<1x128xi32, #tpu.memory_space<vmem>> -> memref<128xi32, #tpu.memory_space<vmem>>
      %dma_wait3A_99 = arith.constant 0 : i32
      %dma_wait3A_100 = arith.constant 0 : i32
      %dma_wait3A_101 = tpu.memref_slice %arg6[%dma_wait3A_99, %dma_wait3A_100] : memref<10112x128xf32, #tpu.memory_space<vmem_shared>> -> memref<10112x128xf32, #tpu.memory_space<vmem_shared>>
      tpu.wait_indirect_dma semaphore(%arg12 : memref<!tpu.dma_semaphore, #tpu.memory_space<semaphore_mem>>) src(%arg10 : memref<128x128xf32, #tpu.memory_space<vmem>>) dst(%dma_wait3A_101 : memref<10112x128xf32, #tpu.memory_space<vmem_shared>>)
      %dma_start3A_102 = arith.constant 384 : i32
      %dma_start3A_103 = tpu.memref_slice %arg7[%dma_start3A_102] : memref<1024xi32, #tpu.memory_space<vmem>> -> memref<128xi32, #tpu.memory_space<vmem>>
      %dma_start3A_104 = arith.constant 0 : i32
      %dma_start3A_105 = arith.constant 0 : i32
      %dma_start3A_106 = tpu.memref_slice %arg2[%dma_start3A_104, %dma_start3A_105] : memref<10000x128xf32, #tpu.memory_space<hbm>> -> memref<10000x128xf32, #tpu.memory_space<hbm>>
      tpu.enqueue_indirect_dma source(%dma_start3A_106 : memref<10000x128xf32, #tpu.memory_space<hbm>>) target(%arg10 : memref<128x128xf32, #tpu.memory_space<vmem>>) offsets(%dma_start3A_103 : memref<128xi32, #tpu.memory_space<vmem>>) semaphore(%arg11 : memref<!tpu.dma_semaphore, #tpu.memory_space<semaphore_mem>>)
      %dma_wait3A_107 = arith.constant 256 : i32
      %dma_wait3A_108 = tpu.memref_slice %arg7[%dma_wait3A_107] : memref<1024xi32, #tpu.memory_space<vmem>> -> memref<128xi32, #tpu.memory_space<vmem>>
      %dma_wait3A_109 = arith.constant 0 : i32
      %dma_wait3A_110 = arith.constant 0 : i32
      %dma_wait3A_111 = tpu.memref_slice %arg2[%dma_wait3A_109, %dma_wait3A_110] : memref<10000x128xf32, #tpu.memory_space<hbm>> -> memref<10000x128xf32, #tpu.memory_space<hbm>>
      tpu.wait_indirect_dma semaphore(%arg11 : memref<!tpu.dma_semaphore, #tpu.memory_space<semaphore_mem>>) src(%dma_wait3A_111 : memref<10000x128xf32, #tpu.memory_space<hbm>>) dst(%arg9 : memref<128x128xf32, #tpu.memory_space<vmem>>)
      %dma_start3A_112 = arith.constant 2 : i32
      %dma_start3A_113 = arith.constant 0 : i32
      %dma_start3A_114 = tpu.memref_slice %arg8[%dma_start3A_112, %dma_start3A_113] : memref<8x128xi32, #tpu.memory_space<vmem>> -> memref<1x128xi32, #tpu.memory_space<vmem>>
      %dma_start3A_115 = tpu.memref_squeeze %dma_start3A_114 : memref<1x128xi32, #tpu.memory_space<vmem>> -> memref<128xi32, #tpu.memory_space<vmem>>
      %dma_start3A_116 = arith.constant 0 : i32
      %dma_start3A_117 = arith.constant 0 : i32
      %dma_start3A_118 = tpu.memref_slice %arg6[%dma_start3A_116, %dma_start3A_117] : memref<10112x128xf32, #tpu.memory_space<vmem_shared>> -> memref<10112x128xf32, #tpu.memory_space<vmem_shared>>
      tpu.enqueue_indirect_dma source(%arg9 : memref<128x128xf32, #tpu.memory_space<vmem>>) target(%dma_start3A_118 : memref<10112x128xf32, #tpu.memory_space<vmem_shared>>) offsets(%dma_start3A_115 : memref<128xi32, #tpu.memory_space<vmem>>) semaphore(%arg12 : memref<!tpu.dma_semaphore, #tpu.memory_space<semaphore_mem>>) {add = true}
      %dma_wait3A_119 = arith.constant 2 : i32
      %dma_wait3A_120 = arith.constant 0 : i32
      %dma_wait3A_121 = tpu.memref_slice %arg8[%dma_wait3A_119, %dma_wait3A_120] : memref<8x128xi32, #tpu.memory_space<vmem>> -> memref<1x128xi32, #tpu.memory_space<vmem>>
      %dma_wait3A_122 = tpu.memref_squeeze %dma_wait3A_121 : memref<1x128xi32, #tpu.memory_space<vmem>> -> memref<128xi32, #tpu.memory_space<vmem>>
      %dma_wait3A_123 = arith.constant 0 : i32
      %dma_wait3A_124 = arith.constant 0 : i32
      %dma_wait3A_125 = tpu.memref_slice %arg6[%dma_wait3A_123, %dma_wait3A_124] : memref<10112x128xf32, #tpu.memory_space<vmem_shared>> -> memref<10112x128xf32, #tpu.memory_space<vmem_shared>>
      tpu.wait_indirect_dma semaphore(%arg12 : memref<!tpu.dma_semaphore, #tpu.memory_space<semaphore_mem>>) src(%arg9 : memref<128x128xf32, #tpu.memory_space<vmem>>) dst(%dma_wait3A_125 : memref<10112x128xf32, #tpu.memory_space<vmem_shared>>)
      %dma_start3A_126 = arith.constant 512 : i32
      %dma_start3A_127 = tpu.memref_slice %arg7[%dma_start3A_126] : memref<1024xi32, #tpu.memory_space<vmem>> -> memref<128xi32, #tpu.memory_space<vmem>>
      %dma_start3A_128 = arith.constant 0 : i32
      %dma_start3A_129 = arith.constant 0 : i32
      %dma_start3A_130 = tpu.memref_slice %arg2[%dma_start3A_128, %dma_start3A_129] : memref<10000x128xf32, #tpu.memory_space<hbm>> -> memref<10000x128xf32, #tpu.memory_space<hbm>>
      tpu.enqueue_indirect_dma source(%dma_start3A_130 : memref<10000x128xf32, #tpu.memory_space<hbm>>) target(%arg9 : memref<128x128xf32, #tpu.memory_space<vmem>>) offsets(%dma_start3A_127 : memref<128xi32, #tpu.memory_space<vmem>>) semaphore(%arg11 : memref<!tpu.dma_semaphore, #tpu.memory_space<semaphore_mem>>)
      %dma_wait3A_131 = arith.constant 384 : i32
      %dma_wait3A_132 = tpu.memref_slice %arg7[%dma_wait3A_131] : memref<1024xi32, #tpu.memory_space<vmem>> -> memref<128xi32, #tpu.memory_space<vmem>>
      %dma_wait3A_133 = arith.constant 0 : i32
      %dma_wait3A_134 = arith.constant 0 : i32
      %dma_wait3A_135 = tpu.memref_slice %arg2[%dma_wait3A_133, %dma_wait3A_134] : memref<10000x128xf32, #tpu.memory_space<hbm>> -> memref<10000x128xf32, #tpu.memory_space<hbm>>
      tpu.wait_indirect_dma semaphore(%arg11 : memref<!tpu.dma_semaphore, #tpu.memory_space<semaphore_mem>>) src(%dma_wait3A_135 : memref<10000x128xf32, #tpu.memory_space<hbm>>) dst(%arg10 : memref<128x128xf32, #tpu.memory_space<vmem>>)
      %dma_start3A_136 = arith.constant 3 : i32
      %dma_start3A_137 = arith.constant 0 : i32
      %dma_start3A_138 = tpu.memref_slice %arg8[%dma_start3A_136, %dma_start3A_137] : memref<8x128xi32, #tpu.memory_space<vmem>> -> memref<1x128xi32, #tpu.memory_space<vmem>>
      %dma_start3A_139 = tpu.memref_squeeze %dma_start3A_138 : memref<1x128xi32, #tpu.memory_space<vmem>> -> memref<128xi32, #tpu.memory_space<vmem>>
      %dma_start3A_140 = arith.constant 0 : i32
      %dma_start3A_141 = arith.constant 0 : i32
      %dma_start3A_142 = tpu.memref_slice %arg6[%dma_start3A_140, %dma_start3A_141] : memref<10112x128xf32, #tpu.memory_space<vmem_shared>> -> memref<10112x128xf32, #tpu.memory_space<vmem_shared>>
      tpu.enqueue_indirect_dma source(%arg10 : memref<128x128xf32, #tpu.memory_space<vmem>>) target(%dma_start3A_142 : memref<10112x128xf32, #tpu.memory_space<vmem_shared>>) offsets(%dma_start3A_139 : memref<128xi32, #tpu.memory_space<vmem>>) semaphore(%arg12 : memref<!tpu.dma_semaphore, #tpu.memory_space<semaphore_mem>>) {add = true}
      %dma_wait3A_143 = arith.constant 3 : i32
      %dma_wait3A_144 = arith.constant 0 : i32
      %dma_wait3A_145 = tpu.memref_slice %arg8[%dma_wait3A_143, %dma_wait3A_144] : memref<8x128xi32, #tpu.memory_space<vmem>> -> memref<1x128xi32, #tpu.memory_space<vmem>>
      %dma_wait3A_146 = tpu.memref_squeeze %dma_wait3A_145 : memref<1x128xi32, #tpu.memory_space<vmem>> -> memref<128xi32, #tpu.memory_space<vmem>>
      %dma_wait3A_147 = arith.constant 0 : i32
      %dma_wait3A_148 = arith.constant 0 : i32
      %dma_wait3A_149 = tpu.memref_slice %arg6[%dma_wait3A_147, %dma_wait3A_148] : memref<10112x128xf32, #tpu.memory_space<vmem_shared>> -> memref<10112x128xf32, #tpu.memory_space<vmem_shared>>
      tpu.wait_indirect_dma semaphore(%arg12 : memref<!tpu.dma_semaphore, #tpu.memory_space<semaphore_mem>>) src(%arg10 : memref<128x128xf32, #tpu.memory_space<vmem>>) dst(%dma_wait3A_149 : memref<10112x128xf32, #tpu.memory_space<vmem_shared>>)
      %dma_start3A_150 = arith.constant 640 : i32
      %dma_start3A_151 = tpu.memref_slice %arg7[%dma_start3A_150] : memref<1024xi32, #tpu.memory_space<vmem>> -> memref<128xi32, #tpu.memory_space<vmem>>
      %dma_start3A_152 = arith.constant 0 : i32
      %dma_start3A_153 = arith.constant 0 : i32
      %dma_start3A_154 = tpu.memref_slice %arg2[%dma_start3A_152, %dma_start3A_153] : memref<10000x128xf32, #tpu.memory_space<hbm>> -> memref<10000x128xf32, #tpu.memory_space<hbm>>
      tpu.enqueue_indirect_dma source(%dma_start3A_154 : memref<10000x128xf32, #tpu.memory_space<hbm>>) target(%arg10 : memref<128x128xf32, #tpu.memory_space<vmem>>) offsets(%dma_start3A_151 : memref<128xi32, #tpu.memory_space<vmem>>) semaphore(%arg11 : memref<!tpu.dma_semaphore, #tpu.memory_space<semaphore_mem>>)
      %dma_wait3A_155 = arith.constant 512 : i32
      %dma_wait3A_156 = tpu.memref_slice %arg7[%dma_wait3A_155] : memref<1024xi32, #tpu.memory_space<vmem>> -> memref<128xi32, #tpu.memory_space<vmem>>
      %dma_wait3A_157 = arith.constant 0 : i32
      %dma_wait3A_158 = arith.constant 0 : i32
      %dma_wait3A_159 = tpu.memref_slice %arg2[%dma_wait3A_157, %dma_wait3A_158] : memref<10000x128xf32, #tpu.memory_space<hbm>> -> memref<10000x128xf32, #tpu.memory_space<hbm>>
      tpu.wait_indirect_dma semaphore(%arg11 : memref<!tpu.dma_semaphore, #tpu.memory_space<semaphore_mem>>) src(%dma_wait3A_159 : memref<10000x128xf32, #tpu.memory_space<hbm>>) dst(%arg9 : memref<128x128xf32, #tpu.memory_space<vmem>>)
      %dma_start3A_160 = arith.constant 4 : i32
      %dma_start3A_161 = arith.constant 0 : i32
      %dma_start3A_162 = tpu.memref_slice %arg8[%dma_start3A_160, %dma_start3A_161] : memref<8x128xi32, #tpu.memory_space<vmem>> -> memref<1x128xi32, #tpu.memory_space<vmem>>
      %dma_start3A_163 = tpu.memref_squeeze %dma_start3A_162 : memref<1x128xi32, #tpu.memory_space<vmem>> -> memref<128xi32, #tpu.memory_space<vmem>>
      %dma_start3A_164 = arith.constant 0 : i32
      %dma_start3A_165 = arith.constant 0 : i32
      %dma_start3A_166 = tpu.memref_slice %arg6[%dma_start3A_164, %dma_start3A_165] : memref<10112x128xf32, #tpu.memory_space<vmem_shared>> -> memref<10112x128xf32, #tpu.memory_space<vmem_shared>>
      tpu.enqueue_indirect_dma source(%arg9 : memref<128x128xf32, #tpu.memory_space<vmem>>) target(%dma_start3A_166 : memref<10112x128xf32, #tpu.memory_space<vmem_shared>>) offsets(%dma_start3A_163 : memref<128xi32, #tpu.memory_space<vmem>>) semaphore(%arg12 : memref<!tpu.dma_semaphore, #tpu.memory_space<semaphore_mem>>) {add = true}
      %dma_wait3A_167 = arith.constant 4 : i32
      %dma_wait3A_168 = arith.constant 0 : i32
      %dma_wait3A_169 = tpu.memref_slice %arg8[%dma_wait3A_167, %dma_wait3A_168] : memref<8x128xi32, #tpu.memory_space<vmem>> -> memref<1x128xi32, #tpu.memory_space<vmem>>
      %dma_wait3A_170 = tpu.memref_squeeze %dma_wait3A_169 : memref<1x128xi32, #tpu.memory_space<vmem>> -> memref<128xi32, #tpu.memory_space<vmem>>
      %dma_wait3A_171 = arith.constant 0 : i32
      %dma_wait3A_172 = arith.constant 0 : i32
      %dma_wait3A_173 = tpu.memref_slice %arg6[%dma_wait3A_171, %dma_wait3A_172] : memref<10112x128xf32, #tpu.memory_space<vmem_shared>> -> memref<10112x128xf32, #tpu.memory_space<vmem_shared>>
      tpu.wait_indirect_dma semaphore(%arg12 : memref<!tpu.dma_semaphore, #tpu.memory_space<semaphore_mem>>) src(%arg9 : memref<128x128xf32, #tpu.memory_space<vmem>>) dst(%dma_wait3A_173 : memref<10112x128xf32, #tpu.memory_space<vmem_shared>>)
      %dma_start3A_174 = arith.constant 768 : i32
      %dma_start3A_175 = tpu.memref_slice %arg7[%dma_start3A_174] : memref<1024xi32, #tpu.memory_space<vmem>> -> memref<128xi32, #tpu.memory_space<vmem>>
      %dma_start3A_176 = arith.constant 0 : i32
      %dma_start3A_177 = arith.constant 0 : i32
      %dma_start3A_178 = tpu.memref_slice %arg2[%dma_start3A_176, %dma_start3A_177] : memref<10000x128xf32, #tpu.memory_space<hbm>> -> memref<10000x128xf32, #tpu.memory_space<hbm>>
      tpu.enqueue_indirect_dma source(%dma_start3A_178 : memref<10000x128xf32, #tpu.memory_space<hbm>>) target(%arg9 : memref<128x128xf32, #tpu.memory_space<vmem>>) offsets(%dma_start3A_175 : memref<128xi32, #tpu.memory_space<vmem>>) semaphore(%arg11 : memref<!tpu.dma_semaphore, #tpu.memory_space<semaphore_mem>>)
      %dma_wait3A_179 = arith.constant 640 : i32
      %dma_wait3A_180 = tpu.memref_slice %arg7[%dma_wait3A_179] : memref<1024xi32, #tpu.memory_space<vmem>> -> memref<128xi32, #tpu.memory_space<vmem>>
      %dma_wait3A_181 = arith.constant 0 : i32
      %dma_wait3A_182 = arith.constant 0 : i32
      %dma_wait3A_183 = tpu.memref_slice %arg2[%dma_wait3A_181, %dma_wait3A_182] : memref<10000x128xf32, #tpu.memory_space<hbm>> -> memref<10000x128xf32, #tpu.memory_space<hbm>>
      tpu.wait_indirect_dma semaphore(%arg11 : memref<!tpu.dma_semaphore, #tpu.memory_space<semaphore_mem>>) src(%dma_wait3A_183 : memref<10000x128xf32, #tpu.memory_space<hbm>>) dst(%arg10 : memref<128x128xf32, #tpu.memory_space<vmem>>)
      %dma_start3A_184 = arith.constant 5 : i32
      %dma_start3A_185 = arith.constant 0 : i32
      %dma_start3A_186 = tpu.memref_slice %arg8[%dma_start3A_184, %dma_start3A_185] : memref<8x128xi32, #tpu.memory_space<vmem>> -> memref<1x128xi32, #tpu.memory_space<vmem>>
      %dma_start3A_187 = tpu.memref_squeeze %dma_start3A_186 : memref<1x128xi32, #tpu.memory_space<vmem>> -> memref<128xi32, #tpu.memory_space<vmem>>
      %dma_start3A_188 = arith.constant 0 : i32
      %dma_start3A_189 = arith.constant 0 : i32
      %dma_start3A_190 = tpu.memref_slice %arg6[%dma_start3A_188, %dma_start3A_189] : memref<10112x128xf32, #tpu.memory_space<vmem_shared>> -> memref<10112x128xf32, #tpu.memory_space<vmem_shared>>
      tpu.enqueue_indirect_dma source(%arg10 : memref<128x128xf32, #tpu.memory_space<vmem>>) target(%dma_start3A_190 : memref<10112x128xf32, #tpu.memory_space<vmem_shared>>) offsets(%dma_start3A_187 : memref<128xi32, #tpu.memory_space<vmem>>) semaphore(%arg12 : memref<!tpu.dma_semaphore, #tpu.memory_space<semaphore_mem>>) {add = true}
      %dma_wait3A_191 = arith.constant 5 : i32
      %dma_wait3A_192 = arith.constant 0 : i32
      %dma_wait3A_193 = tpu.memref_slice %arg8[%dma_wait3A_191, %dma_wait3A_192] : memref<8x128xi32, #tpu.memory_space<vmem>> -> memref<1x128xi32, #tpu.memory_space<vmem>>
      %dma_wait3A_194 = tpu.memref_squeeze %dma_wait3A_193 : memref<1x128xi32, #tpu.memory_space<vmem>> -> memref<128xi32, #tpu.memory_space<vmem>>
      %dma_wait3A_195 = arith.constant 0 : i32
      %dma_wait3A_196 = arith.constant 0 : i32
      %dma_wait3A_197 = tpu.memref_slice %arg6[%dma_wait3A_195, %dma_wait3A_196] : memref<10112x128xf32, #tpu.memory_space<vmem_shared>> -> memref<10112x128xf32, #tpu.memory_space<vmem_shared>>
      tpu.wait_indirect_dma semaphore(%arg12 : memref<!tpu.dma_semaphore, #tpu.memory_space<semaphore_mem>>) src(%arg10 : memref<128x128xf32, #tpu.memory_space<vmem>>) dst(%dma_wait3A_197 : memref<10112x128xf32, #tpu.memory_space<vmem_shared>>)
      %dma_start3A_198 = arith.constant 896 : i32
      %dma_start3A_199 = tpu.memref_slice %arg7[%dma_start3A_198] : memref<1024xi32, #tpu.memory_space<vmem>> -> memref<128xi32, #tpu.memory_space<vmem>>
      %dma_start3A_200 = arith.constant 0 : i32
      %dma_start3A_201 = arith.constant 0 : i32
      %dma_start3A_202 = tpu.memref_slice %arg2[%dma_start3A_200, %dma_start3A_201] : memref<10000x128xf32, #tpu.memory_space<hbm>> -> memref<10000x128xf32, #tpu.memory_space<hbm>>
      tpu.enqueue_indirect_dma source(%dma_start3A_202 : memref<10000x128xf32, #tpu.memory_space<hbm>>) target(%arg10 : memref<128x128xf32, #tpu.memory_space<vmem>>) offsets(%dma_start3A_199 : memref<128xi32, #tpu.memory_space<vmem>>) semaphore(%arg11 : memref<!tpu.dma_semaphore, #tpu.memory_space<semaphore_mem>>)
      %dma_wait3A_203 = arith.constant 768 : i32
      %dma_wait3A_204 = tpu.memref_slice %arg7[%dma_wait3A_203] : memref<1024xi32, #tpu.memory_space<vmem>> -> memref<128xi32, #tpu.memory_space<vmem>>
      %dma_wait3A_205 = arith.constant 0 : i32
      %dma_wait3A_206 = arith.constant 0 : i32
      %dma_wait3A_207 = tpu.memref_slice %arg2[%dma_wait3A_205, %dma_wait3A_206] : memref<10000x128xf32, #tpu.memory_space<hbm>> -> memref<10000x128xf32, #tpu.memory_space<hbm>>
      tpu.wait_indirect_dma semaphore(%arg11 : memref<!tpu.dma_semaphore, #tpu.memory_space<semaphore_mem>>) src(%dma_wait3A_207 : memref<10000x128xf32, #tpu.memory_space<hbm>>) dst(%arg9 : memref<128x128xf32, #tpu.memory_space<vmem>>)
      %dma_start3A_208 = arith.constant 6 : i32
      %dma_start3A_209 = arith.constant 0 : i32
      %dma_start3A_210 = tpu.memref_slice %arg8[%dma_start3A_208, %dma_start3A_209] : memref<8x128xi32, #tpu.memory_space<vmem>> -> memref<1x128xi32, #tpu.memory_space<vmem>>
      %dma_start3A_211 = tpu.memref_squeeze %dma_start3A_210 : memref<1x128xi32, #tpu.memory_space<vmem>> -> memref<128xi32, #tpu.memory_space<vmem>>
      %dma_start3A_212 = arith.constant 0 : i32
      %dma_start3A_213 = arith.constant 0 : i32
      %dma_start3A_214 = tpu.memref_slice %arg6[%dma_start3A_212, %dma_start3A_213] : memref<10112x128xf32, #tpu.memory_space<vmem_shared>> -> memref<10112x128xf32, #tpu.memory_space<vmem_shared>>
      tpu.enqueue_indirect_dma source(%arg9 : memref<128x128xf32, #tpu.memory_space<vmem>>) target(%dma_start3A_214 : memref<10112x128xf32, #tpu.memory_space<vmem_shared>>) offsets(%dma_start3A_211 : memref<128xi32, #tpu.memory_space<vmem>>) semaphore(%arg12 : memref<!tpu.dma_semaphore, #tpu.memory_space<semaphore_mem>>) {add = true}
      %dma_wait3A_215 = arith.constant 896 : i32
      %dma_wait3A_216 = tpu.memref_slice %arg7[%dma_wait3A_215] : memref<1024xi32, #tpu.memory_space<vmem>> -> memref<128xi32, #tpu.memory_space<vmem>>
      %dma_wait3A_217 = arith.constant 0 : i32
      %dma_wait3A_218 = arith.constant 0 : i32
      %dma_wait3A_219 = tpu.memref_slice %arg2[%dma_wait3A_217, %dma_wait3A_218] : memref<10000x128xf32, #tpu.memory_space<hbm>> -> memref<10000x128xf32, #tpu.memory_space<hbm>>
      tpu.wait_indirect_dma semaphore(%arg11 : memref<!tpu.dma_semaphore, #tpu.memory_space<semaphore_mem>>) src(%dma_wait3A_219 : memref<10000x128xf32, #tpu.memory_space<hbm>>) dst(%arg10 : memref<128x128xf32, #tpu.memory_space<vmem>>)
      %dma_start3A_220 = arith.constant 7 : i32
      %dma_start3A_221 = arith.constant 0 : i32
      %dma_start3A_222 = tpu.memref_slice %arg8[%dma_start3A_220, %dma_start3A_221] : memref<8x128xi32, #tpu.memory_space<vmem>> -> memref<1x128xi32, #tpu.memory_space<vmem>>
      %dma_start3A_223 = tpu.memref_squeeze %dma_start3A_222 : memref<1x128xi32, #tpu.memory_space<vmem>> -> memref<128xi32, #tpu.memory_space<vmem>>
      %dma_start3A_224 = arith.constant 0 : i32
      %dma_start3A_225 = arith.constant 0 : i32
      %dma_start3A_226 = tpu.memref_slice %arg6[%dma_start3A_224, %dma_start3A_225] : memref<10112x128xf32, #tpu.memory_space<vmem_shared>> -> memref<10112x128xf32, #tpu.memory_space<vmem_shared>>
      tpu.enqueue_indirect_dma source(%arg10 : memref<128x128xf32, #tpu.memory_space<vmem>>) target(%dma_start3A_226 : memref<10112x128xf32, #tpu.memory_space<vmem_shared>>) offsets(%dma_start3A_223 : memref<128xi32, #tpu.memory_space<vmem>>) semaphore(%arg12 : memref<!tpu.dma_semaphore, #tpu.memory_space<semaphore_mem>>) {add = true}
      %dma_wait3A_227 = arith.constant 6 : i32
      %dma_wait3A_228 = arith.constant 0 : i32
      %dma_wait3A_229 = tpu.memref_slice %arg8[%dma_wait3A_227, %dma_wait3A_228] : memref<8x128xi32, #tpu.memory_space<vmem>> -> memref<1x128xi32, #tpu.memory_space<vmem>>
      %dma_wait3A_230 = tpu.memref_squeeze %dma_wait3A_229 : memref<1x128xi32, #tpu.memory_space<vmem>> -> memref<128xi32, #tpu.memory_space<vmem>>
      %dma_wait3A_231 = arith.constant 0 : i32
      %dma_wait3A_232 = arith.constant 0 : i32
      %dma_wait3A_233 = tpu.memref_slice %arg6[%dma_wait3A_231, %dma_wait3A_232] : memref<10112x128xf32, #tpu.memory_space<vmem_shared>> -> memref<10112x128xf32, #tpu.memory_space<vmem_shared>>
      tpu.wait_indirect_dma semaphore(%arg12 : memref<!tpu.dma_semaphore, #tpu.memory_space<semaphore_mem>>) src(%arg9 : memref<128x128xf32, #tpu.memory_space<vmem>>) dst(%dma_wait3A_233 : memref<10112x128xf32, #tpu.memory_space<vmem_shared>>)
      %dma_wait3A_234 = arith.constant 7 : i32
      %dma_wait3A_235 = arith.constant 0 : i32
      %dma_wait3A_236 = tpu.memref_slice %arg8[%dma_wait3A_234, %dma_wait3A_235] : memref<8x128xi32, #tpu.memory_space<vmem>> -> memref<1x128xi32, #tpu.memory_space<vmem>>
      %dma_wait3A_237 = tpu.memref_squeeze %dma_wait3A_236 : memref<1x128xi32, #tpu.memory_space<vmem>> -> memref<128xi32, #tpu.memory_space<vmem>>
      %dma_wait3A_238 = arith.constant 0 : i32
      %dma_wait3A_239 = arith.constant 0 : i32
      %dma_wait3A_240 = tpu.memref_slice %arg6[%dma_wait3A_238, %dma_wait3A_239] : memref<10112x128xf32, #tpu.memory_space<vmem_shared>> -> memref<10112x128xf32, #tpu.memory_space<vmem_shared>>
      tpu.wait_indirect_dma semaphore(%arg12 : memref<!tpu.dma_semaphore, #tpu.memory_space<semaphore_mem>>) src(%arg10 : memref<128x128xf32, #tpu.memory_space<vmem>>) dst(%dma_wait3A_240 : memref<10112x128xf32, #tpu.memory_space<vmem_shared>>)
      %while3A_241 = arith.constant 0 : i32
      scf.yield %while3A_241 : i32
    }
    %barrier3A_39 = arith.constant 0 : index
    tpu.barrier barrier_id(%barrier3A_39)
    %mul3A_40 = arith.constant 632 : i32
    %mul3A_41 = arith.muli %arg1, %mul3A_40 : i32
    %mul3A_42 = arith.constant 632 : i32
    %mul3A_43 = arith.muli %arg1, %mul3A_42 : i32
    "tpu.region"() ({
      %run_scoped3A = tpu.sem_alloc : memref<!tpu.dma_semaphore, #tpu.memory_space<semaphore_mem>>
      %dma_start3A = arith.constant 0 : i32
      %dma_start3A_44 = tpu.memref_slice %arg5[%arg0, %mul3A_43, %dma_start3A] : memref<2x10112x128xf32, #tpu.memory_space<hbm>> -> memref<1x632x128xf32, #tpu.memory_space<hbm>>
      %dma_start3A_45 = tpu.memref_squeeze %dma_start3A_44 : memref<1x632x128xf32, #tpu.memory_space<hbm>> -> memref<632x128xf32, #tpu.memory_space<hbm>>
      %dma_start3A_46 = arith.constant 0 : i32
      %dma_start3A_47 = tpu.memref_slice %arg6[%mul3A_41, %dma_start3A_46] : memref<10112x128xf32, #tpu.memory_space<vmem_shared>> -> memref<632x128xf32, #tpu.memory_space<vmem_shared>>
      tpu.enqueue_dma source(%dma_start3A_47 : memref<632x128xf32, #tpu.memory_space<vmem_shared>>) target(%dma_start3A_45 : memref<632x128xf32, #tpu.memory_space<hbm>>) target_semaphore(%run_scoped3A : memref<!tpu.dma_semaphore, #tpu.memory_space<semaphore_mem>>)
      %dma_wait3A = arith.constant 0 : i32
      %dma_wait3A_48 = tpu.memref_slice %arg5[%arg0, %mul3A_43, %dma_wait3A] : memref<2x10112x128xf32, #tpu.memory_space<hbm>> -> memref<1x632x128xf32, #tpu.memory_space<hbm>>
      %dma_wait3A_49 = tpu.memref_squeeze %dma_wait3A_48 : memref<1x632x128xf32, #tpu.memory_space<hbm>> -> memref<632x128xf32, #tpu.memory_space<hbm>>
      %dma_wait3A_50 = arith.constant 0 : i32
      %dma_wait3A_51 = tpu.memref_slice %arg6[%mul3A_41, %dma_wait3A_50] : memref<10112x128xf32, #tpu.memory_space<vmem_shared>> -> memref<632x128xf32, #tpu.memory_space<vmem_shared>>
      tpu.wait_dma2 semaphore(%run_scoped3A : memref<!tpu.dma_semaphore, #tpu.memory_space<semaphore_mem>>) src(%dma_wait3A_51 : memref<632x128xf32, #tpu.memory_space<vmem_shared>>) dst(%dma_wait3A_49 : memref<632x128xf32, #tpu.memory_space<hbm>>)
      tpu.yield
    }) : () -> ()
    return
  }
}

#map = affine_map<(d0, d1) -> (0, 0)>
#map1 = affine_map<(d0, d1) -> (0)>
#map2 = affine_map<(d0, d1) -> (0, 0, 0)>
module attributes {stable_mosaic.version = 14 : i64} {
  func.func @_prop_body(%arg0: i32, %arg1: i32, %arg2: memref<10000x128xf32, #tpu.memory_space<hbm>>, %arg3: memref<327680xi32, #tpu.memory_space<hbm>>, %arg4: memref<2560x128xi32, #tpu.memory_space<hbm>>, %arg5: memref<2x10112x128xf32, #tpu.memory_space<hbm>>, %arg6: memref<10112x128xf32, #tpu.memory_space<vmem_shared>>, %arg7: memref<1024xi32, #tpu.memory_space<vmem>>, %arg8: memref<8x128xi32, #tpu.memory_space<vmem>>, %arg9: memref<128x128xf32, #tpu.memory_space<vmem>>, %arg10: memref<128x128xf32, #tpu.memory_space<vmem>>, %arg11: memref<!tpu.dma_semaphore, #tpu.memory_space<semaphore_mem>>, %arg12: memref<!tpu.dma_semaphore, #tpu.memory_space<semaphore_mem>>) attributes {dimension_semantics = [#tpu.dimension_semantics<core_parallel>, #tpu.dimension_semantics<subcore_parallel>], iteration_bounds = array<i64: 2, 16>, scalar_prefetch = 0 : i64, scratch_operands = 7 : i64, tpu.core_type = #tpu.core_type<sc_vector_subcore>, window_params = [{transform_indices = #map}, {transform_indices = #map1}, {transform_indices = #map}, {transform_indices = #map2}]} {
    %mul3A = arith.constant 632 : i32
    %mul3A_0 = arith.muli %arg1, %mul3A : i32
    %broadcast_in_dim3A = arith.constant 0.000000e+00 : f32
    %broadcast_in_dim3A_1 = vector.broadcast %broadcast_in_dim3A : f32 to vector<16xf32>
    %scan3A = arith.constant 0 : i32
    %scan3A_2 = arith.constant 0 : i32
    %scan3A_3 = arith.constant 128 : i32
    %scan3A_4 = arith.addi %scan3A_2, %scan3A_3 : i32
    %scan3A_5 = arith.constant 1 : i32
    %scan3A_6 = scf.for %scan3A_44 = %scan3A_2 to %scan3A_4 step %scan3A_5 iter_args(%scan3A_45 = %scan3A) -> (i32)  : i32 {
      %swap3A = arith.index_cast %scan3A_44 : i32 to index
      %swap3A_46 = arith.constant 0 : index
      %swap3A_47 = tpu.vector_load %arg9[%swap3A, %swap3A_46] {strides = array<i32>} : memref<128x128xf32, #tpu.memory_space<vmem>>, vector<1x16xf32>,
      %swap3A_48 = vector.shape_cast %swap3A_47 : vector<1x16xf32> to vector<16xf32>
      %swap3A_49 = vector.shape_cast %broadcast_in_dim3A_1 : vector<16xf32> to vector<1x16xf32>
      tpu.vector_store %arg9[%swap3A, %swap3A_46], %swap3A_49 {strides = array<i32>} : memref<128x128xf32, #tpu.memory_space<vmem>>, vector<1x16xf32>,
      %swap3A_50 = arith.index_cast %scan3A_44 : i32 to index
      %swap3A_51 = arith.constant 16 : index
      %swap3A_52 = tpu.vector_load %arg9[%swap3A_50, %swap3A_51] {strides = array<i32>} : memref<128x128xf32, #tpu.memory_space<vmem>>, vector<1x16xf32>,
      %swap3A_53 = vector.shape_cast %swap3A_52 : vector<1x16xf32> to vector<16xf32>
      %swap3A_54 = vector.shape_cast %broadcast_in_dim3A_1 : vector<16xf32> to vector<1x16xf32>
      tpu.vector_store %arg9[%swap3A_50, %swap3A_51], %swap3A_54 {strides = array<i32>} : memref<128x128xf32, #tpu.memory_space<vmem>>, vector<1x16xf32>,
      %swap3A_55 = arith.index_cast %scan3A_44 : i32 to index
      %swap3A_56 = arith.constant 32 : index
      %swap3A_57 = tpu.vector_load %arg9[%swap3A_55, %swap3A_56] {strides = array<i32>} : memref<128x128xf32, #tpu.memory_space<vmem>>, vector<1x16xf32>,
      %swap3A_58 = vector.shape_cast %swap3A_57 : vector<1x16xf32> to vector<16xf32>
      %swap3A_59 = vector.shape_cast %broadcast_in_dim3A_1 : vector<16xf32> to vector<1x16xf32>
      tpu.vector_store %arg9[%swap3A_55, %swap3A_56], %swap3A_59 {strides = array<i32>} : memref<128x128xf32, #tpu.memory_space<vmem>>, vector<1x16xf32>,
      %swap3A_60 = arith.index_cast %scan3A_44 : i32 to index
      %swap3A_61 = arith.constant 48 : index
      %swap3A_62 = tpu.vector_load %arg9[%swap3A_60, %swap3A_61] {strides = array<i32>} : memref<128x128xf32, #tpu.memory_space<vmem>>, vector<1x16xf32>,
      %swap3A_63 = vector.shape_cast %swap3A_62 : vector<1x16xf32> to vector<16xf32>
      %swap3A_64 = vector.shape_cast %broadcast_in_dim3A_1 : vector<16xf32> to vector<1x16xf32>
      tpu.vector_store %arg9[%swap3A_60, %swap3A_61], %swap3A_64 {strides = array<i32>} : memref<128x128xf32, #tpu.memory_space<vmem>>, vector<1x16xf32>,
      %swap3A_65 = arith.index_cast %scan3A_44 : i32 to index
      %swap3A_66 = arith.constant 64 : index
      %swap3A_67 = tpu.vector_load %arg9[%swap3A_65, %swap3A_66] {strides = array<i32>} : memref<128x128xf32, #tpu.memory_space<vmem>>, vector<1x16xf32>,
      %swap3A_68 = vector.shape_cast %swap3A_67 : vector<1x16xf32> to vector<16xf32>
      %swap3A_69 = vector.shape_cast %broadcast_in_dim3A_1 : vector<16xf32> to vector<1x16xf32>
      tpu.vector_store %arg9[%swap3A_65, %swap3A_66], %swap3A_69 {strides = array<i32>} : memref<128x128xf32, #tpu.memory_space<vmem>>, vector<1x16xf32>,
      %swap3A_70 = arith.index_cast %scan3A_44 : i32 to index
      %swap3A_71 = arith.constant 80 : index
      %swap3A_72 = tpu.vector_load %arg9[%swap3A_70, %swap3A_71] {strides = array<i32>} : memref<128x128xf32, #tpu.memory_space<vmem>>, vector<1x16xf32>,
      %swap3A_73 = vector.shape_cast %swap3A_72 : vector<1x16xf32> to vector<16xf32>
      %swap3A_74 = vector.shape_cast %broadcast_in_dim3A_1 : vector<16xf32> to vector<1x16xf32>
      tpu.vector_store %arg9[%swap3A_70, %swap3A_71], %swap3A_74 {strides = array<i32>} : memref<128x128xf32, #tpu.memory_space<vmem>>, vector<1x16xf32>,
      %swap3A_75 = arith.index_cast %scan3A_44 : i32 to index
      %swap3A_76 = arith.constant 96 : index
      %swap3A_77 = tpu.vector_load %arg9[%swap3A_75, %swap3A_76] {strides = array<i32>} : memref<128x128xf32, #tpu.memory_space<vmem>>, vector<1x16xf32>,
      %swap3A_78 = vector.shape_cast %swap3A_77 : vector<1x16xf32> to vector<16xf32>
      %swap3A_79 = vector.shape_cast %broadcast_in_dim3A_1 : vector<16xf32> to vector<1x16xf32>
      tpu.vector_store %arg9[%swap3A_75, %swap3A_76], %swap3A_79 {strides = array<i32>} : memref<128x128xf32, #tpu.memory_space<vmem>>, vector<1x16xf32>,
      %swap3A_80 = arith.index_cast %scan3A_44 : i32 to index
      %swap3A_81 = arith.constant 112 : index
      %swap3A_82 = tpu.vector_load %arg9[%swap3A_80, %swap3A_81] {strides = array<i32>} : memref<128x128xf32, #tpu.memory_space<vmem>>, vector<1x16xf32>,
      %swap3A_83 = vector.shape_cast %swap3A_82 : vector<1x16xf32> to vector<16xf32>
      %swap3A_84 = vector.shape_cast %broadcast_in_dim3A_1 : vector<16xf32> to vector<1x16xf32>
      tpu.vector_store %arg9[%swap3A_80, %swap3A_81], %swap3A_84 {strides = array<i32>} : memref<128x128xf32, #tpu.memory_space<vmem>>, vector<1x16xf32>,
      %scan3A_85 = arith.constant 0 : i32
      scf.yield %scan3A_85 : i32
    }
    %scan3A_7 = arith.constant 128 : i32
    %add3A = arith.constant 0 : i32
    %add3A_8 = arith.addi %mul3A_0, %add3A : i32
    "tpu.region"() ({
      %run_scoped3A = tpu.sem_alloc : memref<!tpu.dma_semaphore, #tpu.memory_space<semaphore_mem>>
      %dma_start3A = arith.constant 0 : i32
      %dma_start3A_44 = tpu.memref_slice %arg6[%add3A_8, %dma_start3A] : memref<10112x128xf32, #tpu.memory_space<vmem_shared>> -> memref<128x128xf32, #tpu.memory_space<vmem_shared>>
      %dma_start3A_45 = arith.constant 0 : i32
      %dma_start3A_46 = tpu.memref_slice %arg6[%add3A_8, %dma_start3A_45] : memref<10112x128xf32, #tpu.memory_space<vmem_shared>> -> memref<128x128xf32, #tpu.memory_space<vmem_shared>>
      tpu.enqueue_dma source(%arg9 : memref<128x128xf32, #tpu.memory_space<vmem>>) target(%dma_start3A_46 : memref<128x128xf32, #tpu.memory_space<vmem_shared>>) target_semaphore(%run_scoped3A : memref<!tpu.dma_semaphore, #tpu.memory_space<semaphore_mem>>)
      %dma_wait3A = arith.constant 0 : i32
      %dma_wait3A_47 = tpu.memref_slice %arg6[%add3A_8, %dma_wait3A] : memref<10112x128xf32, #tpu.memory_space<vmem_shared>> -> memref<128x128xf32, #tpu.memory_space<vmem_shared>>
      %dma_wait3A_48 = arith.constant 0 : i32
      %dma_wait3A_49 = tpu.memref_slice %arg6[%add3A_8, %dma_wait3A_48] : memref<10112x128xf32, #tpu.memory_space<vmem_shared>> -> memref<128x128xf32, #tpu.memory_space<vmem_shared>>
      tpu.wait_dma2 semaphore(%run_scoped3A : memref<!tpu.dma_semaphore, #tpu.memory_space<semaphore_mem>>) src(%arg9 : memref<128x128xf32, #tpu.memory_space<vmem>>) dst(%dma_wait3A_49 : memref<128x128xf32, #tpu.memory_space<vmem_shared>>)
      tpu.yield
    }) : () -> ()
    %add3A_9 = arith.constant 128 : i32
    %add3A_10 = arith.addi %mul3A_0, %add3A_9 : i32
    "tpu.region"() ({
      %run_scoped3A = tpu.sem_alloc : memref<!tpu.dma_semaphore, #tpu.memory_space<semaphore_mem>>
      %dma_start3A = arith.constant 0 : i32
      %dma_start3A_44 = tpu.memref_slice %arg6[%add3A_10, %dma_start3A] : memref<10112x128xf32, #tpu.memory_space<vmem_shared>> -> memref<128x128xf32, #tpu.memory_space<vmem_shared>>
      %dma_start3A_45 = arith.constant 0 : i32
      %dma_start3A_46 = tpu.memref_slice %arg6[%add3A_10, %dma_start3A_45] : memref<10112x128xf32, #tpu.memory_space<vmem_shared>> -> memref<128x128xf32, #tpu.memory_space<vmem_shared>>
      tpu.enqueue_dma source(%arg9 : memref<128x128xf32, #tpu.memory_space<vmem>>) target(%dma_start3A_46 : memref<128x128xf32, #tpu.memory_space<vmem_shared>>) target_semaphore(%run_scoped3A : memref<!tpu.dma_semaphore, #tpu.memory_space<semaphore_mem>>)
      %dma_wait3A = arith.constant 0 : i32
      %dma_wait3A_47 = tpu.memref_slice %arg6[%add3A_10, %dma_wait3A] : memref<10112x128xf32, #tpu.memory_space<vmem_shared>> -> memref<128x128xf32, #tpu.memory_space<vmem_shared>>
      %dma_wait3A_48 = arith.constant 0 : i32
      %dma_wait3A_49 = tpu.memref_slice %arg6[%add3A_10, %dma_wait3A_48] : memref<10112x128xf32, #tpu.memory_space<vmem_shared>> -> memref<128x128xf32, #tpu.memory_space<vmem_shared>>
      tpu.wait_dma2 semaphore(%run_scoped3A : memref<!tpu.dma_semaphore, #tpu.memory_space<semaphore_mem>>) src(%arg9 : memref<128x128xf32, #tpu.memory_space<vmem>>) dst(%dma_wait3A_49 : memref<128x128xf32, #tpu.memory_space<vmem_shared>>)
      tpu.yield
    }) : () -> ()
    %add3A_11 = arith.constant 256 : i32
    %add3A_12 = arith.addi %mul3A_0, %add3A_11 : i32
    "tpu.region"() ({
      %run_scoped3A = tpu.sem_alloc : memref<!tpu.dma_semaphore, #tpu.memory_space<semaphore_mem>>
      %dma_start3A = arith.constant 0 : i32
      %dma_start3A_44 = tpu.memref_slice %arg6[%add3A_12, %dma_start3A] : memref<10112x128xf32, #tpu.memory_space<vmem_shared>> -> memref<128x128xf32, #tpu.memory_space<vmem_shared>>
      %dma_start3A_45 = arith.constant 0 : i32
      %dma_start3A_46 = tpu.memref_slice %arg6[%add3A_12, %dma_start3A_45] : memref<10112x128xf32, #tpu.memory_space<vmem_shared>> -> memref<128x128xf32, #tpu.memory_space<vmem_shared>>
      tpu.enqueue_dma source(%arg9 : memref<128x128xf32, #tpu.memory_space<vmem>>) target(%dma_start3A_46 : memref<128x128xf32, #tpu.memory_space<vmem_shared>>) target_semaphore(%run_scoped3A : memref<!tpu.dma_semaphore, #tpu.memory_space<semaphore_mem>>)
      %dma_wait3A = arith.constant 0 : i32
      %dma_wait3A_47 = tpu.memref_slice %arg6[%add3A_12, %dma_wait3A] : memref<10112x128xf32, #tpu.memory_space<vmem_shared>> -> memref<128x128xf32, #tpu.memory_space<vmem_shared>>
      %dma_wait3A_48 = arith.constant 0 : i32
      %dma_wait3A_49 = tpu.memref_slice %arg6[%add3A_12, %dma_wait3A_48] : memref<10112x128xf32, #tpu.memory_space<vmem_shared>> -> memref<128x128xf32, #tpu.memory_space<vmem_shared>>
      tpu.wait_dma2 semaphore(%run_scoped3A : memref<!tpu.dma_semaphore, #tpu.memory_space<semaphore_mem>>) src(%arg9 : memref<128x128xf32, #tpu.memory_space<vmem>>) dst(%dma_wait3A_49 : memref<128x128xf32, #tpu.memory_space<vmem_shared>>)
      tpu.yield
    }) : () -> ()
    %add3A_13 = arith.constant 384 : i32
    %add3A_14 = arith.addi %mul3A_0, %add3A_13 : i32
    "tpu.region"() ({
      %run_scoped3A = tpu.sem_alloc : memref<!tpu.dma_semaphore, #tpu.memory_space<semaphore_mem>>
      %dma_start3A = arith.constant 0 : i32
      %dma_start3A_44 = tpu.memref_slice %arg6[%add3A_14, %dma_start3A] : memref<10112x128xf32, #tpu.memory_space<vmem_shared>> -> memref<128x128xf32, #tpu.memory_space<vmem_shared>>
      %dma_start3A_45 = arith.constant 0 : i32
      %dma_start3A_46 = tpu.memref_slice %arg6[%add3A_14, %dma_start3A_45] : memref<10112x128xf32, #tpu.memory_space<vmem_shared>> -> memref<128x128xf32, #tpu.memory_space<vmem_shared>>
      tpu.enqueue_dma source(%arg9 : memref<128x128xf32, #tpu.memory_space<vmem>>) target(%dma_start3A_46 : memref<128x128xf32, #tpu.memory_space<vmem_shared>>) target_semaphore(%run_scoped3A : memref<!tpu.dma_semaphore, #tpu.memory_space<semaphore_mem>>)
      %dma_wait3A = arith.constant 0 : i32
      %dma_wait3A_47 = tpu.memref_slice %arg6[%add3A_14, %dma_wait3A] : memref<10112x128xf32, #tpu.memory_space<vmem_shared>> -> memref<128x128xf32, #tpu.memory_space<vmem_shared>>
      %dma_wait3A_48 = arith.constant 0 : i32
      %dma_wait3A_49 = tpu.memref_slice %arg6[%add3A_14, %dma_wait3A_48] : memref<10112x128xf32, #tpu.memory_space<vmem_shared>> -> memref<128x128xf32, #tpu.memory_space<vmem_shared>>
      tpu.wait_dma2 semaphore(%run_scoped3A : memref<!tpu.dma_semaphore, #tpu.memory_space<semaphore_mem>>) src(%arg9 : memref<128x128xf32, #tpu.memory_space<vmem>>) dst(%dma_wait3A_49 : memref<128x128xf32, #tpu.memory_space<vmem_shared>>)
      tpu.yield
    }) : () -> ()
    %add3A_15 = arith.constant 512 : i32
    %add3A_16 = arith.addi %mul3A_0, %add3A_15 : i32
    "tpu.region"() ({
      %run_scoped3A = tpu.sem_alloc : memref<!tpu.dma_semaphore, #tpu.memory_space<semaphore_mem>>
      %dma_start3A = arith.constant 0 : i32
      %dma_start3A_44 = arith.constant 0 : i32
      %dma_start3A_45 = tpu.memref_slice %arg9[%dma_start3A, %dma_start3A_44] : memref<128x128xf32, #tpu.memory_space<vmem>> -> memref<120x128xf32, #tpu.memory_space<vmem>>
      %dma_start3A_46 = arith.constant 0 : i32
      %dma_start3A_47 = tpu.memref_slice %arg6[%add3A_16, %dma_start3A_46] : memref<10112x128xf32, #tpu.memory_space<vmem_shared>> -> memref<120x128xf32, #tpu.memory_space<vmem_shared>>
      %dma_start3A_48 = arith.constant 0 : i32
      %dma_start3A_49 = tpu.memref_slice %arg6[%add3A_16, %dma_start3A_48] : memref<10112x128xf32, #tpu.memory_space<vmem_shared>> -> memref<120x128xf32, #tpu.memory_space<vmem_shared>>
      %dma_start3A_50 = arith.constant 0 : i32
      %dma_start3A_51 = arith.constant 0 : i32
      %dma_start3A_52 = tpu.memref_slice %arg9[%dma_start3A_50, %dma_start3A_51] : memref<128x128xf32, #tpu.memory_space<vmem>> -> memref<120x128xf32, #tpu.memory_space<vmem>>
      tpu.enqueue_dma source(%dma_start3A_52 : memref<120x128xf32, #tpu.memory_space<vmem>>) target(%dma_start3A_49 : memref<120x128xf32, #tpu.memory_space<vmem_shared>>) target_semaphore(%run_scoped3A : memref<!tpu.dma_semaphore, #tpu.memory_space<semaphore_mem>>)
      %dma_wait3A = arith.constant 0 : i32
      %dma_wait3A_53 = arith.constant 0 : i32
      %dma_wait3A_54 = tpu.memref_slice %arg9[%dma_wait3A, %dma_wait3A_53] : memref<128x128xf32, #tpu.memory_space<vmem>> -> memref<120x128xf32, #tpu.memory_space<vmem>>
      %dma_wait3A_55 = arith.constant 0 : i32
      %dma_wait3A_56 = tpu.memref_slice %arg6[%add3A_16, %dma_wait3A_55] : memref<10112x128xf32, #tpu.memory_space<vmem_shared>> -> memref<120x128xf32, #tpu.memory_space<vmem_shared>>
      %dma_wait3A_57 = arith.constant 0 : i32
      %dma_wait3A_58 = tpu.memref_slice %arg6[%add3A_16, %dma_wait3A_57] : memref<10112x128xf32, #tpu.memory_space<vmem_shared>> -> memref<120x128xf32, #tpu.memory_space<vmem_shared>>
      %dma_wait3A_59 = arith.constant 0 : i32
      %dma_wait3A_60 = arith.constant 0 : i32
      %dma_wait3A_61 = tpu.memref_slice %arg9[%dma_wait3A_59, %dma_wait3A_60] : memref<128x128xf32, #tpu.memory_space<vmem>> -> memref<120x128xf32, #tpu.memory_space<vmem>>
      tpu.wait_dma2 semaphore(%run_scoped3A : memref<!tpu.dma_semaphore, #tpu.memory_space<semaphore_mem>>) src(%dma_wait3A_61 : memref<120x128xf32, #tpu.memory_space<vmem>>) dst(%dma_wait3A_58 : memref<120x128xf32, #tpu.memory_space<vmem_shared>>)
      tpu.yield
    }) : () -> ()
    %barrier3A = arith.constant 0 : index
    tpu.barrier barrier_id(%barrier3A)
    %eq3A = arith.constant 0 : i32
    %eq3A_17 = arith.cmpi eq, %arg0, %eq3A : i32
    %jit3A = arith.constant 19 : i32
    %jit3A_18 = arith.constant 1 : i32
    %select_n3A = arith.select %eq3A_17, %jit3A, %jit3A_18 : i32
    %eq3A_19 = arith.constant 0 : i32
    %eq3A_20 = arith.cmpi eq, %arg0, %eq3A_19 : i32
    %mul3A_21 = arith.constant 152 : i32
    %mul3A_22 = arith.muli %arg1, %mul3A_21 : i32
    %mul3A_23 = arith.constant 8 : i32
    %mul3A_24 = arith.muli %arg1, %mul3A_23 : i32
    %add3A_25 = arith.constant 2432 : i32
    %add3A_26 = arith.addi %add3A_25, %mul3A_24 : i32
    %select_n3A_27 = arith.select %eq3A_20, %mul3A_22, %add3A_26 : i32
    %while3A = arith.constant 0 : i32
    %while3A_28 = arith.constant 0 : i32
    %while3A_29 = arith.subi %select_n3A, %while3A : i32
    %while3A_30 = arith.addi %while3A, %while3A_29 : i32
    %while3A_31 = arith.constant 1 : i32
    %while3A_32 = arith.divsi %while3A_29, %while3A_31 : i32
    %while3A_33 = arith.muli %while3A_32, %while3A_31 : i32
    %while3A_34 = arith.addi %while3A, %while3A_33 : i32
    %while3A_35 = arith.constant 1 : i32
    %while3A_36 = scf.for %while3A_44 = %while3A to %while3A_34 step %while3A_35 iter_args(%while3A_45 = %while3A_28) -> (i32)  : i32 {
      %mul3A_46 = arith.constant 8 : i32
      %mul3A_47 = arith.muli %while3A_44, %mul3A_46 : i32
      %add3A_48 = arith.addi %select_n3A_27, %mul3A_47 : i32
      %mul3A_49 = arith.constant 128 : i32
      %mul3A_50 = arith.muli %add3A_48, %mul3A_49 : i32
      "tpu.region"() ({
        %run_scoped3A = tpu.sem_alloc : memref<!tpu.dma_semaphore, #tpu.memory_space<semaphore_mem>>
        %dma_start3A_242 = tpu.memref_slice %arg3[%mul3A_50] : memref<327680xi32, #tpu.memory_space<hbm>> -> memref<1024xi32, #tpu.memory_space<hbm>>
        %dma_start3A_243 = tpu.memref_slice %arg3[%mul3A_50] : memref<327680xi32, #tpu.memory_space<hbm>> -> memref<1024xi32, #tpu.memory_space<hbm>>
        tpu.enqueue_dma source(%dma_start3A_243 : memref<1024xi32, #tpu.memory_space<hbm>>) target(%arg7 : memref<1024xi32, #tpu.memory_space<vmem>>) target_semaphore(%run_scoped3A : memref<!tpu.dma_semaphore, #tpu.memory_space<semaphore_mem>>)
        %dma_wait3A_244 = tpu.memref_slice %arg3[%mul3A_50] : memref<327680xi32, #tpu.memory_space<hbm>> -> memref<1024xi32, #tpu.memory_space<hbm>>
        %dma_wait3A_245 = tpu.memref_slice %arg3[%mul3A_50] : memref<327680xi32, #tpu.memory_space<hbm>> -> memref<1024xi32, #tpu.memory_space<hbm>>
        tpu.wait_dma2 semaphore(%run_scoped3A : memref<!tpu.dma_semaphore, #tpu.memory_space<semaphore_mem>>) src(%dma_wait3A_245 : memref<1024xi32, #tpu.memory_space<hbm>>) dst(%arg7 : memref<1024xi32, #tpu.memory_space<vmem>>)
        tpu.yield
      }) : () -> ()
      "tpu.region"() ({
        %run_scoped3A = tpu.sem_alloc : memref<!tpu.dma_semaphore, #tpu.memory_space<semaphore_mem>>
        %dma_start3A_242 = arith.constant 0 : i32
        %dma_start3A_243 = tpu.memref_slice %arg4[%add3A_48, %dma_start3A_242] : memref<2560x128xi32, #tpu.memory_space<hbm>> -> memref<8x128xi32, #tpu.memory_space<hbm>>
        %dma_start3A_244 = arith.constant 0 : i32
        %dma_start3A_245 = tpu.memref_slice %arg4[%add3A_48, %dma_start3A_244] : memref<2560x128xi32, #tpu.memory_space<hbm>> -> memref<8x128xi32, #tpu.memory_space<hbm>>
        tpu.enqueue_dma source(%dma_start3A_245 : memref<8x128xi32, #tpu.memory_space<hbm>>) target(%arg8 : memref<8x128xi32, #tpu.memory_space<vmem>>) target_semaphore(%run_scoped3A : memref<!tpu.dma_semaphore, #tpu.memory_space<semaphore_mem>>)
        %dma_wait3A_246 = arith.constant 0 : i32
        %dma_wait3A_247 = tpu.memref_slice %arg4[%add3A_48, %dma_wait3A_246] : memref<2560x128xi32, #tpu.memory_space<hbm>> -> memref<8x128xi32, #tpu.memory_space<hbm>>
        %dma_wait3A_248 = arith.constant 0 : i32
        %dma_wait3A_249 = tpu.memref_slice %arg4[%add3A_48, %dma_wait3A_248] : memref<2560x128xi32, #tpu.memory_space<hbm>> -> memref<8x128xi32, #tpu.memory_space<hbm>>
        tpu.wait_dma2 semaphore(%run_scoped3A : memref<!tpu.dma_semaphore, #tpu.memory_space<semaphore_mem>>) src(%dma_wait3A_249 : memref<8x128xi32, #tpu.memory_space<hbm>>) dst(%arg8 : memref<8x128xi32, #tpu.memory_space<vmem>>)
        tpu.yield
      }) : () -> ()
      %dma_start3A = arith.constant 0 : i32
      %dma_start3A_51 = tpu.memref_slice %arg7[%dma_start3A] : memref<1024xi32, #tpu.memory_space<vmem>> -> memref<128xi32, #tpu.memory_space<vmem>>
      %dma_start3A_52 = arith.constant 0 : i32
      %dma_start3A_53 = arith.constant 0 : i32
      %dma_start3A_54 = tpu.memref_slice %arg2[%dma_start3A_52, %dma_start3A_53] : memref<10000x128xf32, #tpu.memory_space<hbm>> -> memref<10000x128xf32, #tpu.memory_space<hbm>>
      tpu.enqueue_indirect_dma source(%dma_start3A_54 : memref<10000x128xf32, #tpu.memory_space<hbm>>) target(%arg9 : memref<128x128xf32, #tpu.memory_space<vmem>>) offsets(%dma_start3A_51 : memref<128xi32, #tpu.memory_space<vmem>>) semaphore(%arg11 : memref<!tpu.dma_semaphore, #tpu.memory_space<semaphore_mem>>)
      %dma_start3A_55 = arith.constant 128 : i32
      %dma_start3A_56 = tpu.memref_slice %arg7[%dma_start3A_55] : memref<1024xi32, #tpu.memory_space<vmem>> -> memref<128xi32, #tpu.memory_space<vmem>>
      %dma_start3A_57 = arith.constant 0 : i32
      %dma_start3A_58 = arith.constant 0 : i32
      %dma_start3A_59 = tpu.memref_slice %arg2[%dma_start3A_57, %dma_start3A_58] : memref<10000x128xf32, #tpu.memory_space<hbm>> -> memref<10000x128xf32, #tpu.memory_space<hbm>>
      tpu.enqueue_indirect_dma source(%dma_start3A_59 : memref<10000x128xf32, #tpu.memory_space<hbm>>) target(%arg10 : memref<128x128xf32, #tpu.memory_space<vmem>>) offsets(%dma_start3A_56 : memref<128xi32, #tpu.memory_space<vmem>>) semaphore(%arg11 : memref<!tpu.dma_semaphore, #tpu.memory_space<semaphore_mem>>)
      %dma_wait3A = arith.constant 0 : i32
      %dma_wait3A_60 = tpu.memref_slice %arg7[%dma_wait3A] : memref<1024xi32, #tpu.memory_space<vmem>> -> memref<128xi32, #tpu.memory_space<vmem>>
      %dma_wait3A_61 = arith.constant 0 : i32
      %dma_wait3A_62 = arith.constant 0 : i32
      %dma_wait3A_63 = tpu.memref_slice %arg2[%dma_wait3A_61, %dma_wait3A_62] : memref<10000x128xf32, #tpu.memory_space<hbm>> -> memref<10000x128xf32, #tpu.memory_space<hbm>>
      tpu.wait_indirect_dma semaphore(%arg11 : memref<!tpu.dma_semaphore, #tpu.memory_space<semaphore_mem>>) src(%dma_wait3A_63 : memref<10000x128xf32, #tpu.memory_space<hbm>>) dst(%arg9 : memref<128x128xf32, #tpu.memory_space<vmem>>)
      %dma_start3A_64 = arith.constant 0 : i32
      %dma_start3A_65 = arith.constant 0 : i32
      %dma_start3A_66 = tpu.memref_slice %arg8[%dma_start3A_64, %dma_start3A_65] : memref<8x128xi32, #tpu.memory_space<vmem>> -> memref<1x128xi32, #tpu.memory_space<vmem>>
      %dma_start3A_67 = tpu.memref_squeeze %dma_start3A_66 : memref<1x128xi32, #tpu.memory_space<vmem>> -> memref<128xi32, #tpu.memory_space<vmem>>
      %dma_start3A_68 = arith.constant 0 : i32
      %dma_start3A_69 = arith.constant 0 : i32
      %dma_start3A_70 = tpu.memref_slice %arg6[%dma_start3A_68, %dma_start3A_69] : memref<10112x128xf32, #tpu.memory_space<vmem_shared>> -> memref<10112x128xf32, #tpu.memory_space<vmem_shared>>
      tpu.enqueue_indirect_dma source(%arg9 : memref<128x128xf32, #tpu.memory_space<vmem>>) target(%dma_start3A_70 : memref<10112x128xf32, #tpu.memory_space<vmem_shared>>) offsets(%dma_start3A_67 : memref<128xi32, #tpu.memory_space<vmem>>) semaphore(%arg12 : memref<!tpu.dma_semaphore, #tpu.memory_space<semaphore_mem>>) {add = true}
      %dma_wait3A_71 = arith.constant 0 : i32
      %dma_wait3A_72 = arith.constant 0 : i32
      %dma_wait3A_73 = tpu.memref_slice %arg8[%dma_wait3A_71, %dma_wait3A_72] : memref<8x128xi32, #tpu.memory_space<vmem>> -> memref<1x128xi32, #tpu.memory_space<vmem>>
      %dma_wait3A_74 = tpu.memref_squeeze %dma_wait3A_73 : memref<1x128xi32, #tpu.memory_space<vmem>> -> memref<128xi32, #tpu.memory_space<vmem>>
      %dma_wait3A_75 = arith.constant 0 : i32
      %dma_wait3A_76 = arith.constant 0 : i32
      %dma_wait3A_77 = tpu.memref_slice %arg6[%dma_wait3A_75, %dma_wait3A_76] : memref<10112x128xf32, #tpu.memory_space<vmem_shared>> -> memref<10112x128xf32, #tpu.memory_space<vmem_shared>>
      tpu.wait_indirect_dma semaphore(%arg12 : memref<!tpu.dma_semaphore, #tpu.memory_space<semaphore_mem>>) src(%arg9 : memref<128x128xf32, #tpu.memory_space<vmem>>) dst(%dma_wait3A_77 : memref<10112x128xf32, #tpu.memory_space<vmem_shared>>)
      %dma_start3A_78 = arith.constant 256 : i32
      %dma_start3A_79 = tpu.memref_slice %arg7[%dma_start3A_78] : memref<1024xi32, #tpu.memory_space<vmem>> -> memref<128xi32, #tpu.memory_space<vmem>>
      %dma_start3A_80 = arith.constant 0 : i32
      %dma_start3A_81 = arith.constant 0 : i32
      %dma_start3A_82 = tpu.memref_slice %arg2[%dma_start3A_80, %dma_start3A_81] : memref<10000x128xf32, #tpu.memory_space<hbm>> -> memref<10000x128xf32, #tpu.memory_space<hbm>>
      tpu.enqueue_indirect_dma source(%dma_start3A_82 : memref<10000x128xf32, #tpu.memory_space<hbm>>) target(%arg9 : memref<128x128xf32, #tpu.memory_space<vmem>>) offsets(%dma_start3A_79 : memref<128xi32, #tpu.memory_space<vmem>>) semaphore(%arg11 : memref<!tpu.dma_semaphore, #tpu.memory_space<semaphore_mem>>)
      %dma_wait3A_83 = arith.constant 128 : i32
      %dma_wait3A_84 = tpu.memref_slice %arg7[%dma_wait3A_83] : memref<1024xi32, #tpu.memory_space<vmem>> -> memref<128xi32, #tpu.memory_space<vmem>>
      %dma_wait3A_85 = arith.constant 0 : i32
      %dma_wait3A_86 = arith.constant 0 : i32
      %dma_wait3A_87 = tpu.memref_slice %arg2[%dma_wait3A_85, %dma_wait3A_86] : memref<10000x128xf32, #tpu.memory_space<hbm>> -> memref<10000x128xf32, #tpu.memory_space<hbm>>
      tpu.wait_indirect_dma semaphore(%arg11 : memref<!tpu.dma_semaphore, #tpu.memory_space<semaphore_mem>>) src(%dma_wait3A_87 : memref<10000x128xf32, #tpu.memory_space<hbm>>) dst(%arg10 : memref<128x128xf32, #tpu.memory_space<vmem>>)
      %dma_start3A_88 = arith.constant 1 : i32
      %dma_start3A_89 = arith.constant 0 : i32
      %dma_start3A_90 = tpu.memref_slice %arg8[%dma_start3A_88, %dma_start3A_89] : memref<8x128xi32, #tpu.memory_space<vmem>> -> memref<1x128xi32, #tpu.memory_space<vmem>>
      %dma_start3A_91 = tpu.memref_squeeze %dma_start3A_90 : memref<1x128xi32, #tpu.memory_space<vmem>> -> memref<128xi32, #tpu.memory_space<vmem>>
      %dma_start3A_92 = arith.constant 0 : i32
      %dma_start3A_93 = arith.constant 0 : i32
      %dma_start3A_94 = tpu.memref_slice %arg6[%dma_start3A_92, %dma_start3A_93] : memref<10112x128xf32, #tpu.memory_space<vmem_shared>> -> memref<10112x128xf32, #tpu.memory_space<vmem_shared>>
      tpu.enqueue_indirect_dma source(%arg10 : memref<128x128xf32, #tpu.memory_space<vmem>>) target(%dma_start3A_94 : memref<10112x128xf32, #tpu.memory_space<vmem_shared>>) offsets(%dma_start3A_91 : memref<128xi32, #tpu.memory_space<vmem>>) semaphore(%arg12 : memref<!tpu.dma_semaphore, #tpu.memory_space<semaphore_mem>>) {add = true}
      %dma_wait3A_95 = arith.constant 1 : i32
      %dma_wait3A_96 = arith.constant 0 : i32
      %dma_wait3A_97 = tpu.memref_slice %arg8[%dma_wait3A_95, %dma_wait3A_96] : memref<8x128xi32, #tpu.memory_space<vmem>> -> memref<1x128xi32, #tpu.memory_space<vmem>>
      %dma_wait3A_98 = tpu.memref_squeeze %dma_wait3A_97 : memref<1x128xi32, #tpu.memory_space<vmem>> -> memref<128xi32, #tpu.memory_space<vmem>>
      %dma_wait3A_99 = arith.constant 0 : i32
      %dma_wait3A_100 = arith.constant 0 : i32
      %dma_wait3A_101 = tpu.memref_slice %arg6[%dma_wait3A_99, %dma_wait3A_100] : memref<10112x128xf32, #tpu.memory_space<vmem_shared>> -> memref<10112x128xf32, #tpu.memory_space<vmem_shared>>
      tpu.wait_indirect_dma semaphore(%arg12 : memref<!tpu.dma_semaphore, #tpu.memory_space<semaphore_mem>>) src(%arg10 : memref<128x128xf32, #tpu.memory_space<vmem>>) dst(%dma_wait3A_101 : memref<10112x128xf32, #tpu.memory_space<vmem_shared>>)
      %dma_start3A_102 = arith.constant 384 : i32
      %dma_start3A_103 = tpu.memref_slice %arg7[%dma_start3A_102] : memref<1024xi32, #tpu.memory_space<vmem>> -> memref<128xi32, #tpu.memory_space<vmem>>
      %dma_start3A_104 = arith.constant 0 : i32
      %dma_start3A_105 = arith.constant 0 : i32
      %dma_start3A_106 = tpu.memref_slice %arg2[%dma_start3A_104, %dma_start3A_105] : memref<10000x128xf32, #tpu.memory_space<hbm>> -> memref<10000x128xf32, #tpu.memory_space<hbm>>
      tpu.enqueue_indirect_dma source(%dma_start3A_106 : memref<10000x128xf32, #tpu.memory_space<hbm>>) target(%arg10 : memref<128x128xf32, #tpu.memory_space<vmem>>) offsets(%dma_start3A_103 : memref<128xi32, #tpu.memory_space<vmem>>) semaphore(%arg11 : memref<!tpu.dma_semaphore, #tpu.memory_space<semaphore_mem>>)
      %dma_wait3A_107 = arith.constant 256 : i32
      %dma_wait3A_108 = tpu.memref_slice %arg7[%dma_wait3A_107] : memref<1024xi32, #tpu.memory_space<vmem>> -> memref<128xi32, #tpu.memory_space<vmem>>
      %dma_wait3A_109 = arith.constant 0 : i32
      %dma_wait3A_110 = arith.constant 0 : i32
      %dma_wait3A_111 = tpu.memref_slice %arg2[%dma_wait3A_109, %dma_wait3A_110] : memref<10000x128xf32, #tpu.memory_space<hbm>> -> memref<10000x128xf32, #tpu.memory_space<hbm>>
      tpu.wait_indirect_dma semaphore(%arg11 : memref<!tpu.dma_semaphore, #tpu.memory_space<semaphore_mem>>) src(%dma_wait3A_111 : memref<10000x128xf32, #tpu.memory_space<hbm>>) dst(%arg9 : memref<128x128xf32, #tpu.memory_space<vmem>>)
      %dma_start3A_112 = arith.constant 2 : i32
      %dma_start3A_113 = arith.constant 0 : i32
      %dma_start3A_114 = tpu.memref_slice %arg8[%dma_start3A_112, %dma_start3A_113] : memref<8x128xi32, #tpu.memory_space<vmem>> -> memref<1x128xi32, #tpu.memory_space<vmem>>
      %dma_start3A_115 = tpu.memref_squeeze %dma_start3A_114 : memref<1x128xi32, #tpu.memory_space<vmem>> -> memref<128xi32, #tpu.memory_space<vmem>>
      %dma_start3A_116 = arith.constant 0 : i32
      %dma_start3A_117 = arith.constant 0 : i32
      %dma_start3A_118 = tpu.memref_slice %arg6[%dma_start3A_116, %dma_start3A_117] : memref<10112x128xf32, #tpu.memory_space<vmem_shared>> -> memref<10112x128xf32, #tpu.memory_space<vmem_shared>>
      tpu.enqueue_indirect_dma source(%arg9 : memref<128x128xf32, #tpu.memory_space<vmem>>) target(%dma_start3A_118 : memref<10112x128xf32, #tpu.memory_space<vmem_shared>>) offsets(%dma_start3A_115 : memref<128xi32, #tpu.memory_space<vmem>>) semaphore(%arg12 : memref<!tpu.dma_semaphore, #tpu.memory_space<semaphore_mem>>) {add = true}
      %dma_wait3A_119 = arith.constant 2 : i32
      %dma_wait3A_120 = arith.constant 0 : i32
      %dma_wait3A_121 = tpu.memref_slice %arg8[%dma_wait3A_119, %dma_wait3A_120] : memref<8x128xi32, #tpu.memory_space<vmem>> -> memref<1x128xi32, #tpu.memory_space<vmem>>
      %dma_wait3A_122 = tpu.memref_squeeze %dma_wait3A_121 : memref<1x128xi32, #tpu.memory_space<vmem>> -> memref<128xi32, #tpu.memory_space<vmem>>
      %dma_wait3A_123 = arith.constant 0 : i32
      %dma_wait3A_124 = arith.constant 0 : i32
      %dma_wait3A_125 = tpu.memref_slice %arg6[%dma_wait3A_123, %dma_wait3A_124] : memref<10112x128xf32, #tpu.memory_space<vmem_shared>> -> memref<10112x128xf32, #tpu.memory_space<vmem_shared>>
      tpu.wait_indirect_dma semaphore(%arg12 : memref<!tpu.dma_semaphore, #tpu.memory_space<semaphore_mem>>) src(%arg9 : memref<128x128xf32, #tpu.memory_space<vmem>>) dst(%dma_wait3A_125 : memref<10112x128xf32, #tpu.memory_space<vmem_shared>>)
      %dma_start3A_126 = arith.constant 512 : i32
      %dma_start3A_127 = tpu.memref_slice %arg7[%dma_start3A_126] : memref<1024xi32, #tpu.memory_space<vmem>> -> memref<128xi32, #tpu.memory_space<vmem>>
      %dma_start3A_128 = arith.constant 0 : i32
      %dma_start3A_129 = arith.constant 0 : i32
      %dma_start3A_130 = tpu.memref_slice %arg2[%dma_start3A_128, %dma_start3A_129] : memref<10000x128xf32, #tpu.memory_space<hbm>> -> memref<10000x128xf32, #tpu.memory_space<hbm>>
      tpu.enqueue_indirect_dma source(%dma_start3A_130 : memref<10000x128xf32, #tpu.memory_space<hbm>>) target(%arg9 : memref<128x128xf32, #tpu.memory_space<vmem>>) offsets(%dma_start3A_127 : memref<128xi32, #tpu.memory_space<vmem>>) semaphore(%arg11 : memref<!tpu.dma_semaphore, #tpu.memory_space<semaphore_mem>>)
      %dma_wait3A_131 = arith.constant 384 : i32
      %dma_wait3A_132 = tpu.memref_slice %arg7[%dma_wait3A_131] : memref<1024xi32, #tpu.memory_space<vmem>> -> memref<128xi32, #tpu.memory_space<vmem>>
      %dma_wait3A_133 = arith.constant 0 : i32
      %dma_wait3A_134 = arith.constant 0 : i32
      %dma_wait3A_135 = tpu.memref_slice %arg2[%dma_wait3A_133, %dma_wait3A_134] : memref<10000x128xf32, #tpu.memory_space<hbm>> -> memref<10000x128xf32, #tpu.memory_space<hbm>>
      tpu.wait_indirect_dma semaphore(%arg11 : memref<!tpu.dma_semaphore, #tpu.memory_space<semaphore_mem>>) src(%dma_wait3A_135 : memref<10000x128xf32, #tpu.memory_space<hbm>>) dst(%arg10 : memref<128x128xf32, #tpu.memory_space<vmem>>)
      %dma_start3A_136 = arith.constant 3 : i32
      %dma_start3A_137 = arith.constant 0 : i32
      %dma_start3A_138 = tpu.memref_slice %arg8[%dma_start3A_136, %dma_start3A_137] : memref<8x128xi32, #tpu.memory_space<vmem>> -> memref<1x128xi32, #tpu.memory_space<vmem>>
      %dma_start3A_139 = tpu.memref_squeeze %dma_start3A_138 : memref<1x128xi32, #tpu.memory_space<vmem>> -> memref<128xi32, #tpu.memory_space<vmem>>
      %dma_start3A_140 = arith.constant 0 : i32
      %dma_start3A_141 = arith.constant 0 : i32
      %dma_start3A_142 = tpu.memref_slice %arg6[%dma_start3A_140, %dma_start3A_141] : memref<10112x128xf32, #tpu.memory_space<vmem_shared>> -> memref<10112x128xf32, #tpu.memory_space<vmem_shared>>
      tpu.enqueue_indirect_dma source(%arg10 : memref<128x128xf32, #tpu.memory_space<vmem>>) target(%dma_start3A_142 : memref<10112x128xf32, #tpu.memory_space<vmem_shared>>) offsets(%dma_start3A_139 : memref<128xi32, #tpu.memory_space<vmem>>) semaphore(%arg12 : memref<!tpu.dma_semaphore, #tpu.memory_space<semaphore_mem>>) {add = true}
      %dma_wait3A_143 = arith.constant 3 : i32
      %dma_wait3A_144 = arith.constant 0 : i32
      %dma_wait3A_145 = tpu.memref_slice %arg8[%dma_wait3A_143, %dma_wait3A_144] : memref<8x128xi32, #tpu.memory_space<vmem>> -> memref<1x128xi32, #tpu.memory_space<vmem>>
      %dma_wait3A_146 = tpu.memref_squeeze %dma_wait3A_145 : memref<1x128xi32, #tpu.memory_space<vmem>> -> memref<128xi32, #tpu.memory_space<vmem>>
      %dma_wait3A_147 = arith.constant 0 : i32
      %dma_wait3A_148 = arith.constant 0 : i32
      %dma_wait3A_149 = tpu.memref_slice %arg6[%dma_wait3A_147, %dma_wait3A_148] : memref<10112x128xf32, #tpu.memory_space<vmem_shared>> -> memref<10112x128xf32, #tpu.memory_space<vmem_shared>>
      tpu.wait_indirect_dma semaphore(%arg12 : memref<!tpu.dma_semaphore, #tpu.memory_space<semaphore_mem>>) src(%arg10 : memref<128x128xf32, #tpu.memory_space<vmem>>) dst(%dma_wait3A_149 : memref<10112x128xf32, #tpu.memory_space<vmem_shared>>)
      %dma_start3A_150 = arith.constant 640 : i32
      %dma_start3A_151 = tpu.memref_slice %arg7[%dma_start3A_150] : memref<1024xi32, #tpu.memory_space<vmem>> -> memref<128xi32, #tpu.memory_space<vmem>>
      %dma_start3A_152 = arith.constant 0 : i32
      %dma_start3A_153 = arith.constant 0 : i32
      %dma_start3A_154 = tpu.memref_slice %arg2[%dma_start3A_152, %dma_start3A_153] : memref<10000x128xf32, #tpu.memory_space<hbm>> -> memref<10000x128xf32, #tpu.memory_space<hbm>>
      tpu.enqueue_indirect_dma source(%dma_start3A_154 : memref<10000x128xf32, #tpu.memory_space<hbm>>) target(%arg10 : memref<128x128xf32, #tpu.memory_space<vmem>>) offsets(%dma_start3A_151 : memref<128xi32, #tpu.memory_space<vmem>>) semaphore(%arg11 : memref<!tpu.dma_semaphore, #tpu.memory_space<semaphore_mem>>)
      %dma_wait3A_155 = arith.constant 512 : i32
      %dma_wait3A_156 = tpu.memref_slice %arg7[%dma_wait3A_155] : memref<1024xi32, #tpu.memory_space<vmem>> -> memref<128xi32, #tpu.memory_space<vmem>>
      %dma_wait3A_157 = arith.constant 0 : i32
      %dma_wait3A_158 = arith.constant 0 : i32
      %dma_wait3A_159 = tpu.memref_slice %arg2[%dma_wait3A_157, %dma_wait3A_158] : memref<10000x128xf32, #tpu.memory_space<hbm>> -> memref<10000x128xf32, #tpu.memory_space<hbm>>
      tpu.wait_indirect_dma semaphore(%arg11 : memref<!tpu.dma_semaphore, #tpu.memory_space<semaphore_mem>>) src(%dma_wait3A_159 : memref<10000x128xf32, #tpu.memory_space<hbm>>) dst(%arg9 : memref<128x128xf32, #tpu.memory_space<vmem>>)
      %dma_start3A_160 = arith.constant 4 : i32
      %dma_start3A_161 = arith.constant 0 : i32
      %dma_start3A_162 = tpu.memref_slice %arg8[%dma_start3A_160, %dma_start3A_161] : memref<8x128xi32, #tpu.memory_space<vmem>> -> memref<1x128xi32, #tpu.memory_space<vmem>>
      %dma_start3A_163 = tpu.memref_squeeze %dma_start3A_162 : memref<1x128xi32, #tpu.memory_space<vmem>> -> memref<128xi32, #tpu.memory_space<vmem>>
      %dma_start3A_164 = arith.constant 0 : i32
      %dma_start3A_165 = arith.constant 0 : i32
      %dma_start3A_166 = tpu.memref_slice %arg6[%dma_start3A_164, %dma_start3A_165] : memref<10112x128xf32, #tpu.memory_space<vmem_shared>> -> memref<10112x128xf32, #tpu.memory_space<vmem_shared>>
      tpu.enqueue_indirect_dma source(%arg9 : memref<128x128xf32, #tpu.memory_space<vmem>>) target(%dma_start3A_166 : memref<10112x128xf32, #tpu.memory_space<vmem_shared>>) offsets(%dma_start3A_163 : memref<128xi32, #tpu.memory_space<vmem>>) semaphore(%arg12 : memref<!tpu.dma_semaphore, #tpu.memory_space<semaphore_mem>>) {add = true}
      %dma_wait3A_167 = arith.constant 4 : i32
      %dma_wait3A_168 = arith.constant 0 : i32
      %dma_wait3A_169 = tpu.memref_slice %arg8[%dma_wait3A_167, %dma_wait3A_168] : memref<8x128xi32, #tpu.memory_space<vmem>> -> memref<1x128xi32, #tpu.memory_space<vmem>>
      %dma_wait3A_170 = tpu.memref_squeeze %dma_wait3A_169 : memref<1x128xi32, #tpu.memory_space<vmem>> -> memref<128xi32, #tpu.memory_space<vmem>>
      %dma_wait3A_171 = arith.constant 0 : i32
      %dma_wait3A_172 = arith.constant 0 : i32
      %dma_wait3A_173 = tpu.memref_slice %arg6[%dma_wait3A_171, %dma_wait3A_172] : memref<10112x128xf32, #tpu.memory_space<vmem_shared>> -> memref<10112x128xf32, #tpu.memory_space<vmem_shared>>
      tpu.wait_indirect_dma semaphore(%arg12 : memref<!tpu.dma_semaphore, #tpu.memory_space<semaphore_mem>>) src(%arg9 : memref<128x128xf32, #tpu.memory_space<vmem>>) dst(%dma_wait3A_173 : memref<10112x128xf32, #tpu.memory_space<vmem_shared>>)
      %dma_start3A_174 = arith.constant 768 : i32
      %dma_start3A_175 = tpu.memref_slice %arg7[%dma_start3A_174] : memref<1024xi32, #tpu.memory_space<vmem>> -> memref<128xi32, #tpu.memory_space<vmem>>
      %dma_start3A_176 = arith.constant 0 : i32
      %dma_start3A_177 = arith.constant 0 : i32
      %dma_start3A_178 = tpu.memref_slice %arg2[%dma_start3A_176, %dma_start3A_177] : memref<10000x128xf32, #tpu.memory_space<hbm>> -> memref<10000x128xf32, #tpu.memory_space<hbm>>
      tpu.enqueue_indirect_dma source(%dma_start3A_178 : memref<10000x128xf32, #tpu.memory_space<hbm>>) target(%arg9 : memref<128x128xf32, #tpu.memory_space<vmem>>) offsets(%dma_start3A_175 : memref<128xi32, #tpu.memory_space<vmem>>) semaphore(%arg11 : memref<!tpu.dma_semaphore, #tpu.memory_space<semaphore_mem>>)
      %dma_wait3A_179 = arith.constant 640 : i32
      %dma_wait3A_180 = tpu.memref_slice %arg7[%dma_wait3A_179] : memref<1024xi32, #tpu.memory_space<vmem>> -> memref<128xi32, #tpu.memory_space<vmem>>
      %dma_wait3A_181 = arith.constant 0 : i32
      %dma_wait3A_182 = arith.constant 0 : i32
      %dma_wait3A_183 = tpu.memref_slice %arg2[%dma_wait3A_181, %dma_wait3A_182] : memref<10000x128xf32, #tpu.memory_space<hbm>> -> memref<10000x128xf32, #tpu.memory_space<hbm>>
      tpu.wait_indirect_dma semaphore(%arg11 : memref<!tpu.dma_semaphore, #tpu.memory_space<semaphore_mem>>) src(%dma_wait3A_183 : memref<10000x128xf32, #tpu.memory_space<hbm>>) dst(%arg10 : memref<128x128xf32, #tpu.memory_space<vmem>>)
      %dma_start3A_184 = arith.constant 5 : i32
      %dma_start3A_185 = arith.constant 0 : i32
      %dma_start3A_186 = tpu.memref_slice %arg8[%dma_start3A_184, %dma_start3A_185] : memref<8x128xi32, #tpu.memory_space<vmem>> -> memref<1x128xi32, #tpu.memory_space<vmem>>
      %dma_start3A_187 = tpu.memref_squeeze %dma_start3A_186 : memref<1x128xi32, #tpu.memory_space<vmem>> -> memref<128xi32, #tpu.memory_space<vmem>>
      %dma_start3A_188 = arith.constant 0 : i32
      %dma_start3A_189 = arith.constant 0 : i32
      %dma_start3A_190 = tpu.memref_slice %arg6[%dma_start3A_188, %dma_start3A_189] : memref<10112x128xf32, #tpu.memory_space<vmem_shared>> -> memref<10112x128xf32, #tpu.memory_space<vmem_shared>>
      tpu.enqueue_indirect_dma source(%arg10 : memref<128x128xf32, #tpu.memory_space<vmem>>) target(%dma_start3A_190 : memref<10112x128xf32, #tpu.memory_space<vmem_shared>>) offsets(%dma_start3A_187 : memref<128xi32, #tpu.memory_space<vmem>>) semaphore(%arg12 : memref<!tpu.dma_semaphore, #tpu.memory_space<semaphore_mem>>) {add = true}
      %dma_wait3A_191 = arith.constant 5 : i32
      %dma_wait3A_192 = arith.constant 0 : i32
      %dma_wait3A_193 = tpu.memref_slice %arg8[%dma_wait3A_191, %dma_wait3A_192] : memref<8x128xi32, #tpu.memory_space<vmem>> -> memref<1x128xi32, #tpu.memory_space<vmem>>
      %dma_wait3A_194 = tpu.memref_squeeze %dma_wait3A_193 : memref<1x128xi32, #tpu.memory_space<vmem>> -> memref<128xi32, #tpu.memory_space<vmem>>
      %dma_wait3A_195 = arith.constant 0 : i32
      %dma_wait3A_196 = arith.constant 0 : i32
      %dma_wait3A_197 = tpu.memref_slice %arg6[%dma_wait3A_195, %dma_wait3A_196] : memref<10112x128xf32, #tpu.memory_space<vmem_shared>> -> memref<10112x128xf32, #tpu.memory_space<vmem_shared>>
      tpu.wait_indirect_dma semaphore(%arg12 : memref<!tpu.dma_semaphore, #tpu.memory_space<semaphore_mem>>) src(%arg10 : memref<128x128xf32, #tpu.memory_space<vmem>>) dst(%dma_wait3A_197 : memref<10112x128xf32, #tpu.memory_space<vmem_shared>>)
      %dma_start3A_198 = arith.constant 896 : i32
      %dma_start3A_199 = tpu.memref_slice %arg7[%dma_start3A_198] : memref<1024xi32, #tpu.memory_space<vmem>> -> memref<128xi32, #tpu.memory_space<vmem>>
      %dma_start3A_200 = arith.constant 0 : i32
      %dma_start3A_201 = arith.constant 0 : i32
      %dma_start3A_202 = tpu.memref_slice %arg2[%dma_start3A_200, %dma_start3A_201] : memref<10000x128xf32, #tpu.memory_space<hbm>> -> memref<10000x128xf32, #tpu.memory_space<hbm>>
      tpu.enqueue_indirect_dma source(%dma_start3A_202 : memref<10000x128xf32, #tpu.memory_space<hbm>>) target(%arg10 : memref<128x128xf32, #tpu.memory_space<vmem>>) offsets(%dma_start3A_199 : memref<128xi32, #tpu.memory_space<vmem>>) semaphore(%arg11 : memref<!tpu.dma_semaphore, #tpu.memory_space<semaphore_mem>>)
      %dma_wait3A_203 = arith.constant 768 : i32
      %dma_wait3A_204 = tpu.memref_slice %arg7[%dma_wait3A_203] : memref<1024xi32, #tpu.memory_space<vmem>> -> memref<128xi32, #tpu.memory_space<vmem>>
      %dma_wait3A_205 = arith.constant 0 : i32
      %dma_wait3A_206 = arith.constant 0 : i32
      %dma_wait3A_207 = tpu.memref_slice %arg2[%dma_wait3A_205, %dma_wait3A_206] : memref<10000x128xf32, #tpu.memory_space<hbm>> -> memref<10000x128xf32, #tpu.memory_space<hbm>>
      tpu.wait_indirect_dma semaphore(%arg11 : memref<!tpu.dma_semaphore, #tpu.memory_space<semaphore_mem>>) src(%dma_wait3A_207 : memref<10000x128xf32, #tpu.memory_space<hbm>>) dst(%arg9 : memref<128x128xf32, #tpu.memory_space<vmem>>)
      %dma_start3A_208 = arith.constant 6 : i32
      %dma_start3A_209 = arith.constant 0 : i32
      %dma_start3A_210 = tpu.memref_slice %arg8[%dma_start3A_208, %dma_start3A_209] : memref<8x128xi32, #tpu.memory_space<vmem>> -> memref<1x128xi32, #tpu.memory_space<vmem>>
      %dma_start3A_211 = tpu.memref_squeeze %dma_start3A_210 : memref<1x128xi32, #tpu.memory_space<vmem>> -> memref<128xi32, #tpu.memory_space<vmem>>
      %dma_start3A_212 = arith.constant 0 : i32
      %dma_start3A_213 = arith.constant 0 : i32
      %dma_start3A_214 = tpu.memref_slice %arg6[%dma_start3A_212, %dma_start3A_213] : memref<10112x128xf32, #tpu.memory_space<vmem_shared>> -> memref<10112x128xf32, #tpu.memory_space<vmem_shared>>
      tpu.enqueue_indirect_dma source(%arg9 : memref<128x128xf32, #tpu.memory_space<vmem>>) target(%dma_start3A_214 : memref<10112x128xf32, #tpu.memory_space<vmem_shared>>) offsets(%dma_start3A_211 : memref<128xi32, #tpu.memory_space<vmem>>) semaphore(%arg12 : memref<!tpu.dma_semaphore, #tpu.memory_space<semaphore_mem>>) {add = true}
      %dma_wait3A_215 = arith.constant 896 : i32
      %dma_wait3A_216 = tpu.memref_slice %arg7[%dma_wait3A_215] : memref<1024xi32, #tpu.memory_space<vmem>> -> memref<128xi32, #tpu.memory_space<vmem>>
      %dma_wait3A_217 = arith.constant 0 : i32
      %dma_wait3A_218 = arith.constant 0 : i32
      %dma_wait3A_219 = tpu.memref_slice %arg2[%dma_wait3A_217, %dma_wait3A_218] : memref<10000x128xf32, #tpu.memory_space<hbm>> -> memref<10000x128xf32, #tpu.memory_space<hbm>>
      tpu.wait_indirect_dma semaphore(%arg11 : memref<!tpu.dma_semaphore, #tpu.memory_space<semaphore_mem>>) src(%dma_wait3A_219 : memref<10000x128xf32, #tpu.memory_space<hbm>>) dst(%arg10 : memref<128x128xf32, #tpu.memory_space<vmem>>)
      %dma_start3A_220 = arith.constant 7 : i32
      %dma_start3A_221 = arith.constant 0 : i32
      %dma_start3A_222 = tpu.memref_slice %arg8[%dma_start3A_220, %dma_start3A_221] : memref<8x128xi32, #tpu.memory_space<vmem>> -> memref<1x128xi32, #tpu.memory_space<vmem>>
      %dma_start3A_223 = tpu.memref_squeeze %dma_start3A_222 : memref<1x128xi32, #tpu.memory_space<vmem>> -> memref<128xi32, #tpu.memory_space<vmem>>
      %dma_start3A_224 = arith.constant 0 : i32
      %dma_start3A_225 = arith.constant 0 : i32
      %dma_start3A_226 = tpu.memref_slice %arg6[%dma_start3A_224, %dma_start3A_225] : memref<10112x128xf32, #tpu.memory_space<vmem_shared>> -> memref<10112x128xf32, #tpu.memory_space<vmem_shared>>
      tpu.enqueue_indirect_dma source(%arg10 : memref<128x128xf32, #tpu.memory_space<vmem>>) target(%dma_start3A_226 : memref<10112x128xf32, #tpu.memory_space<vmem_shared>>) offsets(%dma_start3A_223 : memref<128xi32, #tpu.memory_space<vmem>>) semaphore(%arg12 : memref<!tpu.dma_semaphore, #tpu.memory_space<semaphore_mem>>) {add = true}
      %dma_wait3A_227 = arith.constant 6 : i32
      %dma_wait3A_228 = arith.constant 0 : i32
      %dma_wait3A_229 = tpu.memref_slice %arg8[%dma_wait3A_227, %dma_wait3A_228] : memref<8x128xi32, #tpu.memory_space<vmem>> -> memref<1x128xi32, #tpu.memory_space<vmem>>
      %dma_wait3A_230 = tpu.memref_squeeze %dma_wait3A_229 : memref<1x128xi32, #tpu.memory_space<vmem>> -> memref<128xi32, #tpu.memory_space<vmem>>
      %dma_wait3A_231 = arith.constant 0 : i32
      %dma_wait3A_232 = arith.constant 0 : i32
      %dma_wait3A_233 = tpu.memref_slice %arg6[%dma_wait3A_231, %dma_wait3A_232] : memref<10112x128xf32, #tpu.memory_space<vmem_shared>> -> memref<10112x128xf32, #tpu.memory_space<vmem_shared>>
      tpu.wait_indirect_dma semaphore(%arg12 : memref<!tpu.dma_semaphore, #tpu.memory_space<semaphore_mem>>) src(%arg9 : memref<128x128xf32, #tpu.memory_space<vmem>>) dst(%dma_wait3A_233 : memref<10112x128xf32, #tpu.memory_space<vmem_shared>>)
      %dma_wait3A_234 = arith.constant 7 : i32
      %dma_wait3A_235 = arith.constant 0 : i32
      %dma_wait3A_236 = tpu.memref_slice %arg8[%dma_wait3A_234, %dma_wait3A_235] : memref<8x128xi32, #tpu.memory_space<vmem>> -> memref<1x128xi32, #tpu.memory_space<vmem>>
      %dma_wait3A_237 = tpu.memref_squeeze %dma_wait3A_236 : memref<1x128xi32, #tpu.memory_space<vmem>> -> memref<128xi32, #tpu.memory_space<vmem>>
      %dma_wait3A_238 = arith.constant 0 : i32
      %dma_wait3A_239 = arith.constant 0 : i32
      %dma_wait3A_240 = tpu.memref_slice %arg6[%dma_wait3A_238, %dma_wait3A_239] : memref<10112x128xf32, #tpu.memory_space<vmem_shared>> -> memref<10112x128xf32, #tpu.memory_space<vmem_shared>>
      tpu.wait_indirect_dma semaphore(%arg12 : memref<!tpu.dma_semaphore, #tpu.memory_space<semaphore_mem>>) src(%arg10 : memref<128x128xf32, #tpu.memory_space<vmem>>) dst(%dma_wait3A_240 : memref<10112x128xf32, #tpu.memory_space<vmem_shared>>)
      %while3A_241 = arith.constant 0 : i32
      scf.yield %while3A_241 : i32
    }
    %while3A_37 = arith.constant 1 : i32
    %while3A_38 = scf.for %while3A_44 = %while3A_34 to %while3A_30 step %while3A_37 iter_args(%while3A_45 = %while3A_36) -> (i32)  : i32 {
      %mul3A_46 = arith.constant 8 : i32
      %mul3A_47 = arith.muli %while3A_44, %mul3A_46 : i32
      %add3A_48 = arith.addi %select_n3A_27, %mul3A_47 : i32
      %mul3A_49 = arith.constant 128 : i32
      %mul3A_50 = arith.muli %add3A_48, %mul3A_49 : i32
      "tpu.region"() ({
        %run_scoped3A = tpu.sem_alloc : memref<!tpu.dma_semaphore, #tpu.memory_space<semaphore_mem>>
        %dma_start3A_242 = tpu.memref_slice %arg3[%mul3A_50] : memref<327680xi32, #tpu.memory_space<hbm>> -> memref<1024xi32, #tpu.memory_space<hbm>>
        %dma_start3A_243 = tpu.memref_slice %arg3[%mul3A_50] : memref<327680xi32, #tpu.memory_space<hbm>> -> memref<1024xi32, #tpu.memory_space<hbm>>
        tpu.enqueue_dma source(%dma_start3A_243 : memref<1024xi32, #tpu.memory_space<hbm>>) target(%arg7 : memref<1024xi32, #tpu.memory_space<vmem>>) target_semaphore(%run_scoped3A : memref<!tpu.dma_semaphore, #tpu.memory_space<semaphore_mem>>)
        %dma_wait3A_244 = tpu.memref_slice %arg3[%mul3A_50] : memref<327680xi32, #tpu.memory_space<hbm>> -> memref<1024xi32, #tpu.memory_space<hbm>>
        %dma_wait3A_245 = tpu.memref_slice %arg3[%mul3A_50] : memref<327680xi32, #tpu.memory_space<hbm>> -> memref<1024xi32, #tpu.memory_space<hbm>>
        tpu.wait_dma2 semaphore(%run_scoped3A : memref<!tpu.dma_semaphore, #tpu.memory_space<semaphore_mem>>) src(%dma_wait3A_245 : memref<1024xi32, #tpu.memory_space<hbm>>) dst(%arg7 : memref<1024xi32, #tpu.memory_space<vmem>>)
        tpu.yield
      }) : () -> ()
      "tpu.region"() ({
        %run_scoped3A = tpu.sem_alloc : memref<!tpu.dma_semaphore, #tpu.memory_space<semaphore_mem>>
        %dma_start3A_242 = arith.constant 0 : i32
        %dma_start3A_243 = tpu.memref_slice %arg4[%add3A_48, %dma_start3A_242] : memref<2560x128xi32, #tpu.memory_space<hbm>> -> memref<8x128xi32, #tpu.memory_space<hbm>>
        %dma_start3A_244 = arith.constant 0 : i32
        %dma_start3A_245 = tpu.memref_slice %arg4[%add3A_48, %dma_start3A_244] : memref<2560x128xi32, #tpu.memory_space<hbm>> -> memref<8x128xi32, #tpu.memory_space<hbm>>
        tpu.enqueue_dma source(%dma_start3A_245 : memref<8x128xi32, #tpu.memory_space<hbm>>) target(%arg8 : memref<8x128xi32, #tpu.memory_space<vmem>>) target_semaphore(%run_scoped3A : memref<!tpu.dma_semaphore, #tpu.memory_space<semaphore_mem>>)
        %dma_wait3A_246 = arith.constant 0 : i32
        %dma_wait3A_247 = tpu.memref_slice %arg4[%add3A_48, %dma_wait3A_246] : memref<2560x128xi32, #tpu.memory_space<hbm>> -> memref<8x128xi32, #tpu.memory_space<hbm>>
        %dma_wait3A_248 = arith.constant 0 : i32
        %dma_wait3A_249 = tpu.memref_slice %arg4[%add3A_48, %dma_wait3A_248] : memref<2560x128xi32, #tpu.memory_space<hbm>> -> memref<8x128xi32, #tpu.memory_space<hbm>>
        tpu.wait_dma2 semaphore(%run_scoped3A : memref<!tpu.dma_semaphore, #tpu.memory_space<semaphore_mem>>) src(%dma_wait3A_249 : memref<8x128xi32, #tpu.memory_space<hbm>>) dst(%arg8 : memref<8x128xi32, #tpu.memory_space<vmem>>)
        tpu.yield
      }) : () -> ()
      %dma_start3A = arith.constant 0 : i32
      %dma_start3A_51 = tpu.memref_slice %arg7[%dma_start3A] : memref<1024xi32, #tpu.memory_space<vmem>> -> memref<128xi32, #tpu.memory_space<vmem>>
      %dma_start3A_52 = arith.constant 0 : i32
      %dma_start3A_53 = arith.constant 0 : i32
      %dma_start3A_54 = tpu.memref_slice %arg2[%dma_start3A_52, %dma_start3A_53] : memref<10000x128xf32, #tpu.memory_space<hbm>> -> memref<10000x128xf32, #tpu.memory_space<hbm>>
      tpu.enqueue_indirect_dma source(%dma_start3A_54 : memref<10000x128xf32, #tpu.memory_space<hbm>>) target(%arg9 : memref<128x128xf32, #tpu.memory_space<vmem>>) offsets(%dma_start3A_51 : memref<128xi32, #tpu.memory_space<vmem>>) semaphore(%arg11 : memref<!tpu.dma_semaphore, #tpu.memory_space<semaphore_mem>>)
      %dma_start3A_55 = arith.constant 128 : i32
      %dma_start3A_56 = tpu.memref_slice %arg7[%dma_start3A_55] : memref<1024xi32, #tpu.memory_space<vmem>> -> memref<128xi32, #tpu.memory_space<vmem>>
      %dma_start3A_57 = arith.constant 0 : i32
      %dma_start3A_58 = arith.constant 0 : i32
      %dma_start3A_59 = tpu.memref_slice %arg2[%dma_start3A_57, %dma_start3A_58] : memref<10000x128xf32, #tpu.memory_space<hbm>> -> memref<10000x128xf32, #tpu.memory_space<hbm>>
      tpu.enqueue_indirect_dma source(%dma_start3A_59 : memref<10000x128xf32, #tpu.memory_space<hbm>>) target(%arg10 : memref<128x128xf32, #tpu.memory_space<vmem>>) offsets(%dma_start3A_56 : memref<128xi32, #tpu.memory_space<vmem>>) semaphore(%arg11 : memref<!tpu.dma_semaphore, #tpu.memory_space<semaphore_mem>>)
      %dma_wait3A = arith.constant 0 : i32
      %dma_wait3A_60 = tpu.memref_slice %arg7[%dma_wait3A] : memref<1024xi32, #tpu.memory_space<vmem>> -> memref<128xi32, #tpu.memory_space<vmem>>
      %dma_wait3A_61 = arith.constant 0 : i32
      %dma_wait3A_62 = arith.constant 0 : i32
      %dma_wait3A_63 = tpu.memref_slice %arg2[%dma_wait3A_61, %dma_wait3A_62] : memref<10000x128xf32, #tpu.memory_space<hbm>> -> memref<10000x128xf32, #tpu.memory_space<hbm>>
      tpu.wait_indirect_dma semaphore(%arg11 : memref<!tpu.dma_semaphore, #tpu.memory_space<semaphore_mem>>) src(%dma_wait3A_63 : memref<10000x128xf32, #tpu.memory_space<hbm>>) dst(%arg9 : memref<128x128xf32, #tpu.memory_space<vmem>>)
      %dma_start3A_64 = arith.constant 0 : i32
      %dma_start3A_65 = arith.constant 0 : i32
      %dma_start3A_66 = tpu.memref_slice %arg8[%dma_start3A_64, %dma_start3A_65] : memref<8x128xi32, #tpu.memory_space<vmem>> -> memref<1x128xi32, #tpu.memory_space<vmem>>
      %dma_start3A_67 = tpu.memref_squeeze %dma_start3A_66 : memref<1x128xi32, #tpu.memory_space<vmem>> -> memref<128xi32, #tpu.memory_space<vmem>>
      %dma_start3A_68 = arith.constant 0 : i32
      %dma_start3A_69 = arith.constant 0 : i32
      %dma_start3A_70 = tpu.memref_slice %arg6[%dma_start3A_68, %dma_start3A_69] : memref<10112x128xf32, #tpu.memory_space<vmem_shared>> -> memref<10112x128xf32, #tpu.memory_space<vmem_shared>>
      tpu.enqueue_indirect_dma source(%arg9 : memref<128x128xf32, #tpu.memory_space<vmem>>) target(%dma_start3A_70 : memref<10112x128xf32, #tpu.memory_space<vmem_shared>>) offsets(%dma_start3A_67 : memref<128xi32, #tpu.memory_space<vmem>>) semaphore(%arg12 : memref<!tpu.dma_semaphore, #tpu.memory_space<semaphore_mem>>) {add = true}
      %dma_wait3A_71 = arith.constant 0 : i32
      %dma_wait3A_72 = arith.constant 0 : i32
      %dma_wait3A_73 = tpu.memref_slice %arg8[%dma_wait3A_71, %dma_wait3A_72] : memref<8x128xi32, #tpu.memory_space<vmem>> -> memref<1x128xi32, #tpu.memory_space<vmem>>
      %dma_wait3A_74 = tpu.memref_squeeze %dma_wait3A_73 : memref<1x128xi32, #tpu.memory_space<vmem>> -> memref<128xi32, #tpu.memory_space<vmem>>
      %dma_wait3A_75 = arith.constant 0 : i32
      %dma_wait3A_76 = arith.constant 0 : i32
      %dma_wait3A_77 = tpu.memref_slice %arg6[%dma_wait3A_75, %dma_wait3A_76] : memref<10112x128xf32, #tpu.memory_space<vmem_shared>> -> memref<10112x128xf32, #tpu.memory_space<vmem_shared>>
      tpu.wait_indirect_dma semaphore(%arg12 : memref<!tpu.dma_semaphore, #tpu.memory_space<semaphore_mem>>) src(%arg9 : memref<128x128xf32, #tpu.memory_space<vmem>>) dst(%dma_wait3A_77 : memref<10112x128xf32, #tpu.memory_space<vmem_shared>>)
      %dma_start3A_78 = arith.constant 256 : i32
      %dma_start3A_79 = tpu.memref_slice %arg7[%dma_start3A_78] : memref<1024xi32, #tpu.memory_space<vmem>> -> memref<128xi32, #tpu.memory_space<vmem>>
      %dma_start3A_80 = arith.constant 0 : i32
      %dma_start3A_81 = arith.constant 0 : i32
      %dma_start3A_82 = tpu.memref_slice %arg2[%dma_start3A_80, %dma_start3A_81] : memref<10000x128xf32, #tpu.memory_space<hbm>> -> memref<10000x128xf32, #tpu.memory_space<hbm>>
      tpu.enqueue_indirect_dma source(%dma_start3A_82 : memref<10000x128xf32, #tpu.memory_space<hbm>>) target(%arg9 : memref<128x128xf32, #tpu.memory_space<vmem>>) offsets(%dma_start3A_79 : memref<128xi32, #tpu.memory_space<vmem>>) semaphore(%arg11 : memref<!tpu.dma_semaphore, #tpu.memory_space<semaphore_mem>>)
      %dma_wait3A_83 = arith.constant 128 : i32
      %dma_wait3A_84 = tpu.memref_slice %arg7[%dma_wait3A_83] : memref<1024xi32, #tpu.memory_space<vmem>> -> memref<128xi32, #tpu.memory_space<vmem>>
      %dma_wait3A_85 = arith.constant 0 : i32
      %dma_wait3A_86 = arith.constant 0 : i32
      %dma_wait3A_87 = tpu.memref_slice %arg2[%dma_wait3A_85, %dma_wait3A_86] : memref<10000x128xf32, #tpu.memory_space<hbm>> -> memref<10000x128xf32, #tpu.memory_space<hbm>>
      tpu.wait_indirect_dma semaphore(%arg11 : memref<!tpu.dma_semaphore, #tpu.memory_space<semaphore_mem>>) src(%dma_wait3A_87 : memref<10000x128xf32, #tpu.memory_space<hbm>>) dst(%arg10 : memref<128x128xf32, #tpu.memory_space<vmem>>)
      %dma_start3A_88 = arith.constant 1 : i32
      %dma_start3A_89 = arith.constant 0 : i32
      %dma_start3A_90 = tpu.memref_slice %arg8[%dma_start3A_88, %dma_start3A_89] : memref<8x128xi32, #tpu.memory_space<vmem>> -> memref<1x128xi32, #tpu.memory_space<vmem>>
      %dma_start3A_91 = tpu.memref_squeeze %dma_start3A_90 : memref<1x128xi32, #tpu.memory_space<vmem>> -> memref<128xi32, #tpu.memory_space<vmem>>
      %dma_start3A_92 = arith.constant 0 : i32
      %dma_start3A_93 = arith.constant 0 : i32
      %dma_start3A_94 = tpu.memref_slice %arg6[%dma_start3A_92, %dma_start3A_93] : memref<10112x128xf32, #tpu.memory_space<vmem_shared>> -> memref<10112x128xf32, #tpu.memory_space<vmem_shared>>
      tpu.enqueue_indirect_dma source(%arg10 : memref<128x128xf32, #tpu.memory_space<vmem>>) target(%dma_start3A_94 : memref<10112x128xf32, #tpu.memory_space<vmem_shared>>) offsets(%dma_start3A_91 : memref<128xi32, #tpu.memory_space<vmem>>) semaphore(%arg12 : memref<!tpu.dma_semaphore, #tpu.memory_space<semaphore_mem>>) {add = true}
      %dma_wait3A_95 = arith.constant 1 : i32
      %dma_wait3A_96 = arith.constant 0 : i32
      %dma_wait3A_97 = tpu.memref_slice %arg8[%dma_wait3A_95, %dma_wait3A_96] : memref<8x128xi32, #tpu.memory_space<vmem>> -> memref<1x128xi32, #tpu.memory_space<vmem>>
      %dma_wait3A_98 = tpu.memref_squeeze %dma_wait3A_97 : memref<1x128xi32, #tpu.memory_space<vmem>> -> memref<128xi32, #tpu.memory_space<vmem>>
      %dma_wait3A_99 = arith.constant 0 : i32
      %dma_wait3A_100 = arith.constant 0 : i32
      %dma_wait3A_101 = tpu.memref_slice %arg6[%dma_wait3A_99, %dma_wait3A_100] : memref<10112x128xf32, #tpu.memory_space<vmem_shared>> -> memref<10112x128xf32, #tpu.memory_space<vmem_shared>>
      tpu.wait_indirect_dma semaphore(%arg12 : memref<!tpu.dma_semaphore, #tpu.memory_space<semaphore_mem>>) src(%arg10 : memref<128x128xf32, #tpu.memory_space<vmem>>) dst(%dma_wait3A_101 : memref<10112x128xf32, #tpu.memory_space<vmem_shared>>)
      %dma_start3A_102 = arith.constant 384 : i32
      %dma_start3A_103 = tpu.memref_slice %arg7[%dma_start3A_102] : memref<1024xi32, #tpu.memory_space<vmem>> -> memref<128xi32, #tpu.memory_space<vmem>>
      %dma_start3A_104 = arith.constant 0 : i32
      %dma_start3A_105 = arith.constant 0 : i32
      %dma_start3A_106 = tpu.memref_slice %arg2[%dma_start3A_104, %dma_start3A_105] : memref<10000x128xf32, #tpu.memory_space<hbm>> -> memref<10000x128xf32, #tpu.memory_space<hbm>>
      tpu.enqueue_indirect_dma source(%dma_start3A_106 : memref<10000x128xf32, #tpu.memory_space<hbm>>) target(%arg10 : memref<128x128xf32, #tpu.memory_space<vmem>>) offsets(%dma_start3A_103 : memref<128xi32, #tpu.memory_space<vmem>>) semaphore(%arg11 : memref<!tpu.dma_semaphore, #tpu.memory_space<semaphore_mem>>)
      %dma_wait3A_107 = arith.constant 256 : i32
      %dma_wait3A_108 = tpu.memref_slice %arg7[%dma_wait3A_107] : memref<1024xi32, #tpu.memory_space<vmem>> -> memref<128xi32, #tpu.memory_space<vmem>>
      %dma_wait3A_109 = arith.constant 0 : i32
      %dma_wait3A_110 = arith.constant 0 : i32
      %dma_wait3A_111 = tpu.memref_slice %arg2[%dma_wait3A_109, %dma_wait3A_110] : memref<10000x128xf32, #tpu.memory_space<hbm>> -> memref<10000x128xf32, #tpu.memory_space<hbm>>
      tpu.wait_indirect_dma semaphore(%arg11 : memref<!tpu.dma_semaphore, #tpu.memory_space<semaphore_mem>>) src(%dma_wait3A_111 : memref<10000x128xf32, #tpu.memory_space<hbm>>) dst(%arg9 : memref<128x128xf32, #tpu.memory_space<vmem>>)
      %dma_start3A_112 = arith.constant 2 : i32
      %dma_start3A_113 = arith.constant 0 : i32
      %dma_start3A_114 = tpu.memref_slice %arg8[%dma_start3A_112, %dma_start3A_113] : memref<8x128xi32, #tpu.memory_space<vmem>> -> memref<1x128xi32, #tpu.memory_space<vmem>>
      %dma_start3A_115 = tpu.memref_squeeze %dma_start3A_114 : memref<1x128xi32, #tpu.memory_space<vmem>> -> memref<128xi32, #tpu.memory_space<vmem>>
      %dma_start3A_116 = arith.constant 0 : i32
      %dma_start3A_117 = arith.constant 0 : i32
      %dma_start3A_118 = tpu.memref_slice %arg6[%dma_start3A_116, %dma_start3A_117] : memref<10112x128xf32, #tpu.memory_space<vmem_shared>> -> memref<10112x128xf32, #tpu.memory_space<vmem_shared>>
      tpu.enqueue_indirect_dma source(%arg9 : memref<128x128xf32, #tpu.memory_space<vmem>>) target(%dma_start3A_118 : memref<10112x128xf32, #tpu.memory_space<vmem_shared>>) offsets(%dma_start3A_115 : memref<128xi32, #tpu.memory_space<vmem>>) semaphore(%arg12 : memref<!tpu.dma_semaphore, #tpu.memory_space<semaphore_mem>>) {add = true}
      %dma_wait3A_119 = arith.constant 2 : i32
      %dma_wait3A_120 = arith.constant 0 : i32
      %dma_wait3A_121 = tpu.memref_slice %arg8[%dma_wait3A_119, %dma_wait3A_120] : memref<8x128xi32, #tpu.memory_space<vmem>> -> memref<1x128xi32, #tpu.memory_space<vmem>>
      %dma_wait3A_122 = tpu.memref_squeeze %dma_wait3A_121 : memref<1x128xi32, #tpu.memory_space<vmem>> -> memref<128xi32, #tpu.memory_space<vmem>>
      %dma_wait3A_123 = arith.constant 0 : i32
      %dma_wait3A_124 = arith.constant 0 : i32
      %dma_wait3A_125 = tpu.memref_slice %arg6[%dma_wait3A_123, %dma_wait3A_124] : memref<10112x128xf32, #tpu.memory_space<vmem_shared>> -> memref<10112x128xf32, #tpu.memory_space<vmem_shared>>
      tpu.wait_indirect_dma semaphore(%arg12 : memref<!tpu.dma_semaphore, #tpu.memory_space<semaphore_mem>>) src(%arg9 : memref<128x128xf32, #tpu.memory_space<vmem>>) dst(%dma_wait3A_125 : memref<10112x128xf32, #tpu.memory_space<vmem_shared>>)
      %dma_start3A_126 = arith.constant 512 : i32
      %dma_start3A_127 = tpu.memref_slice %arg7[%dma_start3A_126] : memref<1024xi32, #tpu.memory_space<vmem>> -> memref<128xi32, #tpu.memory_space<vmem>>
      %dma_start3A_128 = arith.constant 0 : i32
      %dma_start3A_129 = arith.constant 0 : i32
      %dma_start3A_130 = tpu.memref_slice %arg2[%dma_start3A_128, %dma_start3A_129] : memref<10000x128xf32, #tpu.memory_space<hbm>> -> memref<10000x128xf32, #tpu.memory_space<hbm>>
      tpu.enqueue_indirect_dma source(%dma_start3A_130 : memref<10000x128xf32, #tpu.memory_space<hbm>>) target(%arg9 : memref<128x128xf32, #tpu.memory_space<vmem>>) offsets(%dma_start3A_127 : memref<128xi32, #tpu.memory_space<vmem>>) semaphore(%arg11 : memref<!tpu.dma_semaphore, #tpu.memory_space<semaphore_mem>>)
      %dma_wait3A_131 = arith.constant 384 : i32
      %dma_wait3A_132 = tpu.memref_slice %arg7[%dma_wait3A_131] : memref<1024xi32, #tpu.memory_space<vmem>> -> memref<128xi32, #tpu.memory_space<vmem>>
      %dma_wait3A_133 = arith.constant 0 : i32
      %dma_wait3A_134 = arith.constant 0 : i32
      %dma_wait3A_135 = tpu.memref_slice %arg2[%dma_wait3A_133, %dma_wait3A_134] : memref<10000x128xf32, #tpu.memory_space<hbm>> -> memref<10000x128xf32, #tpu.memory_space<hbm>>
      tpu.wait_indirect_dma semaphore(%arg11 : memref<!tpu.dma_semaphore, #tpu.memory_space<semaphore_mem>>) src(%dma_wait3A_135 : memref<10000x128xf32, #tpu.memory_space<hbm>>) dst(%arg10 : memref<128x128xf32, #tpu.memory_space<vmem>>)
      %dma_start3A_136 = arith.constant 3 : i32
      %dma_start3A_137 = arith.constant 0 : i32
      %dma_start3A_138 = tpu.memref_slice %arg8[%dma_start3A_136, %dma_start3A_137] : memref<8x128xi32, #tpu.memory_space<vmem>> -> memref<1x128xi32, #tpu.memory_space<vmem>>
      %dma_start3A_139 = tpu.memref_squeeze %dma_start3A_138 : memref<1x128xi32, #tpu.memory_space<vmem>> -> memref<128xi32, #tpu.memory_space<vmem>>
      %dma_start3A_140 = arith.constant 0 : i32
      %dma_start3A_141 = arith.constant 0 : i32
      %dma_start3A_142 = tpu.memref_slice %arg6[%dma_start3A_140, %dma_start3A_141] : memref<10112x128xf32, #tpu.memory_space<vmem_shared>> -> memref<10112x128xf32, #tpu.memory_space<vmem_shared>>
      tpu.enqueue_indirect_dma source(%arg10 : memref<128x128xf32, #tpu.memory_space<vmem>>) target(%dma_start3A_142 : memref<10112x128xf32, #tpu.memory_space<vmem_shared>>) offsets(%dma_start3A_139 : memref<128xi32, #tpu.memory_space<vmem>>) semaphore(%arg12 : memref<!tpu.dma_semaphore, #tpu.memory_space<semaphore_mem>>) {add = true}
      %dma_wait3A_143 = arith.constant 3 : i32
      %dma_wait3A_144 = arith.constant 0 : i32
      %dma_wait3A_145 = tpu.memref_slice %arg8[%dma_wait3A_143, %dma_wait3A_144] : memref<8x128xi32, #tpu.memory_space<vmem>> -> memref<1x128xi32, #tpu.memory_space<vmem>>
      %dma_wait3A_146 = tpu.memref_squeeze %dma_wait3A_145 : memref<1x128xi32, #tpu.memory_space<vmem>> -> memref<128xi32, #tpu.memory_space<vmem>>
      %dma_wait3A_147 = arith.constant 0 : i32
      %dma_wait3A_148 = arith.constant 0 : i32
      %dma_wait3A_149 = tpu.memref_slice %arg6[%dma_wait3A_147, %dma_wait3A_148] : memref<10112x128xf32, #tpu.memory_space<vmem_shared>> -> memref<10112x128xf32, #tpu.memory_space<vmem_shared>>
      tpu.wait_indirect_dma semaphore(%arg12 : memref<!tpu.dma_semaphore, #tpu.memory_space<semaphore_mem>>) src(%arg10 : memref<128x128xf32, #tpu.memory_space<vmem>>) dst(%dma_wait3A_149 : memref<10112x128xf32, #tpu.memory_space<vmem_shared>>)
      %dma_start3A_150 = arith.constant 640 : i32
      %dma_start3A_151 = tpu.memref_slice %arg7[%dma_start3A_150] : memref<1024xi32, #tpu.memory_space<vmem>> -> memref<128xi32, #tpu.memory_space<vmem>>
      %dma_start3A_152 = arith.constant 0 : i32
      %dma_start3A_153 = arith.constant 0 : i32
      %dma_start3A_154 = tpu.memref_slice %arg2[%dma_start3A_152, %dma_start3A_153] : memref<10000x128xf32, #tpu.memory_space<hbm>> -> memref<10000x128xf32, #tpu.memory_space<hbm>>
      tpu.enqueue_indirect_dma source(%dma_start3A_154 : memref<10000x128xf32, #tpu.memory_space<hbm>>) target(%arg10 : memref<128x128xf32, #tpu.memory_space<vmem>>) offsets(%dma_start3A_151 : memref<128xi32, #tpu.memory_space<vmem>>) semaphore(%arg11 : memref<!tpu.dma_semaphore, #tpu.memory_space<semaphore_mem>>)
      %dma_wait3A_155 = arith.constant 512 : i32
      %dma_wait3A_156 = tpu.memref_slice %arg7[%dma_wait3A_155] : memref<1024xi32, #tpu.memory_space<vmem>> -> memref<128xi32, #tpu.memory_space<vmem>>
      %dma_wait3A_157 = arith.constant 0 : i32
      %dma_wait3A_158 = arith.constant 0 : i32
      %dma_wait3A_159 = tpu.memref_slice %arg2[%dma_wait3A_157, %dma_wait3A_158] : memref<10000x128xf32, #tpu.memory_space<hbm>> -> memref<10000x128xf32, #tpu.memory_space<hbm>>
      tpu.wait_indirect_dma semaphore(%arg11 : memref<!tpu.dma_semaphore, #tpu.memory_space<semaphore_mem>>) src(%dma_wait3A_159 : memref<10000x128xf32, #tpu.memory_space<hbm>>) dst(%arg9 : memref<128x128xf32, #tpu.memory_space<vmem>>)
      %dma_start3A_160 = arith.constant 4 : i32
      %dma_start3A_161 = arith.constant 0 : i32
      %dma_start3A_162 = tpu.memref_slice %arg8[%dma_start3A_160, %dma_start3A_161] : memref<8x128xi32, #tpu.memory_space<vmem>> -> memref<1x128xi32, #tpu.memory_space<vmem>>
      %dma_start3A_163 = tpu.memref_squeeze %dma_start3A_162 : memref<1x128xi32, #tpu.memory_space<vmem>> -> memref<128xi32, #tpu.memory_space<vmem>>
      %dma_start3A_164 = arith.constant 0 : i32
      %dma_start3A_165 = arith.constant 0 : i32
      %dma_start3A_166 = tpu.memref_slice %arg6[%dma_start3A_164, %dma_start3A_165] : memref<10112x128xf32, #tpu.memory_space<vmem_shared>> -> memref<10112x128xf32, #tpu.memory_space<vmem_shared>>
      tpu.enqueue_indirect_dma source(%arg9 : memref<128x128xf32, #tpu.memory_space<vmem>>) target(%dma_start3A_166 : memref<10112x128xf32, #tpu.memory_space<vmem_shared>>) offsets(%dma_start3A_163 : memref<128xi32, #tpu.memory_space<vmem>>) semaphore(%arg12 : memref<!tpu.dma_semaphore, #tpu.memory_space<semaphore_mem>>) {add = true}
      %dma_wait3A_167 = arith.constant 4 : i32
      %dma_wait3A_168 = arith.constant 0 : i32
      %dma_wait3A_169 = tpu.memref_slice %arg8[%dma_wait3A_167, %dma_wait3A_168] : memref<8x128xi32, #tpu.memory_space<vmem>> -> memref<1x128xi32, #tpu.memory_space<vmem>>
      %dma_wait3A_170 = tpu.memref_squeeze %dma_wait3A_169 : memref<1x128xi32, #tpu.memory_space<vmem>> -> memref<128xi32, #tpu.memory_space<vmem>>
      %dma_wait3A_171 = arith.constant 0 : i32
      %dma_wait3A_172 = arith.constant 0 : i32
      %dma_wait3A_173 = tpu.memref_slice %arg6[%dma_wait3A_171, %dma_wait3A_172] : memref<10112x128xf32, #tpu.memory_space<vmem_shared>> -> memref<10112x128xf32, #tpu.memory_space<vmem_shared>>
      tpu.wait_indirect_dma semaphore(%arg12 : memref<!tpu.dma_semaphore, #tpu.memory_space<semaphore_mem>>) src(%arg9 : memref<128x128xf32, #tpu.memory_space<vmem>>) dst(%dma_wait3A_173 : memref<10112x128xf32, #tpu.memory_space<vmem_shared>>)
      %dma_start3A_174 = arith.constant 768 : i32
      %dma_start3A_175 = tpu.memref_slice %arg7[%dma_start3A_174] : memref<1024xi32, #tpu.memory_space<vmem>> -> memref<128xi32, #tpu.memory_space<vmem>>
      %dma_start3A_176 = arith.constant 0 : i32
      %dma_start3A_177 = arith.constant 0 : i32
      %dma_start3A_178 = tpu.memref_slice %arg2[%dma_start3A_176, %dma_start3A_177] : memref<10000x128xf32, #tpu.memory_space<hbm>> -> memref<10000x128xf32, #tpu.memory_space<hbm>>
      tpu.enqueue_indirect_dma source(%dma_start3A_178 : memref<10000x128xf32, #tpu.memory_space<hbm>>) target(%arg9 : memref<128x128xf32, #tpu.memory_space<vmem>>) offsets(%dma_start3A_175 : memref<128xi32, #tpu.memory_space<vmem>>) semaphore(%arg11 : memref<!tpu.dma_semaphore, #tpu.memory_space<semaphore_mem>>)
      %dma_wait3A_179 = arith.constant 640 : i32
      %dma_wait3A_180 = tpu.memref_slice %arg7[%dma_wait3A_179] : memref<1024xi32, #tpu.memory_space<vmem>> -> memref<128xi32, #tpu.memory_space<vmem>>
      %dma_wait3A_181 = arith.constant 0 : i32
      %dma_wait3A_182 = arith.constant 0 : i32
      %dma_wait3A_183 = tpu.memref_slice %arg2[%dma_wait3A_181, %dma_wait3A_182] : memref<10000x128xf32, #tpu.memory_space<hbm>> -> memref<10000x128xf32, #tpu.memory_space<hbm>>
      tpu.wait_indirect_dma semaphore(%arg11 : memref<!tpu.dma_semaphore, #tpu.memory_space<semaphore_mem>>) src(%dma_wait3A_183 : memref<10000x128xf32, #tpu.memory_space<hbm>>) dst(%arg10 : memref<128x128xf32, #tpu.memory_space<vmem>>)
      %dma_start3A_184 = arith.constant 5 : i32
      %dma_start3A_185 = arith.constant 0 : i32
      %dma_start3A_186 = tpu.memref_slice %arg8[%dma_start3A_184, %dma_start3A_185] : memref<8x128xi32, #tpu.memory_space<vmem>> -> memref<1x128xi32, #tpu.memory_space<vmem>>
      %dma_start3A_187 = tpu.memref_squeeze %dma_start3A_186 : memref<1x128xi32, #tpu.memory_space<vmem>> -> memref<128xi32, #tpu.memory_space<vmem>>
      %dma_start3A_188 = arith.constant 0 : i32
      %dma_start3A_189 = arith.constant 0 : i32
      %dma_start3A_190 = tpu.memref_slice %arg6[%dma_start3A_188, %dma_start3A_189] : memref<10112x128xf32, #tpu.memory_space<vmem_shared>> -> memref<10112x128xf32, #tpu.memory_space<vmem_shared>>
      tpu.enqueue_indirect_dma source(%arg10 : memref<128x128xf32, #tpu.memory_space<vmem>>) target(%dma_start3A_190 : memref<10112x128xf32, #tpu.memory_space<vmem_shared>>) offsets(%dma_start3A_187 : memref<128xi32, #tpu.memory_space<vmem>>) semaphore(%arg12 : memref<!tpu.dma_semaphore, #tpu.memory_space<semaphore_mem>>) {add = true}
      %dma_wait3A_191 = arith.constant 5 : i32
      %dma_wait3A_192 = arith.constant 0 : i32
      %dma_wait3A_193 = tpu.memref_slice %arg8[%dma_wait3A_191, %dma_wait3A_192] : memref<8x128xi32, #tpu.memory_space<vmem>> -> memref<1x128xi32, #tpu.memory_space<vmem>>
      %dma_wait3A_194 = tpu.memref_squeeze %dma_wait3A_193 : memref<1x128xi32, #tpu.memory_space<vmem>> -> memref<128xi32, #tpu.memory_space<vmem>>
      %dma_wait3A_195 = arith.constant 0 : i32
      %dma_wait3A_196 = arith.constant 0 : i32
      %dma_wait3A_197 = tpu.memref_slice %arg6[%dma_wait3A_195, %dma_wait3A_196] : memref<10112x128xf32, #tpu.memory_space<vmem_shared>> -> memref<10112x128xf32, #tpu.memory_space<vmem_shared>>
      tpu.wait_indirect_dma semaphore(%arg12 : memref<!tpu.dma_semaphore, #tpu.memory_space<semaphore_mem>>) src(%arg10 : memref<128x128xf32, #tpu.memory_space<vmem>>) dst(%dma_wait3A_197 : memref<10112x128xf32, #tpu.memory_space<vmem_shared>>)
      %dma_start3A_198 = arith.constant 896 : i32
      %dma_start3A_199 = tpu.memref_slice %arg7[%dma_start3A_198] : memref<1024xi32, #tpu.memory_space<vmem>> -> memref<128xi32, #tpu.memory_space<vmem>>
      %dma_start3A_200 = arith.constant 0 : i32
      %dma_start3A_201 = arith.constant 0 : i32
      %dma_start3A_202 = tpu.memref_slice %arg2[%dma_start3A_200, %dma_start3A_201] : memref<10000x128xf32, #tpu.memory_space<hbm>> -> memref<10000x128xf32, #tpu.memory_space<hbm>>
      tpu.enqueue_indirect_dma source(%dma_start3A_202 : memref<10000x128xf32, #tpu.memory_space<hbm>>) target(%arg10 : memref<128x128xf32, #tpu.memory_space<vmem>>) offsets(%dma_start3A_199 : memref<128xi32, #tpu.memory_space<vmem>>) semaphore(%arg11 : memref<!tpu.dma_semaphore, #tpu.memory_space<semaphore_mem>>)
      %dma_wait3A_203 = arith.constant 768 : i32
      %dma_wait3A_204 = tpu.memref_slice %arg7[%dma_wait3A_203] : memref<1024xi32, #tpu.memory_space<vmem>> -> memref<128xi32, #tpu.memory_space<vmem>>
      %dma_wait3A_205 = arith.constant 0 : i32
      %dma_wait3A_206 = arith.constant 0 : i32
      %dma_wait3A_207 = tpu.memref_slice %arg2[%dma_wait3A_205, %dma_wait3A_206] : memref<10000x128xf32, #tpu.memory_space<hbm>> -> memref<10000x128xf32, #tpu.memory_space<hbm>>
      tpu.wait_indirect_dma semaphore(%arg11 : memref<!tpu.dma_semaphore, #tpu.memory_space<semaphore_mem>>) src(%dma_wait3A_207 : memref<10000x128xf32, #tpu.memory_space<hbm>>) dst(%arg9 : memref<128x128xf32, #tpu.memory_space<vmem>>)
      %dma_start3A_208 = arith.constant 6 : i32
      %dma_start3A_209 = arith.constant 0 : i32
      %dma_start3A_210 = tpu.memref_slice %arg8[%dma_start3A_208, %dma_start3A_209] : memref<8x128xi32, #tpu.memory_space<vmem>> -> memref<1x128xi32, #tpu.memory_space<vmem>>
      %dma_start3A_211 = tpu.memref_squeeze %dma_start3A_210 : memref<1x128xi32, #tpu.memory_space<vmem>> -> memref<128xi32, #tpu.memory_space<vmem>>
      %dma_start3A_212 = arith.constant 0 : i32
      %dma_start3A_213 = arith.constant 0 : i32
      %dma_start3A_214 = tpu.memref_slice %arg6[%dma_start3A_212, %dma_start3A_213] : memref<10112x128xf32, #tpu.memory_space<vmem_shared>> -> memref<10112x128xf32, #tpu.memory_space<vmem_shared>>
      tpu.enqueue_indirect_dma source(%arg9 : memref<128x128xf32, #tpu.memory_space<vmem>>) target(%dma_start3A_214 : memref<10112x128xf32, #tpu.memory_space<vmem_shared>>) offsets(%dma_start3A_211 : memref<128xi32, #tpu.memory_space<vmem>>) semaphore(%arg12 : memref<!tpu.dma_semaphore, #tpu.memory_space<semaphore_mem>>) {add = true}
      %dma_wait3A_215 = arith.constant 896 : i32
      %dma_wait3A_216 = tpu.memref_slice %arg7[%dma_wait3A_215] : memref<1024xi32, #tpu.memory_space<vmem>> -> memref<128xi32, #tpu.memory_space<vmem>>
      %dma_wait3A_217 = arith.constant 0 : i32
      %dma_wait3A_218 = arith.constant 0 : i32
      %dma_wait3A_219 = tpu.memref_slice %arg2[%dma_wait3A_217, %dma_wait3A_218] : memref<10000x128xf32, #tpu.memory_space<hbm>> -> memref<10000x128xf32, #tpu.memory_space<hbm>>
      tpu.wait_indirect_dma semaphore(%arg11 : memref<!tpu.dma_semaphore, #tpu.memory_space<semaphore_mem>>) src(%dma_wait3A_219 : memref<10000x128xf32, #tpu.memory_space<hbm>>) dst(%arg10 : memref<128x128xf32, #tpu.memory_space<vmem>>)
      %dma_start3A_220 = arith.constant 7 : i32
      %dma_start3A_221 = arith.constant 0 : i32
      %dma_start3A_222 = tpu.memref_slice %arg8[%dma_start3A_220, %dma_start3A_221] : memref<8x128xi32, #tpu.memory_space<vmem>> -> memref<1x128xi32, #tpu.memory_space<vmem>>
      %dma_start3A_223 = tpu.memref_squeeze %dma_start3A_222 : memref<1x128xi32, #tpu.memory_space<vmem>> -> memref<128xi32, #tpu.memory_space<vmem>>
      %dma_start3A_224 = arith.constant 0 : i32
      %dma_start3A_225 = arith.constant 0 : i32
      %dma_start3A_226 = tpu.memref_slice %arg6[%dma_start3A_224, %dma_start3A_225] : memref<10112x128xf32, #tpu.memory_space<vmem_shared>> -> memref<10112x128xf32, #tpu.memory_space<vmem_shared>>
      tpu.enqueue_indirect_dma source(%arg10 : memref<128x128xf32, #tpu.memory_space<vmem>>) target(%dma_start3A_226 : memref<10112x128xf32, #tpu.memory_space<vmem_shared>>) offsets(%dma_start3A_223 : memref<128xi32, #tpu.memory_space<vmem>>) semaphore(%arg12 : memref<!tpu.dma_semaphore, #tpu.memory_space<semaphore_mem>>) {add = true}
      %dma_wait3A_227 = arith.constant 6 : i32
      %dma_wait3A_228 = arith.constant 0 : i32
      %dma_wait3A_229 = tpu.memref_slice %arg8[%dma_wait3A_227, %dma_wait3A_228] : memref<8x128xi32, #tpu.memory_space<vmem>> -> memref<1x128xi32, #tpu.memory_space<vmem>>
      %dma_wait3A_230 = tpu.memref_squeeze %dma_wait3A_229 : memref<1x128xi32, #tpu.memory_space<vmem>> -> memref<128xi32, #tpu.memory_space<vmem>>
      %dma_wait3A_231 = arith.constant 0 : i32
      %dma_wait3A_232 = arith.constant 0 : i32
      %dma_wait3A_233 = tpu.memref_slice %arg6[%dma_wait3A_231, %dma_wait3A_232] : memref<10112x128xf32, #tpu.memory_space<vmem_shared>> -> memref<10112x128xf32, #tpu.memory_space<vmem_shared>>
      tpu.wait_indirect_dma semaphore(%arg12 : memref<!tpu.dma_semaphore, #tpu.memory_space<semaphore_mem>>) src(%arg9 : memref<128x128xf32, #tpu.memory_space<vmem>>) dst(%dma_wait3A_233 : memref<10112x128xf32, #tpu.memory_space<vmem_shared>>)
      %dma_wait3A_234 = arith.constant 7 : i32
      %dma_wait3A_235 = arith.constant 0 : i32
      %dma_wait3A_236 = tpu.memref_slice %arg8[%dma_wait3A_234, %dma_wait3A_235] : memref<8x128xi32, #tpu.memory_space<vmem>> -> memref<1x128xi32, #tpu.memory_space<vmem>>
      %dma_wait3A_237 = tpu.memref_squeeze %dma_wait3A_236 : memref<1x128xi32, #tpu.memory_space<vmem>> -> memref<128xi32, #tpu.memory_space<vmem>>
      %dma_wait3A_238 = arith.constant 0 : i32
      %dma_wait3A_239 = arith.constant 0 : i32
      %dma_wait3A_240 = tpu.memref_slice %arg6[%dma_wait3A_238, %dma_wait3A_239] : memref<10112x128xf32, #tpu.memory_space<vmem_shared>> -> memref<10112x128xf32, #tpu.memory_space<vmem_shared>>
      tpu.wait_indirect_dma semaphore(%arg12 : memref<!tpu.dma_semaphore, #tpu.memory_space<semaphore_mem>>) src(%arg10 : memref<128x128xf32, #tpu.memory_space<vmem>>) dst(%dma_wait3A_240 : memref<10112x128xf32, #tpu.memory_space<vmem_shared>>)
      %while3A_241 = arith.constant 0 : i32
      scf.yield %while3A_241 : i32
    }
    %barrier3A_39 = arith.constant 0 : index
    tpu.barrier barrier_id(%barrier3A_39)
    %mul3A_40 = arith.constant 632 : i32
    %mul3A_41 = arith.muli %arg1, %mul3A_40 : i32
    %mul3A_42 = arith.constant 632 : i32
    %mul3A_43 = arith.muli %arg1, %mul3A_42 : i32
    "tpu.region"() ({
      %run_scoped3A = tpu.sem_alloc : memref<!tpu.dma_semaphore, #tpu.memory_space<semaphore_mem>>
      %dma_start3A = arith.constant 0 : i32
      %dma_start3A_44 = tpu.memref_slice %arg5[%arg0, %mul3A_43, %dma_start3A] : memref<2x10112x128xf32, #tpu.memory_space<hbm>> -> memref<1x632x128xf32, #tpu.memory_space<hbm>>
      %dma_start3A_45 = tpu.memref_squeeze %dma_start3A_44 : memref<1x632x128xf32, #tpu.memory_space<hbm>> -> memref<632x128xf32, #tpu.memory_space<hbm>>
      %dma_start3A_46 = arith.constant 0 : i32
      %dma_start3A_47 = tpu.memref_slice %arg6[%mul3A_41, %dma_start3A_46] : memref<10112x128xf32, #tpu.memory_space<vmem_shared>> -> memref<632x128xf32, #tpu.memory_space<vmem_shared>>
      tpu.enqueue_dma source(%dma_start3A_47 : memref<632x128xf32, #tpu.memory_space<vmem_shared>>) target(%dma_start3A_45 : memref<632x128xf32, #tpu.memory_space<hbm>>) target_semaphore(%run_scoped3A : memref<!tpu.dma_semaphore, #tpu.memory_space<semaphore_mem>>)
      %dma_wait3A = arith.constant 0 : i32
      %dma_wait3A_48 = tpu.memref_slice %arg5[%arg0, %mul3A_43, %dma_wait3A] : memref<2x10112x128xf32, #tpu.memory_space<hbm>> -> memref<1x632x128xf32, #tpu.memory_space<hbm>>
      %dma_wait3A_49 = tpu.memref_squeeze %dma_wait3A_48 : memref<1x632x128xf32, #tpu.memory_space<hbm>> -> memref<632x128xf32, #tpu.memory_space<hbm>>
      %dma_wait3A_50 = arith.constant 0 : i32
      %dma_wait3A_51 = tpu.memref_slice %arg6[%mul3A_41, %dma_wait3A_50] : memref<10112x128xf32, #tpu.memory_space<vmem_shared>> -> memref<632x128xf32, #tpu.memory_space<vmem_shared>>
      tpu.wait_dma2 semaphore(%run_scoped3A : memref<!tpu.dma_semaphore, #tpu.memory_space<semaphore_mem>>) src(%dma_wait3A_51 : memref<632x128xf32, #tpu.memory_space<vmem_shared>>) dst(%dma_wait3A_49 : memref<632x128xf32, #tpu.memory_space<hbm>>)
      tpu.yield
    }) : () -> ()
    return
  }
}

module attributes {stable_mosaic.version = 14 : i64} {
  func.func @_mm0_body(%arg0: i32, %arg1: memref<2000x128xf32, #tpu.memory_space<vmem>>, %arg2: memref<128x128xf32, #tpu.memory_space<vmem>>, %arg3: memref<2000x1xf32, #tpu.memory_space<vmem>>, %arg4: memref<2000x1xf32, #tpu.memory_space<vmem>>, %arg5: memref<2000x128xf32, #tpu.memory_space<vmem>>, %arg6: memref<2000x1xf32, #tpu.memory_space<vmem>>) attributes {dimension_semantics = [#tpu.dimension_semantics<arbitrary>], iteration_bounds = array<i64: 5>, scalar_prefetch = 0 : i64, scratch_operands = 0 : i64, tpu.core_type = #tpu.core_type<tc>, window_params = [{transform_indices = @transform_0, window_bounds = array<i64: 2000, 128>}, {pipeline_mode = #tpu.pipeline_mode<synchronous>, transform_indices = @transform_1, window_bounds = array<i64: 128, 128>}, {transform_indices = @transform_2, window_bounds = array<i64: 2000, 1>}, {transform_indices = @transform_3, window_bounds = array<i64: 2000, 1>}, {transform_indices = @transform_4, window_bounds = array<i64: 2000, 128>}, {transform_indices = @transform_5, window_bounds = array<i64: 2000, 1>}]} {
    %get3A = arith.constant 0 : index
    %get3A_0 = arith.constant 0 : index
    %get3A_1 = vector.load %arg3[%get3A, %get3A_0] : memref<2000x1xf32, #tpu.memory_space<vmem>>, vector<2000x1xf32>
    %get3A_2 = arith.constant 0 : index
    %get3A_3 = arith.constant 0 : index
    %get3A_4 = vector.load %arg4[%get3A_2, %get3A_3] : memref<2000x1xf32, #tpu.memory_space<vmem>>, vector<2000x1xf32>
    %add3A = arith.addf %get3A_1, %get3A_4 : vector<2000x1xf32>
    %add3A_5 = arith.constant 1.000000e+00 : f32
    %add3A_6 = vector.broadcast %add3A_5 : f32 to vector<2000x1xf32>
    %add3A_7 = arith.addf %add3A, %add3A_6 : vector<2000x1xf32>
    %rsqrt3A = math.rsqrt %add3A_7 : vector<2000x1xf32>
    %get3A_8 = arith.constant 0 : index
    %get3A_9 = arith.constant 0 : index
    %get3A_10 = vector.load %arg1[%get3A_8, %get3A_9] : memref<2000x128xf32, #tpu.memory_space<vmem>>, vector<2000x128xf32>
    %get3A_11 = arith.constant 0 : index
    %get3A_12 = arith.constant 0 : index
    %get3A_13 = vector.load %arg2[%get3A_11, %get3A_12] : memref<128x128xf32, #tpu.memory_space<vmem>>, vector<128x128xf32>
    %dot_general3A = arith.constant dense<0.000000e+00> : vector<2000x128xf32>
    %dot_general3A_14 = tpu.matmul %get3A_10, %get3A_13, %dot_general3A {dimension_numbers = #tpu.dot_dimension_numbers<[1], [0], [0], [1], [0, 0, 1, 1], [], []>, transpose_lhs_hint = false} : vector<2000x128xf32>, vector<128x128xf32>, vector<2000x128xf32> -> vector<2000x128xf32>
    %mul3A = vector.broadcast %rsqrt3A : vector<2000x1xf32> to vector<2000x128xf32>
    %mul3A_15 = arith.mulf %dot_general3A_14, %mul3A : vector<2000x128xf32>
    %swap3A = arith.constant 0 : index
    %swap3A_16 = arith.constant 0 : index
    %swap3A_17 = vector.load %arg5[%swap3A, %swap3A_16] : memref<2000x128xf32, #tpu.memory_space<vmem>>, vector<2000x128xf32>
    tpu.vector_store %arg5[%swap3A, %swap3A_16], %mul3A_15 {strides = array<i32>} : memref<2000x128xf32, #tpu.memory_space<vmem>>, vector<2000x128xf32>,
    %swap3A_18 = arith.constant 0 : index
    %swap3A_19 = arith.constant 0 : index
    %swap3A_20 = vector.load %arg6[%swap3A_18, %swap3A_19] : memref<2000x1xf32, #tpu.memory_space<vmem>>, vector<2000x1xf32>
    tpu.vector_store %arg6[%swap3A_18, %swap3A_19], %rsqrt3A {strides = array<i32>} : memref<2000x1xf32, #tpu.memory_space<vmem>>, vector<2000x1xf32>,
    return
  }
  func.func @transform_0(%arg0: i32) -> (i32, i32) {
    %c0_i32 = arith.constant 0 : i32
    %c0_i32_0 = arith.constant 0 : i32
    return %arg0, %c0_i32 : i32, i32
  }
  func.func @transform_1(%arg0: i32) -> (i32, i32) {
    %c0_i32 = arith.constant 0 : i32
    %c0_i32_0 = arith.constant 0 : i32
    %c0_i32_1 = arith.constant 0 : i32
    return %c0_i32, %c0_i32_0 : i32, i32
  }
  func.func @transform_2(%arg0: i32) -> (i32, i32) {
    %c0_i32 = arith.constant 0 : i32
    %c0_i32_0 = arith.constant 0 : i32
    return %arg0, %c0_i32 : i32, i32
  }
  func.func @transform_3(%arg0: i32) -> (i32, i32) {
    %c0_i32 = arith.constant 0 : i32
    %c0_i32_0 = arith.constant 0 : i32
    return %arg0, %c0_i32 : i32, i32
  }
  func.func @transform_4(%arg0: i32) -> (i32, i32) {
    %c0_i32 = arith.constant 0 : i32
    %c0_i32_0 = arith.constant 0 : i32
    return %arg0, %c0_i32 : i32, i32
  }
  func.func @transform_5(%arg0: i32) -> (i32, i32) {
    %c0_i32 = arith.constant 0 : i32
    %c0_i32_0 = arith.constant 0 : i32
    return %arg0, %c0_i32 : i32, i32
  }
}

module attributes {stable_mosaic.version = 14 : i64} {
  func.func @_post_body(%arg0: i32, %arg1: memref<2000x128xf32, #tpu.memory_space<vmem>>, %arg2: memref<2000x128xf32, #tpu.memory_space<vmem>>, %arg3: memref<2000x128xf32, #tpu.memory_space<vmem>>, %arg4: memref<2000x1xf32, #tpu.memory_space<vmem>>, %arg5: memref<1x128xf32, #tpu.memory_space<vmem>>, %arg6: memref<2000x128xf32, #tpu.memory_space<vmem>>, %arg7: memref<8x128xf32, #tpu.memory_space<vmem>>) attributes {dimension_semantics = [#tpu.dimension_semantics<arbitrary>], iteration_bounds = array<i64: 5>, scalar_prefetch = 0 : i64, scratch_operands = 0 : i64, tpu.core_type = #tpu.core_type<tc>, window_params = [{transform_indices = @transform_0, window_bounds = array<i64: 2000, 128>}, {transform_indices = @transform_1, window_bounds = array<i64: 2000, 128>}, {transform_indices = @transform_2, window_bounds = array<i64: 2000, 128>}, {transform_indices = @transform_3, window_bounds = array<i64: 2000, 1>}, {pipeline_mode = #tpu.pipeline_mode<synchronous>, transform_indices = @transform_4, window_bounds = array<i64: 1, 128>}, {transform_indices = @transform_5, window_bounds = array<i64: 2000, 128>}, {pipeline_mode = #tpu.pipeline_mode<synchronous>, transform_indices = @transform_6, window_bounds = array<i64: 8, 128>}]} {
    %get3A = arith.constant 0 : index
    %get3A_0 = arith.constant 0 : index
    %get3A_1 = vector.load %arg1[%get3A, %get3A_0] : memref<2000x128xf32, #tpu.memory_space<vmem>>, vector<2000x128xf32>
    %get3A_2 = arith.constant 0 : index
    %get3A_3 = arith.constant 0 : index
    %get3A_4 = vector.load %arg2[%get3A_2, %get3A_3] : memref<2000x128xf32, #tpu.memory_space<vmem>>, vector<2000x128xf32>
    %add3A = arith.addf %get3A_1, %get3A_4 : vector<2000x128xf32>
    %get3A_5 = arith.constant 0 : index
    %get3A_6 = arith.constant 0 : index
    %get3A_7 = vector.load %arg3[%get3A_5, %get3A_6] : memref<2000x128xf32, #tpu.memory_space<vmem>>, vector<2000x128xf32>
    %add3A_8 = arith.addf %add3A, %get3A_7 : vector<2000x128xf32>
    %get3A_9 = arith.constant 0 : index
    %get3A_10 = arith.constant 0 : index
    %get3A_11 = vector.load %arg4[%get3A_9, %get3A_10] : memref<2000x1xf32, #tpu.memory_space<vmem>>, vector<2000x1xf32>
    %mul3A = vector.broadcast %get3A_11 : vector<2000x1xf32> to vector<2000x128xf32>
    %mul3A_12 = arith.mulf %add3A_8, %mul3A : vector<2000x128xf32>
    %get3A_13 = arith.constant 0 : index
    %get3A_14 = arith.constant 0 : index
    %get3A_15 = vector.load %arg5[%get3A_13, %get3A_14] : memref<1x128xf32, #tpu.memory_space<vmem>>, vector<1x128xf32>
    %add3A_16 = vector.broadcast %get3A_15 : vector<1x128xf32> to vector<2000x128xf32>
    %add3A_17 = arith.addf %mul3A_12, %add3A_16 : vector<2000x128xf32>
    %max3A = arith.constant 0.000000e+00 : f32
    %max3A_18 = vector.broadcast %max3A : f32 to vector<2000x128xf32>
    %max3A_19 = arith.maximumf %add3A_17, %max3A_18 : vector<2000x128xf32>
    %swap3A = arith.constant 0 : index
    %swap3A_20 = arith.constant 0 : index
    %swap3A_21 = vector.load %arg6[%swap3A, %swap3A_20] : memref<2000x128xf32, #tpu.memory_space<vmem>>, vector<2000x128xf32>
    tpu.vector_store %arg6[%swap3A, %swap3A_20], %max3A_19 {strides = array<i32>} : memref<2000x128xf32, #tpu.memory_space<vmem>>, vector<2000x128xf32>,
    %reduce_sum3A = arith.constant dense<0.000000e+00> : vector<128xf32>
    %reduce_sum3A_22 = vector.multi_reduction <add>, %max3A_19, %reduce_sum3A [0] : vector<2000x128xf32> to vector<128xf32>
    %broadcast_in_dim3A = vector.shape_cast %reduce_sum3A_22 : vector<128xf32> to vector<1x128xf32>
    %mul3A_23 = arith.mulf %max3A_19, %max3A_19 : vector<2000x128xf32>
    %reduce_sum3A_24 = arith.constant dense<0.000000e+00> : vector<128xf32>
    %reduce_sum3A_25 = vector.multi_reduction <add>, %mul3A_23, %reduce_sum3A_24 [0] : vector<2000x128xf32> to vector<128xf32>
    %broadcast_in_dim3A_26 = vector.shape_cast %reduce_sum3A_25 : vector<128xf32> to vector<1x128xf32>
    %broadcast_in_dim3A_27 = arith.constant 0.000000e+00 : f32
    %broadcast_in_dim3A_28 = vector.broadcast %broadcast_in_dim3A_27 : f32 to vector<6x128xf32>
    %concatenate3A = tpu.concatenate %broadcast_in_dim3A, %broadcast_in_dim3A_26, %broadcast_in_dim3A_28 in 0 : vector<1x128xf32>, vector<1x128xf32>, vector<6x128xf32> -> vector<8x128xf32>
    %eq3A = arith.constant 0 : i32
    %eq3A_29 = arith.cmpi eq, %arg0, %eq3A : i32
    %convert_element_type3A = arith.extui %eq3A_29 : i1 to i32
    %cond3A = arith.constant 0 : i32
    %cond3A_30 = arith.cmpi ne, %convert_element_type3A, %cond3A : i32
    scf.if %cond3A_30 {
      %broadcast_in_dim3A_38 = arith.constant 0.000000e+00 : f32
      %broadcast_in_dim3A_39 = vector.broadcast %broadcast_in_dim3A_38 : f32 to vector<8x128xf32>
      %swap3A_40 = arith.constant 0 : index
      %swap3A_41 = arith.constant 0 : index
      %swap3A_42 = vector.load %arg7[%swap3A_40, %swap3A_41] : memref<8x128xf32, #tpu.memory_space<vmem>>, vector<8x128xf32>
      tpu.vector_store %arg7[%swap3A_40, %swap3A_41], %broadcast_in_dim3A_39 {strides = array<i32>} : memref<8x128xf32, #tpu.memory_space<vmem>>, vector<8x128xf32>,
    } else {
    }
    %get3A_31 = arith.constant 0 : index
    %get3A_32 = arith.constant 0 : index
    %get3A_33 = vector.load %arg7[%get3A_31, %get3A_32] : memref<8x128xf32, #tpu.memory_space<vmem>>, vector<8x128xf32>
    %add3A_34 = arith.addf %get3A_33, %concatenate3A : vector<8x128xf32>
    %swap3A_35 = arith.constant 0 : index
    %swap3A_36 = arith.constant 0 : index
    %swap3A_37 = vector.load %arg7[%swap3A_35, %swap3A_36] : memref<8x128xf32, #tpu.memory_space<vmem>>, vector<8x128xf32>
    tpu.vector_store %arg7[%swap3A_35, %swap3A_36], %add3A_34 {strides = array<i32>} : memref<8x128xf32, #tpu.memory_space<vmem>>, vector<8x128xf32>,
    return
  }
  func.func @transform_0(%arg0: i32) -> (i32, i32) {
    %c0_i32 = arith.constant 0 : i32
    %c0_i32_0 = arith.constant 0 : i32
    return %arg0, %c0_i32 : i32, i32
  }
  func.func @transform_1(%arg0: i32) -> (i32, i32) {
    %c0_i32 = arith.constant 0 : i32
    %c0_i32_0 = arith.constant 0 : i32
    return %arg0, %c0_i32 : i32, i32
  }
  func.func @transform_2(%arg0: i32) -> (i32, i32) {
    %c0_i32 = arith.constant 0 : i32
    %c0_i32_0 = arith.constant 0 : i32
    return %arg0, %c0_i32 : i32, i32
  }
  func.func @transform_3(%arg0: i32) -> (i32, i32) {
    %c0_i32 = arith.constant 0 : i32
    %c0_i32_0 = arith.constant 0 : i32
    return %arg0, %c0_i32 : i32, i32
  }
  func.func @transform_4(%arg0: i32) -> (i32, i32) {
    %c0_i32 = arith.constant 0 : i32
    %c0_i32_0 = arith.constant 0 : i32
    %c0_i32_1 = arith.constant 0 : i32
    return %c0_i32, %c0_i32_0 : i32, i32
  }
  func.func @transform_5(%arg0: i32) -> (i32, i32) {
    %c0_i32 = arith.constant 0 : i32
    %c0_i32_0 = arith.constant 0 : i32
    return %arg0, %c0_i32 : i32, i32
  }
  func.func @transform_6(%arg0: i32) -> (i32, i32) {
    %c0_i32 = arith.constant 0 : i32
    %c0_i32_0 = arith.constant 0 : i32
    %c0_i32_1 = arith.constant 0 : i32
    return %c0_i32, %c0_i32_0 : i32, i32
  }
}

module attributes {stable_mosaic.version = 14 : i64} {
  func.func @_mmbn_body(%arg0: i32, %arg1: memref<2000x128xf32, #tpu.memory_space<vmem>>, %arg2: memref<8x128xf32, #tpu.memory_space<vmem>>, %arg3: memref<128x128xf32, #tpu.memory_space<vmem>>, %arg4: memref<2000x1xf32, #tpu.memory_space<vmem>>, %arg5: memref<2000x128xf32, #tpu.memory_space<vmem>>) attributes {dimension_semantics = [#tpu.dimension_semantics<arbitrary>], iteration_bounds = array<i64: 5>, scalar_prefetch = 0 : i64, scratch_operands = 0 : i64, tpu.core_type = #tpu.core_type<tc>, window_params = [{transform_indices = @transform_0, window_bounds = array<i64: 2000, 128>}, {pipeline_mode = #tpu.pipeline_mode<synchronous>, transform_indices = @transform_1, window_bounds = array<i64: 8, 128>}, {pipeline_mode = #tpu.pipeline_mode<synchronous>, transform_indices = @transform_2, window_bounds = array<i64: 128, 128>}, {transform_indices = @transform_3, window_bounds = array<i64: 2000, 1>}, {transform_indices = @transform_4, window_bounds = array<i64: 2000, 128>}]} {
    %get3A = arith.constant 0 : index
    %get3A_0 = arith.constant 0 : index
    %get3A_1 = vector.load %arg2[%get3A, %get3A_0] : memref<8x128xf32, #tpu.memory_space<vmem>>, vector<1x128xf32>
    %mul3A = arith.constant 9.99999974E-5 : f32
    %mul3A_2 = vector.broadcast %mul3A : f32 to vector<1x128xf32>
    %mul3A_3 = arith.mulf %get3A_1, %mul3A_2 : vector<1x128xf32>
    %get3A_4 = arith.constant 1 : index
    %get3A_5 = arith.constant 0 : index
    %get3A_6 = vector.load %arg2[%get3A_4, %get3A_5] : memref<8x128xf32, #tpu.memory_space<vmem>>, vector<1x128xf32>
    %mul3A_7 = arith.constant 9.99999974E-5 : f32
    %mul3A_8 = vector.broadcast %mul3A_7 : f32 to vector<1x128xf32>
    %mul3A_9 = arith.mulf %get3A_6, %mul3A_8 : vector<1x128xf32>
    %mul3A_10 = arith.mulf %mul3A_3, %mul3A_3 : vector<1x128xf32>
    %sub3A = arith.subf %mul3A_9, %mul3A_10 : vector<1x128xf32>
    %add3A = arith.constant 9.99999974E-6 : f32
    %add3A_11 = vector.broadcast %add3A : f32 to vector<1x128xf32>
    %add3A_12 = arith.addf %sub3A, %add3A_11 : vector<1x128xf32>
    %rsqrt3A = math.rsqrt %add3A_12 : vector<1x128xf32>
    %get3A_13 = arith.constant 0 : index
    %get3A_14 = arith.constant 0 : index
    %get3A_15 = vector.load %arg1[%get3A_13, %get3A_14] : memref<2000x128xf32, #tpu.memory_space<vmem>>, vector<2000x128xf32>
    %sub3A_16 = vector.broadcast %mul3A_3 : vector<1x128xf32> to vector<2000x128xf32>
    %sub3A_17 = arith.subf %get3A_15, %sub3A_16 : vector<2000x128xf32>
    %mul3A_18 = vector.broadcast %rsqrt3A : vector<1x128xf32> to vector<2000x128xf32>
    %mul3A_19 = arith.mulf %sub3A_17, %mul3A_18 : vector<2000x128xf32>
    %get3A_20 = arith.constant 0 : index
    %get3A_21 = arith.constant 0 : index
    %get3A_22 = vector.load %arg3[%get3A_20, %get3A_21] : memref<128x128xf32, #tpu.memory_space<vmem>>, vector<128x128xf32>
    %dot_general3A = arith.constant dense<0.000000e+00> : vector<2000x128xf32>
    %dot_general3A_23 = tpu.matmul %mul3A_19, %get3A_22, %dot_general3A {dimension_numbers = #tpu.dot_dimension_numbers<[1], [0], [0], [1], [0, 0, 1, 1], [], []>, transpose_lhs_hint = false} : vector<2000x128xf32>, vector<128x128xf32>, vector<2000x128xf32> -> vector<2000x128xf32>
    %get3A_24 = arith.constant 0 : index
    %get3A_25 = arith.constant 0 : index
    %get3A_26 = vector.load %arg4[%get3A_24, %get3A_25] : memref<2000x1xf32, #tpu.memory_space<vmem>>, vector<2000x1xf32>
    %mul3A_27 = vector.broadcast %get3A_26 : vector<2000x1xf32> to vector<2000x128xf32>
    %mul3A_28 = arith.mulf %dot_general3A_23, %mul3A_27 : vector<2000x128xf32>
    %swap3A = arith.constant 0 : index
    %swap3A_29 = arith.constant 0 : index
    %swap3A_30 = vector.load %arg5[%swap3A, %swap3A_29] : memref<2000x128xf32, #tpu.memory_space<vmem>>, vector<2000x128xf32>
    tpu.vector_store %arg5[%swap3A, %swap3A_29], %mul3A_28 {strides = array<i32>} : memref<2000x128xf32, #tpu.memory_space<vmem>>, vector<2000x128xf32>,
    return
  }
  func.func @transform_0(%arg0: i32) -> (i32, i32) {
    %c0_i32 = arith.constant 0 : i32
    %c0_i32_0 = arith.constant 0 : i32
    return %arg0, %c0_i32 : i32, i32
  }
  func.func @transform_1(%arg0: i32) -> (i32, i32) {
    %c0_i32 = arith.constant 0 : i32
    %c0_i32_0 = arith.constant 0 : i32
    %c0_i32_1 = arith.constant 0 : i32
    return %c0_i32, %c0_i32_0 : i32, i32
  }
  func.func @transform_2(%arg0: i32) -> (i32, i32) {
    %c0_i32 = arith.constant 0 : i32
    %c0_i32_0 = arith.constant 0 : i32
    %c0_i32_1 = arith.constant 0 : i32
    return %c0_i32, %c0_i32_0 : i32, i32
  }
  func.func @transform_3(%arg0: i32) -> (i32, i32) {
    %c0_i32 = arith.constant 0 : i32
    %c0_i32_0 = arith.constant 0 : i32
    return %arg0, %c0_i32 : i32, i32
  }
  func.func @transform_4(%arg0: i32) -> (i32, i32) {
    %c0_i32 = arith.constant 0 : i32
    %c0_i32_0 = arith.constant 0 : i32
    return %arg0, %c0_i32 : i32, i32
  }
}

module attributes {stable_mosaic.version = 14 : i64} {
  func.func @_post_body(%arg0: i32, %arg1: memref<2000x128xf32, #tpu.memory_space<vmem>>, %arg2: memref<2000x128xf32, #tpu.memory_space<vmem>>, %arg3: memref<2000x128xf32, #tpu.memory_space<vmem>>, %arg4: memref<2000x1xf32, #tpu.memory_space<vmem>>, %arg5: memref<1x128xf32, #tpu.memory_space<vmem>>, %arg6: memref<2000x128xf32, #tpu.memory_space<vmem>>, %arg7: memref<8x128xf32, #tpu.memory_space<vmem>>) attributes {dimension_semantics = [#tpu.dimension_semantics<arbitrary>], iteration_bounds = array<i64: 5>, scalar_prefetch = 0 : i64, scratch_operands = 0 : i64, tpu.core_type = #tpu.core_type<tc>, window_params = [{transform_indices = @transform_0, window_bounds = array<i64: 2000, 128>}, {transform_indices = @transform_1, window_bounds = array<i64: 2000, 128>}, {transform_indices = @transform_2, window_bounds = array<i64: 2000, 128>}, {transform_indices = @transform_3, window_bounds = array<i64: 2000, 1>}, {pipeline_mode = #tpu.pipeline_mode<synchronous>, transform_indices = @transform_4, window_bounds = array<i64: 1, 128>}, {transform_indices = @transform_5, window_bounds = array<i64: 2000, 128>}, {pipeline_mode = #tpu.pipeline_mode<synchronous>, transform_indices = @transform_6, window_bounds = array<i64: 8, 128>}]} {
    %get3A = arith.constant 0 : index
    %get3A_0 = arith.constant 0 : index
    %get3A_1 = vector.load %arg1[%get3A, %get3A_0] : memref<2000x128xf32, #tpu.memory_space<vmem>>, vector<2000x128xf32>
    %get3A_2 = arith.constant 0 : index
    %get3A_3 = arith.constant 0 : index
    %get3A_4 = vector.load %arg2[%get3A_2, %get3A_3] : memref<2000x128xf32, #tpu.memory_space<vmem>>, vector<2000x128xf32>
    %add3A = arith.addf %get3A_1, %get3A_4 : vector<2000x128xf32>
    %get3A_5 = arith.constant 0 : index
    %get3A_6 = arith.constant 0 : index
    %get3A_7 = vector.load %arg3[%get3A_5, %get3A_6] : memref<2000x128xf32, #tpu.memory_space<vmem>>, vector<2000x128xf32>
    %add3A_8 = arith.addf %add3A, %get3A_7 : vector<2000x128xf32>
    %get3A_9 = arith.constant 0 : index
    %get3A_10 = arith.constant 0 : index
    %get3A_11 = vector.load %arg4[%get3A_9, %get3A_10] : memref<2000x1xf32, #tpu.memory_space<vmem>>, vector<2000x1xf32>
    %mul3A = vector.broadcast %get3A_11 : vector<2000x1xf32> to vector<2000x128xf32>
    %mul3A_12 = arith.mulf %add3A_8, %mul3A : vector<2000x128xf32>
    %get3A_13 = arith.constant 0 : index
    %get3A_14 = arith.constant 0 : index
    %get3A_15 = vector.load %arg5[%get3A_13, %get3A_14] : memref<1x128xf32, #tpu.memory_space<vmem>>, vector<1x128xf32>
    %add3A_16 = vector.broadcast %get3A_15 : vector<1x128xf32> to vector<2000x128xf32>
    %add3A_17 = arith.addf %mul3A_12, %add3A_16 : vector<2000x128xf32>
    %swap3A = arith.constant 0 : index
    %swap3A_18 = arith.constant 0 : index
    %swap3A_19 = vector.load %arg6[%swap3A, %swap3A_18] : memref<2000x128xf32, #tpu.memory_space<vmem>>, vector<2000x128xf32>
    tpu.vector_store %arg6[%swap3A, %swap3A_18], %add3A_17 {strides = array<i32>} : memref<2000x128xf32, #tpu.memory_space<vmem>>, vector<2000x128xf32>,
    %reduce_sum3A = arith.constant dense<0.000000e+00> : vector<128xf32>
    %reduce_sum3A_20 = vector.multi_reduction <add>, %add3A_17, %reduce_sum3A [0] : vector<2000x128xf32> to vector<128xf32>
    %broadcast_in_dim3A = vector.shape_cast %reduce_sum3A_20 : vector<128xf32> to vector<1x128xf32>
    %mul3A_21 = arith.mulf %add3A_17, %add3A_17 : vector<2000x128xf32>
    %reduce_sum3A_22 = arith.constant dense<0.000000e+00> : vector<128xf32>
    %reduce_sum3A_23 = vector.multi_reduction <add>, %mul3A_21, %reduce_sum3A_22 [0] : vector<2000x128xf32> to vector<128xf32>
    %broadcast_in_dim3A_24 = vector.shape_cast %reduce_sum3A_23 : vector<128xf32> to vector<1x128xf32>
    %broadcast_in_dim3A_25 = arith.constant 0.000000e+00 : f32
    %broadcast_in_dim3A_26 = vector.broadcast %broadcast_in_dim3A_25 : f32 to vector<6x128xf32>
    %concatenate3A = tpu.concatenate %broadcast_in_dim3A, %broadcast_in_dim3A_24, %broadcast_in_dim3A_26 in 0 : vector<1x128xf32>, vector<1x128xf32>, vector<6x128xf32> -> vector<8x128xf32>
    %eq3A = arith.constant 0 : i32
    %eq3A_27 = arith.cmpi eq, %arg0, %eq3A : i32
    %convert_element_type3A = arith.extui %eq3A_27 : i1 to i32
    %cond3A = arith.constant 0 : i32
    %cond3A_28 = arith.cmpi ne, %convert_element_type3A, %cond3A : i32
    scf.if %cond3A_28 {
      %broadcast_in_dim3A_36 = arith.constant 0.000000e+00 : f32
      %broadcast_in_dim3A_37 = vector.broadcast %broadcast_in_dim3A_36 : f32 to vector<8x128xf32>
      %swap3A_38 = arith.constant 0 : index
      %swap3A_39 = arith.constant 0 : index
      %swap3A_40 = vector.load %arg7[%swap3A_38, %swap3A_39] : memref<8x128xf32, #tpu.memory_space<vmem>>, vector<8x128xf32>
      tpu.vector_store %arg7[%swap3A_38, %swap3A_39], %broadcast_in_dim3A_37 {strides = array<i32>} : memref<8x128xf32, #tpu.memory_space<vmem>>, vector<8x128xf32>,
    } else {
    }
    %get3A_29 = arith.constant 0 : index
    %get3A_30 = arith.constant 0 : index
    %get3A_31 = vector.load %arg7[%get3A_29, %get3A_30] : memref<8x128xf32, #tpu.memory_space<vmem>>, vector<8x128xf32>
    %add3A_32 = arith.addf %get3A_31, %concatenate3A : vector<8x128xf32>
    %swap3A_33 = arith.constant 0 : index
    %swap3A_34 = arith.constant 0 : index
    %swap3A_35 = vector.load %arg7[%swap3A_33, %swap3A_34] : memref<8x128xf32, #tpu.memory_space<vmem>>, vector<8x128xf32>
    tpu.vector_store %arg7[%swap3A_33, %swap3A_34], %add3A_32 {strides = array<i32>} : memref<8x128xf32, #tpu.memory_space<vmem>>, vector<8x128xf32>,
    return
  }
  func.func @transform_0(%arg0: i32) -> (i32, i32) {
    %c0_i32 = arith.constant 0 : i32
    %c0_i32_0 = arith.constant 0 : i32
    return %arg0, %c0_i32 : i32, i32
  }
  func.func @transform_1(%arg0: i32) -> (i32, i32) {
    %c0_i32 = arith.constant 0 : i32
    %c0_i32_0 = arith.constant 0 : i32
    return %arg0, %c0_i32 : i32, i32
  }
  func.func @transform_2(%arg0: i32) -> (i32, i32) {
    %c0_i32 = arith.constant 0 : i32
    %c0_i32_0 = arith.constant 0 : i32
    return %arg0, %c0_i32 : i32, i32
  }
  func.func @transform_3(%arg0: i32) -> (i32, i32) {
    %c0_i32 = arith.constant 0 : i32
    %c0_i32_0 = arith.constant 0 : i32
    return %arg0, %c0_i32 : i32, i32
  }
  func.func @transform_4(%arg0: i32) -> (i32, i32) {
    %c0_i32 = arith.constant 0 : i32
    %c0_i32_0 = arith.constant 0 : i32
    %c0_i32_1 = arith.constant 0 : i32
    return %c0_i32, %c0_i32_0 : i32, i32
  }
  func.func @transform_5(%arg0: i32) -> (i32, i32) {
    %c0_i32 = arith.constant 0 : i32
    %c0_i32_0 = arith.constant 0 : i32
    return %arg0, %c0_i32 : i32, i32
  }
  func.func @transform_6(%arg0: i32) -> (i32, i32) {
    %c0_i32 = arith.constant 0 : i32
    %c0_i32_0 = arith.constant 0 : i32
    %c0_i32_1 = arith.constant 0 : i32
    return %c0_i32, %c0_i32_0 : i32, i32
  }
}

module attributes {stable_mosaic.version = 14 : i64} {
  func.func @_final_body(%arg0: i32, %arg1: memref<2000x128xf32, #tpu.memory_space<vmem>>, %arg2: memref<8x128xf32, #tpu.memory_space<vmem>>, %arg3: memref<128x16xf32, #tpu.memory_space<vmem>>, %arg4: memref<1x16xf32, #tpu.memory_space<vmem>>, %arg5: memref<1x16xf32, #tpu.memory_space<vmem>>, %arg6: memref<8x128xf32, #tpu.memory_space<vmem>>) attributes {dimension_semantics = [#tpu.dimension_semantics<arbitrary>], iteration_bounds = array<i64: 5>, scalar_prefetch = 0 : i64, scratch_operands = 1 : i64, tpu.core_type = #tpu.core_type<tc>, window_params = [{transform_indices = @transform_0, window_bounds = array<i64: 2000, 128>}, {pipeline_mode = #tpu.pipeline_mode<synchronous>, transform_indices = @transform_1, window_bounds = array<i64: 8, 128>}, {pipeline_mode = #tpu.pipeline_mode<synchronous>, transform_indices = @transform_2, window_bounds = array<i64: 128, 16>}, {pipeline_mode = #tpu.pipeline_mode<synchronous>, transform_indices = @transform_3, window_bounds = array<i64: 1, 16>}, {pipeline_mode = #tpu.pipeline_mode<synchronous>, transform_indices = @transform_4, window_bounds = array<i64: 1, 16>}]} {
    %eq3A = arith.constant 0 : i32
    %eq3A_0 = arith.cmpi eq, %arg0, %eq3A : i32
    %convert_element_type3A = arith.extui %eq3A_0 : i1 to i32
    %cond3A = arith.constant 0 : i32
    %cond3A_1 = arith.cmpi ne, %convert_element_type3A, %cond3A : i32
    scf.if %cond3A_1 {
      %broadcast_in_dim3A_36 = arith.constant 0.000000e+00 : f32
      %broadcast_in_dim3A_37 = vector.broadcast %broadcast_in_dim3A_36 : f32 to vector<8x128xf32>
      %swap3A_38 = arith.constant 0 : index
      %swap3A_39 = arith.constant 0 : index
      %swap3A_40 = vector.load %arg6[%swap3A_38, %swap3A_39] : memref<8x128xf32, #tpu.memory_space<vmem>>, vector<8x128xf32>
      tpu.vector_store %arg6[%swap3A_38, %swap3A_39], %broadcast_in_dim3A_37 {strides = array<i32>} : memref<8x128xf32, #tpu.memory_space<vmem>>, vector<8x128xf32>,
    } else {
    }
    %get3A = arith.constant 0 : index
    %get3A_2 = arith.constant 0 : index
    %get3A_3 = vector.load %arg2[%get3A, %get3A_2] : memref<8x128xf32, #tpu.memory_space<vmem>>, vector<1x128xf32>
    %mul3A = arith.constant 9.99999974E-5 : f32
    %mul3A_4 = vector.broadcast %mul3A : f32 to vector<1x128xf32>
    %mul3A_5 = arith.mulf %get3A_3, %mul3A_4 : vector<1x128xf32>
    %get3A_6 = arith.constant 1 : index
    %get3A_7 = arith.constant 0 : index
    %get3A_8 = vector.load %arg2[%get3A_6, %get3A_7] : memref<8x128xf32, #tpu.memory_space<vmem>>, vector<1x128xf32>
    %mul3A_9 = arith.constant 9.99999974E-5 : f32
    %mul3A_10 = vector.broadcast %mul3A_9 : f32 to vector<1x128xf32>
    %mul3A_11 = arith.mulf %get3A_8, %mul3A_10 : vector<1x128xf32>
    %mul3A_12 = arith.mulf %mul3A_5, %mul3A_5 : vector<1x128xf32>
    %sub3A = arith.subf %mul3A_11, %mul3A_12 : vector<1x128xf32>
    %add3A = arith.constant 9.99999974E-6 : f32
    %add3A_13 = vector.broadcast %add3A : f32 to vector<1x128xf32>
    %add3A_14 = arith.addf %sub3A, %add3A_13 : vector<1x128xf32>
    %rsqrt3A = math.rsqrt %add3A_14 : vector<1x128xf32>
    %get3A_15 = arith.constant 0 : index
    %get3A_16 = arith.constant 0 : index
    %get3A_17 = vector.load %arg1[%get3A_15, %get3A_16] : memref<2000x128xf32, #tpu.memory_space<vmem>>, vector<2000x128xf32>
    %sub3A_18 = vector.broadcast %mul3A_5 : vector<1x128xf32> to vector<2000x128xf32>
    %sub3A_19 = arith.subf %get3A_17, %sub3A_18 : vector<2000x128xf32>
    %mul3A_20 = vector.broadcast %rsqrt3A : vector<1x128xf32> to vector<2000x128xf32>
    %mul3A_21 = arith.mulf %sub3A_19, %mul3A_20 : vector<2000x128xf32>
    %get3A_22 = arith.constant 0 : index
    %get3A_23 = arith.constant 0 : index
    %get3A_24 = vector.load %arg6[%get3A_22, %get3A_23] : memref<8x128xf32, #tpu.memory_space<vmem>>, vector<8x128xf32>
    %reduce_sum3A = arith.constant dense<0.000000e+00> : vector<128xf32>
    %reduce_sum3A_25 = vector.multi_reduction <add>, %mul3A_21, %reduce_sum3A [0] : vector<2000x128xf32> to vector<128xf32>
    %broadcast_in_dim3A = vector.shape_cast %reduce_sum3A_25 : vector<128xf32> to vector<1x128xf32>
    %broadcast_in_dim3A_26 = arith.constant 0.000000e+00 : f32
    %broadcast_in_dim3A_27 = vector.broadcast %broadcast_in_dim3A_26 : f32 to vector<7x128xf32>
    %concatenate3A = tpu.concatenate %broadcast_in_dim3A, %broadcast_in_dim3A_27 in 0 : vector<1x128xf32>, vector<7x128xf32> -> vector<8x128xf32>
    %add3A_28 = arith.addf %get3A_24, %concatenate3A : vector<8x128xf32>
    %swap3A = arith.constant 0 : index
    %swap3A_29 = arith.constant 0 : index
    %swap3A_30 = vector.load %arg6[%swap3A, %swap3A_29] : memref<8x128xf32, #tpu.memory_space<vmem>>, vector<8x128xf32>
    tpu.vector_store %arg6[%swap3A, %swap3A_29], %add3A_28 {strides = array<i32>} : memref<8x128xf32, #tpu.memory_space<vmem>>, vector<8x128xf32>,
    %eq3A_31 = arith.constant 4 : i32
    %eq3A_32 = arith.cmpi eq, %arg0, %eq3A_31 : i32
    %convert_element_type3A_33 = arith.extui %eq3A_32 : i1 to i32
    %cond3A_34 = arith.constant 0 : i32
    %cond3A_35 = arith.cmpi ne, %convert_element_type3A_33, %cond3A_34 : i32
    scf.if %cond3A_35 {
      %get3A_36 = arith.constant 0 : index
      %get3A_37 = arith.constant 0 : index
      %get3A_38 = vector.load %arg6[%get3A_36, %get3A_37] : memref<8x128xf32, #tpu.memory_space<vmem>>, vector<1x128xf32>
      %mul3A_39 = arith.constant 9.99999974E-5 : f32
      %mul3A_40 = vector.broadcast %mul3A_39 : f32 to vector<1x128xf32>
      %mul3A_41 = arith.mulf %get3A_38, %mul3A_40 : vector<1x128xf32>
      %get3A_42 = arith.constant 0 : index
      %get3A_43 = arith.constant 0 : index
      %get3A_44 = vector.load %arg3[%get3A_42, %get3A_43] : memref<128x16xf32, #tpu.memory_space<vmem>>, vector<128x16xf32>
      %dot_general3A = arith.constant dense<0.000000e+00> : vector<1x16xf32>
      %dot_general3A_45 = tpu.matmul %mul3A_41, %get3A_44, %dot_general3A {dimension_numbers = #tpu.dot_dimension_numbers<[1], [0], [0], [1], [0, 0, 1, 1], [], []>, transpose_lhs_hint = false} : vector<1x128xf32>, vector<128x16xf32>, vector<1x16xf32> -> vector<1x16xf32>
      %get3A_46 = arith.constant 0 : index
      %get3A_47 = arith.constant 0 : index
      %get3A_48 = vector.load %arg4[%get3A_46, %get3A_47] : memref<1x16xf32, #tpu.memory_space<vmem>>, vector<1x16xf32>
      %add3A_49 = arith.addf %dot_general3A_45, %get3A_48 : vector<1x16xf32>
      %reduce_max3A = arith.constant dense<0xFF800000> : vector<1xf32>
      %reduce_max3A_50 = vector.multi_reduction <maximumf>, %add3A_49, %reduce_max3A [1] : vector<1x16xf32> to vector<1xf32>
      %broadcast_in_dim3A_51 = vector.shape_cast %reduce_max3A_50 : vector<1xf32> to vector<1x1xf32>
      %sub3A_52 = vector.broadcast %broadcast_in_dim3A_51 : vector<1x1xf32> to vector<1x16xf32>
      %sub3A_53 = arith.subf %add3A_49, %sub3A_52 : vector<1x16xf32>
      %exp3A = math.exp %sub3A_53 : vector<1x16xf32>
      %reduce_sum3A_54 = arith.constant dense<0.000000e+00> : vector<1xf32>
      %reduce_sum3A_55 = vector.multi_reduction <add>, %exp3A, %reduce_sum3A_54 [1] : vector<1x16xf32> to vector<1xf32>
      %broadcast_in_dim3A_56 = vector.shape_cast %reduce_sum3A_55 : vector<1xf32> to vector<1x1xf32>
      %div3A = vector.broadcast %broadcast_in_dim3A_56 : vector<1x1xf32> to vector<1x16xf32>
      %div3A_57 = arith.divf %exp3A, %div3A : vector<1x16xf32>
      %swap3A_58 = arith.constant 0 : index
      %swap3A_59 = arith.constant 0 : index
      %swap3A_60 = vector.load %arg5[%swap3A_58, %swap3A_59] : memref<1x16xf32, #tpu.memory_space<vmem>>, vector<1x16xf32>
      tpu.vector_store %arg5[%swap3A_58, %swap3A_59], %div3A_57 {strides = array<i32>} : memref<1x16xf32, #tpu.memory_space<vmem>>, vector<1x16xf32>,
    } else {
    }
    return
  }
  func.func @transform_0(%arg0: i32) -> (i32, i32) {
    %c0_i32 = arith.constant 0 : i32
    %c0_i32_0 = arith.constant 0 : i32
    return %arg0, %c0_i32 : i32, i32
  }
  func.func @transform_1(%arg0: i32) -> (i32, i32) {
    %c0_i32 = arith.constant 0 : i32
    %c0_i32_0 = arith.constant 0 : i32
    %c0_i32_1 = arith.constant 0 : i32
    return %c0_i32, %c0_i32_0 : i32, i32
  }
  func.func @transform_2(%arg0: i32) -> (i32, i32) {
    %c0_i32 = arith.constant 0 : i32
    %c0_i32_0 = arith.constant 0 : i32
    %c0_i32_1 = arith.constant 0 : i32
    return %c0_i32, %c0_i32_0 : i32, i32
  }
  func.func @transform_3(%arg0: i32) -> (i32, i32) {
    %c0_i32 = arith.constant 0 : i32
    %c0_i32_0 = arith.constant 0 : i32
    %c0_i32_1 = arith.constant 0 : i32
    return %c0_i32, %c0_i32_0 : i32, i32
  }
  func.func @transform_4(%arg0: i32) -> (i32, i32) {
    %c0_i32 = arith.constant 0 : i32
    %c0_i32_0 = arith.constant 0 : i32
    %c0_i32_1 = arith.constant 0 : i32
    return %c0_i32, %c0_i32_0 : i32, i32
  }
}

</mosaic_0001>

<sc_bundles>
// kernel: kernel.13.cloned.1.call-start
scs
__scs_entry_jumppad:
0x0: {  	(pc) =	sbr.rel $0x88, $3  }
0x1: {  	(tag) =	ssettag $0x0;
	lr =	simm.s32 $0x1  }
0x2: {  	[smem:$0x3F97] =	sst lr;
	_ =	strace $0xD0000000  }
0x3: {  	_ = 	snop  }
0x4: {  	_ = 	snop  }
0x5: {  	_ = 	snop  }
0x6: {  	_ = 	snop  }
0x7: {  	_ = 	snop  }
__scs_overlays_trampoline_lowered:
0x8: {  	[smem:$0x3FA6] =	sst s0  }
0x9: {  	[smem:$0x3FA7] =	sst s1  }
0xa: {  	[smem:$0x3FA8] =	sst s2  }
0xb: {  	[smem:$0x3FA9] =	sst s3  }
0xc: {  	[smem:$0x3FAA] =	sst s4  }
0xd: {  	[smem:$0x3FAB] =	sst s5  }
0xe: {  	[smem:$0x3FAC] =	sst s6  }
0xf: {  	[smem:$0x3FAD] =	sst s7  }
0x10: {  	[smem:$0x3FAE] =	sst s8  }
0x11: {  	[smem:$0x3FAF] =	sst s9;
	s0 =	simm.s32 @!p0 $0x0  }
0x12: {  	s1 =	sld [smem:$0x3F95];
	s0 =	simm.s32 @p0 $0x1  }
0x13: {  	[smem:$0x3FB0] =	sst s0;
	s0 =	simm.s32 @!p1 $0x0  }
0x14: {  	s2 =	sld [smem:$0x3F94];
	s0 =	simm.s32 @p1 $0x1  }
0x15: {  	[smem:$0x3FB1] =	sst s0;
	s0 =	simm.s32 @!p2 $0x0  }
0x16: {  	s3 =	sld [smem:$0x3FDB];
	s0 =	simm.s32 @p2 $0x1  }
0x17: {  	s4 =	simm.s32 $0x1BF5;
	[smem:$0x3FB3] =	sst s0  }
0x18: {  	s0 =	sld [smem:$0x3F96];
	_ =	swait.ge [sflag:s4], $0x0  }
0x19: {  	s7 =	sld [smem:$0x3F97]  }
0x1a: {  	s8 =	sadd.s32 $0xFFFFE003, lr  }
0x1b: {  	s9 =	sadd.s32 $0xFFFFFEF7, lr;
	s5 =	simm.s32 $0xFFFFFFFF;
	p2 =	slt.u32 s8, $0xFFFFF086  }
0x1c: {  	p1 =	slt.u32 s9, $0xF7A;
	s5 =	simm.s32 @!p2 $0x0  }
0x1d: {  	s5 =	simm.s32 @p1 $0x1;
	p0 =	seq.s32 s7, s2  }
0x1e: {  	s7 =	smul.u32 @!p0 $0xF7A, s2;
	p2 =	seq.s32 @!p0 s5, $0x0  }
0x1f: {  	s9 =	smul.u32 $0xF7A, s1;
	s8 =	simm.s32 @!p0 $0x1BF5;
	p2 =	por !p2, p0  }
0x20: {  	[sflag:s8] =	ssyncset.s32 @!p0 $0xFFFFF086;
	s6 =	sadd.s32 @!p0 s3, s7;
	s7 =	simm.s32 @!p0 $0x108  }
0x21: {  	s3 =	sadd.s32 s3, s9;
	s6 =	sadd.s32 @!p0 $0x88, s6;
	s7 =	simm.s32 @p2 $0x1082  }
0x22: {  	[simem:s7], [sflag:s8] =	dma.local @!p0 [hbm:s6], $0xF7A  }
0x23: {  	s9 =	sor.u32 $0xD0000000, s2;
	s6 =	simm.s32 $0x108;
	_ =	swait.ge @!p0 [sflag:s8], $0x0  }
0x24: {  	s3 =	sadd.s32 $0x88, s3;
	s6 =	simm.s32 @!p1 $0x1082;
	[sflag:s4] =	ssyncset.s32 $0xFFFFF086  }
0x25: {  	[simem:s6], [sflag:s4] =	dma.local [hbm:s3], $0xF7A  }
0x26: {  	[smem:$0x3F97] =	sst s1;
	(tag) =	ssettag s2;
	_ =	strace s9  }
0x27: {  	s1 =	sld [smem:$0x3FA7]  }
0x28: {  	s2 =	sld [smem:$0x3FA8]  }
0x29: {  	s4 =	sld [smem:$0x3FAA]  }
0x2a: {  	p0 =	seq.s32 s5, $0x0;
	s5 =	sld [smem:$0x3FAB]  }
0x2b: {  	s6 =	sld [smem:$0x3FAC]  }
0x2c: {  	s7 =	sld [smem:$0x3FAD]  }
0x2d: {  	s3 =	simm.s32 $0x108;
	s8 =	sld [smem:$0x3FAE]  }
0x2e: {  	s3 =	simm.s32 @!p0 $0x1082;
	s9 =	sld [smem:$0x3FAF]  }
0x2f: {  	lr =	sadd.s32 s0, s3;
	s0 =	sld [smem:$0x3FA6]  }
0x30: {  	s3 =	sld [smem:$0x3FA9]  }
0x31: {  	[smem:$0x3FB2] =	sst s10  }
0x32: {  	s10 =	sld [smem:$0x3FB0];
	_ =	sdelay $0x3  }
0x33: {  	p0 =	seq.s32 s10, $0x1;
	s10 =	sld [smem:$0x3FB2];
	_ =	sdelay $0x3  }
0x34: {  	[smem:$0x3FB2] =	sst s10  }
0x35: {  	s10 =	sld [smem:$0x3FB1];
	_ =	sdelay $0x3  }
0x36: {  	p1 =	seq.s32 s10, $0x1;
	s10 =	sld [smem:$0x3FB2];
	_ =	sdelay $0x3  }
0x37: {  	[smem:$0x3FB2] =	sst s10  }
0x38: {  	s10 =	sld [smem:$0x3FB3]  }
0x39: {  	_ = 	snop;
	(pc) =	sbr.ind lr, $3  }
0x3a: {  	_ = 	snop  }
0x3b: {  	_ = 	snop  }
0x3c: {  	p2 =	seq.s32 s10, $0x1;
	s10 =	sld [smem:$0x3FB2]  }
0x3d: {  	_ =	shalt  }
0x3e: {  	_ =	shalt  }
0x3f: {  	_ =	shalt  }
0x40: {  	_ =	shalt  }
0x41: {  	_ =	shalt  }
0x42: {  	_ =	shalt  }
0x43: {  	_ =	shalt  }
0x44: {  	_ =	shalt  }
0x45: {  	_ =	shalt  }
0x46: {  	_ =	shalt  }
0x47: {  	_ =	shalt  }
0x48: {  	_ =	shalt  }
0x49: {  	_ =	shalt  }
0x4a: {  	_ =	shalt  }
0x4b: {  	_ =	shalt  }
0x4c: {  	_ =	shalt  }
0x4d: {  	_ =	shalt  }
0x4e: {  	_ =	shalt  }
0x4f: {  	_ =	shalt  }
0x50: {  	_ =	shalt  }
0x51: {  	_ =	shalt  }
0x52: {  	_ =	shalt  }
0x53: {  	_ =	shalt  }
0x54: {  	_ =	shalt  }
0x55: {  	_ =	shalt  }
0x56: {  	_ =	shalt  }
0x57: {  	_ =	shalt  }
0x58: {  	_ =	shalt  }
0x59: {  	_ =	shalt  }
0x5a: {  	_ =	shalt  }
0x5b: {  	_ =	shalt  }
0x5c: {  	_ =	shalt  }
0x5d: {  	_ =	shalt  }
0x5e: {  	_ =	shalt  }
0x5f: {  	_ =	shalt  }
0x60: {  	_ =	shalt  }
0x61: {  	_ =	shalt  }
0x62: {  	_ =	shalt  }
0x63: {  	_ =	shalt  }
0x64: {  	_ =	shalt  }
0x65: {  	_ =	shalt  }
0x66: {  	_ =	shalt  }
0x67: {  	_ =	shalt  }
0x68: {  	_ =	shalt  }
0x69: {  	_ =	shalt  }
0x6a: {  	_ =	shalt  }
0x6b: {  	_ =	shalt  }
0x6c: {  	_ =	shalt  }
0x6d: {  	_ =	shalt  }
0x6e: {  	_ =	shalt  }
0x6f: {  	_ =	shalt  }
0x70: {  	_ =	shalt  }
0x71: {  	_ =	shalt  }
0x72: {  	_ =	shalt  }
0x73: {  	_ =	shalt  }
0x74: {  	_ =	shalt  }
0x75: {  	_ =	shalt  }
0x76: {  	_ =	shalt  }
0x77: {  	_ =	shalt  }
0x78: {  	_ =	shalt  }
0x79: {  	_ =	shalt  }
0x7a: {  	_ =	shalt  }
0x7b: {  	_ =	shalt  }
0x7c: {  	_ =	shalt  }
0x7d: {  	_ =	shalt  }
0x7e: {  	_ =	shalt  }
0x7f: {  	_ =	shalt  }
0x80: {  	_ =	shalt  }
0x81: {  	_ =	shalt  }
0x82: {  	_ =	shalt  }
0x83: {  	_ =	shalt  }
0x84: {  	_ =	shalt  }
0x85: {  	_ =	shalt  }
0x86: {  	_ =	shalt  }
0x87: {  	_ =	shalt  }
.Lfunc_end0:
.L_simem_size_0:
called_computation_lowered:
.L_overlay_start_0:
0x88: {  	s2 =	sld [smem:$0x3FD9]  }
0x89: {  	s3 =	sld [smem:$0x3FFE];
	_ =	sdelay $0x1  }
0x8a: {  	s1 =	srdreg.scid  }
0x8b: {  	s0 =	sand.u32 $0x1, s1  }
0x8c: {  	s16 =	sshll.u32 s0, $0xA;
	s2 =	sadd.s32 s3, s2  }
0x8d: {  	s2 =	sadd.s32 s2, s16  }
0x8e: {  	[smem:$0x3FBE] =	sst s2  }
0x8f: {  	_ = 	snop  }
0x90: {  	(tm) =	ssettm $0x1  }
0x91: {  	s17 =	sld [smem:$0x3FFB];
	_ =	sdelay $0x3  }
0x92: {  	_ =	strace s17  }
0x93: {  	s2 =	sld [smem:$0x3FFC];
	_ =	sdelay $0x3  }
0x94: {  	_ =	strace s2  }
0x95: {  	s2 =	sld [smem:$0x3FFD];
	_ =	sdelay $0x3  }
0x96: {  	_ =	strace s2  }
0x97: {  	_ =	strace $0x8FFFFFFF  }
0x98: {  	s18 =	sld [smem:$0x3FDB];
	_ =	sdelay $0x1  }
0x99: {  	s19 =	simm.s32 $_scs_section_size  }
0x9a: {  	s4 =	simm.s32 $_size__tile_overlayer_lowered;
	s5 =	simm.s32 $_tile_overlayer_lowered  }
0x9b: {  	s22 =	simm.s32 $0x1BFF;
	s21 =	sshll.u32 s5, $0x1;
	s2 =	sadd.s32 s19, s18  }
0x9c: {  	s6 =	simm.s32 $0x0;
	s20 =	sshll.u32 s4, $0x1;
	s4 =	sadd.s32 s21, s2  }
0x9d: {  	[timem:s6], [sflag:s22] =	dma.local [hbm:s4], s20  }
0x9e: {  	_ =	swait.ge [sflag:s22], s20  }
0x9f: {  	s3 =	ssub.s32 $0x0, s20;
	[sflag:s22] =	ssyncset.done $0x0  }
0xa0: {  	[sflag:s22] =	ssyncadd.s32 s3;
	_ =	sdelay $0x1  }
0xa1: {  	s23 =	simm.s32 $0x1B8B  }
0xa2: {  	_ =	swait.ge [sflag:s23], $0x1  }
0xa3: {  	[sflag:s23] =	ssyncset.done $0x0  }
0xa4: {  	s25 =	simm.s32 $0x1B8E;
	s24 =	sld [smem:$0x3FFE];
	[sflag:s23] =	ssyncadd.s32 $0xFFFFFFFF  }
0xa5: {  	s26 =	simm.s32 $execute0_lowered;
	[smem:$0x3FD2] =	sst s25  }
0xa6: {  	s4 =	sshll.u32 s26, $0x1;
	_ =	strace $0x80000046;
	[dreg:$0x1] =	wrdreg $0xFFFFFFFF  }
0xa7: {  	s28 =	simm.s32 $_size_execute0_lowered;
	s2 =	sadd.s32 s2, s4;
	[dreg:$0x0] =	wrdreg $0x0  }
0xa8: {  	s4 =	sshll.u32 s28, $0x1;
	[dreg:$0x2] =	wrdreg s2  }
0xa9: {  	[dreg:$0x3] =	wrdreg s4  }
0xaa: {  	[dreg:$0x4] =	wrdreg $0xC0  }
0xab: {  	_ =	task [dreg:s6], $0x5FFFF  }
0xac: {  	[dreg:$0x1] =	wrdreg $0xFFFFFFFF  }
0xad: {  	[dreg:$0x0] =	wrdreg $0x60  }
0xae: {  	[dreg:$0x2] =	wrdreg s24  }
0xaf: {  	[dreg:$0x3] =	wrdreg $0x0  }
0xb0: {  	[dreg:$0x4] =	wrdreg $0x9  }
0xb1: {  	_ =	task.clear_ibuf [dreg:s6], $0x5FFFF;
	_ =	strace $0x90000046  }
0xb2: {  	s29 =	simm.s32 $0x9;
	_ =	strace $0x80000048  }
0xb3: {  	_ =	swait.ge [sflag:s29], $0x1  }
0xb4: {  	[sflag:s29] =	ssyncadd.s32 $0xFFFFFFFF  }
0xb5: {  	_ =	strace $0x90000048  }
0xb6: {  	_ =	sfence  }
0xb7: {  	s30 =	sld [smem:$0x0];
	_ =	sdelay $0x2  }
0xb8: {  	s31 =	sshll.u32 s1, $0xD;
	s1 =	sshrl.u32 s1, $0x2  }
0xb9: {  	s3 =	sand.u32 $0x4000, s31;
	s1 =	sadd.s32 s1, s30  }
0xba: {  	s0 =	sor.u32 s3, s0;
	s1 =	sshll.u32 s1, $0x11  }
0xbb: {  	s0 =	sor.u32 s1, s0  }
0xbc: {  	s0 =	sadd.s32 $0x8F2B, s0  }
0xbd: {  	[sflag:s0] =	ssyncadd.remote.s32 $0x1  }
0xbe: {  	_ =	sfence.sel $0xFFFF  }
0xbf: {  	[dreg:$0x0] =	wrdreg $0xFFFFFFFF;
	(pc) =	sbr.abs _section_cstart, $3  }
0xc0: {  	[dreg:$0x1] =	wrdreg $0xFFFFFFFF  }
0xc1: {  	_ =	task.clear_ibuf [dreg:s6], $0x2FFFF;
	_ =	strace $0x9FFFFFFF  }
0xc2: {  	(tm) =	ssettm $0x7FFFFFFF  }
0xc3: {  	_ =	shalt  }
tec
execute0_lowered:
.L_overlay_start_1:
0x0: {  	(tag) =	ssettag $0x1  }
0x1: {  	s5 =	rddreg [dreg:$0x0]  }
0x2: {  	s2 =	rddreg [dreg:$0x1]  }
0x3: {  	s0 =	srdreg.scid;
	s1 =	rddreg [dreg:$0x2];
	s3 =	simm.s32 $0x0  }
0x4: {  	s12 =	simm.s32 $0x14000;
	s13 =	simm.s32 $0x1;
	s14 =	simm.s32 $0x13C00  }
0x5: {  	s15 =	simm.s32 $0x80;
	s16 =	simm.s32 $0x13C80;
	s4 =	sand.u32 $0x1, s0  }
0x6: {  	s17 =	simm.s32 $0x13D00;
	s0 =	stileid.u32;
	s6 =	smul.u32 $0x28000, s4  }
0x7: {  	s18 =	simm.s32 $0x13D80;
	s19 =	simm.s32 $0x13E00;
	s7 =	smul.u32 $0x2800, s0  }
0x8: {  	s20 =	simm.s32 $0x13E80;
	s21 =	simm.s32 $0x13F00;
	s8 =	smul.u32 $0x13C000, s4  }
0x9: {  	s22 =	simm.s32 $0x13F80;
	s23 =	simm.s32 $0x0;
	s25 =	smul.u32 $0x13C00, s0  }
0xa: {  	[smem:$0x7FF] =	sst s3;
	s9 =	smul.u32 $0x4F000, s0;
	s28 =	ssub.s32 $0x2, s4  }
0xb: {  	_ =	strace $0x80000047;
	s30 =	sshrl.u32 s28, $0x1;
	s6 =	sadd.s32 s7, s6  }
0xc: {  	s26 =	sadd.s32 s25, s8;
	s29 =	sshrl.u32 s9, $0x2;
	s10 =	ssub.s32 s28, s30  }
0xd: {  	s6 =	sshrl.u32 s6, $0x3;
	s4 =	sadd.s32 s29, s2;
	s10 =	smax.u32 s10, $0x1  }
0xe: {  	s11 =	sadd.s32 s6, s5;
	s6 =	sshrl.u32 s26, $0x3;
	s7 =	sadd.s32 $0xC000, s4  }
0xf: {  	s8 =	sadd.s32 $0x10000, s4;
	s31 =	sadd.s32 s6, s5;
	s5 =	sadd.s32 $0x4000, s4  }
0x10: {  	v0 =	vimm.f32 $0.0e+00;
	v1 =	vimm.f32 $1.000000000e+00;
	s6 =	sadd.s32 $0x8000, s4;
	s11 =	sadd.s32 $0x6200, s11;
	s9 =	sadd.s32 $0x1A200, s31  }
.LBB2_1:
0x11: {  	s24 =	simm.s32 $0x0;
	s25 =	simm.s32 $0x200  }
.LBB2_2:
0x12: {  	p0 =	sne.s32 s25, $0xFE00;
	[tilespmem:s24+$0x14070] =	vst v0  }
0x13: {  	[tilespmem:s24+$0x14000] =	vst v0  }
0x14: {  	[tilespmem:s24+$0x14010] =	vst v0  }
.Ltmp0:
0x15: {  	[tilespmem:s24+$0x14020] =	vst v0;
	(pc) =	sbr.rel @p0 .LBB2_2-.Ltmp0, $4  }
0x16: {  	[tilespmem:s24+$0x14030] =	vst v0  }
0x17: {  	[tilespmem:s24+$0x14040] =	vst v0  }
0x18: {  	[tilespmem:s24+$0x14050] =	vst v0  }
0x19: {  	[tilespmem:s24+$0x14060] =	vst v0;
	s24 =	sshra.s32 s25, $0x2;
	s25 =	sadd.s32 $0x200, s25  }
0x1a: {  	[tilespmem:s24+$0x14070] =	vst v0  }
0x1b: {  	[tilespmem:s24+$0x14000] =	vst v0  }
0x1c: {  	[tilespmem:s24+$0x14010] =	vst v0  }
0x1d: {  	[tilespmem:s24+$0x14020] =	vst v0  }
0x1e: {  	[tilespmem:s24+$0x14030] =	vst v0  }
0x1f: {  	[tilespmem:s24+$0x14040] =	vst v0  }
0x20: {  	[tilespmem:s24+$0x14050] =	vst v0  }
0x21: {  	[tilespmem:s24+$0x14060] =	vst v0  }
0x22: {  	[spmem:s4] =	stream.linear.scatter [tilespmem:s12], [sflag:$0x1], $0x4000, $0x38;
	[tilespmem:$0x18000] =	vst v63  }
0x23: {  	_ =	swait.ge [sflag:s13], $0x4000  }
0x24: {  	[sflag:s13] =	ssyncset.done $0x0  }
0x25: {  	[sflag:s13] =	ssyncadd.s32 $0xFFFFC000  }
0x26: {  	[spmem:s5] =	stream.linear.scatter [tilespmem:s12], [sflag:$0x1], $0x4000, $0x38;
	[tilespmem:$0x18000] =	vst v63  }
0x27: {  	_ =	swait.ge [sflag:s13], $0x4000  }
0x28: {  	[sflag:s13] =	ssyncset.done $0x0  }
0x29: {  	[sflag:s13] =	ssyncadd.s32 $0xFFFFC000  }
0x2a: {  	[spmem:s6] =	stream.linear.scatter [tilespmem:s12], [sflag:$0x1], $0x4000, $0x38;
	[tilespmem:$0x18000] =	vst v63  }
0x2b: {  	_ =	swait.ge [sflag:s13], $0x4000  }
0x2c: {  	[sflag:s13] =	ssyncset.done $0x0  }
0x2d: {  	[sflag:s13] =	ssyncadd.s32 $0xFFFFC000  }
0x2e: {  	[spmem:s7] =	stream.linear.scatter [tilespmem:s12], [sflag:$0x1], $0x4000, $0x38;
	[tilespmem:$0x18000] =	vst v63  }
0x2f: {  	_ =	swait.ge [sflag:s13], $0x4000  }
0x30: {  	[sflag:s13] =	ssyncset.done $0x0  }
0x31: {  	[sflag:s13] =	ssyncadd.s32 $0xFFFFC000  }
0x32: {  	[spmem:s8] =	stream.linear.scatter [tilespmem:s12], [sflag:$0x1], $0x3C00, $0x38;
	[tilespmem:$0x18000] =	vst v63  }
0x33: {  	_ =	swait.ge [sflag:s13], $0x3C00  }
0x34: {  	[sflag:s13] =	ssyncset.done $0x0  }
0x35: {  	s24 =	simm.s32 $0x0;
	s25 =	simm.s32 $0x200;
	[sflag:s13] =	ssyncadd.s32 $0xFFFFC400  }
.LBB2_4:
0x36: {  	p0 =	sne.s32 s25, $0xFE00;
	[tilespmem:s24+$0x14070] =	vst v1  }
0x37: {  	[tilespmem:s24+$0x14000] =	vst v1  }
0x38: {  	[tilespmem:s24+$0x14010] =	vst v1  }
.Ltmp1:
0x39: {  	[tilespmem:s24+$0x14020] =	vst v1;
	(pc) =	sbr.rel @p0 .LBB2_4-.Ltmp1, $4  }
0x3a: {  	[tilespmem:s24+$0x14030] =	vst v1  }
0x3b: {  	[tilespmem:s24+$0x14040] =	vst v1  }
0x3c: {  	[tilespmem:s24+$0x14050] =	vst v1  }
0x3d: {  	[tilespmem:s24+$0x14060] =	vst v1;
	s24 =	sshra.s32 s25, $0x2;
	s25 =	sadd.s32 $0x200, s25  }
0x3e: {  	[tilespmem:s24+$0x14070] =	vst v1  }
0x3f: {  	[tilespmem:s24+$0x14000] =	vst v1  }
0x40: {  	[tilespmem:s24+$0x14010] =	vst v1  }
0x41: {  	[tilespmem:s24+$0x14020] =	vst v1  }
0x42: {  	[tilespmem:s24+$0x14030] =	vst v1  }
0x43: {  	[tilespmem:s24+$0x14040] =	vst v1  }
0x44: {  	[tilespmem:s24+$0x14050] =	vst v1  }
0x45: {  	[tilespmem:s24+$0x14060] =	vst v1  }
0x46: {  	s31 =	sadd.s32 $0x0, s11;
	[bflag:$0x0] =	sbarrier.arrive $0xFFFF  }
0x47: {  	[tilespmem:s14], [sflag:$0x1] =	stream.linear.gather [hbm4b:s31+s3], $0x400, $0x38;
	[tilespmem:$0x18000] =	vst v63  }
0x48: {  	_ =	swait.ge [sflag:s13], $0x400  }
0x49: {  	[sflag:s13] =	ssyncset.done $0x0  }
0x4a: {  	[sflag:s13] =	ssyncadd.s32 $0xFFFFFC00  }
0x4b: {  	[spmem:s2] =	stream.indirect.scatter.add.f32 [tilespmem:s12], [sflag:$0x1], $0x80, s14, s15, $0xb8;
	[tilespmem:$0x18000] =	vst v63  }
0x4c: {  	_ =	swait.ge [sflag:s13], $0x4000  }
0x4d: {  	[sflag:s13] =	ssyncset.done $0x0  }
0x4e: {  	[sflag:s13] =	ssyncadd.s32 $0xFFFFC000  }
0x4f: {  	[spmem:s2] =	stream.indirect.scatter.add.f32 [tilespmem:s12], [sflag:$0x1], $0x80, s16, s15, $0xb8;
	[tilespmem:$0x18000] =	vst v63  }
0x50: {  	_ =	swait.ge [sflag:s13], $0x4000  }
0x51: {  	[sflag:s13] =	ssyncset.done $0x0  }
0x52: {  	[sflag:s13] =	ssyncadd.s32 $0xFFFFC000  }
0x53: {  	[spmem:s2] =	stream.indirect.scatter.add.f32 [tilespmem:s12], [sflag:$0x1], $0x80, s17, s15, $0xb8;
	[tilespmem:$0x18000] =	vst v63  }
0x54: {  	_ =	swait.ge [sflag:s13], $0x4000  }
0x55: {  	[sflag:s13] =	ssyncset.done $0x0  }
0x56: {  	[sflag:s13] =	ssyncadd.s32 $0xFFFFC000  }
0x57: {  	[spmem:s2] =	stream.indirect.scatter.add.f32 [tilespmem:s12], [sflag:$0x1], $0x80, s18, s15, $0xb8;
	[tilespmem:$0x18000] =	vst v63  }
0x58: {  	_ =	swait.ge [sflag:s13], $0x4000  }
0x59: {  	[sflag:s13] =	ssyncset.done $0x0  }
0x5a: {  	[sflag:s13] =	ssyncadd.s32 $0xFFFFC000  }
0x5b: {  	[spmem:s2] =	stream.indirect.scatter.add.f32 [tilespmem:s12], [sflag:$0x1], $0x80, s19, s15, $0xb8;
	[tilespmem:$0x18000] =	vst v63  }
0x5c: {  	_ =	swait.ge [sflag:s13], $0x4000  }
0x5d: {  	[sflag:s13] =	ssyncset.done $0x0  }
0x5e: {  	[sflag:s13] =	ssyncadd.s32 $0xFFFFC000  }
0x5f: {  	[spmem:s2] =	stream.indirect.scatter.add.f32 [tilespmem:s12], [sflag:$0x1], $0x80, s20, s15, $0xb8;
	[tilespmem:$0x18000] =	vst v63  }
0x60: {  	_ =	swait.ge [sflag:s13], $0x4000  }
0x61: {  	[sflag:s13] =	ssyncset.done $0x0  }
0x62: {  	[sflag:s13] =	ssyncadd.s32 $0xFFFFC000  }
0x63: {  	[spmem:s2] =	stream.indirect.scatter.add.f32 [tilespmem:s12], [sflag:$0x1], $0x80, s21, s15, $0xb8;
	[tilespmem:$0x18000] =	vst v63  }
0x64: {  	_ =	swait.ge [sflag:s13], $0x4000  }
0x65: {  	[sflag:s13] =	ssyncset.done $0x0  }
0x66: {  	[sflag:s13] =	ssyncadd.s32 $0xFFFFC000  }
0x67: {  	[spmem:s2] =	stream.indirect.scatter.add.f32 [tilespmem:s12], [sflag:$0x1], $0x80, s22, s15, $0xb8;
	[tilespmem:$0x18000] =	vst v63  }
0x68: {  	_ =	swait.ge [sflag:s13], $0x4000  }
0x69: {  	s24 =	simm.s32 $0x80;
	s26 =	simm.s32 $0x100;
	[sflag:s13] =	ssyncset.done $0x0  }
.LBB2_6:
0x6a: {  	s28 =	sadd.s32 s24, s11  }
0x6b: {  	[sflag:s13] =	ssyncadd.s32 $0xFFFFC000;
	s24 =	smov.u32 s26;
	s25 =	sadd.s32 $0x80, s26  }
0x6c: {  	[tilespmem:s14], [sflag:$0x1] =	stream.linear.gather [hbm4b:s28+s3], $0x400, $0x38;
	[tilespmem:$0x18000] =	vst v63  }
0x6d: {  	p0 =	sne.s32 s26, $0x480;
	_ =	swait.ge [sflag:s13], $0x400  }
0x6e: {  	[sflag:s13] =	ssyncset.done $0x0  }
0x6f: {  	[sflag:s13] =	ssyncadd.s32 $0xFFFFFC00  }
0x70: {  	[spmem:s2] =	stream.indirect.scatter.add.f32 [tilespmem:s12], [sflag:$0x1], $0x80, s14, s15, $0xb8;
	[tilespmem:$0x18000] =	vst v63  }
0x71: {  	_ =	swait.ge [sflag:s13], $0x4000  }
0x72: {  	[sflag:s13] =	ssyncset.done $0x0  }
0x73: {  	[sflag:s13] =	ssyncadd.s32 $0xFFFFC000  }
0x74: {  	[spmem:s2] =	stream.indirect.scatter.add.f32 [tilespmem:s12], [sflag:$0x1], $0x80, s16, s15, $0xb8;
	[tilespmem:$0x18000] =	vst v63  }
0x75: {  	_ =	swait.ge [sflag:s13], $0x4000  }
0x76: {  	[sflag:s13] =	ssyncset.done $0x0  }
0x77: {  	[sflag:s13] =	ssyncadd.s32 $0xFFFFC000  }
0x78: {  	[spmem:s2] =	stream.indirect.scatter.add.f32 [tilespmem:s12], [sflag:$0x1], $0x80, s17, s15, $0xb8;
	[tilespmem:$0x18000] =	vst v63  }
0x79: {  	_ =	swait.ge [sflag:s13], $0x4000  }
0x7a: {  	[sflag:s13] =	ssyncset.done $0x0  }
0x7b: {  	[sflag:s13] =	ssyncadd.s32 $0xFFFFC000  }
0x7c: {  	[spmem:s2] =	stream.indirect.scatter.add.f32 [tilespmem:s12], [sflag:$0x1], $0x80, s18, s15, $0xb8;
	[tilespmem:$0x18000] =	vst v63  }
0x7d: {  	_ =	swait.ge [sflag:s13], $0x4000  }
0x7e: {  	[sflag:s13] =	ssyncset.done $0x0  }
0x7f: {  	[sflag:s13] =	ssyncadd.s32 $0xFFFFC000  }
0x80: {  	[spmem:s2] =	stream.indirect.scatter.add.f32 [tilespmem:s12], [sflag:$0x1], $0x80, s19, s15, $0xb8;
	[tilespmem:$0x18000] =	vst v63  }
0x81: {  	_ =	swait.ge [sflag:s13], $0x4000  }
0x82: {  	[sflag:s13] =	ssyncset.done $0x0  }
0x83: {  	[sflag:s13] =	ssyncadd.s32 $0xFFFFC000  }
0x84: {  	[spmem:s2] =	stream.indirect.scatter.add.f32 [tilespmem:s12], [sflag:$0x1], $0x80, s20, s15, $0xb8;
	[tilespmem:$0x18000] =	vst v63  }
0x85: {  	_ =	swait.ge [sflag:s13], $0x4000  }
0x86: {  	[sflag:s13] =	ssyncset.done $0x0  }
0x87: {  	[sflag:s13] =	ssyncadd.s32 $0xFFFFC000  }
0x88: {  	[spmem:s2] =	stream.indirect.scatter.add.f32 [tilespmem:s12], [sflag:$0x1], $0x80, s21, s15, $0xb8;
	[tilespmem:$0x18000] =	vst v63  }
0x89: {  	_ =	swait.ge [sflag:s13], $0x4000  }
.Ltmp2:
0x8a: {  	[sflag:s13] =	ssyncset.done $0x0;
	(pc) =	sbr.rel @p0 .LBB2_6-.Ltmp2, $4  }
0x8b: {  	[sflag:s13] =	ssyncadd.s32 $0xFFFFC000  }
0x8c: {  	[spmem:s2] =	stream.indirect.scatter.add.f32 [tilespmem:s12], [sflag:$0x1], $0x80, s22, s15, $0xb8;
	[tilespmem:$0x18000] =	vst v63  }
0x8d: {  	_ =	swait.ge [sflag:s13], $0x4000  }
0x8e: {  	s26 =	smov.u32 s25;
	[sflag:s13] =	ssyncset.done $0x0  }
0x8f: {  	s24 =	sadd.s32 s24, s11;
	[sflag:s13] =	ssyncadd.s32 $0xFFFFC000  }
0x90: {  	[tilespmem:s14], [sflag:$0x1] =	stream.linear.gather [hbm4b:s24+s3], $0x400, $0x38;
	[tilespmem:$0x18000] =	vst v63  }
0x91: {  	_ =	swait.ge [sflag:s13], $0x400  }
0x92: {  	[sflag:s13] =	ssyncset.done $0x0  }
0x93: {  	[sflag:s13] =	ssyncadd.s32 $0xFFFFFC00  }
0x94: {  	[spmem:s2] =	stream.indirect.scatter.add.f32 [tilespmem:s12], [sflag:$0x1], $0x80, s14, s15, $0xb8;
	[tilespmem:$0x18000] =	vst v63  }
0x95: {  	_ =	swait.ge [sflag:s13], $0x4000  }
0x96: {  	[sflag:s13] =	ssyncset.done $0x0  }
0x97: {  	[sflag:s13] =	ssyncadd.s32 $0xFFFFC000  }
0x98: {  	[spmem:s2] =	stream.indirect.scatter.add.f32 [tilespmem:s12], [sflag:$0x1], $0x80, s16, s15, $0xb8;
	[tilespmem:$0x18000] =	vst v63  }
0x99: {  	_ =	swait.ge [sflag:s13], $0x4000  }
0x9a: {  	[sflag:s13] =	ssyncset.done $0x0  }
0x9b: {  	[sflag:s13] =	ssyncadd.s32 $0xFFFFC000  }
0x9c: {  	[spmem:s2] =	stream.indirect.scatter.add.f32 [tilespmem:s12], [sflag:$0x1], $0x80, s17, s15, $0xb8;
	[tilespmem:$0x18000] =	vst v63  }
0x9d: {  	_ =	swait.ge [sflag:s13], $0x4000  }
0x9e: {  	[sflag:s13] =	ssyncset.done $0x0  }
0x9f: {  	[sflag:s13] =	ssyncadd.s32 $0xFFFFC000  }
0xa0: {  	[spmem:s2] =	stream.indirect.scatter.add.f32 [tilespmem:s12], [sflag:$0x1], $0x80, s18, s15, $0xb8;
	[tilespmem:$0x18000] =	vst v63  }
0xa1: {  	_ =	swait.ge [sflag:s13], $0x4000  }
0xa2: {  	[sflag:s13] =	ssyncset.done $0x0  }
0xa3: {  	[sflag:s13] =	ssyncadd.s32 $0xFFFFC000  }
0xa4: {  	[spmem:s2] =	stream.indirect.scatter.add.f32 [tilespmem:s12], [sflag:$0x1], $0x80, s19, s15, $0xb8;
	[tilespmem:$0x18000] =	vst v63  }
0xa5: {  	_ =	swait.ge [sflag:s13], $0x4000  }
0xa6: {  	[sflag:s13] =	ssyncset.done $0x0  }
0xa7: {  	[sflag:s13] =	ssyncadd.s32 $0xFFFFC000  }
0xa8: {  	[spmem:s2] =	stream.indirect.scatter.add.f32 [tilespmem:s12], [sflag:$0x1], $0x80, s20, s15, $0xb8;
	[tilespmem:$0x18000] =	vst v63  }
0xa9: {  	_ =	swait.ge [sflag:s13], $0x4000  }
0xaa: {  	[sflag:s13] =	ssyncset.done $0x0  }
0xab: {  	[sflag:s13] =	ssyncadd.s32 $0xFFFFC000  }
0xac: {  	[spmem:s2] =	stream.indirect.scatter.add.f32 [tilespmem:s12], [sflag:$0x1], $0x80, s21, s15, $0xb8;
	[tilespmem:$0x18000] =	vst v63  }
0xad: {  	_ =	swait.ge [sflag:s13], $0x4000  }
0xae: {  	[sflag:s13] =	ssyncset.done $0x0  }
0xaf: {  	[sflag:s13] =	ssyncadd.s32 $0xFFFFC000  }
0xb0: {  	[spmem:s2] =	stream.indirect.scatter.add.f32 [tilespmem:s12], [sflag:$0x1], $0x80, s22, s15, $0xb8;
	[tilespmem:$0x18000] =	vst v63  }
0xb1: {  	_ =	swait.ge [sflag:s13], $0x4000  }
0xb2: {  	s31 =	sshll.u32 s0, $0x6;
	s23 =	sadd.s32 $0x1, s23;
	[sflag:s13] =	ssyncset.done $0x0  }
0xb3: {  	s25 =	sshrl.u32 s4, $0x3;
	p0 =	sne.s32 s23, s10;
	[sflag:s13] =	ssyncadd.s32 $0xFFFFC000  }
.Ltmp3:
0xb4: {  	s24 =	sor.u32 $0x1C01, s31;
	[bflag:$0x0] =	sbarrier.arrive $0xFFFF;
	(pc) =	sbr.rel @p0 .LBB2_1-.Ltmp3, $4  }
0xb5: {  	[hbm:s9], [sflag:s24] =	dma.local [spmem:s25], $0x2780  }
0xb6: {  	_ =	swait.ge [sflag:s13], $0x2780  }
0xb7: {  	[sflag:s13] =	ssyncset.done $0x0  }
0xb8: {  	[sflag:s13] =	ssyncadd.s32 $0xFFFFD880  }
0xb9: {  	_ =	sfence.sel $0x180000  }
0xba: {  	[bflag:$0x0] =	sbarrier.arrive $0xFFFF  }
0xbb: {  	p0 =	sne.s32 s0, $0x0;
	_ =	strace $0x90000047  }
0xbc: {  	s0 =	sadd.s32 @!p0 $0x100000, s1;
	[bflag:$0x2] =	sbarrier.arrive $0xFFFF  }
0xbd: {  	[sflag:s0] =	ssyncadd.tile.s32 @!p0 $0x1;
	_ =	shalt  }
.Lfunc_end2:
_tile_overlayer_lowered:
.L_overlay_start_2:
0xbe: {  	(tag) =	ssettag $0x2  }
0xbf: {  	s0 =	rddreg [dreg:$0x0];
	s2 =	stileid.u32  }
0xc0: {  	s1 =	rddreg [dreg:$0x1];
	p0 =	sne.s32 s2, $0x0  }
0xc1: {  	s3 =	rddreg [dreg:$0x2];
	[bflag:$0x3] =	sbarrier.arrive $0xFFFF;
	s2 =	simm.s32 @!p0 $0x1C01  }
0xc2: {  	[timem:s3], [sflag:s2] =	dma.local @!p0 [hbm:s0], s1  }
0xc3: {  	s0 =	simm.s32 @!p0 $0x1  }
0xc4: {  	_ =	swait.ge @!p0 [sflag:s0], s1  }
0xc5: {  	s1 =	ssub.s32 @!p0 $0x0, s1;
	[sflag:s0] =	ssyncset.done @!p0 $0x0  }
0xc6: {  	[sflag:s0] =	ssyncadd.s32 @!p0 s1  }
0xc7: {  	[bflag:$0x3] =	sbarrier.arrive $0xFFFF  }
0xc8: {  	_ =	shalt  }

// kernel: kernel.16.cloned.1.call-start
scs
__scs_entry_jumppad:
0x0: {  	(pc) =	sbr.rel $0x88, $3  }
0x1: {  	(tag) =	ssettag $0x0;
	lr =	simm.s32 $0x1  }
0x2: {  	[smem:$0x3F97] =	sst lr;
	_ =	strace $0xD0000000  }
0x3: {  	_ = 	snop  }
0x4: {  	_ = 	snop  }
0x5: {  	_ = 	snop  }
0x6: {  	_ = 	snop  }
0x7: {  	_ = 	snop  }
__scs_overlays_trampoline_lowered:
0x8: {  	[smem:$0x3FA6] =	sst s0  }
0x9: {  	[smem:$0x3FA7] =	sst s1  }
0xa: {  	[smem:$0x3FA8] =	sst s2  }
0xb: {  	[smem:$0x3FA9] =	sst s3  }
0xc: {  	[smem:$0x3FAA] =	sst s4  }
0xd: {  	[smem:$0x3FAB] =	sst s5  }
0xe: {  	[smem:$0x3FAC] =	sst s6  }
0xf: {  	[smem:$0x3FAD] =	sst s7  }
0x10: {  	[smem:$0x3FAE] =	sst s8  }
0x11: {  	[smem:$0x3FAF] =	sst s9;
	s0 =	simm.s32 @!p0 $0x0  }
0x12: {  	s1 =	sld [smem:$0x3F95];
	s0 =	simm.s32 @p0 $0x1  }
0x13: {  	[smem:$0x3FB0] =	sst s0;
	s0 =	simm.s32 @!p1 $0x0  }
0x14: {  	s2 =	sld [smem:$0x3F94];
	s0 =	simm.s32 @p1 $0x1  }
0x15: {  	[smem:$0x3FB1] =	sst s0;
	s0 =	simm.s32 @!p2 $0x0  }
0x16: {  	s3 =	sld [smem:$0x3FDB];
	s0 =	simm.s32 @p2 $0x1  }
0x17: {  	s4 =	simm.s32 $0x1BF5;
	[smem:$0x3FB3] =	sst s0  }
0x18: {  	s0 =	sld [smem:$0x3F96];
	_ =	swait.ge [sflag:s4], $0x0  }
0x19: {  	s7 =	sld [smem:$0x3F97]  }
0x1a: {  	s8 =	sadd.s32 $0xFFFFE003, lr  }
0x1b: {  	s9 =	sadd.s32 $0xFFFFFEF7, lr;
	s5 =	simm.s32 $0xFFFFFFFF;
	p2 =	slt.u32 s8, $0xFFFFF086  }
0x1c: {  	p1 =	slt.u32 s9, $0xF7A;
	s5 =	simm.s32 @!p2 $0x0  }
0x1d: {  	s5 =	simm.s32 @p1 $0x1;
	p0 =	seq.s32 s7, s2  }
0x1e: {  	s7 =	smul.u32 @!p0 $0xF7A, s2;
	p2 =	seq.s32 @!p0 s5, $0x0  }
0x1f: {  	s9 =	smul.u32 $0xF7A, s1;
	s8 =	simm.s32 @!p0 $0x1BF5;
	p2 =	por !p2, p0  }
0x20: {  	[sflag:s8] =	ssyncset.s32 @!p0 $0xFFFFF086;
	s6 =	sadd.s32 @!p0 s3, s7;
	s7 =	simm.s32 @!p0 $0x108  }
0x21: {  	s3 =	sadd.s32 s3, s9;
	s6 =	sadd.s32 @!p0 $0x88, s6;
	s7 =	simm.s32 @p2 $0x1082  }
0x22: {  	[simem:s7], [sflag:s8] =	dma.local @!p0 [hbm:s6], $0xF7A  }
0x23: {  	s9 =	sor.u32 $0xD0000000, s2;
	s6 =	simm.s32 $0x108;
	_ =	swait.ge @!p0 [sflag:s8], $0x0  }
0x24: {  	s3 =	sadd.s32 $0x88, s3;
	s6 =	simm.s32 @!p1 $0x1082;
	[sflag:s4] =	ssyncset.s32 $0xFFFFF086  }
0x25: {  	[simem:s6], [sflag:s4] =	dma.local [hbm:s3], $0xF7A  }
0x26: {  	[smem:$0x3F97] =	sst s1;
	(tag) =	ssettag s2;
	_ =	strace s9  }
0x27: {  	s1 =	sld [smem:$0x3FA7]  }
0x28: {  	s2 =	sld [smem:$0x3FA8]  }
0x29: {  	s4 =	sld [smem:$0x3FAA]  }
0x2a: {  	p0 =	seq.s32 s5, $0x0;
	s5 =	sld [smem:$0x3FAB]  }
0x2b: {  	s6 =	sld [smem:$0x3FAC]  }
0x2c: {  	s7 =	sld [smem:$0x3FAD]  }
0x2d: {  	s3 =	simm.s32 $0x108;
	s8 =	sld [smem:$0x3FAE]  }
0x2e: {  	s3 =	simm.s32 @!p0 $0x1082;
	s9 =	sld [smem:$0x3FAF]  }
0x2f: {  	lr =	sadd.s32 s0, s3;
	s0 =	sld [smem:$0x3FA6]  }
0x30: {  	s3 =	sld [smem:$0x3FA9]  }
0x31: {  	[smem:$0x3FB2] =	sst s10  }
0x32: {  	s10 =	sld [smem:$0x3FB0];
	_ =	sdelay $0x3  }
0x33: {  	p0 =	seq.s32 s10, $0x1;
	s10 =	sld [smem:$0x3FB2];
	_ =	sdelay $0x3  }
0x34: {  	[smem:$0x3FB2] =	sst s10  }
0x35: {  	s10 =	sld [smem:$0x3FB1];
	_ =	sdelay $0x3  }
0x36: {  	p1 =	seq.s32 s10, $0x1;
	s10 =	sld [smem:$0x3FB2];
	_ =	sdelay $0x3  }
0x37: {  	[smem:$0x3FB2] =	sst s10  }
0x38: {  	s10 =	sld [smem:$0x3FB3]  }
0x39: {  	_ = 	snop;
	(pc) =	sbr.ind lr, $3  }
0x3a: {  	_ = 	snop  }
0x3b: {  	_ = 	snop  }
0x3c: {  	p2 =	seq.s32 s10, $0x1;
	s10 =	sld [smem:$0x3FB2]  }
0x3d: {  	_ =	shalt  }
0x3e: {  	_ =	shalt  }
0x3f: {  	_ =	shalt  }
0x40: {  	_ =	shalt  }
0x41: {  	_ =	shalt  }
0x42: {  	_ =	shalt  }
0x43: {  	_ =	shalt  }
0x44: {  	_ =	shalt  }
0x45: {  	_ =	shalt  }
0x46: {  	_ =	shalt  }
0x47: {  	_ =	shalt  }
0x48: {  	_ =	shalt  }
0x49: {  	_ =	shalt  }
0x4a: {  	_ =	shalt  }
0x4b: {  	_ =	shalt  }
0x4c: {  	_ =	shalt  }
0x4d: {  	_ =	shalt  }
0x4e: {  	_ =	shalt  }
0x4f: {  	_ =	shalt  }
0x50: {  	_ =	shalt  }
0x51: {  	_ =	shalt  }
0x52: {  	_ =	shalt  }
0x53: {  	_ =	shalt  }
0x54: {  	_ =	shalt  }
0x55: {  	_ =	shalt  }
0x56: {  	_ =	shalt  }
0x57: {  	_ =	shalt  }
0x58: {  	_ =	shalt  }
0x59: {  	_ =	shalt  }
0x5a: {  	_ =	shalt  }
0x5b: {  	_ =	shalt  }
0x5c: {  	_ =	shalt  }
0x5d: {  	_ =	shalt  }
0x5e: {  	_ =	shalt  }
0x5f: {  	_ =	shalt  }
0x60: {  	_ =	shalt  }
0x61: {  	_ =	shalt  }
0x62: {  	_ =	shalt  }
0x63: {  	_ =	shalt  }
0x64: {  	_ =	shalt  }
0x65: {  	_ =	shalt  }
0x66: {  	_ =	shalt  }
0x67: {  	_ =	shalt  }
0x68: {  	_ =	shalt  }
0x69: {  	_ =	shalt  }
0x6a: {  	_ =	shalt  }
0x6b: {  	_ =	shalt  }
0x6c: {  	_ =	shalt  }
0x6d: {  	_ =	shalt  }
0x6e: {  	_ =	shalt  }
0x6f: {  	_ =	shalt  }
0x70: {  	_ =	shalt  }
0x71: {  	_ =	shalt  }
0x72: {  	_ =	shalt  }
0x73: {  	_ =	shalt  }
0x74: {  	_ =	shalt  }
0x75: {  	_ =	shalt  }
0x76: {  	_ =	shalt  }
0x77: {  	_ =	shalt  }
0x78: {  	_ =	shalt  }
0x79: {  	_ =	shalt  }
0x7a: {  	_ =	shalt  }
0x7b: {  	_ =	shalt  }
0x7c: {  	_ =	shalt  }
0x7d: {  	_ =	shalt  }
0x7e: {  	_ =	shalt  }
0x7f: {  	_ =	shalt  }
0x80: {  	_ =	shalt  }
0x81: {  	_ =	shalt  }
0x82: {  	_ =	shalt  }
0x83: {  	_ =	shalt  }
0x84: {  	_ =	shalt  }
0x85: {  	_ =	shalt  }
0x86: {  	_ =	shalt  }
0x87: {  	_ =	shalt  }
.Lfunc_end0:
.L_simem_size_0:
called_computation.1_lowered:
.L_overlay_start_0:
0x88: {  	s2 =	sld [smem:$0x3FD9]  }
0x89: {  	s3 =	sld [smem:$0x3FFE];
	_ =	sdelay $0x1  }
0x8a: {  	s1 =	srdreg.scid  }
0x8b: {  	s0 =	sand.u32 $0x1, s1  }
0x8c: {  	s16 =	sshll.u32 s0, $0xA;
	s2 =	sadd.s32 s3, s2  }
0x8d: {  	s2 =	sadd.s32 s2, s16  }
0x8e: {  	[smem:$0x3FBE] =	sst s2  }
0x8f: {  	_ = 	snop  }
0x90: {  	(tm) =	ssettm $0x1  }
0x91: {  	s17 =	sld [smem:$0x3FFB];
	_ =	sdelay $0x3  }
0x92: {  	_ =	strace s17  }
0x93: {  	s2 =	sld [smem:$0x3FFC];
	_ =	sdelay $0x3  }
0x94: {  	_ =	strace s2  }
0x95: {  	s2 =	sld [smem:$0x3FFD];
	_ =	sdelay $0x3  }
0x96: {  	_ =	strace s2  }
0x97: {  	_ =	strace $0x8FFFFFFF  }
0x98: {  	s18 =	sld [smem:$0x3FDB];
	_ =	sdelay $0x1  }
0x99: {  	s19 =	simm.s32 $_scs_section_size  }
0x9a: {  	s4 =	simm.s32 $_size__tile_overlayer_lowered;
	s5 =	simm.s32 $_tile_overlayer_lowered  }
0x9b: {  	s22 =	simm.s32 $0x1BFF;
	s21 =	sshll.u32 s5, $0x1;
	s2 =	sadd.s32 s19, s18  }
0x9c: {  	s6 =	simm.s32 $0x0;
	s20 =	sshll.u32 s4, $0x1;
	s4 =	sadd.s32 s21, s2  }
0x9d: {  	[timem:s6], [sflag:s22] =	dma.local [hbm:s4], s20  }
0x9e: {  	_ =	swait.ge [sflag:s22], s20  }
0x9f: {  	s3 =	ssub.s32 $0x0, s20;
	[sflag:s22] =	ssyncset.done $0x0  }
0xa0: {  	[sflag:s22] =	ssyncadd.s32 s3;
	_ =	sdelay $0x1  }
0xa1: {  	s23 =	simm.s32 $0x1B8B  }
0xa2: {  	_ =	swait.ge [sflag:s23], $0x1  }
0xa3: {  	[sflag:s23] =	ssyncset.done $0x0  }
0xa4: {  	s25 =	simm.s32 $0x1B8E;
	s24 =	sld [smem:$0x3FFE];
	[sflag:s23] =	ssyncadd.s32 $0xFFFFFFFF  }
0xa5: {  	s26 =	simm.s32 $execute0_lowered;
	[smem:$0x3FD2] =	sst s25  }
0xa6: {  	s4 =	sshll.u32 s26, $0x1;
	_ =	strace $0x80000049;
	[dreg:$0x1] =	wrdreg $0xFFFFFFFF  }
0xa7: {  	s28 =	simm.s32 $_size_execute0_lowered;
	s2 =	sadd.s32 s2, s4;
	[dreg:$0x0] =	wrdreg $0x0  }
0xa8: {  	s4 =	sshll.u32 s28, $0x1;
	[dreg:$0x2] =	wrdreg s2  }
0xa9: {  	[dreg:$0x3] =	wrdreg s4  }
0xaa: {  	[dreg:$0x4] =	wrdreg $0xC0  }
0xab: {  	_ =	task [dreg:s6], $0x5FFFF  }
0xac: {  	[dreg:$0x1] =	wrdreg $0xFFFFFFFF  }
0xad: {  	[dreg:$0x0] =	wrdreg $0x60  }
0xae: {  	[dreg:$0x2] =	wrdreg s24  }
0xaf: {  	[dreg:$0x3] =	wrdreg $0x0  }
0xb0: {  	[dreg:$0x4] =	wrdreg $0x9  }
0xb1: {  	_ =	task.clear_ibuf [dreg:s6], $0x5FFFF;
	_ =	strace $0x90000049  }
0xb2: {  	s29 =	simm.s32 $0x9;
	_ =	strace $0x8000004B  }
0xb3: {  	_ =	swait.ge [sflag:s29], $0x1  }
0xb4: {  	[sflag:s29] =	ssyncadd.s32 $0xFFFFFFFF  }
0xb5: {  	_ =	strace $0x9000004B  }
0xb6: {  	_ =	sfence  }
0xb7: {  	s30 =	sld [smem:$0x0];
	_ =	sdelay $0x2  }
0xb8: {  	s31 =	sshll.u32 s1, $0xD;
	s1 =	sshrl.u32 s1, $0x2  }
0xb9: {  	s3 =	sand.u32 $0x4000, s31;
	s1 =	sadd.s32 s1, s30  }
0xba: {  	s0 =	sor.u32 s3, s0;
	s1 =	sshll.u32 s1, $0x11  }
0xbb: {  	s0 =	sor.u32 s1, s0  }
0xbc: {  	s0 =	sadd.s32 $0x8F2B, s0  }
0xbd: {  	[sflag:s0] =	ssyncadd.remote.s32 $0x1  }
0xbe: {  	_ =	sfence.sel $0xFFFF  }
0xbf: {  	[dreg:$0x0] =	wrdreg $0xFFFFFFFF;
	(pc) =	sbr.abs _section_cstart, $3  }
0xc0: {  	[dreg:$0x1] =	wrdreg $0xFFFFFFFF  }
0xc1: {  	_ =	task.clear_ibuf [dreg:s6], $0x2FFFF;
	_ =	strace $0x9FFFFFFF  }
0xc2: {  	(tm) =	ssettm $0x7FFFFFFF  }
0xc3: {  	_ =	shalt  }
tec
execute0_lowered:
.L_overlay_start_1:
0x0: {  	(tag) =	ssettag $0x1  }
0x1: {  	s0 =	rddreg [dreg:$0x0]  }
0x2: {  	s1 =	rddreg [dreg:$0x1];
	s3 =	simm.s32 $0x0  }
0x3: {  	s2 =	srdreg.scid;
	s8 =	stileid.u32;
	s14 =	simm.s32 $0x14400  }
0x4: {  	s15 =	simm.s32 $0x3;
	s16 =	simm.s32 $0x13C00;
	s17 =	simm.s32 $0x14000  }
0x5: {  	s28 =	simm.s32 $0x13E00;
	s29 =	simm.s32 $0x14180;
	s30 =	simm.s32 $0x13E80  }
0x6: {  	s31 =	simm.s32 $0x14200;
	[smem:$0x7FF] =	sst s3;
	s4 =	smul.u32 $0x98, s8  }
0x7: {  	s2 =	sand.u32 $0x1, s2;
	s5 =	sshll.u32 s8, $0x3;
	s7 =	smul.u32 $0x13C00, s8  }
0x8: {  	s8 =	smul.u32 $0x4F000, s8;
	p0 =	seq.s32 s2, $0x0;
	s5 =	sor.u32 $0x980, s5  }
0x9: {  	s6 =	smul.u32 $0x13C000, s2;
	_ =	strace $0x8000004A;
	s19 =	ssub.s32 $0x2, s2  }
0xa: {  	s5 =	smov.u32 @p0 s4;
	s4 =	sadd.s32 $0x1A200, s0;
	s20 =	sshrl.u32 s8, $0x2  }
0xb: {  	s21 =	sshrl.u32 s19, $0x1;
	p0 =	sne.s32 s2, $0x0;
	s2 =	simm.s32 $0x14280  }
0xc: {  	s8 =	simm.s32 $0x14380;
	s5 =	sshll.u32 s5, $0x4;
	s18 =	sadd.s32 s7, s6  }
0xd: {  	s6 =	ssub.s32 s19, s21;
	s19 =	simm.s32 $0x13C80;
	s21 =	simm.s32 $0x1  }
0xe: {  	s9 =	sadd.s32 s5, s0;
	s5 =	sshrl.u32 s18, $0x3;
	s25 =	smax.u32 s6, $0x1  }
0xf: {  	s18 =	simm.s32 $0x80;
	s6 =	simm.s32 $0x13F80;
	s0 =	sadd.s32 s5, s0  }
0x10: {  	s5 =	sadd.s32 s20, s1;
	[dreg:$0x8] =	wrdreg s25;
	s26 =	sadd.s32 $0x69200, s9  }
0x11: {  	s10 =	sadd.s32 $0x10200, s9;
	s7 =	sadd.s32 $0x4000, s5;
	[dreg:$0x9] =	wrdreg s26  }
0x12: {  	s20 =	simm.s32 $0x18400;
	s22 =	sadd.s32 $0x8000, s5;
	[dreg:$0x3] =	wrdreg s7  }
0x13: {  	s25 =	simm.s32 $0x13D80;
	s23 =	sadd.s32 $0xC000, s5;
	[dreg:$0x4] =	wrdreg s22  }
0x14: {  	s9 =	simm.s32 $0x0;
	s24 =	sadd.s32 $0x10000, s5;
	[dreg:$0x5] =	wrdreg s23  }
0x15: {  	s0 =	sadd.s32 $0x73200, s0;
	s26 =	simm.s32 $0x14100;
	[dreg:$0x6] =	wrdreg s24  }
0x16: {  	[dreg:$0x7] =	wrdreg s0;
	s22 =	simm.s32 $0x2;
	s23 =	simm.s32 $0x13D00  }
0x17: {  	v0 =	vimm.f32 $0.0e+00;
	s24 =	simm.s32 $0x14080;
	s0 =	simm.s32 $0x13F00;
	s7 =	simm.s32 $0x14300  }
.LBB2_1:
0x18: {  	s11 =	simm.s32 $0x0;
	s12 =	simm.s32 $0x200  }
.LBB2_2:
0x19: {  	p1 =	sne.s32 s12, $0xFE00;
	[tilespmem:s11+$0x14470] =	vst v0  }
0x1a: {  	[tilespmem:s11+$0x14400] =	vst v0  }
0x1b: {  	[tilespmem:s11+$0x14410] =	vst v0  }
.Ltmp0:
0x1c: {  	[tilespmem:s11+$0x14420] =	vst v0;
	(pc) =	sbr.rel @p1 .LBB2_2-.Ltmp0, $4  }
0x1d: {  	[tilespmem:s11+$0x14430] =	vst v0  }
0x1e: {  	[tilespmem:s11+$0x14440] =	vst v0  }
0x1f: {  	[tilespmem:s11+$0x14450] =	vst v0  }
0x20: {  	[tilespmem:s11+$0x14460] =	vst v0;
	s11 =	sshra.s32 s12, $0x2;
	s12 =	sadd.s32 $0x200, s12  }
0x21: {  	[tilespmem:s11+$0x14470] =	vst v0  }
0x22: {  	[tilespmem:s11+$0x14400] =	vst v0  }
0x23: {  	[tilespmem:s11+$0x14410] =	vst v0  }
0x24: {  	[tilespmem:s11+$0x14420] =	vst v0  }
0x25: {  	[tilespmem:s11+$0x14430] =	vst v0  }
0x26: {  	[tilespmem:s11+$0x14440] =	vst v0  }
0x27: {  	[tilespmem:s11+$0x14450] =	vst v0  }
0x28: {  	[tilespmem:s11+$0x14460] =	vst v0  }
0x29: {  	[spmem:s5] =	stream.linear.scatter [tilespmem:s14], [sflag:$0x3], $0x4000, $0x38;
	[tilespmem:$0x1C400] =	vst v63  }
0x2a: {  	_ =	swait.ge [sflag:s15], $0x4000  }
0x2b: {  	[sflag:s15] =	ssyncset.done $0x0  }
0x2c: {  	s12 =	rddreg [dreg:$0x3];
	[sflag:s15] =	ssyncadd.s32 $0xFFFFC000  }
0x2d: {  	[spmem:s12] =	stream.linear.scatter [tilespmem:s14], [sflag:$0x3], $0x4000, $0x38;
	[tilespmem:$0x1C400] =	vst v63  }
0x2e: {  	_ =	swait.ge [sflag:s15], $0x4000  }
0x2f: {  	[sflag:s15] =	ssyncset.done $0x0  }
0x30: {  	s13 =	rddreg [dreg:$0x4];
	[sflag:s15] =	ssyncadd.s32 $0xFFFFC000  }
0x31: {  	[spmem:s13] =	stream.linear.scatter [tilespmem:s14], [sflag:$0x3], $0x4000, $0x38;
	[tilespmem:$0x1C400] =	vst v63  }
0x32: {  	_ =	swait.ge [sflag:s15], $0x4000  }
0x33: {  	[sflag:s15] =	ssyncset.done $0x0  }
0x34: {  	s12 =	rddreg [dreg:$0x5];
	[sflag:s15] =	ssyncadd.s32 $0xFFFFC000  }
0x35: {  	[spmem:s12] =	stream.linear.scatter [tilespmem:s14], [sflag:$0x3], $0x4000, $0x38;
	[tilespmem:$0x1C400] =	vst v63  }
0x36: {  	_ =	swait.ge [sflag:s15], $0x4000  }
0x37: {  	[sflag:s15] =	ssyncset.done $0x0  }
0x38: {  	s13 =	rddreg [dreg:$0x6];
	[sflag:s15] =	ssyncadd.s32 $0xFFFFC000  }
0x39: {  	[spmem:s13] =	stream.linear.scatter [tilespmem:s14], [sflag:$0x3], $0x3C00, $0x38;
	[tilespmem:$0x1C400] =	vst v63  }
0x3a: {  	_ =	swait.ge [sflag:s15], $0x3C00  }
0x3b: {  	[sflag:s15] =	ssyncset.done $0x0  }
0x3c: {  	[sflag:s15] =	ssyncadd.s32 $0xFFFFC400  }
0x3d: {  	[bflag:$0x0] =	sbarrier.arrive $0xFFFF  }
0x3e: {  	s11 =	simm.s32 $0x0;
	s13 =	smov.u32 s10;
	s12 =	rddreg [dreg:$0x9]  }
.LBB2_4:
0x3f: {  	[tilespmem:s16], [sflag:$0x3] =	stream.linear.gather [hbm4b:s12+s3], $0x400, $0x38;
	[tilespmem:$0x1C400] =	vst v63  }
0x40: {  	_ =	swait.ge [sflag:s15], $0x400  }
0x41: {  	[sflag:s15] =	ssyncset.done $0x0  }
0x42: {  	[sflag:s15] =	ssyncadd.s32 $0xFFFFFC00  }
0x43: {  	[tilespmem:s17], [sflag:$0x3] =	stream.linear.gather [hbm4b:s13+s3], $0x400, $0x38;
	[tilespmem:$0x1C400] =	vst v63  }
0x44: {  	_ =	swait.ge [sflag:s15], $0x400  }
0x45: {  	[sflag:s15] =	ssyncset.done $0x0  }
0x46: {  	[sflag:s15] =	ssyncadd.s32 $0xFFFFFC00  }
0x47: {  	[tilespmem:s14], [sflag:$0x1] =	stream.indirect.gather [hbm4b:s4+s18], $0x80, s16, s18, $0xb8;
	[tilespmem:$0x1C400] =	vst v63  }
0x48: {  	_ = 	snop  }
0x49: {  	[tilespmem:s20], [sflag:$0x1] =	stream.indirect.gather [hbm4b:s4+s18], $0x80, s19, s18, $0xb8;
	[tilespmem:$0x1C400] =	vst v63  }
0x4a: {  	_ =	swait.ge [sflag:s21], $0x4000  }
0x4b: {  	[sflag:s21] =	ssyncset.done $0x0  }
0x4c: {  	[sflag:s21] =	ssyncadd.s32 $0xFFFFC000  }
0x4d: {  	[spmem:s1] =	stream.indirect.scatter.add.f32 [tilespmem:s14], [sflag:$0x2], $0x80, s17, s18, $0xb8;
	[tilespmem:$0x1C400] =	vst v63  }
0x4e: {  	_ =	swait.ge [sflag:s22], $0x4000  }
0x4f: {  	[sflag:s22] =	ssyncset.done $0x0  }
0x50: {  	[sflag:s22] =	ssyncadd.s32 $0xFFFFC000  }
0x51: {  	[tilespmem:s14], [sflag:$0x1] =	stream.indirect.gather [hbm4b:s4+s18], $0x80, s23, s18, $0xb8;
	[tilespmem:$0x1C400] =	vst v63  }
0x52: {  	_ =	swait.ge [sflag:s21], $0x4000  }
0x53: {  	[sflag:s21] =	ssyncset.done $0x0  }
0x54: {  	[sflag:s21] =	ssyncadd.s32 $0xFFFFC000  }
0x55: {  	[spmem:s1] =	stream.indirect.scatter.add.f32 [tilespmem:s20], [sflag:$0x2], $0x80, s24, s18, $0xb8;
	[tilespmem:$0x1C400] =	vst v63  }
0x56: {  	_ =	swait.ge [sflag:s22], $0x4000  }
0x57: {  	[sflag:s22] =	ssyncset.done $0x0  }
0x58: {  	[sflag:s22] =	ssyncadd.s32 $0xFFFFC000  }
0x59: {  	[tilespmem:s20], [sflag:$0x1] =	stream.indirect.gather [hbm4b:s4+s18], $0x80, s25, s18, $0xb8;
	[tilespmem:$0x1C400] =	vst v63  }
0x5a: {  	_ =	swait.ge [sflag:s21], $0x4000  }
0x5b: {  	[sflag:s21] =	ssyncset.done $0x0  }
0x5c: {  	[sflag:s21] =	ssyncadd.s32 $0xFFFFC000  }
0x5d: {  	[spmem:s1] =	stream.indirect.scatter.add.f32 [tilespmem:s14], [sflag:$0x2], $0x80, s26, s18, $0xb8;
	[tilespmem:$0x1C400] =	vst v63  }
0x5e: {  	_ =	swait.ge [sflag:s22], $0x4000  }
0x5f: {  	[sflag:s22] =	ssyncset.done $0x0  }
0x60: {  	[sflag:s22] =	ssyncadd.s32 $0xFFFFC000  }
0x61: {  	[tilespmem:s14], [sflag:$0x1] =	stream.indirect.gather [hbm4b:s4+s18], $0x80, s28, s18, $0xb8;
	[tilespmem:$0x1C400] =	vst v63  }
0x62: {  	_ =	swait.ge [sflag:s21], $0x4000  }
0x63: {  	[sflag:s21] =	ssyncset.done $0x0  }
0x64: {  	[sflag:s21] =	ssyncadd.s32 $0xFFFFC000  }
0x65: {  	[spmem:s1] =	stream.indirect.scatter.add.f32 [tilespmem:s20], [sflag:$0x2], $0x80, s29, s18, $0xb8;
	[tilespmem:$0x1C400] =	vst v63  }
0x66: {  	_ =	swait.ge [sflag:s22], $0x4000  }
0x67: {  	[sflag:s22] =	ssyncset.done $0x0  }
0x68: {  	[sflag:s22] =	ssyncadd.s32 $0xFFFFC000  }
0x69: {  	[tilespmem:s20], [sflag:$0x1] =	stream.indirect.gather [hbm4b:s4+s18], $0x80, s30, s18, $0xb8;
	[tilespmem:$0x1C400] =	vst v63  }
0x6a: {  	_ =	swait.ge [sflag:s21], $0x4000  }
0x6b: {  	[sflag:s21] =	ssyncset.done $0x0  }
0x6c: {  	[sflag:s21] =	ssyncadd.s32 $0xFFFFC000  }
0x6d: {  	[spmem:s1] =	stream.indirect.scatter.add.f32 [tilespmem:s14], [sflag:$0x2], $0x80, s31, s18, $0xb8;
	[tilespmem:$0x1C400] =	vst v63  }
0x6e: {  	_ =	swait.ge [sflag:s22], $0x4000  }
0x6f: {  	[sflag:s22] =	ssyncset.done $0x0  }
0x70: {  	[sflag:s22] =	ssyncadd.s32 $0xFFFFC000  }
0x71: {  	[tilespmem:s14], [sflag:$0x1] =	stream.indirect.gather [hbm4b:s4+s18], $0x80, s0, s18, $0xb8;
	[tilespmem:$0x1C400] =	vst v63  }
0x72: {  	_ =	swait.ge [sflag:s21], $0x4000  }
0x73: {  	[sflag:s21] =	ssyncset.done $0x0  }
0x74: {  	[sflag:s21] =	ssyncadd.s32 $0xFFFFC000  }
0x75: {  	[spmem:s1] =	stream.indirect.scatter.add.f32 [tilespmem:s20], [sflag:$0x2], $0x80, s2, s18, $0xb8;
	[tilespmem:$0x1C400] =	vst v63  }
0x76: {  	_ =	swait.ge [sflag:s22], $0x4000  }
0x77: {  	[sflag:s22] =	ssyncset.done $0x0  }
0x78: {  	[sflag:s22] =	ssyncadd.s32 $0xFFFFC000  }
0x79: {  	[tilespmem:s20], [sflag:$0x1] =	stream.indirect.gather [hbm4b:s4+s18], $0x80, s6, s18, $0xb8;
	[tilespmem:$0x1C400] =	vst v63  }
0x7a: {  	_ =	swait.ge [sflag:s21], $0x4000  }
0x7b: {  	[sflag:s21] =	ssyncset.done $0x0  }
0x7c: {  	[sflag:s21] =	ssyncadd.s32 $0xFFFFC000  }
0x7d: {  	[spmem:s1] =	stream.indirect.scatter.add.f32 [tilespmem:s14], [sflag:$0x2], $0x80, s7, s18, $0xb8;
	[tilespmem:$0x1C400] =	vst v63  }
0x7e: {  	_ =	swait.ge [sflag:s21], $0x4000  }
0x7f: {  	[sflag:s21] =	ssyncset.done $0x0  }
0x80: {  	p1 =	slt.u32 @!p0 s11, $0x12;
	[sflag:s21] =	ssyncadd.s32 $0xFFFFC000  }
0x81: {  	[spmem:s1] =	stream.indirect.scatter.add.f32 [tilespmem:s20], [sflag:$0x2], $0x80, s8, s18, $0xb8;
	[tilespmem:$0x1C400] =	vst v63  }
0x82: {  	p1 =	por p0, !p1;
	_ =	swait.ge [sflag:s22], $0x4000  }
.Ltmp1:
0x83: {  	[sflag:s22] =	ssyncset.done $0x0;
	(pc) =	sbr.rel @!p1 .LBB2_4-.Ltmp1, $4  }
0x84: {  	[sflag:s22] =	ssyncadd.s32 $0xFFFFC000  }
0x85: {  	_ =	swait.ge [sflag:s22], $0x4000  }
0x86: {  	s11 =	sadd.s32 $0x1, s11;
	[sflag:s22] =	ssyncset.done $0x0  }
0x87: {  	s12 =	sadd.s32 $0x80, s12;
	s13 =	sadd.s32 $0x80, s13;
	[sflag:s22] =	ssyncadd.s32 $0xFFFFC000  }
0x88: {  	s11 =	stileid.u32  }
0x89: {  	[bflag:$0x0] =	sbarrier.arrive $0xFFFF;
	s11 =	sshll.u32 s11, $0x6  }
0x8a: {  	s12 =	sshrl.u32 s5, $0x3;
	s13 =	rddreg [dreg:$0x7];
	s11 =	sor.u32 $0x1C03, s11  }
0x8b: {  	[hbm:s13], [sflag:s11] =	dma.local [spmem:s12], $0x2780  }
0x8c: {  	_ =	swait.ge [sflag:s15], $0x2780  }
0x8d: {  	s9 =	sadd.s32 $0x1, s9;
	s13 =	rddreg [dreg:$0x8]  }
0x8e: {  	p1 =	sne.s32 s9, s13  }
.Ltmp2:
0x8f: {  	_ = 	snop;
	(pc) =	sbr.rel @p1 .LBB2_1-.Ltmp2, $3  }
0x90: {  	_ =	sdelay $0x1  }
0x91: {  	[sflag:s15] =	ssyncset.done $0x0  }
0x92: {  	[sflag:s15] =	ssyncadd.s32 $0xFFFFD880  }
0x93: {  	_ =	sfence.sel $0x180000  }
0x94: {  	[bflag:$0x0] =	sbarrier.arrive $0xFFFF  }
0x95: {  	_ =	strace $0x9000004A  }
0x96: {  	s0 =	stileid.u32;
	[bflag:$0x2] =	sbarrier.arrive $0xFFFF  }
0x97: {  	p0 =	sne.s32 s0, $0x0;
	s0 =	rddreg [dreg:$0x2]  }
0x98: {  	s0 =	sadd.s32 @!p0 $0x100000, s0  }
0x99: {  	[sflag:s0] =	ssyncadd.tile.s32 @!p0 $0x1;
	_ =	shalt  }
.Lfunc_end2:
_tile_overlayer_lowered:
.L_overlay_start_2:
0x9a: {  	(tag) =	ssettag $0x2  }
0x9b: {  	s0 =	rddreg [dreg:$0x0];
	s2 =	stileid.u32  }
0x9c: {  	s1 =	rddreg [dreg:$0x1];
	p0 =	sne.s32 s2, $0x0  }
0x9d: {  	s3 =	rddreg [dreg:$0x2];
	[bflag:$0x3] =	sbarrier.arrive $0xFFFF;
	s2 =	simm.s32 @!p0 $0x1C03  }
0x9e: {  	[timem:s3], [sflag:s2] =	dma.local @!p0 [hbm:s0], s1  }
0x9f: {  	s0 =	simm.s32 @!p0 $0x3  }
0xa0: {  	_ =	swait.ge @!p0 [sflag:s0], s1  }
0xa1: {  	s1 =	ssub.s32 @!p0 $0x0, s1;
	[sflag:s0] =	ssyncset.done @!p0 $0x0  }
0xa2: {  	[sflag:s0] =	ssyncadd.s32 @!p0 s1  }
0xa3: {  	[bflag:$0x3] =	sbarrier.arrive $0xFFFF  }
0xa4: {  	_ =	shalt  }

// kernel: kernel.19.cloned.1.call-start
scs
__scs_entry_jumppad:
0x0: {  	(pc) =	sbr.rel $0x88, $3  }
0x1: {  	(tag) =	ssettag $0x0;
	lr =	simm.s32 $0x1  }
0x2: {  	[smem:$0x3F97] =	sst lr;
	_ =	strace $0xD0000000  }
0x3: {  	_ = 	snop  }
0x4: {  	_ = 	snop  }
0x5: {  	_ = 	snop  }
0x6: {  	_ = 	snop  }
0x7: {  	_ = 	snop  }
__scs_overlays_trampoline_lowered:
0x8: {  	[smem:$0x3FA6] =	sst s0  }
0x9: {  	[smem:$0x3FA7] =	sst s1  }
0xa: {  	[smem:$0x3FA8] =	sst s2  }
0xb: {  	[smem:$0x3FA9] =	sst s3  }
0xc: {  	[smem:$0x3FAA] =	sst s4  }
0xd: {  	[smem:$0x3FAB] =	sst s5  }
0xe: {  	[smem:$0x3FAC] =	sst s6  }
0xf: {  	[smem:$0x3FAD] =	sst s7  }
0x10: {  	[smem:$0x3FAE] =	sst s8  }
0x11: {  	[smem:$0x3FAF] =	sst s9;
	s0 =	simm.s32 @!p0 $0x0  }
0x12: {  	s1 =	sld [smem:$0x3F95];
	s0 =	simm.s32 @p0 $0x1  }
0x13: {  	[smem:$0x3FB0] =	sst s0;
	s0 =	simm.s32 @!p1 $0x0  }
0x14: {  	s2 =	sld [smem:$0x3F94];
	s0 =	simm.s32 @p1 $0x1  }
0x15: {  	[smem:$0x3FB1] =	sst s0;
	s0 =	simm.s32 @!p2 $0x0  }
0x16: {  	s3 =	sld [smem:$0x3FDB];
	s0 =	simm.s32 @p2 $0x1  }
0x17: {  	s4 =	simm.s32 $0x1BF5;
	[smem:$0x3FB3] =	sst s0  }
0x18: {  	s0 =	sld [smem:$0x3F96];
	_ =	swait.ge [sflag:s4], $0x0  }
0x19: {  	s7 =	sld [smem:$0x3F97]  }
0x1a: {  	s8 =	sadd.s32 $0xFFFFE003, lr  }
0x1b: {  	s9 =	sadd.s32 $0xFFFFFEF7, lr;
	s5 =	simm.s32 $0xFFFFFFFF;
	p2 =	slt.u32 s8, $0xFFFFF086  }
0x1c: {  	p1 =	slt.u32 s9, $0xF7A;
	s5 =	simm.s32 @!p2 $0x0  }
0x1d: {  	s5 =	simm.s32 @p1 $0x1;
	p0 =	seq.s32 s7, s2  }
0x1e: {  	s7 =	smul.u32 @!p0 $0xF7A, s2;
	p2 =	seq.s32 @!p0 s5, $0x0  }
0x1f: {  	s9 =	smul.u32 $0xF7A, s1;
	s8 =	simm.s32 @!p0 $0x1BF5;
	p2 =	por !p2, p0  }
0x20: {  	[sflag:s8] =	ssyncset.s32 @!p0 $0xFFFFF086;
	s6 =	sadd.s32 @!p0 s3, s7;
	s7 =	simm.s32 @!p0 $0x108  }
0x21: {  	s3 =	sadd.s32 s3, s9;
	s6 =	sadd.s32 @!p0 $0x88, s6;
	s7 =	simm.s32 @p2 $0x1082  }
0x22: {  	[simem:s7], [sflag:s8] =	dma.local @!p0 [hbm:s6], $0xF7A  }
0x23: {  	s9 =	sor.u32 $0xD0000000, s2;
	s6 =	simm.s32 $0x108;
	_ =	swait.ge @!p0 [sflag:s8], $0x0  }
0x24: {  	s3 =	sadd.s32 $0x88, s3;
	s6 =	simm.s32 @!p1 $0x1082;
	[sflag:s4] =	ssyncset.s32 $0xFFFFF086  }
0x25: {  	[simem:s6], [sflag:s4] =	dma.local [hbm:s3], $0xF7A  }
0x26: {  	[smem:$0x3F97] =	sst s1;
	(tag) =	ssettag s2;
	_ =	strace s9  }
0x27: {  	s1 =	sld [smem:$0x3FA7]  }
0x28: {  	s2 =	sld [smem:$0x3FA8]  }
0x29: {  	s4 =	sld [smem:$0x3FAA]  }
0x2a: {  	p0 =	seq.s32 s5, $0x0;
	s5 =	sld [smem:$0x3FAB]  }
0x2b: {  	s6 =	sld [smem:$0x3FAC]  }
0x2c: {  	s7 =	sld [smem:$0x3FAD]  }
0x2d: {  	s3 =	simm.s32 $0x108;
	s8 =	sld [smem:$0x3FAE]  }
0x2e: {  	s3 =	simm.s32 @!p0 $0x1082;
	s9 =	sld [smem:$0x3FAF]  }
0x2f: {  	lr =	sadd.s32 s0, s3;
	s0 =	sld [smem:$0x3FA6]  }
0x30: {  	s3 =	sld [smem:$0x3FA9]  }
0x31: {  	[smem:$0x3FB2] =	sst s10  }
0x32: {  	s10 =	sld [smem:$0x3FB0];
	_ =	sdelay $0x3  }
0x33: {  	p0 =	seq.s32 s10, $0x1;
	s10 =	sld [smem:$0x3FB2];
	_ =	sdelay $0x3  }
0x34: {  	[smem:$0x3FB2] =	sst s10  }
0x35: {  	s10 =	sld [smem:$0x3FB1];
	_ =	sdelay $0x3  }
0x36: {  	p1 =	seq.s32 s10, $0x1;
	s10 =	sld [smem:$0x3FB2];
	_ =	sdelay $0x3  }
0x37: {  	[smem:$0x3FB2] =	sst s10  }
0x38: {  	s10 =	sld [smem:$0x3FB3]  }
0x39: {  	_ = 	snop;
	(pc) =	sbr.ind lr, $3  }
0x3a: {  	_ = 	snop  }
0x3b: {  	_ = 	snop  }
0x3c: {  	p2 =	seq.s32 s10, $0x1;
	s10 =	sld [smem:$0x3FB2]  }
0x3d: {  	_ =	shalt  }
0x3e: {  	_ =	shalt  }
0x3f: {  	_ =	shalt  }
0x40: {  	_ =	shalt  }
0x41: {  	_ =	shalt  }
0x42: {  	_ =	shalt  }
0x43: {  	_ =	shalt  }
0x44: {  	_ =	shalt  }
0x45: {  	_ =	shalt  }
0x46: {  	_ =	shalt  }
0x47: {  	_ =	shalt  }
0x48: {  	_ =	shalt  }
0x49: {  	_ =	shalt  }
0x4a: {  	_ =	shalt  }
0x4b: {  	_ =	shalt  }
0x4c: {  	_ =	shalt  }
0x4d: {  	_ =	shalt  }
0x4e: {  	_ =	shalt  }
0x4f: {  	_ =	shalt  }
0x50: {  	_ =	shalt  }
0x51: {  	_ =	shalt  }
0x52: {  	_ =	shalt  }
0x53: {  	_ =	shalt  }
0x54: {  	_ =	shalt  }
0x55: {  	_ =	shalt  }
0x56: {  	_ =	shalt  }
0x57: {  	_ =	shalt  }
0x58: {  	_ =	shalt  }
0x59: {  	_ =	shalt  }
0x5a: {  	_ =	shalt  }
0x5b: {  	_ =	shalt  }
0x5c: {  	_ =	shalt  }
0x5d: {  	_ =	shalt  }
0x5e: {  	_ =	shalt  }
0x5f: {  	_ =	shalt  }
0x60: {  	_ =	shalt  }
0x61: {  	_ =	shalt  }
0x62: {  	_ =	shalt  }
0x63: {  	_ =	shalt  }
0x64: {  	_ =	shalt  }
0x65: {  	_ =	shalt  }
0x66: {  	_ =	shalt  }
0x67: {  	_ =	shalt  }
0x68: {  	_ =	shalt  }
0x69: {  	_ =	shalt  }
0x6a: {  	_ =	shalt  }
0x6b: {  	_ =	shalt  }
0x6c: {  	_ =	shalt  }
0x6d: {  	_ =	shalt  }
0x6e: {  	_ =	shalt  }
0x6f: {  	_ =	shalt  }
0x70: {  	_ =	shalt  }
0x71: {  	_ =	shalt  }
0x72: {  	_ =	shalt  }
0x73: {  	_ =	shalt  }
0x74: {  	_ =	shalt  }
0x75: {  	_ =	shalt  }
0x76: {  	_ =	shalt  }
0x77: {  	_ =	shalt  }
0x78: {  	_ =	shalt  }
0x79: {  	_ =	shalt  }
0x7a: {  	_ =	shalt  }
0x7b: {  	_ =	shalt  }
0x7c: {  	_ =	shalt  }
0x7d: {  	_ =	shalt  }
0x7e: {  	_ =	shalt  }
0x7f: {  	_ =	shalt  }
0x80: {  	_ =	shalt  }
0x81: {  	_ =	shalt  }
0x82: {  	_ =	shalt  }
0x83: {  	_ =	shalt  }
0x84: {  	_ =	shalt  }
0x85: {  	_ =	shalt  }
0x86: {  	_ =	shalt  }
0x87: {  	_ =	shalt  }
.Lfunc_end0:
.L_simem_size_0:
called_computation.2_lowered:
.L_overlay_start_0:
0x88: {  	s2 =	sld [smem:$0x3FD9]  }
0x89: {  	s3 =	sld [smem:$0x3FFE];
	_ =	sdelay $0x1  }
0x8a: {  	s1 =	srdreg.scid  }
0x8b: {  	s0 =	sand.u32 $0x1, s1  }
0x8c: {  	s16 =	sshll.u32 s0, $0xA;
	s2 =	sadd.s32 s3, s2  }
0x8d: {  	s2 =	sadd.s32 s2, s16  }
0x8e: {  	[smem:$0x3FBE] =	sst s2  }
0x8f: {  	_ = 	snop  }
0x90: {  	(tm) =	ssettm $0x1  }
0x91: {  	s17 =	sld [smem:$0x3FFB];
	_ =	sdelay $0x3  }
0x92: {  	_ =	strace s17  }
0x93: {  	s2 =	sld [smem:$0x3FFC];
	_ =	sdelay $0x3  }
0x94: {  	_ =	strace s2  }
0x95: {  	s2 =	sld [smem:$0x3FFD];
	_ =	sdelay $0x3  }
0x96: {  	_ =	strace s2  }
0x97: {  	_ =	strace $0x8FFFFFFF  }
0x98: {  	s18 =	sld [smem:$0x3FDB];
	_ =	sdelay $0x1  }
0x99: {  	s19 =	simm.s32 $_scs_section_size  }
0x9a: {  	s4 =	simm.s32 $_size__tile_overlayer_lowered;
	s5 =	simm.s32 $_tile_overlayer_lowered  }
0x9b: {  	s22 =	simm.s32 $0x1BFF;
	s21 =	sshll.u32 s5, $0x1;
	s2 =	sadd.s32 s19, s18  }
0x9c: {  	s6 =	simm.s32 $0x0;
	s20 =	sshll.u32 s4, $0x1;
	s4 =	sadd.s32 s21, s2  }
0x9d: {  	[timem:s6], [sflag:s22] =	dma.local [hbm:s4], s20  }
0x9e: {  	_ =	swait.ge [sflag:s22], s20  }
0x9f: {  	s3 =	ssub.s32 $0x0, s20;
	[sflag:s22] =	ssyncset.done $0x0  }
0xa0: {  	[sflag:s22] =	ssyncadd.s32 s3;
	_ =	sdelay $0x1  }
0xa1: {  	s23 =	simm.s32 $0x1B8B  }
0xa2: {  	_ =	swait.ge [sflag:s23], $0x1  }
0xa3: {  	[sflag:s23] =	ssyncset.done $0x0  }
0xa4: {  	s25 =	simm.s32 $0x1B8E;
	s24 =	sld [smem:$0x3FFE];
	[sflag:s23] =	ssyncadd.s32 $0xFFFFFFFF  }
0xa5: {  	s26 =	simm.s32 $execute0_lowered;
	[smem:$0x3FD2] =	sst s25  }
0xa6: {  	s4 =	sshll.u32 s26, $0x1;
	_ =	strace $0x8000004C;
	[dreg:$0x1] =	wrdreg $0xFFFFFFFF  }
0xa7: {  	s28 =	simm.s32 $_size_execute0_lowered;
	s2 =	sadd.s32 s2, s4;
	[dreg:$0x0] =	wrdreg $0x0  }
0xa8: {  	s4 =	sshll.u32 s28, $0x1;
	[dreg:$0x2] =	wrdreg s2  }
0xa9: {  	[dreg:$0x3] =	wrdreg s4  }
0xaa: {  	[dreg:$0x4] =	wrdreg $0xC0  }
0xab: {  	_ =	task [dreg:s6], $0x5FFFF  }
0xac: {  	[dreg:$0x1] =	wrdreg $0xFFFFFFFF  }
0xad: {  	[dreg:$0x0] =	wrdreg $0x60  }
0xae: {  	[dreg:$0x2] =	wrdreg s24  }
0xaf: {  	[dreg:$0x3] =	wrdreg $0x0  }
0xb0: {  	[dreg:$0x4] =	wrdreg $0x9  }
0xb1: {  	_ =	task.clear_ibuf [dreg:s6], $0x5FFFF;
	_ =	strace $0x9000004C  }
0xb2: {  	s29 =	simm.s32 $0x9;
	_ =	strace $0x8000004E  }
0xb3: {  	_ =	swait.ge [sflag:s29], $0x1  }
0xb4: {  	[sflag:s29] =	ssyncadd.s32 $0xFFFFFFFF  }
0xb5: {  	_ =	strace $0x9000004E  }
0xb6: {  	_ =	sfence  }
0xb7: {  	s30 =	sld [smem:$0x0];
	_ =	sdelay $0x2  }
0xb8: {  	s31 =	sshll.u32 s1, $0xD;
	s1 =	sshrl.u32 s1, $0x2  }
0xb9: {  	s3 =	sand.u32 $0x4000, s31;
	s1 =	sadd.s32 s1, s30  }
0xba: {  	s0 =	sor.u32 s3, s0;
	s1 =	sshll.u32 s1, $0x11  }
0xbb: {  	s0 =	sor.u32 s1, s0  }
0xbc: {  	s0 =	sadd.s32 $0x8F2B, s0  }
0xbd: {  	[sflag:s0] =	ssyncadd.remote.s32 $0x1  }
0xbe: {  	_ =	sfence.sel $0xFFFF  }
0xbf: {  	[dreg:$0x0] =	wrdreg $0xFFFFFFFF;
	(pc) =	sbr.abs _section_cstart, $3  }
0xc0: {  	[dreg:$0x1] =	wrdreg $0xFFFFFFFF  }
0xc1: {  	_ =	task.clear_ibuf [dreg:s6], $0x2FFFF;
	_ =	strace $0x9FFFFFFF  }
0xc2: {  	(tm) =	ssettm $0x7FFFFFFF  }
0xc3: {  	_ =	shalt  }
tec
execute0_lowered:
.L_overlay_start_1:
0x0: {  	(tag) =	ssettag $0x1  }
0x1: {  	s0 =	rddreg [dreg:$0x0]  }
0x2: {  	s1 =	rddreg [dreg:$0x1];
	s3 =	simm.s32 $0x0  }
0x3: {  	s2 =	srdreg.scid;
	s8 =	stileid.u32;
	s14 =	simm.s32 $0x14400  }
0x4: {  	s15 =	simm.s32 $0x3;
	s16 =	simm.s32 $0x13C00;
	s17 =	simm.s32 $0x14000  }
0x5: {  	s28 =	simm.s32 $0x13E00;
	s29 =	simm.s32 $0x14180;
	s30 =	simm.s32 $0x13E80  }
0x6: {  	s31 =	simm.s32 $0x14200;
	[smem:$0x7FF] =	sst s3;
	s4 =	smul.u32 $0x98, s8  }
0x7: {  	s2 =	sand.u32 $0x1, s2;
	s5 =	sshll.u32 s8, $0x3;
	s7 =	smul.u32 $0x13C00, s8  }
0x8: {  	s8 =	smul.u32 $0x4F000, s8;
	p0 =	seq.s32 s2, $0x0;
	s5 =	sor.u32 $0x980, s5  }
0x9: {  	s6 =	smul.u32 $0x13C000, s2;
	_ =	strace $0x8000004D;
	s19 =	ssub.s32 $0x2, s2  }
0xa: {  	s5 =	smov.u32 @p0 s4;
	s4 =	sadd.s32 $0x1A200, s0;
	s20 =	sshrl.u32 s8, $0x2  }
0xb: {  	s21 =	sshrl.u32 s19, $0x1;
	p0 =	sne.s32 s2, $0x0;
	s2 =	simm.s32 $0x14280  }
0xc: {  	s8 =	simm.s32 $0x14380;
	s5 =	sshll.u32 s5, $0x4;
	s18 =	sadd.s32 s7, s6  }
0xd: {  	s6 =	ssub.s32 s19, s21;
	s19 =	simm.s32 $0x13C80;
	s21 =	simm.s32 $0x1  }
0xe: {  	s9 =	sadd.s32 s5, s0;
	s5 =	sshrl.u32 s18, $0x3;
	s25 =	smax.u32 s6, $0x1  }
0xf: {  	s18 =	simm.s32 $0x80;
	s6 =	simm.s32 $0x13F80;
	s0 =	sadd.s32 s5, s0  }
0x10: {  	s5 =	sadd.s32 s20, s1;
	[dreg:$0x8] =	wrdreg s25;
	s26 =	sadd.s32 $0x69200, s9  }
0x11: {  	s10 =	sadd.s32 $0x10200, s9;
	s7 =	sadd.s32 $0x4000, s5;
	[dreg:$0x9] =	wrdreg s26  }
0x12: {  	s20 =	simm.s32 $0x18400;
	s22 =	sadd.s32 $0x8000, s5;
	[dreg:$0x3] =	wrdreg s7  }
0x13: {  	s25 =	simm.s32 $0x13D80;
	s23 =	sadd.s32 $0xC000, s5;
	[dreg:$0x4] =	wrdreg s22  }
0x14: {  	s9 =	simm.s32 $0x0;
	s24 =	sadd.s32 $0x10000, s5;
	[dreg:$0x5] =	wrdreg s23  }
0x15: {  	s0 =	sadd.s32 $0x73200, s0;
	s26 =	simm.s32 $0x14100;
	[dreg:$0x6] =	wrdreg s24  }
0x16: {  	[dreg:$0x7] =	wrdreg s0;
	s22 =	simm.s32 $0x2;
	s23 =	simm.s32 $0x13D00  }
0x17: {  	v0 =	vimm.f32 $0.0e+00;
	s24 =	simm.s32 $0x14080;
	s0 =	simm.s32 $0x13F00;
	s7 =	simm.s32 $0x14300  }
.LBB2_1:
0x18: {  	s11 =	simm.s32 $0x0;
	s12 =	simm.s32 $0x200  }
.LBB2_2:
0x19: {  	p1 =	sne.s32 s12, $0xFE00;
	[tilespmem:s11+$0x14470] =	vst v0  }
0x1a: {  	[tilespmem:s11+$0x14400] =	vst v0  }
0x1b: {  	[tilespmem:s11+$0x14410] =	vst v0  }
.Ltmp0:
0x1c: {  	[tilespmem:s11+$0x14420] =	vst v0;
	(pc) =	sbr.rel @p1 .LBB2_2-.Ltmp0, $4  }
0x1d: {  	[tilespmem:s11+$0x14430] =	vst v0  }
0x1e: {  	[tilespmem:s11+$0x14440] =	vst v0  }
0x1f: {  	[tilespmem:s11+$0x14450] =	vst v0  }
0x20: {  	[tilespmem:s11+$0x14460] =	vst v0;
	s11 =	sshra.s32 s12, $0x2;
	s12 =	sadd.s32 $0x200, s12  }
0x21: {  	[tilespmem:s11+$0x14470] =	vst v0  }
0x22: {  	[tilespmem:s11+$0x14400] =	vst v0  }
0x23: {  	[tilespmem:s11+$0x14410] =	vst v0  }
0x24: {  	[tilespmem:s11+$0x14420] =	vst v0  }
0x25: {  	[tilespmem:s11+$0x14430] =	vst v0  }
0x26: {  	[tilespmem:s11+$0x14440] =	vst v0  }
0x27: {  	[tilespmem:s11+$0x14450] =	vst v0  }
0x28: {  	[tilespmem:s11+$0x14460] =	vst v0  }
0x29: {  	[spmem:s5] =	stream.linear.scatter [tilespmem:s14], [sflag:$0x3], $0x4000, $0x38;
	[tilespmem:$0x1C400] =	vst v63  }
0x2a: {  	_ =	swait.ge [sflag:s15], $0x4000  }
0x2b: {  	[sflag:s15] =	ssyncset.done $0x0  }
0x2c: {  	s12 =	rddreg [dreg:$0x3];
	[sflag:s15] =	ssyncadd.s32 $0xFFFFC000  }
0x2d: {  	[spmem:s12] =	stream.linear.scatter [tilespmem:s14], [sflag:$0x3], $0x4000, $0x38;
	[tilespmem:$0x1C400] =	vst v63  }
0x2e: {  	_ =	swait.ge [sflag:s15], $0x4000  }
0x2f: {  	[sflag:s15] =	ssyncset.done $0x0  }
0x30: {  	s13 =	rddreg [dreg:$0x4];
	[sflag:s15] =	ssyncadd.s32 $0xFFFFC000  }
0x31: {  	[spmem:s13] =	stream.linear.scatter [tilespmem:s14], [sflag:$0x3], $0x4000, $0x38;
	[tilespmem:$0x1C400] =	vst v63  }
0x32: {  	_ =	swait.ge [sflag:s15], $0x4000  }
0x33: {  	[sflag:s15] =	ssyncset.done $0x0  }
0x34: {  	s12 =	rddreg [dreg:$0x5];
	[sflag:s15] =	ssyncadd.s32 $0xFFFFC000  }
0x35: {  	[spmem:s12] =	stream.linear.scatter [tilespmem:s14], [sflag:$0x3], $0x4000, $0x38;
	[tilespmem:$0x1C400] =	vst v63  }
0x36: {  	_ =	swait.ge [sflag:s15], $0x4000  }
0x37: {  	[sflag:s15] =	ssyncset.done $0x0  }
0x38: {  	s13 =	rddreg [dreg:$0x6];
	[sflag:s15] =	ssyncadd.s32 $0xFFFFC000  }
0x39: {  	[spmem:s13] =	stream.linear.scatter [tilespmem:s14], [sflag:$0x3], $0x3C00, $0x38;
	[tilespmem:$0x1C400] =	vst v63  }
0x3a: {  	_ =	swait.ge [sflag:s15], $0x3C00  }
0x3b: {  	[sflag:s15] =	ssyncset.done $0x0  }
0x3c: {  	[sflag:s15] =	ssyncadd.s32 $0xFFFFC400  }
0x3d: {  	[bflag:$0x0] =	sbarrier.arrive $0xFFFF  }
0x3e: {  	s11 =	simm.s32 $0x0;
	s13 =	smov.u32 s10;
	s12 =	rddreg [dreg:$0x9]  }
.LBB2_4:
0x3f: {  	[tilespmem:s16], [sflag:$0x3] =	stream.linear.gather [hbm4b:s12+s3], $0x400, $0x38;
	[tilespmem:$0x1C400] =	vst v63  }
0x40: {  	_ =	swait.ge [sflag:s15], $0x400  }
0x41: {  	[sflag:s15] =	ssyncset.done $0x0  }
0x42: {  	[sflag:s15] =	ssyncadd.s32 $0xFFFFFC00  }
0x43: {  	[tilespmem:s17], [sflag:$0x3] =	stream.linear.gather [hbm4b:s13+s3], $0x400, $0x38;
	[tilespmem:$0x1C400] =	vst v63  }
0x44: {  	_ =	swait.ge [sflag:s15], $0x400  }
0x45: {  	[sflag:s15] =	ssyncset.done $0x0  }
0x46: {  	[sflag:s15] =	ssyncadd.s32 $0xFFFFFC00  }
0x47: {  	[tilespmem:s14], [sflag:$0x1] =	stream.indirect.gather [hbm4b:s4+s18], $0x80, s16, s18, $0xb8;
	[tilespmem:$0x1C400] =	vst v63  }
0x48: {  	_ = 	snop  }
0x49: {  	[tilespmem:s20], [sflag:$0x1] =	stream.indirect.gather [hbm4b:s4+s18], $0x80, s19, s18, $0xb8;
	[tilespmem:$0x1C400] =	vst v63  }
0x4a: {  	_ =	swait.ge [sflag:s21], $0x4000  }
0x4b: {  	[sflag:s21] =	ssyncset.done $0x0  }
0x4c: {  	[sflag:s21] =	ssyncadd.s32 $0xFFFFC000  }
0x4d: {  	[spmem:s1] =	stream.indirect.scatter.add.f32 [tilespmem:s14], [sflag:$0x2], $0x80, s17, s18, $0xb8;
	[tilespmem:$0x1C400] =	vst v63  }
0x4e: {  	_ =	swait.ge [sflag:s22], $0x4000  }
0x4f: {  	[sflag:s22] =	ssyncset.done $0x0  }
0x50: {  	[sflag:s22] =	ssyncadd.s32 $0xFFFFC000  }
0x51: {  	[tilespmem:s14], [sflag:$0x1] =	stream.indirect.gather [hbm4b:s4+s18], $0x80, s23, s18, $0xb8;
	[tilespmem:$0x1C400] =	vst v63  }
0x52: {  	_ =	swait.ge [sflag:s21], $0x4000  }
0x53: {  	[sflag:s21] =	ssyncset.done $0x0  }
0x54: {  	[sflag:s21] =	ssyncadd.s32 $0xFFFFC000  }
0x55: {  	[spmem:s1] =	stream.indirect.scatter.add.f32 [tilespmem:s20], [sflag:$0x2], $0x80, s24, s18, $0xb8;
	[tilespmem:$0x1C400] =	vst v63  }
0x56: {  	_ =	swait.ge [sflag:s22], $0x4000  }
0x57: {  	[sflag:s22] =	ssyncset.done $0x0  }
0x58: {  	[sflag:s22] =	ssyncadd.s32 $0xFFFFC000  }
0x59: {  	[tilespmem:s20], [sflag:$0x1] =	stream.indirect.gather [hbm4b:s4+s18], $0x80, s25, s18, $0xb8;
	[tilespmem:$0x1C400] =	vst v63  }
0x5a: {  	_ =	swait.ge [sflag:s21], $0x4000  }
0x5b: {  	[sflag:s21] =	ssyncset.done $0x0  }
0x5c: {  	[sflag:s21] =	ssyncadd.s32 $0xFFFFC000  }
0x5d: {  	[spmem:s1] =	stream.indirect.scatter.add.f32 [tilespmem:s14], [sflag:$0x2], $0x80, s26, s18, $0xb8;
	[tilespmem:$0x1C400] =	vst v63  }
0x5e: {  	_ =	swait.ge [sflag:s22], $0x4000  }
0x5f: {  	[sflag:s22] =	ssyncset.done $0x0  }
0x60: {  	[sflag:s22] =	ssyncadd.s32 $0xFFFFC000  }
0x61: {  	[tilespmem:s14], [sflag:$0x1] =	stream.indirect.gather [hbm4b:s4+s18], $0x80, s28, s18, $0xb8;
	[tilespmem:$0x1C400] =	vst v63  }
0x62: {  	_ =	swait.ge [sflag:s21], $0x4000  }
0x63: {  	[sflag:s21] =	ssyncset.done $0x0  }
0x64: {  	[sflag:s21] =	ssyncadd.s32 $0xFFFFC000  }
0x65: {  	[spmem:s1] =	stream.indirect.scatter.add.f32 [tilespmem:s20], [sflag:$0x2], $0x80, s29, s18, $0xb8;
	[tilespmem:$0x1C400] =	vst v63  }
0x66: {  	_ =	swait.ge [sflag:s22], $0x4000  }
0x67: {  	[sflag:s22] =	ssyncset.done $0x0  }
0x68: {  	[sflag:s22] =	ssyncadd.s32 $0xFFFFC000  }
0x69: {  	[tilespmem:s20], [sflag:$0x1] =	stream.indirect.gather [hbm4b:s4+s18], $0x80, s30, s18, $0xb8;
	[tilespmem:$0x1C400] =	vst v63  }
0x6a: {  	_ =	swait.ge [sflag:s21], $0x4000  }
0x6b: {  	[sflag:s21] =	ssyncset.done $0x0  }
0x6c: {  	[sflag:s21] =	ssyncadd.s32 $0xFFFFC000  }
0x6d: {  	[spmem:s1] =	stream.indirect.scatter.add.f32 [tilespmem:s14], [sflag:$0x2], $0x80, s31, s18, $0xb8;
	[tilespmem:$0x1C400] =	vst v63  }
0x6e: {  	_ =	swait.ge [sflag:s22], $0x4000  }
0x6f: {  	[sflag:s22] =	ssyncset.done $0x0  }
0x70: {  	[sflag:s22] =	ssyncadd.s32 $0xFFFFC000  }
0x71: {  	[tilespmem:s14], [sflag:$0x1] =	stream.indirect.gather [hbm4b:s4+s18], $0x80, s0, s18, $0xb8;
	[tilespmem:$0x1C400] =	vst v63  }
0x72: {  	_ =	swait.ge [sflag:s21], $0x4000  }
0x73: {  	[sflag:s21] =	ssyncset.done $0x0  }
0x74: {  	[sflag:s21] =	ssyncadd.s32 $0xFFFFC000  }
0x75: {  	[spmem:s1] =	stream.indirect.scatter.add.f32 [tilespmem:s20], [sflag:$0x2], $0x80, s2, s18, $0xb8;
	[tilespmem:$0x1C400] =	vst v63  }
0x76: {  	_ =	swait.ge [sflag:s22], $0x4000  }
0x77: {  	[sflag:s22] =	ssyncset.done $0x0  }
0x78: {  	[sflag:s22] =	ssyncadd.s32 $0xFFFFC000  }
0x79: {  	[tilespmem:s20], [sflag:$0x1] =	stream.indirect.gather [hbm4b:s4+s18], $0x80, s6, s18, $0xb8;
	[tilespmem:$0x1C400] =	vst v63  }
0x7a: {  	_ =	swait.ge [sflag:s21], $0x4000  }
0x7b: {  	[sflag:s21] =	ssyncset.done $0x0  }
0x7c: {  	[sflag:s21] =	ssyncadd.s32 $0xFFFFC000  }
0x7d: {  	[spmem:s1] =	stream.indirect.scatter.add.f32 [tilespmem:s14], [sflag:$0x2], $0x80, s7, s18, $0xb8;
	[tilespmem:$0x1C400] =	vst v63  }
0x7e: {  	_ =	swait.ge [sflag:s21], $0x4000  }
0x7f: {  	[sflag:s21] =	ssyncset.done $0x0  }
0x80: {  	p1 =	slt.u32 @!p0 s11, $0x12;
	[sflag:s21] =	ssyncadd.s32 $0xFFFFC000  }
0x81: {  	[spmem:s1] =	stream.indirect.scatter.add.f32 [tilespmem:s20], [sflag:$0x2], $0x80, s8, s18, $0xb8;
	[tilespmem:$0x1C400] =	vst v63  }
0x82: {  	p1 =	por p0, !p1;
	_ =	swait.ge [sflag:s22], $0x4000  }
.Ltmp1:
0x83: {  	[sflag:s22] =	ssyncset.done $0x0;
	(pc) =	sbr.rel @!p1 .LBB2_4-.Ltmp1, $4  }
0x84: {  	[sflag:s22] =	ssyncadd.s32 $0xFFFFC000  }
0x85: {  	_ =	swait.ge [sflag:s22], $0x4000  }
0x86: {  	s11 =	sadd.s32 $0x1, s11;
	[sflag:s22] =	ssyncset.done $0x0  }
0x87: {  	s12 =	sadd.s32 $0x80, s12;
	s13 =	sadd.s32 $0x80, s13;
	[sflag:s22] =	ssyncadd.s32 $0xFFFFC000  }
0x88: {  	s11 =	stileid.u32  }
0x89: {  	[bflag:$0x0] =	sbarrier.arrive $0xFFFF;
	s11 =	sshll.u32 s11, $0x6  }
0x8a: {  	s12 =	sshrl.u32 s5, $0x3;
	s13 =	rddreg [dreg:$0x7];
	s11 =	sor.u32 $0x1C03, s11  }
0x8b: {  	[hbm:s13], [sflag:s11] =	dma.local [spmem:s12], $0x2780  }
0x8c: {  	_ =	swait.ge [sflag:s15], $0x2780  }
0x8d: {  	s9 =	sadd.s32 $0x1, s9;
	s13 =	rddreg [dreg:$0x8]  }
0x8e: {  	p1 =	sne.s32 s9, s13  }
.Ltmp2:
0x8f: {  	_ = 	snop;
	(pc) =	sbr.rel @p1 .LBB2_1-.Ltmp2, $3  }
0x90: {  	_ =	sdelay $0x1  }
0x91: {  	[sflag:s15] =	ssyncset.done $0x0  }
0x92: {  	[sflag:s15] =	ssyncadd.s32 $0xFFFFD880  }
0x93: {  	_ =	sfence.sel $0x180000  }
0x94: {  	[bflag:$0x0] =	sbarrier.arrive $0xFFFF  }
0x95: {  	_ =	strace $0x9000004D  }
0x96: {  	s0 =	stileid.u32;
	[bflag:$0x2] =	sbarrier.arrive $0xFFFF  }
0x97: {  	p0 =	sne.s32 s0, $0x0;
	s0 =	rddreg [dreg:$0x2]  }
0x98: {  	s0 =	sadd.s32 @!p0 $0x100000, s0  }
0x99: {  	[sflag:s0] =	ssyncadd.tile.s32 @!p0 $0x1;
	_ =	shalt  }
.Lfunc_end2:
_tile_overlayer_lowered:
.L_overlay_start_2:
0x9a: {  	(tag) =	ssettag $0x2  }
0x9b: {  	s0 =	rddreg [dreg:$0x0];
	s2 =	stileid.u32  }
0x9c: {  	s1 =	rddreg [dreg:$0x1];
	p0 =	sne.s32 s2, $0x0  }
0x9d: {  	s3 =	rddreg [dreg:$0x2];
	[bflag:$0x3] =	sbarrier.arrive $0xFFFF;
	s2 =	simm.s32 @!p0 $0x1C03  }
0x9e: {  	[timem:s3], [sflag:s2] =	dma.local @!p0 [hbm:s0], s1  }
0x9f: {  	s0 =	simm.s32 @!p0 $0x3  }
0xa0: {  	_ =	swait.ge @!p0 [sflag:s0], s1  }
0xa1: {  	s1 =	ssub.s32 @!p0 $0x0, s1;
	[sflag:s0] =	ssyncset.done @!p0 $0x0  }
0xa2: {  	[sflag:s0] =	ssyncadd.s32 @!p0 s1  }
0xa3: {  	[bflag:$0x3] =	sbarrier.arrive $0xFFFF  }
0xa4: {  	_ =	shalt  }

// kernel: kernel.22.cloned.1.call-start
scs
__scs_entry_jumppad:
0x0: {  	(pc) =	sbr.rel $0x88, $3  }
0x1: {  	(tag) =	ssettag $0x0;
	lr =	simm.s32 $0x1  }
0x2: {  	[smem:$0x3F97] =	sst lr;
	_ =	strace $0xD0000000  }
0x3: {  	_ = 	snop  }
0x4: {  	_ = 	snop  }
0x5: {  	_ = 	snop  }
0x6: {  	_ = 	snop  }
0x7: {  	_ = 	snop  }
__scs_overlays_trampoline_lowered:
0x8: {  	[smem:$0x3FA6] =	sst s0  }
0x9: {  	[smem:$0x3FA7] =	sst s1  }
0xa: {  	[smem:$0x3FA8] =	sst s2  }
0xb: {  	[smem:$0x3FA9] =	sst s3  }
0xc: {  	[smem:$0x3FAA] =	sst s4  }
0xd: {  	[smem:$0x3FAB] =	sst s5  }
0xe: {  	[smem:$0x3FAC] =	sst s6  }
0xf: {  	[smem:$0x3FAD] =	sst s7  }
0x10: {  	[smem:$0x3FAE] =	sst s8  }
0x11: {  	[smem:$0x3FAF] =	sst s9;
	s0 =	simm.s32 @!p0 $0x0  }
0x12: {  	s1 =	sld [smem:$0x3F95];
	s0 =	simm.s32 @p0 $0x1  }
0x13: {  	[smem:$0x3FB0] =	sst s0;
	s0 =	simm.s32 @!p1 $0x0  }
0x14: {  	s2 =	sld [smem:$0x3F94];
	s0 =	simm.s32 @p1 $0x1  }
0x15: {  	[smem:$0x3FB1] =	sst s0;
	s0 =	simm.s32 @!p2 $0x0  }
0x16: {  	s3 =	sld [smem:$0x3FDB];
	s0 =	simm.s32 @p2 $0x1  }
0x17: {  	s4 =	simm.s32 $0x1BF5;
	[smem:$0x3FB3] =	sst s0  }
0x18: {  	s0 =	sld [smem:$0x3F96];
	_ =	swait.ge [sflag:s4], $0x0  }
0x19: {  	s7 =	sld [smem:$0x3F97]  }
0x1a: {  	s8 =	sadd.s32 $0xFFFFE003, lr  }
0x1b: {  	s9 =	sadd.s32 $0xFFFFFEF7, lr;
	s5 =	simm.s32 $0xFFFFFFFF;
	p2 =	slt.u32 s8, $0xFFFFF086  }
0x1c: {  	p1 =	slt.u32 s9, $0xF7A;
	s5 =	simm.s32 @!p2 $0x0  }
0x1d: {  	s5 =	simm.s32 @p1 $0x1;
	p0 =	seq.s32 s7, s2  }
0x1e: {  	s7 =	smul.u32 @!p0 $0xF7A, s2;
	p2 =	seq.s32 @!p0 s5, $0x0  }
0x1f: {  	s9 =	smul.u32 $0xF7A, s1;
	s8 =	simm.s32 @!p0 $0x1BF5;
	p2 =	por !p2, p0  }
0x20: {  	[sflag:s8] =	ssyncset.s32 @!p0 $0xFFFFF086;
	s6 =	sadd.s32 @!p0 s3, s7;
	s7 =	simm.s32 @!p0 $0x108  }
0x21: {  	s3 =	sadd.s32 s3, s9;
	s6 =	sadd.s32 @!p0 $0x88, s6;
	s7 =	simm.s32 @p2 $0x1082  }
0x22: {  	[simem:s7], [sflag:s8] =	dma.local @!p0 [hbm:s6], $0xF7A  }
0x23: {  	s9 =	sor.u32 $0xD0000000, s2;
	s6 =	simm.s32 $0x108;
	_ =	swait.ge @!p0 [sflag:s8], $0x0  }
0x24: {  	s3 =	sadd.s32 $0x88, s3;
	s6 =	simm.s32 @!p1 $0x1082;
	[sflag:s4] =	ssyncset.s32 $0xFFFFF086  }
0x25: {  	[simem:s6], [sflag:s4] =	dma.local [hbm:s3], $0xF7A  }
0x26: {  	[smem:$0x3F97] =	sst s1;
	(tag) =	ssettag s2;
	_ =	strace s9  }
0x27: {  	s1 =	sld [smem:$0x3FA7]  }
0x28: {  	s2 =	sld [smem:$0x3FA8]  }
0x29: {  	s4 =	sld [smem:$0x3FAA]  }
0x2a: {  	p0 =	seq.s32 s5, $0x0;
	s5 =	sld [smem:$0x3FAB]  }
0x2b: {  	s6 =	sld [smem:$0x3FAC]  }
0x2c: {  	s7 =	sld [smem:$0x3FAD]  }
0x2d: {  	s3 =	simm.s32 $0x108;
	s8 =	sld [smem:$0x3FAE]  }
0x2e: {  	s3 =	simm.s32 @!p0 $0x1082;
	s9 =	sld [smem:$0x3FAF]  }
0x2f: {  	lr =	sadd.s32 s0, s3;
	s0 =	sld [smem:$0x3FA6]  }
0x30: {  	s3 =	sld [smem:$0x3FA9]  }
0x31: {  	[smem:$0x3FB2] =	sst s10  }
0x32: {  	s10 =	sld [smem:$0x3FB0];
	_ =	sdelay $0x3  }
0x33: {  	p0 =	seq.s32 s10, $0x1;
	s10 =	sld [smem:$0x3FB2];
	_ =	sdelay $0x3  }
0x34: {  	[smem:$0x3FB2] =	sst s10  }
0x35: {  	s10 =	sld [smem:$0x3FB1];
	_ =	sdelay $0x3  }
0x36: {  	p1 =	seq.s32 s10, $0x1;
	s10 =	sld [smem:$0x3FB2];
	_ =	sdelay $0x3  }
0x37: {  	[smem:$0x3FB2] =	sst s10  }
0x38: {  	s10 =	sld [smem:$0x3FB3]  }
0x39: {  	_ = 	snop;
	(pc) =	sbr.ind lr, $3  }
0x3a: {  	_ = 	snop  }
0x3b: {  	_ = 	snop  }
0x3c: {  	p2 =	seq.s32 s10, $0x1;
	s10 =	sld [smem:$0x3FB2]  }
0x3d: {  	_ =	shalt  }
0x3e: {  	_ =	shalt  }
0x3f: {  	_ =	shalt  }
0x40: {  	_ =	shalt  }
0x41: {  	_ =	shalt  }
0x42: {  	_ =	shalt  }
0x43: {  	_ =	shalt  }
0x44: {  	_ =	shalt  }
0x45: {  	_ =	shalt  }
0x46: {  	_ =	shalt  }
0x47: {  	_ =	shalt  }
0x48: {  	_ =	shalt  }
0x49: {  	_ =	shalt  }
0x4a: {  	_ =	shalt  }
0x4b: {  	_ =	shalt  }
0x4c: {  	_ =	shalt  }
0x4d: {  	_ =	shalt  }
0x4e: {  	_ =	shalt  }
0x4f: {  	_ =	shalt  }
0x50: {  	_ =	shalt  }
0x51: {  	_ =	shalt  }
0x52: {  	_ =	shalt  }
0x53: {  	_ =	shalt  }
0x54: {  	_ =	shalt  }
0x55: {  	_ =	shalt  }
0x56: {  	_ =	shalt  }
0x57: {  	_ =	shalt  }
0x58: {  	_ =	shalt  }
0x59: {  	_ =	shalt  }
0x5a: {  	_ =	shalt  }
0x5b: {  	_ =	shalt  }
0x5c: {  	_ =	shalt  }
0x5d: {  	_ =	shalt  }
0x5e: {  	_ =	shalt  }
0x5f: {  	_ =	shalt  }
0x60: {  	_ =	shalt  }
0x61: {  	_ =	shalt  }
0x62: {  	_ =	shalt  }
0x63: {  	_ =	shalt  }
0x64: {  	_ =	shalt  }
0x65: {  	_ =	shalt  }
0x66: {  	_ =	shalt  }
0x67: {  	_ =	shalt  }
0x68: {  	_ =	shalt  }
0x69: {  	_ =	shalt  }
0x6a: {  	_ =	shalt  }
0x6b: {  	_ =	shalt  }
0x6c: {  	_ =	shalt  }
0x6d: {  	_ =	shalt  }
0x6e: {  	_ =	shalt  }
0x6f: {  	_ =	shalt  }
0x70: {  	_ =	shalt  }
0x71: {  	_ =	shalt  }
0x72: {  	_ =	shalt  }
0x73: {  	_ =	shalt  }
0x74: {  	_ =	shalt  }
0x75: {  	_ =	shalt  }
0x76: {  	_ =	shalt  }
0x77: {  	_ =	shalt  }
0x78: {  	_ =	shalt  }
0x79: {  	_ =	shalt  }
0x7a: {  	_ =	shalt  }
0x7b: {  	_ =	shalt  }
0x7c: {  	_ =	shalt  }
0x7d: {  	_ =	shalt  }
0x7e: {  	_ =	shalt  }
0x7f: {  	_ =	shalt  }
0x80: {  	_ =	shalt  }
0x81: {  	_ =	shalt  }
0x82: {  	_ =	shalt  }
0x83: {  	_ =	shalt  }
0x84: {  	_ =	shalt  }
0x85: {  	_ =	shalt  }
0x86: {  	_ =	shalt  }
0x87: {  	_ =	shalt  }
.Lfunc_end0:
.L_simem_size_0:
called_computation.3_lowered:
.L_overlay_start_0:
0x88: {  	s2 =	sld [smem:$0x3FD9]  }
0x89: {  	s3 =	sld [smem:$0x3FFE];
	_ =	sdelay $0x1  }
0x8a: {  	s1 =	srdreg.scid  }
0x8b: {  	s0 =	sand.u32 $0x1, s1  }
0x8c: {  	s16 =	sshll.u32 s0, $0xA;
	s2 =	sadd.s32 s3, s2  }
0x8d: {  	s2 =	sadd.s32 s2, s16  }
0x8e: {  	[smem:$0x3FBE] =	sst s2  }
0x8f: {  	_ = 	snop  }
0x90: {  	(tm) =	ssettm $0x1  }
0x91: {  	s17 =	sld [smem:$0x3FFB];
	_ =	sdelay $0x3  }
0x92: {  	_ =	strace s17  }
0x93: {  	s2 =	sld [smem:$0x3FFC];
	_ =	sdelay $0x3  }
0x94: {  	_ =	strace s2  }
0x95: {  	s2 =	sld [smem:$0x3FFD];
	_ =	sdelay $0x3  }
0x96: {  	_ =	strace s2  }
0x97: {  	_ =	strace $0x8FFFFFFF  }
0x98: {  	s18 =	sld [smem:$0x3FDB];
	_ =	sdelay $0x1  }
0x99: {  	s19 =	simm.s32 $_scs_section_size  }
0x9a: {  	s4 =	simm.s32 $_size__tile_overlayer_lowered;
	s5 =	simm.s32 $_tile_overlayer_lowered  }
0x9b: {  	s22 =	simm.s32 $0x1BFF;
	s21 =	sshll.u32 s5, $0x1;
	s2 =	sadd.s32 s19, s18  }
0x9c: {  	s6 =	simm.s32 $0x0;
	s20 =	sshll.u32 s4, $0x1;
	s4 =	sadd.s32 s21, s2  }
0x9d: {  	[timem:s6], [sflag:s22] =	dma.local [hbm:s4], s20  }
0x9e: {  	_ =	swait.ge [sflag:s22], s20  }
0x9f: {  	s3 =	ssub.s32 $0x0, s20;
	[sflag:s22] =	ssyncset.done $0x0  }
0xa0: {  	[sflag:s22] =	ssyncadd.s32 s3;
	_ =	sdelay $0x1  }
0xa1: {  	s23 =	simm.s32 $0x1B8B  }
0xa2: {  	_ =	swait.ge [sflag:s23], $0x1  }
0xa3: {  	[sflag:s23] =	ssyncset.done $0x0  }
0xa4: {  	s25 =	simm.s32 $0x1B8E;
	s24 =	sld [smem:$0x3FFE];
	[sflag:s23] =	ssyncadd.s32 $0xFFFFFFFF  }
0xa5: {  	s26 =	simm.s32 $execute0_lowered;
	[smem:$0x3FD2] =	sst s25  }
0xa6: {  	s4 =	sshll.u32 s26, $0x1;
	_ =	strace $0x8000004F;
	[dreg:$0x1] =	wrdreg $0xFFFFFFFF  }
0xa7: {  	s28 =	simm.s32 $_size_execute0_lowered;
	s2 =	sadd.s32 s2, s4;
	[dreg:$0x0] =	wrdreg $0x0  }
0xa8: {  	s4 =	sshll.u32 s28, $0x1;
	[dreg:$0x2] =	wrdreg s2  }
0xa9: {  	[dreg:$0x3] =	wrdreg s4  }
0xaa: {  	[dreg:$0x4] =	wrdreg $0xC0  }
0xab: {  	_ =	task [dreg:s6], $0x5FFFF  }
0xac: {  	[dreg:$0x1] =	wrdreg $0xFFFFFFFF  }
0xad: {  	[dreg:$0x0] =	wrdreg $0x60  }
0xae: {  	[dreg:$0x2] =	wrdreg s24  }
0xaf: {  	[dreg:$0x3] =	wrdreg $0x0  }
0xb0: {  	[dreg:$0x4] =	wrdreg $0x9  }
0xb1: {  	_ =	task.clear_ibuf [dreg:s6], $0x5FFFF;
	_ =	strace $0x9000004F  }
0xb2: {  	s29 =	simm.s32 $0x9;
	_ =	strace $0x80000051  }
0xb3: {  	_ =	swait.ge [sflag:s29], $0x1  }
0xb4: {  	[sflag:s29] =	ssyncadd.s32 $0xFFFFFFFF  }
0xb5: {  	_ =	strace $0x90000051  }
0xb6: {  	_ =	sfence  }
0xb7: {  	s30 =	sld [smem:$0x0];
	_ =	sdelay $0x2  }
0xb8: {  	s31 =	sshll.u32 s1, $0xD;
	s1 =	sshrl.u32 s1, $0x2  }
0xb9: {  	s3 =	sand.u32 $0x4000, s31;
	s1 =	sadd.s32 s1, s30  }
0xba: {  	s0 =	sor.u32 s3, s0;
	s1 =	sshll.u32 s1, $0x11  }
0xbb: {  	s0 =	sor.u32 s1, s0  }
0xbc: {  	s0 =	sadd.s32 $0x8F2B, s0  }
0xbd: {  	[sflag:s0] =	ssyncadd.remote.s32 $0x1  }
0xbe: {  	_ =	sfence.sel $0xFFFF  }
0xbf: {  	[dreg:$0x0] =	wrdreg $0xFFFFFFFF;
	(pc) =	sbr.abs _section_cstart, $3  }
0xc0: {  	[dreg:$0x1] =	wrdreg $0xFFFFFFFF  }
0xc1: {  	_ =	task.clear_ibuf [dreg:s6], $0x2FFFF;
	_ =	strace $0x9FFFFFFF  }
0xc2: {  	(tm) =	ssettm $0x7FFFFFFF  }
0xc3: {  	_ =	shalt  }
tec
execute0_lowered:
.L_overlay_start_1:
0x0: {  	(tag) =	ssettag $0x1  }
0x1: {  	s0 =	rddreg [dreg:$0x0]  }
0x2: {  	s1 =	rddreg [dreg:$0x1];
	s3 =	simm.s32 $0x0  }
0x3: {  	s2 =	srdreg.scid;
	s8 =	stileid.u32;
	s14 =	simm.s32 $0x14400  }
0x4: {  	s15 =	simm.s32 $0x3;
	s16 =	simm.s32 $0x13C00;
	s17 =	simm.s32 $0x14000  }
0x5: {  	s28 =	simm.s32 $0x13E00;
	s29 =	simm.s32 $0x14180;
	s30 =	simm.s32 $0x13E80  }
0x6: {  	s31 =	simm.s32 $0x14200;
	[smem:$0x7FF] =	sst s3;
	s4 =	smul.u32 $0x98, s8  }
0x7: {  	s2 =	sand.u32 $0x1, s2;
	s5 =	sshll.u32 s8, $0x3;
	s7 =	smul.u32 $0x13C00, s8  }
0x8: {  	s8 =	smul.u32 $0x4F000, s8;
	p0 =	seq.s32 s2, $0x0;
	s5 =	sor.u32 $0x980, s5  }
0x9: {  	s6 =	smul.u32 $0x13C000, s2;
	_ =	strace $0x80000050;
	s19 =	ssub.s32 $0x2, s2  }
0xa: {  	s5 =	smov.u32 @p0 s4;
	s4 =	sadd.s32 $0x1A200, s0;
	s20 =	sshrl.u32 s8, $0x2  }
0xb: {  	s21 =	sshrl.u32 s19, $0x1;
	p0 =	sne.s32 s2, $0x0;
	s2 =	simm.s32 $0x14280  }
0xc: {  	s8 =	simm.s32 $0x14380;
	s5 =	sshll.u32 s5, $0x4;
	s18 =	sadd.s32 s7, s6  }
0xd: {  	s6 =	ssub.s32 s19, s21;
	s19 =	simm.s32 $0x13C80;
	s21 =	simm.s32 $0x1  }
0xe: {  	s9 =	sadd.s32 s5, s0;
	s5 =	sshrl.u32 s18, $0x3;
	s25 =	smax.u32 s6, $0x1  }
0xf: {  	s18 =	simm.s32 $0x80;
	s6 =	simm.s32 $0x13F80;
	s0 =	sadd.s32 s5, s0  }
0x10: {  	s5 =	sadd.s32 s20, s1;
	[dreg:$0x8] =	wrdreg s25;
	s26 =	sadd.s32 $0x69200, s9  }
0x11: {  	s10 =	sadd.s32 $0x10200, s9;
	s7 =	sadd.s32 $0x4000, s5;
	[dreg:$0x9] =	wrdreg s26  }
0x12: {  	s20 =	simm.s32 $0x18400;
	s22 =	sadd.s32 $0x8000, s5;
	[dreg:$0x3] =	wrdreg s7  }
0x13: {  	s25 =	simm.s32 $0x13D80;
	s23 =	sadd.s32 $0xC000, s5;
	[dreg:$0x4] =	wrdreg s22  }
0x14: {  	s9 =	simm.s32 $0x0;
	s24 =	sadd.s32 $0x10000, s5;
	[dreg:$0x5] =	wrdreg s23  }
0x15: {  	s0 =	sadd.s32 $0x73200, s0;
	s26 =	simm.s32 $0x14100;
	[dreg:$0x6] =	wrdreg s24  }
0x16: {  	[dreg:$0x7] =	wrdreg s0;
	s22 =	simm.s32 $0x2;
	s23 =	simm.s32 $0x13D00  }
0x17: {  	v0 =	vimm.f32 $0.0e+00;
	s24 =	simm.s32 $0x14080;
	s0 =	simm.s32 $0x13F00;
	s7 =	simm.s32 $0x14300  }
.LBB2_1:
0x18: {  	s11 =	simm.s32 $0x0;
	s12 =	simm.s32 $0x200  }
.LBB2_2:
0x19: {  	p1 =	sne.s32 s12, $0xFE00;
	[tilespmem:s11+$0x14470] =	vst v0  }
0x1a: {  	[tilespmem:s11+$0x14400] =	vst v0  }
0x1b: {  	[tilespmem:s11+$0x14410] =	vst v0  }
.Ltmp0:
0x1c: {  	[tilespmem:s11+$0x14420] =	vst v0;
	(pc) =	sbr.rel @p1 .LBB2_2-.Ltmp0, $4  }
0x1d: {  	[tilespmem:s11+$0x14430] =	vst v0  }
0x1e: {  	[tilespmem:s11+$0x14440] =	vst v0  }
0x1f: {  	[tilespmem:s11+$0x14450] =	vst v0  }
0x20: {  	[tilespmem:s11+$0x14460] =	vst v0;
	s11 =	sshra.s32 s12, $0x2;
	s12 =	sadd.s32 $0x200, s12  }
0x21: {  	[tilespmem:s11+$0x14470] =	vst v0  }
0x22: {  	[tilespmem:s11+$0x14400] =	vst v0  }
0x23: {  	[tilespmem:s11+$0x14410] =	vst v0  }
0x24: {  	[tilespmem:s11+$0x14420] =	vst v0  }
0x25: {  	[tilespmem:s11+$0x14430] =	vst v0  }
0x26: {  	[tilespmem:s11+$0x14440] =	vst v0  }
0x27: {  	[tilespmem:s11+$0x14450] =	vst v0  }
0x28: {  	[tilespmem:s11+$0x14460] =	vst v0  }
0x29: {  	[spmem:s5] =	stream.linear.scatter [tilespmem:s14], [sflag:$0x3], $0x4000, $0x38;
	[tilespmem:$0x1C400] =	vst v63  }
0x2a: {  	_ =	swait.ge [sflag:s15], $0x4000  }
0x2b: {  	[sflag:s15] =	ssyncset.done $0x0  }
0x2c: {  	s12 =	rddreg [dreg:$0x3];
	[sflag:s15] =	ssyncadd.s32 $0xFFFFC000  }
0x2d: {  	[spmem:s12] =	stream.linear.scatter [tilespmem:s14], [sflag:$0x3], $0x4000, $0x38;
	[tilespmem:$0x1C400] =	vst v63  }
0x2e: {  	_ =	swait.ge [sflag:s15], $0x4000  }
0x2f: {  	[sflag:s15] =	ssyncset.done $0x0  }
0x30: {  	s13 =	rddreg [dreg:$0x4];
	[sflag:s15] =	ssyncadd.s32 $0xFFFFC000  }
0x31: {  	[spmem:s13] =	stream.linear.scatter [tilespmem:s14], [sflag:$0x3], $0x4000, $0x38;
	[tilespmem:$0x1C400] =	vst v63  }
0x32: {  	_ =	swait.ge [sflag:s15], $0x4000  }
0x33: {  	[sflag:s15] =	ssyncset.done $0x0  }
0x34: {  	s12 =	rddreg [dreg:$0x5];
	[sflag:s15] =	ssyncadd.s32 $0xFFFFC000  }
0x35: {  	[spmem:s12] =	stream.linear.scatter [tilespmem:s14], [sflag:$0x3], $0x4000, $0x38;
	[tilespmem:$0x1C400] =	vst v63  }
0x36: {  	_ =	swait.ge [sflag:s15], $0x4000  }
0x37: {  	[sflag:s15] =	ssyncset.done $0x0  }
0x38: {  	s13 =	rddreg [dreg:$0x6];
	[sflag:s15] =	ssyncadd.s32 $0xFFFFC000  }
0x39: {  	[spmem:s13] =	stream.linear.scatter [tilespmem:s14], [sflag:$0x3], $0x3C00, $0x38;
	[tilespmem:$0x1C400] =	vst v63  }
0x3a: {  	_ =	swait.ge [sflag:s15], $0x3C00  }
0x3b: {  	[sflag:s15] =	ssyncset.done $0x0  }
0x3c: {  	[sflag:s15] =	ssyncadd.s32 $0xFFFFC400  }
0x3d: {  	[bflag:$0x0] =	sbarrier.arrive $0xFFFF  }
0x3e: {  	s11 =	simm.s32 $0x0;
	s13 =	smov.u32 s10;
	s12 =	rddreg [dreg:$0x9]  }
.LBB2_4:
0x3f: {  	[tilespmem:s16], [sflag:$0x3] =	stream.linear.gather [hbm4b:s12+s3], $0x400, $0x38;
	[tilespmem:$0x1C400] =	vst v63  }
0x40: {  	_ =	swait.ge [sflag:s15], $0x400  }
0x41: {  	[sflag:s15] =	ssyncset.done $0x0  }
0x42: {  	[sflag:s15] =	ssyncadd.s32 $0xFFFFFC00  }
0x43: {  	[tilespmem:s17], [sflag:$0x3] =	stream.linear.gather [hbm4b:s13+s3], $0x400, $0x38;
	[tilespmem:$0x1C400] =	vst v63  }
0x44: {  	_ =	swait.ge [sflag:s15], $0x400  }
0x45: {  	[sflag:s15] =	ssyncset.done $0x0  }
0x46: {  	[sflag:s15] =	ssyncadd.s32 $0xFFFFFC00  }
0x47: {  	[tilespmem:s14], [sflag:$0x1] =	stream.indirect.gather [hbm4b:s4+s18], $0x80, s16, s18, $0xb8;
	[tilespmem:$0x1C400] =	vst v63  }
0x48: {  	_ = 	snop  }
0x49: {  	[tilespmem:s20], [sflag:$0x1] =	stream.indirect.gather [hbm4b:s4+s18], $0x80, s19, s18, $0xb8;
	[tilespmem:$0x1C400] =	vst v63  }
0x4a: {  	_ =	swait.ge [sflag:s21], $0x4000  }
0x4b: {  	[sflag:s21] =	ssyncset.done $0x0  }
0x4c: {  	[sflag:s21] =	ssyncadd.s32 $0xFFFFC000  }
0x4d: {  	[spmem:s1] =	stream.indirect.scatter.add.f32 [tilespmem:s14], [sflag:$0x2], $0x80, s17, s18, $0xb8;
	[tilespmem:$0x1C400] =	vst v63  }
0x4e: {  	_ =	swait.ge [sflag:s22], $0x4000  }
0x4f: {  	[sflag:s22] =	ssyncset.done $0x0  }
0x50: {  	[sflag:s22] =	ssyncadd.s32 $0xFFFFC000  }
0x51: {  	[tilespmem:s14], [sflag:$0x1] =	stream.indirect.gather [hbm4b:s4+s18], $0x80, s23, s18, $0xb8;
	[tilespmem:$0x1C400] =	vst v63  }
0x52: {  	_ =	swait.ge [sflag:s21], $0x4000  }
0x53: {  	[sflag:s21] =	ssyncset.done $0x0  }
0x54: {  	[sflag:s21] =	ssyncadd.s32 $0xFFFFC000  }
0x55: {  	[spmem:s1] =	stream.indirect.scatter.add.f32 [tilespmem:s20], [sflag:$0x2], $0x80, s24, s18, $0xb8;
	[tilespmem:$0x1C400] =	vst v63  }
0x56: {  	_ =	swait.ge [sflag:s22], $0x4000  }
0x57: {  	[sflag:s22] =	ssyncset.done $0x0  }
0x58: {  	[sflag:s22] =	ssyncadd.s32 $0xFFFFC000  }
0x59: {  	[tilespmem:s20], [sflag:$0x1] =	stream.indirect.gather [hbm4b:s4+s18], $0x80, s25, s18, $0xb8;
	[tilespmem:$0x1C400] =	vst v63  }
0x5a: {  	_ =	swait.ge [sflag:s21], $0x4000  }
0x5b: {  	[sflag:s21] =	ssyncset.done $0x0  }
0x5c: {  	[sflag:s21] =	ssyncadd.s32 $0xFFFFC000  }
0x5d: {  	[spmem:s1] =	stream.indirect.scatter.add.f32 [tilespmem:s14], [sflag:$0x2], $0x80, s26, s18, $0xb8;
	[tilespmem:$0x1C400] =	vst v63  }
0x5e: {  	_ =	swait.ge [sflag:s22], $0x4000  }
0x5f: {  	[sflag:s22] =	ssyncset.done $0x0  }
0x60: {  	[sflag:s22] =	ssyncadd.s32 $0xFFFFC000  }
0x61: {  	[tilespmem:s14], [sflag:$0x1] =	stream.indirect.gather [hbm4b:s4+s18], $0x80, s28, s18, $0xb8;
	[tilespmem:$0x1C400] =	vst v63  }
0x62: {  	_ =	swait.ge [sflag:s21], $0x4000  }
0x63: {  	[sflag:s21] =	ssyncset.done $0x0  }
0x64: {  	[sflag:s21] =	ssyncadd.s32 $0xFFFFC000  }
0x65: {  	[spmem:s1] =	stream.indirect.scatter.add.f32 [tilespmem:s20], [sflag:$0x2], $0x80, s29, s18, $0xb8;
	[tilespmem:$0x1C400] =	vst v63  }
0x66: {  	_ =	swait.ge [sflag:s22], $0x4000  }
0x67: {  	[sflag:s22] =	ssyncset.done $0x0  }
0x68: {  	[sflag:s22] =	ssyncadd.s32 $0xFFFFC000  }
0x69: {  	[tilespmem:s20], [sflag:$0x1] =	stream.indirect.gather [hbm4b:s4+s18], $0x80, s30, s18, $0xb8;
	[tilespmem:$0x1C400] =	vst v63  }
0x6a: {  	_ =	swait.ge [sflag:s21], $0x4000  }
0x6b: {  	[sflag:s21] =	ssyncset.done $0x0  }
0x6c: {  	[sflag:s21] =	ssyncadd.s32 $0xFFFFC000  }
0x6d: {  	[spmem:s1] =	stream.indirect.scatter.add.f32 [tilespmem:s14], [sflag:$0x2], $0x80, s31, s18, $0xb8;
	[tilespmem:$0x1C400] =	vst v63  }
0x6e: {  	_ =	swait.ge [sflag:s22], $0x4000  }
0x6f: {  	[sflag:s22] =	ssyncset.done $0x0  }
0x70: {  	[sflag:s22] =	ssyncadd.s32 $0xFFFFC000  }
0x71: {  	[tilespmem:s14], [sflag:$0x1] =	stream.indirect.gather [hbm4b:s4+s18], $0x80, s0, s18, $0xb8;
	[tilespmem:$0x1C400] =	vst v63  }
0x72: {  	_ =	swait.ge [sflag:s21], $0x4000  }
0x73: {  	[sflag:s21] =	ssyncset.done $0x0  }
0x74: {  	[sflag:s21] =	ssyncadd.s32 $0xFFFFC000  }
0x75: {  	[spmem:s1] =	stream.indirect.scatter.add.f32 [tilespmem:s20], [sflag:$0x2], $0x80, s2, s18, $0xb8;
	[tilespmem:$0x1C400] =	vst v63  }
0x76: {  	_ =	swait.ge [sflag:s22], $0x4000  }
0x77: {  	[sflag:s22] =	ssyncset.done $0x0  }
0x78: {  	[sflag:s22] =	ssyncadd.s32 $0xFFFFC000  }
0x79: {  	[tilespmem:s20], [sflag:$0x1] =	stream.indirect.gather [hbm4b:s4+s18], $0x80, s6, s18, $0xb8;
	[tilespmem:$0x1C400] =	vst v63  }
0x7a: {  	_ =	swait.ge [sflag:s21], $0x4000  }
0x7b: {  	[sflag:s21] =	ssyncset.done $0x0  }
0x7c: {  	[sflag:s21] =	ssyncadd.s32 $0xFFFFC000  }
0x7d: {  	[spmem:s1] =	stream.indirect.scatter.add.f32 [tilespmem:s14], [sflag:$0x2], $0x80, s7, s18, $0xb8;
	[tilespmem:$0x1C400] =	vst v63  }
0x7e: {  	_ =	swait.ge [sflag:s21], $0x4000  }
0x7f: {  	[sflag:s21] =	ssyncset.done $0x0  }
0x80: {  	p1 =	slt.u32 @!p0 s11, $0x12;
	[sflag:s21] =	ssyncadd.s32 $0xFFFFC000  }
0x81: {  	[spmem:s1] =	stream.indirect.scatter.add.f32 [tilespmem:s20], [sflag:$0x2], $0x80, s8, s18, $0xb8;
	[tilespmem:$0x1C400] =	vst v63  }
0x82: {  	p1 =	por p0, !p1;
	_ =	swait.ge [sflag:s22], $0x4000  }
.Ltmp1:
0x83: {  	[sflag:s22] =	ssyncset.done $0x0;
	(pc) =	sbr.rel @!p1 .LBB2_4-.Ltmp1, $4  }
0x84: {  	[sflag:s22] =	ssyncadd.s32 $0xFFFFC000  }
0x85: {  	_ =	swait.ge [sflag:s22], $0x4000  }
0x86: {  	s11 =	sadd.s32 $0x1, s11;
	[sflag:s22] =	ssyncset.done $0x0  }
0x87: {  	s12 =	sadd.s32 $0x80, s12;
	s13 =	sadd.s32 $0x80, s13;
	[sflag:s22] =	ssyncadd.s32 $0xFFFFC000  }
0x88: {  	s11 =	stileid.u32  }
0x89: {  	[bflag:$0x0] =	sbarrier.arrive $0xFFFF;
	s11 =	sshll.u32 s11, $0x6  }
0x8a: {  	s12 =	sshrl.u32 s5, $0x3;
	s13 =	rddreg [dreg:$0x7];
	s11 =	sor.u32 $0x1C03, s11  }
0x8b: {  	[hbm:s13], [sflag:s11] =	dma.local [spmem:s12], $0x2780  }
0x8c: {  	_ =	swait.ge [sflag:s15], $0x2780  }
0x8d: {  	s9 =	sadd.s32 $0x1, s9;
	s13 =	rddreg [dreg:$0x8]  }
0x8e: {  	p1 =	sne.s32 s9, s13  }
.Ltmp2:
0x8f: {  	_ = 	snop;
	(pc) =	sbr.rel @p1 .LBB2_1-.Ltmp2, $3  }
0x90: {  	_ =	sdelay $0x1  }
0x91: {  	[sflag:s15] =	ssyncset.done $0x0  }
0x92: {  	[sflag:s15] =	ssyncadd.s32 $0xFFFFD880  }
0x93: {  	_ =	sfence.sel $0x180000  }
0x94: {  	[bflag:$0x0] =	sbarrier.arrive $0xFFFF  }
0x95: {  	_ =	strace $0x90000050  }
0x96: {  	s0 =	stileid.u32;
	[bflag:$0x2] =	sbarrier.arrive $0xFFFF  }
0x97: {  	p0 =	sne.s32 s0, $0x0;
	s0 =	rddreg [dreg:$0x2]  }
0x98: {  	s0 =	sadd.s32 @!p0 $0x100000, s0  }
0x99: {  	[sflag:s0] =	ssyncadd.tile.s32 @!p0 $0x1;
	_ =	shalt  }
.Lfunc_end2:
_tile_overlayer_lowered:
.L_overlay_start_2:
0x9a: {  	(tag) =	ssettag $0x2  }
0x9b: {  	s0 =	rddreg [dreg:$0x0];
	s2 =	stileid.u32  }
0x9c: {  	s1 =	rddreg [dreg:$0x1];
	p0 =	sne.s32 s2, $0x0  }
0x9d: {  	s3 =	rddreg [dreg:$0x2];
	[bflag:$0x3] =	sbarrier.arrive $0xFFFF;
	s2 =	simm.s32 @!p0 $0x1C03  }
0x9e: {  	[timem:s3], [sflag:s2] =	dma.local @!p0 [hbm:s0], s1  }
0x9f: {  	s0 =	simm.s32 @!p0 $0x3  }
0xa0: {  	_ =	swait.ge @!p0 [sflag:s0], s1  }
0xa1: {  	s1 =	ssub.s32 @!p0 $0x0, s1;
	[sflag:s0] =	ssyncset.done @!p0 $0x0  }
0xa2: {  	[sflag:s0] =	ssyncadd.s32 @!p0 s1  }
0xa3: {  	[bflag:$0x3] =	sbarrier.arrive $0xFFFF  }
0xa4: {  	_ =	shalt  }

</sc_bundles>
